<compile_context>
chip_gen: v7x
topology: tpu7x:2x2x1
jax: 0.10.2.dev20260603
libtpu: 0.0.44.dev20260713+nightly
codegen_flags: <defaults>
</compile_context>

<pallas_src>
import functools

import jax
import jax.numpy as jnp
from jax import lax
from jax.experimental import pallas as pl
from jax.experimental.pallas import tpu as pltpu
from jax.experimental.pallas import tpu_sc as plsc

NC = 2
NS = 16
LANES = 16

CHUNK = 1024
RPASS = 4



def _decode_body(code_ref, wt_ref, y_ref):
    y_ref[...] = lax.dot_general(
        code_ref[...], wt_ref[...], (((1,), (1,)), ((), ())),
        preferred_element_type=jnp.float32,
    )


def _decode(code, w_t, m2, tm=2048):
    b, d = code.shape
    nb = pl.cdiv(m2, tm)
    return pl.pallas_call(
        _decode_body,
        grid=(nb,),
        in_specs=[
            pl.BlockSpec((b, d), lambda j: (0, 0)),
            pl.BlockSpec((tm, d), lambda j: (j, 0)),
        ],
        out_specs=pl.BlockSpec((b, tm), lambda j: (0, j)),
        out_shape=jax.ShapeDtypeStruct((b, m2), jnp.float32),
    )(code, w_t)



def _grad_body(nb, m, gscale, escale, g_ref, wt_ref, ep_ref, out_ref, me_ref):
    j = pl.program_id(0)
    tm = wt_ref.shape[0]

    @pl.when(j == 0)
    def _():
        out_ref[...] = jnp.zeros_like(out_ref)
        ep = ep_ref[...]
        col = lax.broadcasted_iota(jnp.int32, ep.shape, 1) % 8
        e0 = jnp.sum(jnp.where(col < 3, ep, 0.0))
        e1 = jnp.sum(jnp.where((col >= 3) & (col < 6), ep, 0.0))
        c2 = lax.broadcasted_iota(jnp.int32, (1, 2), 1)
        me_ref[...] = escale * (
            jnp.where(c2 == 0, e0, 0.0) + jnp.where(c2 == 1, e1, 0.0)
        )

    g = g_ref[0] + g_ref[1]
    wt = wt_ref[...]

    @pl.when(j == nb - 1)
    def _():
        col = j * tm + lax.broadcasted_iota(jnp.int32, (1, tm), 1)
        gm = jnp.where(col < m, g, 0.0)
        colv = j * tm + lax.broadcasted_iota(jnp.int32, (tm, 1), 0)
        wm = jnp.where(colv < m, wt, 0.0)
        out_ref[...] += gscale * lax.dot_general(
            gm, wm, (((1,), (0,)), ((), ())),
            preferred_element_type=jnp.float32,
        )

    @pl.when(j < nb - 1)
    def _():
        out_ref[...] += gscale * lax.dot_general(
            g, wt, (((1,), (0,)), ((), ())),
            preferred_element_type=jnp.float32,
        )


def _grad_mm(gstack, w_t, epart, gscale, escale, tm=2048):
    m, d = w_t.shape
    b = gstack.shape[1]
    nb = pl.cdiv(m, tm)
    return pl.pallas_call(
        functools.partial(_grad_body, nb, m, gscale, escale),
        grid=(nb,),
        in_specs=[
            pl.BlockSpec((NC, b, tm), lambda j: (0, 0, j)),
            pl.BlockSpec((tm, d), lambda j: (j, 0)),
            pl.BlockSpec(epart.shape, lambda j: (0, 0)),
        ],
        out_specs=[
            pl.BlockSpec((b, d), lambda j: (0, 0)),
            pl.BlockSpec((1, 2), lambda j: (0, 0)),
        ],
        out_shape=[
            jax.ShapeDtypeStruct((b, d), jnp.float32),
            jax.ShapeDtypeStruct((1, 2), jnp.float32),
        ],
    )(gstack, w_t, epart)



def _sc_edges_body(n, et, nch, r_hbm, x_hbm, z_hbm, src_hbm, dst_hbm, w_hbm,
                   g8_hbm, ep_hbm, ysh, gsh, stage, rb0, rb1, xbuf,
                   sidx, didx, wbuf, yd, ys, tb, tn, ebuf):
    cid = lax.axis_index("c")
    sid = lax.axis_index("s")
    wid = cid * NS + sid
    rpt = n // NS
    r0 = sid * rpt
    lanes = lax.iota(jnp.int32, LANES)

    rq = rpt // RPASS
    zero16 = jnp.zeros((LANES,), jnp.float32)
    for p in range(RPASS):
        v0 = r0 + p * rq
        pltpu.sync_copy(r_hbm.at[0, pl.ds(3 * v0, 3 * rq)], rb0)
        pltpu.sync_copy(r_hbm.at[1, pl.ds(3 * v0, 3 * rq)], rb1)
        for k in range(3):
            for b2 in range(2):
                pltpu.sync_copy(x_hbm.at[k, b2, pl.ds(v0, rq)],
                                xbuf.at[k * 2 + b2])
        for k in range(3):
            for b2 in range(2):
                rb = rb0 if b2 == 0 else rb1
                colv = jnp.full((LANES,), 3 * b2 + k, jnp.int32)

                def pbody(jj, _, rb=rb, colv=colv, k=k, pk=k * 2 + b2):
                    rows = jj * LANES + lanes
                    vr = plsc.load_gather(rb, [3 * rows + k])
                    xv = xbuf[pk, pl.ds(jj * LANES, LANES)]
                    plsc.store_scatter(stage, [rows, colv], vr - xv)
                    return 0

                lax.fori_loop(0, rq // LANES, pbody, 0)
        for c78 in (6, 7):
            colv = jnp.full((LANES,), c78, jnp.int32)

            def zbody(jj, _, colv=colv):
                rows = jj * LANES + lanes
                plsc.store_scatter(stage, [rows, colv], zero16)
                return 0

            lax.fori_loop(0, rq // LANES, zbody, 0)

        pltpu.sync_copy(stage, ysh.at[pl.ds(v0, rq), :])
        pltpu.sync_copy(z_hbm.at[pl.ds(v0, rq), :], stage)
        pltpu.sync_copy(stage, gsh.at[pl.ds(v0, rq), :])
    plsc.subcore_barrier()

    ebase = wid * et
    rowsel = lanes >> 3
    colsel = lanes & 7

    def chunk(i, eacc):
        off = ebase + i * CHUNK
        pltpu.sync_copy(src_hbm.at[pl.ds(off, CHUNK)], sidx)
        pltpu.sync_copy(dst_hbm.at[pl.ds(off, CHUNK)], didx)
        pltpu.sync_copy(w_hbm.at[pl.ds(off, CHUNK)], wbuf)
        pltpu.sync_copy(ysh.at[didx], yd)
        pltpu.sync_copy(ysh.at[sidx], ys)

        def vbody(jj, acc):
            rows = 2 * jj + rowsel
            wv = plsc.load_gather(wbuf, [rows])
            dv = (plsc.load_gather(yd, [rows, colsel])
                  - plsc.load_gather(ys, [rows, colsel]))
            tv = wv * dv
            plsc.store_scatter(tb, [rows, colsel], tv)
            plsc.store_scatter(tn, [rows, colsel], -tv)
            return acc + dv * tv

        eacc = lax.fori_loop(0, CHUNK // 2, vbody, eacc)
        pltpu.sync_copy(tb, gsh.at[didx], add=True)
        pltpu.sync_copy(tn, gsh.at[sidx], add=True)
        return eacc

    eacc = lax.fori_loop(0, nch, chunk, jnp.zeros((LANES,), jnp.float32))
    ebuf[...] = eacc
    pltpu.sync_copy(ebuf, ep_hbm.at[pl.ds(wid * LANES, LANES)])
    plsc.subcore_barrier()

    for p in range(RPASS):
        v0 = r0 + p * rq
        pltpu.sync_copy(gsh.at[pl.ds(v0, rq), :], stage)
        pltpu.sync_copy(stage, g8_hbm.at[pl.ds(cid * n + v0, rq), :])


def _sc_edges(rfull, xpl, zeros8, srcp, dstp, wp, n, et, nch):
    mesh = plsc.VectorSubcoreMesh(core_axis_name="c", subcore_axis_name="s")
    body = functools.partial(_sc_edges_body, n, et, nch)
    rpt = n // NS
    fn = pl.kernel(
        body,
        out_type=(
            jax.ShapeDtypeStruct((NC * n, 8), jnp.float32),
            jax.ShapeDtypeStruct((NC * NS * LANES,), jnp.float32),
        ),
        mesh=mesh,
        compiler_params=pltpu.CompilerParams(
            needs_layout_passes=False, use_tc_tiling_on_sc=False),
        scratch_types=[
            pltpu.VMEM_SHARED((n, 8), jnp.float32),
            pltpu.VMEM_SHARED((n, 8), jnp.float32),
            pltpu.VMEM((rpt // RPASS, 8), jnp.float32),
            pltpu.VMEM((3 * rpt // RPASS,), jnp.float32),
            pltpu.VMEM((3 * rpt // RPASS,), jnp.float32),
            pltpu.VMEM((6, rpt // RPASS), jnp.float32),
            pltpu.VMEM((CHUNK,), jnp.int32),
            pltpu.VMEM((CHUNK,), jnp.int32),
            pltpu.VMEM((CHUNK,), jnp.float32),
            pltpu.VMEM((CHUNK, 8), jnp.float32),
            pltpu.VMEM((CHUNK, 8), jnp.float32),
            pltpu.VMEM((CHUNK, 8), jnp.float32),
            pltpu.VMEM((CHUNK, 8), jnp.float32),
            pltpu.VMEM((LANES,), jnp.float32),
        ],
    )
    return fn(rfull, xpl, zeros8, srcp, dstp, wp)



def kernel(xyz1, code, W_dec, neighbors_src, neighbors_dst, edge_weights):
    b, n, _ = xyz1.shape
    d = code.shape[1]
    e = neighbors_src.shape[0]
    m = 3 * n
    assert b == 2

    w_t = W_dec.T
    np_ = pl.cdiv(n, NS * LANES) * NS * LANES
    m2 = 3 * np_
    rfull = _decode(code, w_t, m2)
    xpl = jnp.pad(xyz1.transpose(2, 0, 1), ((0, 0), (0, 0), (0, np_ - n)))

    per_tile = pl.cdiv(e, NC * NS * CHUNK) * CHUNK
    ep_total = per_tile * NC * NS
    pad = ep_total - e
    srcp = jnp.pad(neighbors_src, (0, pad))
    dstp = jnp.pad(neighbors_dst, (0, pad))
    wp = jnp.pad(edge_weights, (0, pad))
    zeros8 = jnp.zeros((np_, 8), jnp.float32)

    g8flat, epflat = _sc_edges(rfull, xpl, zeros8, srcp, dstp, wp, np_,
                               per_tile, per_tile // CHUNK)

    g8 = g8flat.reshape(NC, np_, 8)[:, :n, :]
    gstack = jnp.stack(
        [g8[:, :, 3 * i:3 * i + 3].reshape(NC, m) for i in range(b)], axis=1
    )
    epart = epflat.reshape(NC * NS, LANES)

    code_grad, me = _grad_mm(gstack, w_t, epart,
                             gscale=2.0 / m, escale=1.0 / m, tm=2048)
    return me.reshape(b), code_grad

# --- scband reference (transcript-rebuilt; emitter-appended) ---
"""Pipeline reference for scband-arap-energy-46059229282946 (READ-ONLY COPY).

The authoritative reference and input builder live on the scoring server;
editing this copy changes nothing except your own understanding.
"""

import jax
import jax.numpy as jnp
import numpy as np

B, N, E, D = 2, 50000, 1600000, 128
ARAP_WEIGHT = 1.0


def setup_inputs(seed: int = 0) -> dict:
    key = jax.random.key(seed)
    ks = jax.random.split(key, 6)
    xyz1 = jax.random.normal(ks[0], (B, N, 3), dtype=jnp.float32)
    code = jax.random.normal(ks[1], (B, D), dtype=jnp.float32)
    W_dec = jax.random.normal(ks[2], (D, N * 3), dtype=jnp.float32) * 0.01
    neighbors_src = jax.random.randint(ks[3], (E,), 0, N, dtype=jnp.int32)
    neighbors_dst = jnp.sort(jax.random.randint(ks[4], (E,), 0, N, dtype=jnp.int32))
    edge_weights = jax.random.uniform(ks[5], (E,), dtype=jnp.float32)
    return {
        "xyz1": xyz1,
        "code": code,
        "W_dec": W_dec,
        "neighbors_src": neighbors_src,
        "neighbors_dst": neighbors_dst,
        "edge_weights": edge_weights,
    }


def _arap_mean_energy(xyz1, code, W_dec, edge_weights, neighbors_src, neighbors_dst):
    # decoder.decoder1(code): linear decoder producing vertex positions
    reconstruction = (code @ W_dec).reshape(B, N, 3)
    # ARAP edge terms: gather endpoints of every directed edge (memory-bound)
    e_ref = jnp.take(xyz1, neighbors_dst, axis=1) - jnp.take(xyz1, neighbors_src, axis=1)  # [B, E, 3]
    e_rec = jnp.take(reconstruction, neighbors_dst, axis=1) - jnp.take(reconstruction, neighbors_src, axis=1)  # [B, E, 3]
    per_edge = edge_weights[None, :, None] * (e_rec - e_ref) ** 2  # [B, E, 3]
    # scatter-add per-edge energy back to destination vertices (ragged neighbor lists
    # encoded by accnumNeighbors in the original code -> segment ids here)
    arap_energy = jax.vmap(
        lambda pe: jax.ops.segment_sum(pe, neighbors_dst, num_segments=N)
    )(per_edge)  # [B, N, 3]
    arap_energy = ARAP_WEIGHT * arap_energy
    mean_energy = jnp.mean(jnp.mean(arap_energy, axis=2), axis=1)  # [B]
    return mean_energy


def reference(xyz1, code, W_dec, neighbors_src, neighbors_dst, edge_weights):
    # Torch forward runs meanEnergy.backward(ones) and returns (meanEnergy, code.grad).
    # Reproduce both outputs with a vjp w.r.t. code seeded with ones.
    mean_energy, vjp_fn = jax.vjp(
        lambda c: _arap_mean_energy(xyz1, c, W_dec, edge_weights, neighbors_src, neighbors_dst),
        code,
    )
    (code_grad,) = vjp_fn(jnp.ones_like(mean_energy))
    return (mean_energy, code_grad)

if __name__ == "__main__":
    import jax
    _d = setup_inputs()
    print(jax.jit(kernel)(*tuple(_d.values())))

</pallas_src>

<mosaic_0001>
#map = affine_map<(d0, d1) -> (0, 0)>
#map1 = affine_map<(d0, d1) -> (0, 0, 0)>
#map2 = affine_map<(d0, d1) -> (0)>
module attributes {stable_mosaic.version = 14 : i64} {
  func.func @_sc_edges_body(%arg0: i32, %arg1: i32, %arg2: memref<2x150528xf32, #tpu.memory_space<hbm>>, %arg3: memref<3x2x50176xf32, #tpu.memory_space<hbm>>, %arg4: memref<50176x8xf32, #tpu.memory_space<hbm>>, %arg5: memref<1605632xi32, #tpu.memory_space<hbm>>, %arg6: memref<1605632xi32, #tpu.memory_space<hbm>>, %arg7: memref<1605632xf32, #tpu.memory_space<hbm>>, %arg8: memref<100352x8xf32, #tpu.memory_space<hbm>>, %arg9: memref<512xf32, #tpu.memory_space<hbm>>, %arg10: memref<50176x8xf32, #tpu.memory_space<vmem_shared>>, %arg11: memref<50176x8xf32, #tpu.memory_space<vmem_shared>>, %arg12: memref<784x8xf32, #tpu.memory_space<vmem>>, %arg13: memref<2352xf32, #tpu.memory_space<vmem>>, %arg14: memref<2352xf32, #tpu.memory_space<vmem>>, %arg15: memref<6x784xf32, #tpu.memory_space<vmem>>, %arg16: memref<1024xi32, #tpu.memory_space<vmem>>, %arg17: memref<1024xi32, #tpu.memory_space<vmem>>, %arg18: memref<1024xf32, #tpu.memory_space<vmem>>, %arg19: memref<1024x8xf32, #tpu.memory_space<vmem>>, %arg20: memref<1024x8xf32, #tpu.memory_space<vmem>>, %arg21: memref<1024x8xf32, #tpu.memory_space<vmem>>, %arg22: memref<1024x8xf32, #tpu.memory_space<vmem>>, %arg23: memref<16xf32, #tpu.memory_space<vmem>>) attributes {dimension_semantics = [#tpu.dimension_semantics<core_parallel>, #tpu.dimension_semantics<subcore_parallel>], iteration_bounds = array<i64: 2, 16>, scalar_prefetch = 0 : i64, scratch_operands = 14 : i64, tpu.core_type = #tpu.core_type<sc_vector_subcore>, window_params = [{transform_indices = #map}, {transform_indices = #map1}, {transform_indices = #map}, {transform_indices = #map2}, {transform_indices = #map2}, {transform_indices = #map2}, {transform_indices = #map}, {transform_indices = #map2}]} {
    %mul3A = arith.constant 16 : i32
    %mul3A_0 = arith.muli %arg0, %mul3A : i32
    %add3A = arith.addi %mul3A_0, %arg1 : i32
    %mul3A_1 = arith.constant 3136 : i32
    %mul3A_2 = arith.muli %arg1, %mul3A_1 : i32
    %iota3A = tpu.iota {dimensions = array<i32: 0>} : vector<16xi32>
    %broadcast_in_dim3A = arith.constant 0.000000e+00 : f32
    %broadcast_in_dim3A_3 = vector.broadcast %broadcast_in_dim3A : f32 to vector<16xf32>
    %add3A_4 = arith.constant 0 : i32
    %add3A_5 = arith.addi %mul3A_2, %add3A_4 : i32
    %mul3A_6 = arith.constant 3 : i32
    %mul3A_7 = arith.muli %mul3A_6, %add3A_5 : i32
    %run_scoped3A = arith.constant 0 : i32
    "tpu.region"() ({
      %run_scoped3A_432 = tpu.sem_alloc : memref<!tpu.dma_semaphore, #tpu.memory_space<semaphore_mem>>
      %dma_start3A = tpu.memref_slice %arg2[%run_scoped3A, %mul3A_7] : memref<2x150528xf32, #tpu.memory_space<hbm>> -> memref<1x2352xf32, #tpu.memory_space<hbm>>
      %dma_start3A_433 = tpu.memref_squeeze %dma_start3A : memref<1x2352xf32, #tpu.memory_space<hbm>> -> memref<2352xf32, #tpu.memory_space<hbm>>
      %dma_start3A_434 = tpu.memref_slice %arg2[%run_scoped3A, %mul3A_7] : memref<2x150528xf32, #tpu.memory_space<hbm>> -> memref<1x2352xf32, #tpu.memory_space<hbm>>
      %dma_start3A_435 = tpu.memref_squeeze %dma_start3A_434 : memref<1x2352xf32, #tpu.memory_space<hbm>> -> memref<2352xf32, #tpu.memory_space<hbm>>
      tpu.enqueue_dma source(%dma_start3A_435 : memref<2352xf32, #tpu.memory_space<hbm>>) target(%arg13 : memref<2352xf32, #tpu.memory_space<vmem>>) target_semaphore(%run_scoped3A_432 : memref<!tpu.dma_semaphore, #tpu.memory_space<semaphore_mem>>)
      %dma_wait3A = tpu.memref_slice %arg2[%run_scoped3A, %mul3A_7] : memref<2x150528xf32, #tpu.memory_space<hbm>> -> memref<1x2352xf32, #tpu.memory_space<hbm>>
      %dma_wait3A_436 = tpu.memref_squeeze %dma_wait3A : memref<1x2352xf32, #tpu.memory_space<hbm>> -> memref<2352xf32, #tpu.memory_space<hbm>>
      %dma_wait3A_437 = tpu.memref_slice %arg2[%run_scoped3A, %mul3A_7] : memref<2x150528xf32, #tpu.memory_space<hbm>> -> memref<1x2352xf32, #tpu.memory_space<hbm>>
      %dma_wait3A_438 = tpu.memref_squeeze %dma_wait3A_437 : memref<1x2352xf32, #tpu.memory_space<hbm>> -> memref<2352xf32, #tpu.memory_space<hbm>>
      tpu.wait_dma2 semaphore(%run_scoped3A_432 : memref<!tpu.dma_semaphore, #tpu.memory_space<semaphore_mem>>) src(%dma_wait3A_438 : memref<2352xf32, #tpu.memory_space<hbm>>) dst(%arg13 : memref<2352xf32, #tpu.memory_space<vmem>>)
      tpu.yield
    }) : () -> ()
    %mul3A_8 = arith.constant 3 : i32
    %mul3A_9 = arith.muli %mul3A_8, %add3A_5 : i32
    %run_scoped3A_10 = arith.constant 1 : i32
    "tpu.region"() ({
      %run_scoped3A_432 = tpu.sem_alloc : memref<!tpu.dma_semaphore, #tpu.memory_space<semaphore_mem>>
      %dma_start3A = tpu.memref_slice %arg2[%run_scoped3A_10, %mul3A_9] : memref<2x150528xf32, #tpu.memory_space<hbm>> -> memref<1x2352xf32, #tpu.memory_space<hbm>>
      %dma_start3A_433 = tpu.memref_squeeze %dma_start3A : memref<1x2352xf32, #tpu.memory_space<hbm>> -> memref<2352xf32, #tpu.memory_space<hbm>>
      %dma_start3A_434 = tpu.memref_slice %arg2[%run_scoped3A_10, %mul3A_9] : memref<2x150528xf32, #tpu.memory_space<hbm>> -> memref<1x2352xf32, #tpu.memory_space<hbm>>
      %dma_start3A_435 = tpu.memref_squeeze %dma_start3A_434 : memref<1x2352xf32, #tpu.memory_space<hbm>> -> memref<2352xf32, #tpu.memory_space<hbm>>
      tpu.enqueue_dma source(%dma_start3A_435 : memref<2352xf32, #tpu.memory_space<hbm>>) target(%arg14 : memref<2352xf32, #tpu.memory_space<vmem>>) target_semaphore(%run_scoped3A_432 : memref<!tpu.dma_semaphore, #tpu.memory_space<semaphore_mem>>)
      %dma_wait3A = tpu.memref_slice %arg2[%run_scoped3A_10, %mul3A_9] : memref<2x150528xf32, #tpu.memory_space<hbm>> -> memref<1x2352xf32, #tpu.memory_space<hbm>>
      %dma_wait3A_436 = tpu.memref_squeeze %dma_wait3A : memref<1x2352xf32, #tpu.memory_space<hbm>> -> memref<2352xf32, #tpu.memory_space<hbm>>
      %dma_wait3A_437 = tpu.memref_slice %arg2[%run_scoped3A_10, %mul3A_9] : memref<2x150528xf32, #tpu.memory_space<hbm>> -> memref<1x2352xf32, #tpu.memory_space<hbm>>
      %dma_wait3A_438 = tpu.memref_squeeze %dma_wait3A_437 : memref<1x2352xf32, #tpu.memory_space<hbm>> -> memref<2352xf32, #tpu.memory_space<hbm>>
      tpu.wait_dma2 semaphore(%run_scoped3A_432 : memref<!tpu.dma_semaphore, #tpu.memory_space<semaphore_mem>>) src(%dma_wait3A_438 : memref<2352xf32, #tpu.memory_space<hbm>>) dst(%arg14 : memref<2352xf32, #tpu.memory_space<vmem>>)
      tpu.yield
    }) : () -> ()
    %run_scoped3A_11 = arith.constant 0 : i32
    %run_scoped3A_12 = arith.constant 0 : i32
    %run_scoped3A_13 = arith.constant 0 : i32
    "tpu.region"() ({
      %run_scoped3A_432 = tpu.sem_alloc : memref<!tpu.dma_semaphore, #tpu.memory_space<semaphore_mem>>
      %dma_start3A = arith.constant 0 : i32
      %dma_start3A_433 = tpu.memref_slice %arg15[%run_scoped3A_13, %dma_start3A] : memref<6x784xf32, #tpu.memory_space<vmem>> -> memref<1x784xf32, #tpu.memory_space<vmem>>
      %dma_start3A_434 = tpu.memref_squeeze %dma_start3A_433 : memref<1x784xf32, #tpu.memory_space<vmem>> -> memref<784xf32, #tpu.memory_space<vmem>>
      %dma_start3A_435 = tpu.memref_slice %arg3[%run_scoped3A_11, %run_scoped3A_12, %add3A_5] : memref<3x2x50176xf32, #tpu.memory_space<hbm>> -> memref<1x1x784xf32, #tpu.memory_space<hbm>>
      %dma_start3A_436 = tpu.memref_squeeze %dma_start3A_435 : memref<1x1x784xf32, #tpu.memory_space<hbm>> -> memref<784xf32, #tpu.memory_space<hbm>>
      %dma_start3A_437 = arith.constant 0 : i32
      %dma_start3A_438 = tpu.memref_slice %arg15[%run_scoped3A_13, %dma_start3A_437] : memref<6x784xf32, #tpu.memory_space<vmem>> -> memref<1x784xf32, #tpu.memory_space<vmem>>
      %dma_start3A_439 = tpu.memref_squeeze %dma_start3A_438 : memref<1x784xf32, #tpu.memory_space<vmem>> -> memref<784xf32, #tpu.memory_space<vmem>>
      %dma_start3A_440 = tpu.memref_slice %arg3[%run_scoped3A_11, %run_scoped3A_12, %add3A_5] : memref<3x2x50176xf32, #tpu.memory_space<hbm>> -> memref<1x1x784xf32, #tpu.memory_space<hbm>>
      %dma_start3A_441 = tpu.memref_squeeze %dma_start3A_440 : memref<1x1x784xf32, #tpu.memory_space<hbm>> -> memref<784xf32, #tpu.memory_space<hbm>>
      tpu.enqueue_dma source(%dma_start3A_441 : memref<784xf32, #tpu.memory_space<hbm>>) target(%dma_start3A_439 : memref<784xf32, #tpu.memory_space<vmem>>) target_semaphore(%run_scoped3A_432 : memref<!tpu.dma_semaphore, #tpu.memory_space<semaphore_mem>>)
      %dma_wait3A = arith.constant 0 : i32
      %dma_wait3A_442 = tpu.memref_slice %arg15[%run_scoped3A_13, %dma_wait3A] : memref<6x784xf32, #tpu.memory_space<vmem>> -> memref<1x784xf32, #tpu.memory_space<vmem>>
      %dma_wait3A_443 = tpu.memref_squeeze %dma_wait3A_442 : memref<1x784xf32, #tpu.memory_space<vmem>> -> memref<784xf32, #tpu.memory_space<vmem>>
      %dma_wait3A_444 = tpu.memref_slice %arg3[%run_scoped3A_11, %run_scoped3A_12, %add3A_5] : memref<3x2x50176xf32, #tpu.memory_space<hbm>> -> memref<1x1x784xf32, #tpu.memory_space<hbm>>
      %dma_wait3A_445 = tpu.memref_squeeze %dma_wait3A_444 : memref<1x1x784xf32, #tpu.memory_space<hbm>> -> memref<784xf32, #tpu.memory_space<hbm>>
      %dma_wait3A_446 = arith.constant 0 : i32
      %dma_wait3A_447 = tpu.memref_slice %arg15[%run_scoped3A_13, %dma_wait3A_446] : memref<6x784xf32, #tpu.memory_space<vmem>> -> memref<1x784xf32, #tpu.memory_space<vmem>>
      %dma_wait3A_448 = tpu.memref_squeeze %dma_wait3A_447 : memref<1x784xf32, #tpu.memory_space<vmem>> -> memref<784xf32, #tpu.memory_space<vmem>>
      %dma_wait3A_449 = tpu.memref_slice %arg3[%run_scoped3A_11, %run_scoped3A_12, %add3A_5] : memref<3x2x50176xf32, #tpu.memory_space<hbm>> -> memref<1x1x784xf32, #tpu.memory_space<hbm>>
      %dma_wait3A_450 = tpu.memref_squeeze %dma_wait3A_449 : memref<1x1x784xf32, #tpu.memory_space<hbm>> -> memref<784xf32, #tpu.memory_space<hbm>>
      tpu.wait_dma2 semaphore(%run_scoped3A_432 : memref<!tpu.dma_semaphore, #tpu.memory_space<semaphore_mem>>) src(%dma_wait3A_450 : memref<784xf32, #tpu.memory_space<hbm>>) dst(%dma_wait3A_448 : memref<784xf32, #tpu.memory_space<vmem>>)
      tpu.yield
    }) : () -> ()
    %run_scoped3A_14 = arith.constant 0 : i32
    %run_scoped3A_15 = arith.constant 1 : i32
    %run_scoped3A_16 = arith.constant 1 : i32
    "tpu.region"() ({
      %run_scoped3A_432 = tpu.sem_alloc : memref<!tpu.dma_semaphore, #tpu.memory_space<semaphore_mem>>
      %dma_start3A = arith.constant 0 : i32
      %dma_start3A_433 = tpu.memref_slice %arg15[%run_scoped3A_16, %dma_start3A] : memref<6x784xf32, #tpu.memory_space<vmem>> -> memref<1x784xf32, #tpu.memory_space<vmem>>
      %dma_start3A_434 = tpu.memref_squeeze %dma_start3A_433 : memref<1x784xf32, #tpu.memory_space<vmem>> -> memref<784xf32, #tpu.memory_space<vmem>>
      %dma_start3A_435 = tpu.memref_slice %arg3[%run_scoped3A_14, %run_scoped3A_15, %add3A_5] : memref<3x2x50176xf32, #tpu.memory_space<hbm>> -> memref<1x1x784xf32, #tpu.memory_space<hbm>>
      %dma_start3A_436 = tpu.memref_squeeze %dma_start3A_435 : memref<1x1x784xf32, #tpu.memory_space<hbm>> -> memref<784xf32, #tpu.memory_space<hbm>>
      %dma_start3A_437 = arith.constant 0 : i32
      %dma_start3A_438 = tpu.memref_slice %arg15[%run_scoped3A_16, %dma_start3A_437] : memref<6x784xf32, #tpu.memory_space<vmem>> -> memref<1x784xf32, #tpu.memory_space<vmem>>
      %dma_start3A_439 = tpu.memref_squeeze %dma_start3A_438 : memref<1x784xf32, #tpu.memory_space<vmem>> -> memref<784xf32, #tpu.memory_space<vmem>>
      %dma_start3A_440 = tpu.memref_slice %arg3[%run_scoped3A_14, %run_scoped3A_15, %add3A_5] : memref<3x2x50176xf32, #tpu.memory_space<hbm>> -> memref<1x1x784xf32, #tpu.memory_space<hbm>>
      %dma_start3A_441 = tpu.memref_squeeze %dma_start3A_440 : memref<1x1x784xf32, #tpu.memory_space<hbm>> -> memref<784xf32, #tpu.memory_space<hbm>>
      tpu.enqueue_dma source(%dma_start3A_441 : memref<784xf32, #tpu.memory_space<hbm>>) target(%dma_start3A_439 : memref<784xf32, #tpu.memory_space<vmem>>) target_semaphore(%run_scoped3A_432 : memref<!tpu.dma_semaphore, #tpu.memory_space<semaphore_mem>>)
      %dma_wait3A = arith.constant 0 : i32
      %dma_wait3A_442 = tpu.memref_slice %arg15[%run_scoped3A_16, %dma_wait3A] : memref<6x784xf32, #tpu.memory_space<vmem>> -> memref<1x784xf32, #tpu.memory_space<vmem>>
      %dma_wait3A_443 = tpu.memref_squeeze %dma_wait3A_442 : memref<1x784xf32, #tpu.memory_space<vmem>> -> memref<784xf32, #tpu.memory_space<vmem>>
      %dma_wait3A_444 = tpu.memref_slice %arg3[%run_scoped3A_14, %run_scoped3A_15, %add3A_5] : memref<3x2x50176xf32, #tpu.memory_space<hbm>> -> memref<1x1x784xf32, #tpu.memory_space<hbm>>
      %dma_wait3A_445 = tpu.memref_squeeze %dma_wait3A_444 : memref<1x1x784xf32, #tpu.memory_space<hbm>> -> memref<784xf32, #tpu.memory_space<hbm>>
      %dma_wait3A_446 = arith.constant 0 : i32
      %dma_wait3A_447 = tpu.memref_slice %arg15[%run_scoped3A_16, %dma_wait3A_446] : memref<6x784xf32, #tpu.memory_space<vmem>> -> memref<1x784xf32, #tpu.memory_space<vmem>>
      %dma_wait3A_448 = tpu.memref_squeeze %dma_wait3A_447 : memref<1x784xf32, #tpu.memory_space<vmem>> -> memref<784xf32, #tpu.memory_space<vmem>>
      %dma_wait3A_449 = tpu.memref_slice %arg3[%run_scoped3A_14, %run_scoped3A_15, %add3A_5] : memref<3x2x50176xf32, #tpu.memory_space<hbm>> -> memref<1x1x784xf32, #tpu.memory_space<hbm>>
      %dma_wait3A_450 = tpu.memref_squeeze %dma_wait3A_449 : memref<1x1x784xf32, #tpu.memory_space<hbm>> -> memref<784xf32, #tpu.memory_space<hbm>>
      tpu.wait_dma2 semaphore(%run_scoped3A_432 : memref<!tpu.dma_semaphore, #tpu.memory_space<semaphore_mem>>) src(%dma_wait3A_450 : memref<784xf32, #tpu.memory_space<hbm>>) dst(%dma_wait3A_448 : memref<784xf32, #tpu.memory_space<vmem>>)
      tpu.yield
    }) : () -> ()
    %run_scoped3A_17 = arith.constant 1 : i32
    %run_scoped3A_18 = arith.constant 0 : i32
    %run_scoped3A_19 = arith.constant 2 : i32
    "tpu.region"() ({
      %run_scoped3A_432 = tpu.sem_alloc : memref<!tpu.dma_semaphore, #tpu.memory_space<semaphore_mem>>
      %dma_start3A = arith.constant 0 : i32
      %dma_start3A_433 = tpu.memref_slice %arg15[%run_scoped3A_19, %dma_start3A] : memref<6x784xf32, #tpu.memory_space<vmem>> -> memref<1x784xf32, #tpu.memory_space<vmem>>
      %dma_start3A_434 = tpu.memref_squeeze %dma_start3A_433 : memref<1x784xf32, #tpu.memory_space<vmem>> -> memref<784xf32, #tpu.memory_space<vmem>>
      %dma_start3A_435 = tpu.memref_slice %arg3[%run_scoped3A_17, %run_scoped3A_18, %add3A_5] : memref<3x2x50176xf32, #tpu.memory_space<hbm>> -> memref<1x1x784xf32, #tpu.memory_space<hbm>>
      %dma_start3A_436 = tpu.memref_squeeze %dma_start3A_435 : memref<1x1x784xf32, #tpu.memory_space<hbm>> -> memref<784xf32, #tpu.memory_space<hbm>>
      %dma_start3A_437 = arith.constant 0 : i32
      %dma_start3A_438 = tpu.memref_slice %arg15[%run_scoped3A_19, %dma_start3A_437] : memref<6x784xf32, #tpu.memory_space<vmem>> -> memref<1x784xf32, #tpu.memory_space<vmem>>
      %dma_start3A_439 = tpu.memref_squeeze %dma_start3A_438 : memref<1x784xf32, #tpu.memory_space<vmem>> -> memref<784xf32, #tpu.memory_space<vmem>>
      %dma_start3A_440 = tpu.memref_slice %arg3[%run_scoped3A_17, %run_scoped3A_18, %add3A_5] : memref<3x2x50176xf32, #tpu.memory_space<hbm>> -> memref<1x1x784xf32, #tpu.memory_space<hbm>>
      %dma_start3A_441 = tpu.memref_squeeze %dma_start3A_440 : memref<1x1x784xf32, #tpu.memory_space<hbm>> -> memref<784xf32, #tpu.memory_space<hbm>>
      tpu.enqueue_dma source(%dma_start3A_441 : memref<784xf32, #tpu.memory_space<hbm>>) target(%dma_start3A_439 : memref<784xf32, #tpu.memory_space<vmem>>) target_semaphore(%run_scoped3A_432 : memref<!tpu.dma_semaphore, #tpu.memory_space<semaphore_mem>>)
      %dma_wait3A = arith.constant 0 : i32
      %dma_wait3A_442 = tpu.memref_slice %arg15[%run_scoped3A_19, %dma_wait3A] : memref<6x784xf32, #tpu.memory_space<vmem>> -> memref<1x784xf32, #tpu.memory_space<vmem>>
      %dma_wait3A_443 = tpu.memref_squeeze %dma_wait3A_442 : memref<1x784xf32, #tpu.memory_space<vmem>> -> memref<784xf32, #tpu.memory_space<vmem>>
      %dma_wait3A_444 = tpu.memref_slice %arg3[%run_scoped3A_17, %run_scoped3A_18, %add3A_5] : memref<3x2x50176xf32, #tpu.memory_space<hbm>> -> memref<1x1x784xf32, #tpu.memory_space<hbm>>
      %dma_wait3A_445 = tpu.memref_squeeze %dma_wait3A_444 : memref<1x1x784xf32, #tpu.memory_space<hbm>> -> memref<784xf32, #tpu.memory_space<hbm>>
      %dma_wait3A_446 = arith.constant 0 : i32
      %dma_wait3A_447 = tpu.memref_slice %arg15[%run_scoped3A_19, %dma_wait3A_446] : memref<6x784xf32, #tpu.memory_space<vmem>> -> memref<1x784xf32, #tpu.memory_space<vmem>>
      %dma_wait3A_448 = tpu.memref_squeeze %dma_wait3A_447 : memref<1x784xf32, #tpu.memory_space<vmem>> -> memref<784xf32, #tpu.memory_space<vmem>>
      %dma_wait3A_449 = tpu.memref_slice %arg3[%run_scoped3A_17, %run_scoped3A_18, %add3A_5] : memref<3x2x50176xf32, #tpu.memory_space<hbm>> -> memref<1x1x784xf32, #tpu.memory_space<hbm>>
      %dma_wait3A_450 = tpu.memref_squeeze %dma_wait3A_449 : memref<1x1x784xf32, #tpu.memory_space<hbm>> -> memref<784xf32, #tpu.memory_space<hbm>>
      tpu.wait_dma2 semaphore(%run_scoped3A_432 : memref<!tpu.dma_semaphore, #tpu.memory_space<semaphore_mem>>) src(%dma_wait3A_450 : memref<784xf32, #tpu.memory_space<hbm>>) dst(%dma_wait3A_448 : memref<784xf32, #tpu.memory_space<vmem>>)
      tpu.yield
    }) : () -> ()
    %run_scoped3A_20 = arith.constant 1 : i32
    %run_scoped3A_21 = arith.constant 1 : i32
    %run_scoped3A_22 = arith.constant 3 : i32
    "tpu.region"() ({
      %run_scoped3A_432 = tpu.sem_alloc : memref<!tpu.dma_semaphore, #tpu.memory_space<semaphore_mem>>
      %dma_start3A = arith.constant 0 : i32
      %dma_start3A_433 = tpu.memref_slice %arg15[%run_scoped3A_22, %dma_start3A] : memref<6x784xf32, #tpu.memory_space<vmem>> -> memref<1x784xf32, #tpu.memory_space<vmem>>
      %dma_start3A_434 = tpu.memref_squeeze %dma_start3A_433 : memref<1x784xf32, #tpu.memory_space<vmem>> -> memref<784xf32, #tpu.memory_space<vmem>>
      %dma_start3A_435 = tpu.memref_slice %arg3[%run_scoped3A_20, %run_scoped3A_21, %add3A_5] : memref<3x2x50176xf32, #tpu.memory_space<hbm>> -> memref<1x1x784xf32, #tpu.memory_space<hbm>>
      %dma_start3A_436 = tpu.memref_squeeze %dma_start3A_435 : memref<1x1x784xf32, #tpu.memory_space<hbm>> -> memref<784xf32, #tpu.memory_space<hbm>>
      %dma_start3A_437 = arith.constant 0 : i32
      %dma_start3A_438 = tpu.memref_slice %arg15[%run_scoped3A_22, %dma_start3A_437] : memref<6x784xf32, #tpu.memory_space<vmem>> -> memref<1x784xf32, #tpu.memory_space<vmem>>
      %dma_start3A_439 = tpu.memref_squeeze %dma_start3A_438 : memref<1x784xf32, #tpu.memory_space<vmem>> -> memref<784xf32, #tpu.memory_space<vmem>>
      %dma_start3A_440 = tpu.memref_slice %arg3[%run_scoped3A_20, %run_scoped3A_21, %add3A_5] : memref<3x2x50176xf32, #tpu.memory_space<hbm>> -> memref<1x1x784xf32, #tpu.memory_space<hbm>>
      %dma_start3A_441 = tpu.memref_squeeze %dma_start3A_440 : memref<1x1x784xf32, #tpu.memory_space<hbm>> -> memref<784xf32, #tpu.memory_space<hbm>>
      tpu.enqueue_dma source(%dma_start3A_441 : memref<784xf32, #tpu.memory_space<hbm>>) target(%dma_start3A_439 : memref<784xf32, #tpu.memory_space<vmem>>) target_semaphore(%run_scoped3A_432 : memref<!tpu.dma_semaphore, #tpu.memory_space<semaphore_mem>>)
      %dma_wait3A = arith.constant 0 : i32
      %dma_wait3A_442 = tpu.memref_slice %arg15[%run_scoped3A_22, %dma_wait3A] : memref<6x784xf32, #tpu.memory_space<vmem>> -> memref<1x784xf32, #tpu.memory_space<vmem>>
      %dma_wait3A_443 = tpu.memref_squeeze %dma_wait3A_442 : memref<1x784xf32, #tpu.memory_space<vmem>> -> memref<784xf32, #tpu.memory_space<vmem>>
      %dma_wait3A_444 = tpu.memref_slice %arg3[%run_scoped3A_20, %run_scoped3A_21, %add3A_5] : memref<3x2x50176xf32, #tpu.memory_space<hbm>> -> memref<1x1x784xf32, #tpu.memory_space<hbm>>
      %dma_wait3A_445 = tpu.memref_squeeze %dma_wait3A_444 : memref<1x1x784xf32, #tpu.memory_space<hbm>> -> memref<784xf32, #tpu.memory_space<hbm>>
      %dma_wait3A_446 = arith.constant 0 : i32
      %dma_wait3A_447 = tpu.memref_slice %arg15[%run_scoped3A_22, %dma_wait3A_446] : memref<6x784xf32, #tpu.memory_space<vmem>> -> memref<1x784xf32, #tpu.memory_space<vmem>>
      %dma_wait3A_448 = tpu.memref_squeeze %dma_wait3A_447 : memref<1x784xf32, #tpu.memory_space<vmem>> -> memref<784xf32, #tpu.memory_space<vmem>>
      %dma_wait3A_449 = tpu.memref_slice %arg3[%run_scoped3A_20, %run_scoped3A_21, %add3A_5] : memref<3x2x50176xf32, #tpu.memory_space<hbm>> -> memref<1x1x784xf32, #tpu.memory_space<hbm>>
      %dma_wait3A_450 = tpu.memref_squeeze %dma_wait3A_449 : memref<1x1x784xf32, #tpu.memory_space<hbm>> -> memref<784xf32, #tpu.memory_space<hbm>>
      tpu.wait_dma2 semaphore(%run_scoped3A_432 : memref<!tpu.dma_semaphore, #tpu.memory_space<semaphore_mem>>) src(%dma_wait3A_450 : memref<784xf32, #tpu.memory_space<hbm>>) dst(%dma_wait3A_448 : memref<784xf32, #tpu.memory_space<vmem>>)
      tpu.yield
    }) : () -> ()
    %run_scoped3A_23 = arith.constant 2 : i32
    %run_scoped3A_24 = arith.constant 0 : i32
    %run_scoped3A_25 = arith.constant 4 : i32
    "tpu.region"() ({
      %run_scoped3A_432 = tpu.sem_alloc : memref<!tpu.dma_semaphore, #tpu.memory_space<semaphore_mem>>
      %dma_start3A = arith.constant 0 : i32
      %dma_start3A_433 = tpu.memref_slice %arg15[%run_scoped3A_25, %dma_start3A] : memref<6x784xf32, #tpu.memory_space<vmem>> -> memref<1x784xf32, #tpu.memory_space<vmem>>
      %dma_start3A_434 = tpu.memref_squeeze %dma_start3A_433 : memref<1x784xf32, #tpu.memory_space<vmem>> -> memref<784xf32, #tpu.memory_space<vmem>>
      %dma_start3A_435 = tpu.memref_slice %arg3[%run_scoped3A_23, %run_scoped3A_24, %add3A_5] : memref<3x2x50176xf32, #tpu.memory_space<hbm>> -> memref<1x1x784xf32, #tpu.memory_space<hbm>>
      %dma_start3A_436 = tpu.memref_squeeze %dma_start3A_435 : memref<1x1x784xf32, #tpu.memory_space<hbm>> -> memref<784xf32, #tpu.memory_space<hbm>>
      %dma_start3A_437 = arith.constant 0 : i32
      %dma_start3A_438 = tpu.memref_slice %arg15[%run_scoped3A_25, %dma_start3A_437] : memref<6x784xf32, #tpu.memory_space<vmem>> -> memref<1x784xf32, #tpu.memory_space<vmem>>
      %dma_start3A_439 = tpu.memref_squeeze %dma_start3A_438 : memref<1x784xf32, #tpu.memory_space<vmem>> -> memref<784xf32, #tpu.memory_space<vmem>>
      %dma_start3A_440 = tpu.memref_slice %arg3[%run_scoped3A_23, %run_scoped3A_24, %add3A_5] : memref<3x2x50176xf32, #tpu.memory_space<hbm>> -> memref<1x1x784xf32, #tpu.memory_space<hbm>>
      %dma_start3A_441 = tpu.memref_squeeze %dma_start3A_440 : memref<1x1x784xf32, #tpu.memory_space<hbm>> -> memref<784xf32, #tpu.memory_space<hbm>>
      tpu.enqueue_dma source(%dma_start3A_441 : memref<784xf32, #tpu.memory_space<hbm>>) target(%dma_start3A_439 : memref<784xf32, #tpu.memory_space<vmem>>) target_semaphore(%run_scoped3A_432 : memref<!tpu.dma_semaphore, #tpu.memory_space<semaphore_mem>>)
      %dma_wait3A = arith.constant 0 : i32
      %dma_wait3A_442 = tpu.memref_slice %arg15[%run_scoped3A_25, %dma_wait3A] : memref<6x784xf32, #tpu.memory_space<vmem>> -> memref<1x784xf32, #tpu.memory_space<vmem>>
      %dma_wait3A_443 = tpu.memref_squeeze %dma_wait3A_442 : memref<1x784xf32, #tpu.memory_space<vmem>> -> memref<784xf32, #tpu.memory_space<vmem>>
      %dma_wait3A_444 = tpu.memref_slice %arg3[%run_scoped3A_23, %run_scoped3A_24, %add3A_5] : memref<3x2x50176xf32, #tpu.memory_space<hbm>> -> memref<1x1x784xf32, #tpu.memory_space<hbm>>
      %dma_wait3A_445 = tpu.memref_squeeze %dma_wait3A_444 : memref<1x1x784xf32, #tpu.memory_space<hbm>> -> memref<784xf32, #tpu.memory_space<hbm>>
      %dma_wait3A_446 = arith.constant 0 : i32
      %dma_wait3A_447 = tpu.memref_slice %arg15[%run_scoped3A_25, %dma_wait3A_446] : memref<6x784xf32, #tpu.memory_space<vmem>> -> memref<1x784xf32, #tpu.memory_space<vmem>>
      %dma_wait3A_448 = tpu.memref_squeeze %dma_wait3A_447 : memref<1x784xf32, #tpu.memory_space<vmem>> -> memref<784xf32, #tpu.memory_space<vmem>>
      %dma_wait3A_449 = tpu.memref_slice %arg3[%run_scoped3A_23, %run_scoped3A_24, %add3A_5] : memref<3x2x50176xf32, #tpu.memory_space<hbm>> -> memref<1x1x784xf32, #tpu.memory_space<hbm>>
      %dma_wait3A_450 = tpu.memref_squeeze %dma_wait3A_449 : memref<1x1x784xf32, #tpu.memory_space<hbm>> -> memref<784xf32, #tpu.memory_space<hbm>>
      tpu.wait_dma2 semaphore(%run_scoped3A_432 : memref<!tpu.dma_semaphore, #tpu.memory_space<semaphore_mem>>) src(%dma_wait3A_450 : memref<784xf32, #tpu.memory_space<hbm>>) dst(%dma_wait3A_448 : memref<784xf32, #tpu.memory_space<vmem>>)
      tpu.yield
    }) : () -> ()
    %run_scoped3A_26 = arith.constant 2 : i32
    %run_scoped3A_27 = arith.constant 1 : i32
    %run_scoped3A_28 = arith.constant 5 : i32
    "tpu.region"() ({
      %run_scoped3A_432 = tpu.sem_alloc : memref<!tpu.dma_semaphore, #tpu.memory_space<semaphore_mem>>
      %dma_start3A = arith.constant 0 : i32
      %dma_start3A_433 = tpu.memref_slice %arg15[%run_scoped3A_28, %dma_start3A] : memref<6x784xf32, #tpu.memory_space<vmem>> -> memref<1x784xf32, #tpu.memory_space<vmem>>
      %dma_start3A_434 = tpu.memref_squeeze %dma_start3A_433 : memref<1x784xf32, #tpu.memory_space<vmem>> -> memref<784xf32, #tpu.memory_space<vmem>>
      %dma_start3A_435 = tpu.memref_slice %arg3[%run_scoped3A_26, %run_scoped3A_27, %add3A_5] : memref<3x2x50176xf32, #tpu.memory_space<hbm>> -> memref<1x1x784xf32, #tpu.memory_space<hbm>>
      %dma_start3A_436 = tpu.memref_squeeze %dma_start3A_435 : memref<1x1x784xf32, #tpu.memory_space<hbm>> -> memref<784xf32, #tpu.memory_space<hbm>>
      %dma_start3A_437 = arith.constant 0 : i32
      %dma_start3A_438 = tpu.memref_slice %arg15[%run_scoped3A_28, %dma_start3A_437] : memref<6x784xf32, #tpu.memory_space<vmem>> -> memref<1x784xf32, #tpu.memory_space<vmem>>
      %dma_start3A_439 = tpu.memref_squeeze %dma_start3A_438 : memref<1x784xf32, #tpu.memory_space<vmem>> -> memref<784xf32, #tpu.memory_space<vmem>>
      %dma_start3A_440 = tpu.memref_slice %arg3[%run_scoped3A_26, %run_scoped3A_27, %add3A_5] : memref<3x2x50176xf32, #tpu.memory_space<hbm>> -> memref<1x1x784xf32, #tpu.memory_space<hbm>>
      %dma_start3A_441 = tpu.memref_squeeze %dma_start3A_440 : memref<1x1x784xf32, #tpu.memory_space<hbm>> -> memref<784xf32, #tpu.memory_space<hbm>>
      tpu.enqueue_dma source(%dma_start3A_441 : memref<784xf32, #tpu.memory_space<hbm>>) target(%dma_start3A_439 : memref<784xf32, #tpu.memory_space<vmem>>) target_semaphore(%run_scoped3A_432 : memref<!tpu.dma_semaphore, #tpu.memory_space<semaphore_mem>>)
      %dma_wait3A = arith.constant 0 : i32
      %dma_wait3A_442 = tpu.memref_slice %arg15[%run_scoped3A_28, %dma_wait3A] : memref<6x784xf32, #tpu.memory_space<vmem>> -> memref<1x784xf32, #tpu.memory_space<vmem>>
      %dma_wait3A_443 = tpu.memref_squeeze %dma_wait3A_442 : memref<1x784xf32, #tpu.memory_space<vmem>> -> memref<784xf32, #tpu.memory_space<vmem>>
      %dma_wait3A_444 = tpu.memref_slice %arg3[%run_scoped3A_26, %run_scoped3A_27, %add3A_5] : memref<3x2x50176xf32, #tpu.memory_space<hbm>> -> memref<1x1x784xf32, #tpu.memory_space<hbm>>
      %dma_wait3A_445 = tpu.memref_squeeze %dma_wait3A_444 : memref<1x1x784xf32, #tpu.memory_space<hbm>> -> memref<784xf32, #tpu.memory_space<hbm>>
      %dma_wait3A_446 = arith.constant 0 : i32
      %dma_wait3A_447 = tpu.memref_slice %arg15[%run_scoped3A_28, %dma_wait3A_446] : memref<6x784xf32, #tpu.memory_space<vmem>> -> memref<1x784xf32, #tpu.memory_space<vmem>>
      %dma_wait3A_448 = tpu.memref_squeeze %dma_wait3A_447 : memref<1x784xf32, #tpu.memory_space<vmem>> -> memref<784xf32, #tpu.memory_space<vmem>>
      %dma_wait3A_449 = tpu.memref_slice %arg3[%run_scoped3A_26, %run_scoped3A_27, %add3A_5] : memref<3x2x50176xf32, #tpu.memory_space<hbm>> -> memref<1x1x784xf32, #tpu.memory_space<hbm>>
      %dma_wait3A_450 = tpu.memref_squeeze %dma_wait3A_449 : memref<1x1x784xf32, #tpu.memory_space<hbm>> -> memref<784xf32, #tpu.memory_space<hbm>>
      tpu.wait_dma2 semaphore(%run_scoped3A_432 : memref<!tpu.dma_semaphore, #tpu.memory_space<semaphore_mem>>) src(%dma_wait3A_450 : memref<784xf32, #tpu.memory_space<hbm>>) dst(%dma_wait3A_448 : memref<784xf32, #tpu.memory_space<vmem>>)
      tpu.yield
    }) : () -> ()
    %broadcast_in_dim3A_29 = arith.constant 0 : i32
    %broadcast_in_dim3A_30 = vector.broadcast %broadcast_in_dim3A_29 : i32 to vector<16xi32>
    %scan3A = arith.constant 0 : i32
    %scan3A_31 = arith.constant 0 : i32
    %scan3A_32 = arith.constant 49 : i32
    %scan3A_33 = arith.addi %scan3A_31, %scan3A_32 : i32
    %scan3A_34 = arith.constant 1 : i32
    %scan3A_35 = scf.for %scan3A_432 = %scan3A_31 to %scan3A_33 step %scan3A_34 iter_args(%scan3A_433 = %scan3A) -> (i32)  : i32 {
      %mul3A_434 = arith.constant 16 : i32
      %mul3A_435 = arith.muli %scan3A_432, %mul3A_434 : i32
      %add3A_436 = vector.broadcast %mul3A_435 : i32 to vector<16xi32>
      %add3A_437 = arith.addi %add3A_436, %iota3A : vector<16xi32>
      %mul3A_438 = arith.constant 3 : i32
      %mul3A_439 = vector.broadcast %mul3A_438 : i32 to vector<16xi32>
      %mul3A_440 = arith.muli %mul3A_439, %add3A_437 : vector<16xi32>
      %add3A_441 = arith.constant 0 : i32
      %add3A_442 = vector.broadcast %add3A_441 : i32 to vector<16xi32>
      %add3A_443 = arith.addi %mul3A_440, %add3A_442 : vector<16xi32>
      %gather3A = tpu.vector_load_idx %arg13[%add3A_443] : memref<2352xf32, #tpu.memory_space<vmem>>[vector<16xi32>], vector<16xf32>,
      %mul3A_444 = arith.constant 16 : i32
      %mul3A_445 = arith.muli %scan3A_432, %mul3A_444 : i32
      %get3A = arith.constant 0 : i32
      %get3A_446 = arith.index_cast %get3A : i32 to index
      %get3A_447 = arith.index_cast %mul3A_445 : i32 to index
      %get3A_448 = tpu.vector_load %arg15[%get3A_446, %get3A_447] {strides = array<i32>} : memref<6x784xf32, #tpu.memory_space<vmem>>, vector<16xf32>,
      %sub3A = arith.subf %gather3A, %get3A_448 : vector<16xf32>
      tpu.vector_store_idx %arg12[%add3A_437, %broadcast_in_dim3A_30], %sub3A : memref<784x8xf32, #tpu.memory_space<vmem>>[vector<16xi32>, vector<16xi32>], vector<16xf32>,
      %scan3A_449 = arith.constant 0 : i32
      scf.yield %scan3A_449 : i32
    }
    %scan3A_36 = arith.constant 49 : i32
    %broadcast_in_dim3A_37 = arith.constant 3 : i32
    %broadcast_in_dim3A_38 = vector.broadcast %broadcast_in_dim3A_37 : i32 to vector<16xi32>
    %scan3A_39 = arith.constant 0 : i32
    %scan3A_40 = arith.constant 0 : i32
    %scan3A_41 = arith.constant 49 : i32
    %scan3A_42 = arith.addi %scan3A_40, %scan3A_41 : i32
    %scan3A_43 = arith.constant 1 : i32
    %scan3A_44 = scf.for %scan3A_432 = %scan3A_40 to %scan3A_42 step %scan3A_43 iter_args(%scan3A_433 = %scan3A_39) -> (i32)  : i32 {
      %mul3A_434 = arith.constant 16 : i32
      %mul3A_435 = arith.muli %scan3A_432, %mul3A_434 : i32
      %add3A_436 = vector.broadcast %mul3A_435 : i32 to vector<16xi32>
      %add3A_437 = arith.addi %add3A_436, %iota3A : vector<16xi32>
      %mul3A_438 = arith.constant 3 : i32
      %mul3A_439 = vector.broadcast %mul3A_438 : i32 to vector<16xi32>
      %mul3A_440 = arith.muli %mul3A_439, %add3A_437 : vector<16xi32>
      %add3A_441 = arith.constant 0 : i32
      %add3A_442 = vector.broadcast %add3A_441 : i32 to vector<16xi32>
      %add3A_443 = arith.addi %mul3A_440, %add3A_442 : vector<16xi32>
      %gather3A = tpu.vector_load_idx %arg14[%add3A_443] : memref<2352xf32, #tpu.memory_space<vmem>>[vector<16xi32>], vector<16xf32>,
      %mul3A_444 = arith.constant 16 : i32
      %mul3A_445 = arith.muli %scan3A_432, %mul3A_444 : i32
      %get3A = arith.constant 1 : i32
      %get3A_446 = arith.index_cast %get3A : i32 to index
      %get3A_447 = arith.index_cast %mul3A_445 : i32 to index
      %get3A_448 = tpu.vector_load %arg15[%get3A_446, %get3A_447] {strides = array<i32>} : memref<6x784xf32, #tpu.memory_space<vmem>>, vector<16xf32>,
      %sub3A = arith.subf %gather3A, %get3A_448 : vector<16xf32>
      tpu.vector_store_idx %arg12[%add3A_437, %broadcast_in_dim3A_38], %sub3A : memref<784x8xf32, #tpu.memory_space<vmem>>[vector<16xi32>, vector<16xi32>], vector<16xf32>,
      %scan3A_449 = arith.constant 0 : i32
      scf.yield %scan3A_449 : i32
    }
    %scan3A_45 = arith.constant 49 : i32
    %broadcast_in_dim3A_46 = arith.constant 1 : i32
    %broadcast_in_dim3A_47 = vector.broadcast %broadcast_in_dim3A_46 : i32 to vector<16xi32>
    %scan3A_48 = arith.constant 0 : i32
    %scan3A_49 = arith.constant 0 : i32
    %scan3A_50 = arith.constant 49 : i32
    %scan3A_51 = arith.addi %scan3A_49, %scan3A_50 : i32
    %scan3A_52 = arith.constant 1 : i32
    %scan3A_53 = scf.for %scan3A_432 = %scan3A_49 to %scan3A_51 step %scan3A_52 iter_args(%scan3A_433 = %scan3A_48) -> (i32)  : i32 {
      %mul3A_434 = arith.constant 16 : i32
      %mul3A_435 = arith.muli %scan3A_432, %mul3A_434 : i32
      %add3A_436 = vector.broadcast %mul3A_435 : i32 to vector<16xi32>
      %add3A_437 = arith.addi %add3A_436, %iota3A : vector<16xi32>
      %mul3A_438 = arith.constant 3 : i32
      %mul3A_439 = vector.broadcast %mul3A_438 : i32 to vector<16xi32>
      %mul3A_440 = arith.muli %mul3A_439, %add3A_437 : vector<16xi32>
      %add3A_441 = arith.constant 1 : i32
      %add3A_442 = vector.broadcast %add3A_441 : i32 to vector<16xi32>
      %add3A_443 = arith.addi %mul3A_440, %add3A_442 : vector<16xi32>
      %gather3A = tpu.vector_load_idx %arg13[%add3A_443] : memref<2352xf32, #tpu.memory_space<vmem>>[vector<16xi32>], vector<16xf32>,
      %mul3A_444 = arith.constant 16 : i32
      %mul3A_445 = arith.muli %scan3A_432, %mul3A_444 : i32
      %get3A = arith.constant 2 : i32
      %get3A_446 = arith.index_cast %get3A : i32 to index
      %get3A_447 = arith.index_cast %mul3A_445 : i32 to index
      %get3A_448 = tpu.vector_load %arg15[%get3A_446, %get3A_447] {strides = array<i32>} : memref<6x784xf32, #tpu.memory_space<vmem>>, vector<16xf32>,
      %sub3A = arith.subf %gather3A, %get3A_448 : vector<16xf32>
      tpu.vector_store_idx %arg12[%add3A_437, %broadcast_in_dim3A_47], %sub3A : memref<784x8xf32, #tpu.memory_space<vmem>>[vector<16xi32>, vector<16xi32>], vector<16xf32>,
      %scan3A_449 = arith.constant 0 : i32
      scf.yield %scan3A_449 : i32
    }
    %scan3A_54 = arith.constant 49 : i32
    %broadcast_in_dim3A_55 = arith.constant 4 : i32
    %broadcast_in_dim3A_56 = vector.broadcast %broadcast_in_dim3A_55 : i32 to vector<16xi32>
    %scan3A_57 = arith.constant 0 : i32
    %scan3A_58 = arith.constant 0 : i32
    %scan3A_59 = arith.constant 49 : i32
    %scan3A_60 = arith.addi %scan3A_58, %scan3A_59 : i32
    %scan3A_61 = arith.constant 1 : i32
    %scan3A_62 = scf.for %scan3A_432 = %scan3A_58 to %scan3A_60 step %scan3A_61 iter_args(%scan3A_433 = %scan3A_57) -> (i32)  : i32 {
      %mul3A_434 = arith.constant 16 : i32
      %mul3A_435 = arith.muli %scan3A_432, %mul3A_434 : i32
      %add3A_436 = vector.broadcast %mul3A_435 : i32 to vector<16xi32>
      %add3A_437 = arith.addi %add3A_436, %iota3A : vector<16xi32>
      %mul3A_438 = arith.constant 3 : i32
      %mul3A_439 = vector.broadcast %mul3A_438 : i32 to vector<16xi32>
      %mul3A_440 = arith.muli %mul3A_439, %add3A_437 : vector<16xi32>
      %add3A_441 = arith.constant 1 : i32
      %add3A_442 = vector.broadcast %add3A_441 : i32 to vector<16xi32>
      %add3A_443 = arith.addi %mul3A_440, %add3A_442 : vector<16xi32>
      %gather3A = tpu.vector_load_idx %arg14[%add3A_443] : memref<2352xf32, #tpu.memory_space<vmem>>[vector<16xi32>], vector<16xf32>,
      %mul3A_444 = arith.constant 16 : i32
      %mul3A_445 = arith.muli %scan3A_432, %mul3A_444 : i32
      %get3A = arith.constant 3 : i32
      %get3A_446 = arith.index_cast %get3A : i32 to index
      %get3A_447 = arith.index_cast %mul3A_445 : i32 to index
      %get3A_448 = tpu.vector_load %arg15[%get3A_446, %get3A_447] {strides = array<i32>} : memref<6x784xf32, #tpu.memory_space<vmem>>, vector<16xf32>,
      %sub3A = arith.subf %gather3A, %get3A_448 : vector<16xf32>
      tpu.vector_store_idx %arg12[%add3A_437, %broadcast_in_dim3A_56], %sub3A : memref<784x8xf32, #tpu.memory_space<vmem>>[vector<16xi32>, vector<16xi32>], vector<16xf32>,
      %scan3A_449 = arith.constant 0 : i32
      scf.yield %scan3A_449 : i32
    }
    %scan3A_63 = arith.constant 49 : i32
    %broadcast_in_dim3A_64 = arith.constant 2 : i32
    %broadcast_in_dim3A_65 = vector.broadcast %broadcast_in_dim3A_64 : i32 to vector<16xi32>
    %scan3A_66 = arith.constant 0 : i32
    %scan3A_67 = arith.constant 0 : i32
    %scan3A_68 = arith.constant 49 : i32
    %scan3A_69 = arith.addi %scan3A_67, %scan3A_68 : i32
    %scan3A_70 = arith.constant 1 : i32
    %scan3A_71 = scf.for %scan3A_432 = %scan3A_67 to %scan3A_69 step %scan3A_70 iter_args(%scan3A_433 = %scan3A_66) -> (i32)  : i32 {
      %mul3A_434 = arith.constant 16 : i32
      %mul3A_435 = arith.muli %scan3A_432, %mul3A_434 : i32
      %add3A_436 = vector.broadcast %mul3A_435 : i32 to vector<16xi32>
      %add3A_437 = arith.addi %add3A_436, %iota3A : vector<16xi32>
      %mul3A_438 = arith.constant 3 : i32
      %mul3A_439 = vector.broadcast %mul3A_438 : i32 to vector<16xi32>
      %mul3A_440 = arith.muli %mul3A_439, %add3A_437 : vector<16xi32>
      %add3A_441 = arith.constant 2 : i32
      %add3A_442 = vector.broadcast %add3A_441 : i32 to vector<16xi32>
      %add3A_443 = arith.addi %mul3A_440, %add3A_442 : vector<16xi32>
      %gather3A = tpu.vector_load_idx %arg13[%add3A_443] : memref<2352xf32, #tpu.memory_space<vmem>>[vector<16xi32>], vector<16xf32>,
      %mul3A_444 = arith.constant 16 : i32
      %mul3A_445 = arith.muli %scan3A_432, %mul3A_444 : i32
      %get3A = arith.constant 4 : i32
      %get3A_446 = arith.index_cast %get3A : i32 to index
      %get3A_447 = arith.index_cast %mul3A_445 : i32 to index
      %get3A_448 = tpu.vector_load %arg15[%get3A_446, %get3A_447] {strides = array<i32>} : memref<6x784xf32, #tpu.memory_space<vmem>>, vector<16xf32>,
      %sub3A = arith.subf %gather3A, %get3A_448 : vector<16xf32>
      tpu.vector_store_idx %arg12[%add3A_437, %broadcast_in_dim3A_65], %sub3A : memref<784x8xf32, #tpu.memory_space<vmem>>[vector<16xi32>, vector<16xi32>], vector<16xf32>,
      %scan3A_449 = arith.constant 0 : i32
      scf.yield %scan3A_449 : i32
    }
    %scan3A_72 = arith.constant 49 : i32
    %broadcast_in_dim3A_73 = arith.constant 5 : i32
    %broadcast_in_dim3A_74 = vector.broadcast %broadcast_in_dim3A_73 : i32 to vector<16xi32>
    %scan3A_75 = arith.constant 0 : i32
    %scan3A_76 = arith.constant 0 : i32
    %scan3A_77 = arith.constant 49 : i32
    %scan3A_78 = arith.addi %scan3A_76, %scan3A_77 : i32
    %scan3A_79 = arith.constant 1 : i32
    %scan3A_80 = scf.for %scan3A_432 = %scan3A_76 to %scan3A_78 step %scan3A_79 iter_args(%scan3A_433 = %scan3A_75) -> (i32)  : i32 {
      %mul3A_434 = arith.constant 16 : i32
      %mul3A_435 = arith.muli %scan3A_432, %mul3A_434 : i32
      %add3A_436 = vector.broadcast %mul3A_435 : i32 to vector<16xi32>
      %add3A_437 = arith.addi %add3A_436, %iota3A : vector<16xi32>
      %mul3A_438 = arith.constant 3 : i32
      %mul3A_439 = vector.broadcast %mul3A_438 : i32 to vector<16xi32>
      %mul3A_440 = arith.muli %mul3A_439, %add3A_437 : vector<16xi32>
      %add3A_441 = arith.constant 2 : i32
      %add3A_442 = vector.broadcast %add3A_441 : i32 to vector<16xi32>
      %add3A_443 = arith.addi %mul3A_440, %add3A_442 : vector<16xi32>
      %gather3A = tpu.vector_load_idx %arg14[%add3A_443] : memref<2352xf32, #tpu.memory_space<vmem>>[vector<16xi32>], vector<16xf32>,
      %mul3A_444 = arith.constant 16 : i32
      %mul3A_445 = arith.muli %scan3A_432, %mul3A_444 : i32
      %get3A = arith.constant 5 : i32
      %get3A_446 = arith.index_cast %get3A : i32 to index
      %get3A_447 = arith.index_cast %mul3A_445 : i32 to index
      %get3A_448 = tpu.vector_load %arg15[%get3A_446, %get3A_447] {strides = array<i32>} : memref<6x784xf32, #tpu.memory_space<vmem>>, vector<16xf32>,
      %sub3A = arith.subf %gather3A, %get3A_448 : vector<16xf32>
      tpu.vector_store_idx %arg12[%add3A_437, %broadcast_in_dim3A_74], %sub3A : memref<784x8xf32, #tpu.memory_space<vmem>>[vector<16xi32>, vector<16xi32>], vector<16xf32>,
      %scan3A_449 = arith.constant 0 : i32
      scf.yield %scan3A_449 : i32
    }
    %scan3A_81 = arith.constant 49 : i32
    %broadcast_in_dim3A_82 = arith.constant 6 : i32
    %broadcast_in_dim3A_83 = vector.broadcast %broadcast_in_dim3A_82 : i32 to vector<16xi32>
    %scan3A_84 = arith.constant 0 : i32
    %scan3A_85 = arith.constant 0 : i32
    %scan3A_86 = arith.constant 49 : i32
    %scan3A_87 = arith.addi %scan3A_85, %scan3A_86 : i32
    %scan3A_88 = arith.constant 1 : i32
    %scan3A_89 = scf.for %scan3A_432 = %scan3A_85 to %scan3A_87 step %scan3A_88 iter_args(%scan3A_433 = %scan3A_84) -> (i32)  : i32 {
      %mul3A_434 = arith.constant 16 : i32
      %mul3A_435 = arith.muli %scan3A_432, %mul3A_434 : i32
      %add3A_436 = vector.broadcast %mul3A_435 : i32 to vector<16xi32>
      %add3A_437 = arith.addi %add3A_436, %iota3A : vector<16xi32>
      tpu.vector_store_idx %arg12[%add3A_437, %broadcast_in_dim3A_83], %broadcast_in_dim3A_3 : memref<784x8xf32, #tpu.memory_space<vmem>>[vector<16xi32>, vector<16xi32>], vector<16xf32>,
      %scan3A_438 = arith.constant 0 : i32
      scf.yield %scan3A_438 : i32
    }
    %scan3A_90 = arith.constant 49 : i32
    %broadcast_in_dim3A_91 = arith.constant 7 : i32
    %broadcast_in_dim3A_92 = vector.broadcast %broadcast_in_dim3A_91 : i32 to vector<16xi32>
    %scan3A_93 = arith.constant 0 : i32
    %scan3A_94 = arith.constant 0 : i32
    %scan3A_95 = arith.constant 49 : i32
    %scan3A_96 = arith.addi %scan3A_94, %scan3A_95 : i32
    %scan3A_97 = arith.constant 1 : i32
    %scan3A_98 = scf.for %scan3A_432 = %scan3A_94 to %scan3A_96 step %scan3A_97 iter_args(%scan3A_433 = %scan3A_93) -> (i32)  : i32 {
      %mul3A_434 = arith.constant 16 : i32
      %mul3A_435 = arith.muli %scan3A_432, %mul3A_434 : i32
      %add3A_436 = vector.broadcast %mul3A_435 : i32 to vector<16xi32>
      %add3A_437 = arith.addi %add3A_436, %iota3A : vector<16xi32>
      tpu.vector_store_idx %arg12[%add3A_437, %broadcast_in_dim3A_92], %broadcast_in_dim3A_3 : memref<784x8xf32, #tpu.memory_space<vmem>>[vector<16xi32>, vector<16xi32>], vector<16xf32>,
      %scan3A_438 = arith.constant 0 : i32
      scf.yield %scan3A_438 : i32
    }
    %scan3A_99 = arith.constant 49 : i32
    "tpu.region"() ({
      %run_scoped3A_432 = tpu.sem_alloc : memref<!tpu.dma_semaphore, #tpu.memory_space<semaphore_mem>>
      %dma_start3A = arith.constant 0 : i32
      %dma_start3A_433 = tpu.memref_slice %arg10[%add3A_5, %dma_start3A] : memref<50176x8xf32, #tpu.memory_space<vmem_shared>> -> memref<784x8xf32, #tpu.memory_space<vmem_shared>>
      %dma_start3A_434 = arith.constant 0 : i32
      %dma_start3A_435 = tpu.memref_slice %arg10[%add3A_5, %dma_start3A_434] : memref<50176x8xf32, #tpu.memory_space<vmem_shared>> -> memref<784x8xf32, #tpu.memory_space<vmem_shared>>
      tpu.enqueue_dma source(%arg12 : memref<784x8xf32, #tpu.memory_space<vmem>>) target(%dma_start3A_435 : memref<784x8xf32, #tpu.memory_space<vmem_shared>>) target_semaphore(%run_scoped3A_432 : memref<!tpu.dma_semaphore, #tpu.memory_space<semaphore_mem>>)
      %dma_wait3A = arith.constant 0 : i32
      %dma_wait3A_436 = tpu.memref_slice %arg10[%add3A_5, %dma_wait3A] : memref<50176x8xf32, #tpu.memory_space<vmem_shared>> -> memref<784x8xf32, #tpu.memory_space<vmem_shared>>
      %dma_wait3A_437 = arith.constant 0 : i32
      %dma_wait3A_438 = tpu.memref_slice %arg10[%add3A_5, %dma_wait3A_437] : memref<50176x8xf32, #tpu.memory_space<vmem_shared>> -> memref<784x8xf32, #tpu.memory_space<vmem_shared>>
      tpu.wait_dma2 semaphore(%run_scoped3A_432 : memref<!tpu.dma_semaphore, #tpu.memory_space<semaphore_mem>>) src(%arg12 : memref<784x8xf32, #tpu.memory_space<vmem>>) dst(%dma_wait3A_438 : memref<784x8xf32, #tpu.memory_space<vmem_shared>>)
      tpu.yield
    }) : () -> ()
    "tpu.region"() ({
      %run_scoped3A_432 = tpu.sem_alloc : memref<!tpu.dma_semaphore, #tpu.memory_space<semaphore_mem>>
      %dma_start3A = arith.constant 0 : i32
      %dma_start3A_433 = tpu.memref_slice %arg4[%add3A_5, %dma_start3A] : memref<50176x8xf32, #tpu.memory_space<hbm>> -> memref<784x8xf32, #tpu.memory_space<hbm>>
      %dma_start3A_434 = arith.constant 0 : i32
      %dma_start3A_435 = tpu.memref_slice %arg4[%add3A_5, %dma_start3A_434] : memref<50176x8xf32, #tpu.memory_space<hbm>> -> memref<784x8xf32, #tpu.memory_space<hbm>>
      tpu.enqueue_dma source(%dma_start3A_435 : memref<784x8xf32, #tpu.memory_space<hbm>>) target(%arg12 : memref<784x8xf32, #tpu.memory_space<vmem>>) target_semaphore(%run_scoped3A_432 : memref<!tpu.dma_semaphore, #tpu.memory_space<semaphore_mem>>)
      %dma_wait3A = arith.constant 0 : i32
      %dma_wait3A_436 = tpu.memref_slice %arg4[%add3A_5, %dma_wait3A] : memref<50176x8xf32, #tpu.memory_space<hbm>> -> memref<784x8xf32, #tpu.memory_space<hbm>>
      %dma_wait3A_437 = arith.constant 0 : i32
      %dma_wait3A_438 = tpu.memref_slice %arg4[%add3A_5, %dma_wait3A_437] : memref<50176x8xf32, #tpu.memory_space<hbm>> -> memref<784x8xf32, #tpu.memory_space<hbm>>
      tpu.wait_dma2 semaphore(%run_scoped3A_432 : memref<!tpu.dma_semaphore, #tpu.memory_space<semaphore_mem>>) src(%dma_wait3A_438 : memref<784x8xf32, #tpu.memory_space<hbm>>) dst(%arg12 : memref<784x8xf32, #tpu.memory_space<vmem>>)
      tpu.yield
    }) : () -> ()
    "tpu.region"() ({
      %run_scoped3A_432 = tpu.sem_alloc : memref<!tpu.dma_semaphore, #tpu.memory_space<semaphore_mem>>
      %dma_start3A = arith.constant 0 : i32
      %dma_start3A_433 = tpu.memref_slice %arg11[%add3A_5, %dma_start3A] : memref<50176x8xf32, #tpu.memory_space<vmem_shared>> -> memref<784x8xf32, #tpu.memory_space<vmem_shared>>
      %dma_start3A_434 = arith.constant 0 : i32
      %dma_start3A_435 = tpu.memref_slice %arg11[%add3A_5, %dma_start3A_434] : memref<50176x8xf32, #tpu.memory_space<vmem_shared>> -> memref<784x8xf32, #tpu.memory_space<vmem_shared>>
      tpu.enqueue_dma source(%arg12 : memref<784x8xf32, #tpu.memory_space<vmem>>) target(%dma_start3A_435 : memref<784x8xf32, #tpu.memory_space<vmem_shared>>) target_semaphore(%run_scoped3A_432 : memref<!tpu.dma_semaphore, #tpu.memory_space<semaphore_mem>>)
      %dma_wait3A = arith.constant 0 : i32
      %dma_wait3A_436 = tpu.memref_slice %arg11[%add3A_5, %dma_wait3A] : memref<50176x8xf32, #tpu.memory_space<vmem_shared>> -> memref<784x8xf32, #tpu.memory_space<vmem_shared>>
      %dma_wait3A_437 = arith.constant 0 : i32
      %dma_wait3A_438 = tpu.memref_slice %arg11[%add3A_5, %dma_wait3A_437] : memref<50176x8xf32, #tpu.memory_space<vmem_shared>> -> memref<784x8xf32, #tpu.memory_space<vmem_shared>>
      tpu.wait_dma2 semaphore(%run_scoped3A_432 : memref<!tpu.dma_semaphore, #tpu.memory_space<semaphore_mem>>) src(%arg12 : memref<784x8xf32, #tpu.memory_space<vmem>>) dst(%dma_wait3A_438 : memref<784x8xf32, #tpu.memory_space<vmem_shared>>)
      tpu.yield
    }) : () -> ()
    %add3A_100 = arith.constant 784 : i32
    %add3A_101 = arith.addi %mul3A_2, %add3A_100 : i32
    %mul3A_102 = arith.constant 3 : i32
    %mul3A_103 = arith.muli %mul3A_102, %add3A_101 : i32
    %run_scoped3A_104 = arith.constant 0 : i32
    "tpu.region"() ({
      %run_scoped3A_432 = tpu.sem_alloc : memref<!tpu.dma_semaphore, #tpu.memory_space<semaphore_mem>>
      %dma_start3A = tpu.memref_slice %arg2[%run_scoped3A_104, %mul3A_103] : memref<2x150528xf32, #tpu.memory_space<hbm>> -> memref<1x2352xf32, #tpu.memory_space<hbm>>
      %dma_start3A_433 = tpu.memref_squeeze %dma_start3A : memref<1x2352xf32, #tpu.memory_space<hbm>> -> memref<2352xf32, #tpu.memory_space<hbm>>
      %dma_start3A_434 = tpu.memref_slice %arg2[%run_scoped3A_104, %mul3A_103] : memref<2x150528xf32, #tpu.memory_space<hbm>> -> memref<1x2352xf32, #tpu.memory_space<hbm>>
      %dma_start3A_435 = tpu.memref_squeeze %dma_start3A_434 : memref<1x2352xf32, #tpu.memory_space<hbm>> -> memref<2352xf32, #tpu.memory_space<hbm>>
      tpu.enqueue_dma source(%dma_start3A_435 : memref<2352xf32, #tpu.memory_space<hbm>>) target(%arg13 : memref<2352xf32, #tpu.memory_space<vmem>>) target_semaphore(%run_scoped3A_432 : memref<!tpu.dma_semaphore, #tpu.memory_space<semaphore_mem>>)
      %dma_wait3A = tpu.memref_slice %arg2[%run_scoped3A_104, %mul3A_103] : memref<2x150528xf32, #tpu.memory_space<hbm>> -> memref<1x2352xf32, #tpu.memory_space<hbm>>
      %dma_wait3A_436 = tpu.memref_squeeze %dma_wait3A : memref<1x2352xf32, #tpu.memory_space<hbm>> -> memref<2352xf32, #tpu.memory_space<hbm>>
      %dma_wait3A_437 = tpu.memref_slice %arg2[%run_scoped3A_104, %mul3A_103] : memref<2x150528xf32, #tpu.memory_space<hbm>> -> memref<1x2352xf32, #tpu.memory_space<hbm>>
      %dma_wait3A_438 = tpu.memref_squeeze %dma_wait3A_437 : memref<1x2352xf32, #tpu.memory_space<hbm>> -> memref<2352xf32, #tpu.memory_space<hbm>>
      tpu.wait_dma2 semaphore(%run_scoped3A_432 : memref<!tpu.dma_semaphore, #tpu.memory_space<semaphore_mem>>) src(%dma_wait3A_438 : memref<2352xf32, #tpu.memory_space<hbm>>) dst(%arg13 : memref<2352xf32, #tpu.memory_space<vmem>>)
      tpu.yield
    }) : () -> ()
    %mul3A_105 = arith.constant 3 : i32
    %mul3A_106 = arith.muli %mul3A_105, %add3A_101 : i32
    %run_scoped3A_107 = arith.constant 1 : i32
    "tpu.region"() ({
      %run_scoped3A_432 = tpu.sem_alloc : memref<!tpu.dma_semaphore, #tpu.memory_space<semaphore_mem>>
      %dma_start3A = tpu.memref_slice %arg2[%run_scoped3A_107, %mul3A_106] : memref<2x150528xf32, #tpu.memory_space<hbm>> -> memref<1x2352xf32, #tpu.memory_space<hbm>>
      %dma_start3A_433 = tpu.memref_squeeze %dma_start3A : memref<1x2352xf32, #tpu.memory_space<hbm>> -> memref<2352xf32, #tpu.memory_space<hbm>>
      %dma_start3A_434 = tpu.memref_slice %arg2[%run_scoped3A_107, %mul3A_106] : memref<2x150528xf32, #tpu.memory_space<hbm>> -> memref<1x2352xf32, #tpu.memory_space<hbm>>
      %dma_start3A_435 = tpu.memref_squeeze %dma_start3A_434 : memref<1x2352xf32, #tpu.memory_space<hbm>> -> memref<2352xf32, #tpu.memory_space<hbm>>
      tpu.enqueue_dma source(%dma_start3A_435 : memref<2352xf32, #tpu.memory_space<hbm>>) target(%arg14 : memref<2352xf32, #tpu.memory_space<vmem>>) target_semaphore(%run_scoped3A_432 : memref<!tpu.dma_semaphore, #tpu.memory_space<semaphore_mem>>)
      %dma_wait3A = tpu.memref_slice %arg2[%run_scoped3A_107, %mul3A_106] : memref<2x150528xf32, #tpu.memory_space<hbm>> -> memref<1x2352xf32, #tpu.memory_space<hbm>>
      %dma_wait3A_436 = tpu.memref_squeeze %dma_wait3A : memref<1x2352xf32, #tpu.memory_space<hbm>> -> memref<2352xf32, #tpu.memory_space<hbm>>
      %dma_wait3A_437 = tpu.memref_slice %arg2[%run_scoped3A_107, %mul3A_106] : memref<2x150528xf32, #tpu.memory_space<hbm>> -> memref<1x2352xf32, #tpu.memory_space<hbm>>
      %dma_wait3A_438 = tpu.memref_squeeze %dma_wait3A_437 : memref<1x2352xf32, #tpu.memory_space<hbm>> -> memref<2352xf32, #tpu.memory_space<hbm>>
      tpu.wait_dma2 semaphore(%run_scoped3A_432 : memref<!tpu.dma_semaphore, #tpu.memory_space<semaphore_mem>>) src(%dma_wait3A_438 : memref<2352xf32, #tpu.memory_space<hbm>>) dst(%arg14 : memref<2352xf32, #tpu.memory_space<vmem>>)
      tpu.yield
    }) : () -> ()
    %run_scoped3A_108 = arith.constant 0 : i32
    %run_scoped3A_109 = arith.constant 0 : i32
    %run_scoped3A_110 = arith.constant 0 : i32
    "tpu.region"() ({
      %run_scoped3A_432 = tpu.sem_alloc : memref<!tpu.dma_semaphore, #tpu.memory_space<semaphore_mem>>
      %dma_start3A = arith.constant 0 : i32
      %dma_start3A_433 = tpu.memref_slice %arg15[%run_scoped3A_110, %dma_start3A] : memref<6x784xf32, #tpu.memory_space<vmem>> -> memref<1x784xf32, #tpu.memory_space<vmem>>
      %dma_start3A_434 = tpu.memref_squeeze %dma_start3A_433 : memref<1x784xf32, #tpu.memory_space<vmem>> -> memref<784xf32, #tpu.memory_space<vmem>>
      %dma_start3A_435 = tpu.memref_slice %arg3[%run_scoped3A_108, %run_scoped3A_109, %add3A_101] : memref<3x2x50176xf32, #tpu.memory_space<hbm>> -> memref<1x1x784xf32, #tpu.memory_space<hbm>>
      %dma_start3A_436 = tpu.memref_squeeze %dma_start3A_435 : memref<1x1x784xf32, #tpu.memory_space<hbm>> -> memref<784xf32, #tpu.memory_space<hbm>>
      %dma_start3A_437 = arith.constant 0 : i32
      %dma_start3A_438 = tpu.memref_slice %arg15[%run_scoped3A_110, %dma_start3A_437] : memref<6x784xf32, #tpu.memory_space<vmem>> -> memref<1x784xf32, #tpu.memory_space<vmem>>
      %dma_start3A_439 = tpu.memref_squeeze %dma_start3A_438 : memref<1x784xf32, #tpu.memory_space<vmem>> -> memref<784xf32, #tpu.memory_space<vmem>>
      %dma_start3A_440 = tpu.memref_slice %arg3[%run_scoped3A_108, %run_scoped3A_109, %add3A_101] : memref<3x2x50176xf32, #tpu.memory_space<hbm>> -> memref<1x1x784xf32, #tpu.memory_space<hbm>>
      %dma_start3A_441 = tpu.memref_squeeze %dma_start3A_440 : memref<1x1x784xf32, #tpu.memory_space<hbm>> -> memref<784xf32, #tpu.memory_space<hbm>>
      tpu.enqueue_dma source(%dma_start3A_441 : memref<784xf32, #tpu.memory_space<hbm>>) target(%dma_start3A_439 : memref<784xf32, #tpu.memory_space<vmem>>) target_semaphore(%run_scoped3A_432 : memref<!tpu.dma_semaphore, #tpu.memory_space<semaphore_mem>>)
      %dma_wait3A = arith.constant 0 : i32
      %dma_wait3A_442 = tpu.memref_slice %arg15[%run_scoped3A_110, %dma_wait3A] : memref<6x784xf32, #tpu.memory_space<vmem>> -> memref<1x784xf32, #tpu.memory_space<vmem>>
      %dma_wait3A_443 = tpu.memref_squeeze %dma_wait3A_442 : memref<1x784xf32, #tpu.memory_space<vmem>> -> memref<784xf32, #tpu.memory_space<vmem>>
      %dma_wait3A_444 = tpu.memref_slice %arg3[%run_scoped3A_108, %run_scoped3A_109, %add3A_101] : memref<3x2x50176xf32, #tpu.memory_space<hbm>> -> memref<1x1x784xf32, #tpu.memory_space<hbm>>
      %dma_wait3A_445 = tpu.memref_squeeze %dma_wait3A_444 : memref<1x1x784xf32, #tpu.memory_space<hbm>> -> memref<784xf32, #tpu.memory_space<hbm>>
      %dma_wait3A_446 = arith.constant 0 : i32
      %dma_wait3A_447 = tpu.memref_slice %arg15[%run_scoped3A_110, %dma_wait3A_446] : memref<6x784xf32, #tpu.memory_space<vmem>> -> memref<1x784xf32, #tpu.memory_space<vmem>>
      %dma_wait3A_448 = tpu.memref_squeeze %dma_wait3A_447 : memref<1x784xf32, #tpu.memory_space<vmem>> -> memref<784xf32, #tpu.memory_space<vmem>>
      %dma_wait3A_449 = tpu.memref_slice %arg3[%run_scoped3A_108, %run_scoped3A_109, %add3A_101] : memref<3x2x50176xf32, #tpu.memory_space<hbm>> -> memref<1x1x784xf32, #tpu.memory_space<hbm>>
      %dma_wait3A_450 = tpu.memref_squeeze %dma_wait3A_449 : memref<1x1x784xf32, #tpu.memory_space<hbm>> -> memref<784xf32, #tpu.memory_space<hbm>>
      tpu.wait_dma2 semaphore(%run_scoped3A_432 : memref<!tpu.dma_semaphore, #tpu.memory_space<semaphore_mem>>) src(%dma_wait3A_450 : memref<784xf32, #tpu.memory_space<hbm>>) dst(%dma_wait3A_448 : memref<784xf32, #tpu.memory_space<vmem>>)
      tpu.yield
    }) : () -> ()
    %run_scoped3A_111 = arith.constant 0 : i32
    %run_scoped3A_112 = arith.constant 1 : i32
    %run_scoped3A_113 = arith.constant 1 : i32
    "tpu.region"() ({
      %run_scoped3A_432 = tpu.sem_alloc : memref<!tpu.dma_semaphore, #tpu.memory_space<semaphore_mem>>
      %dma_start3A = arith.constant 0 : i32
      %dma_start3A_433 = tpu.memref_slice %arg15[%run_scoped3A_113, %dma_start3A] : memref<6x784xf32, #tpu.memory_space<vmem>> -> memref<1x784xf32, #tpu.memory_space<vmem>>
      %dma_start3A_434 = tpu.memref_squeeze %dma_start3A_433 : memref<1x784xf32, #tpu.memory_space<vmem>> -> memref<784xf32, #tpu.memory_space<vmem>>
      %dma_start3A_435 = tpu.memref_slice %arg3[%run_scoped3A_111, %run_scoped3A_112, %add3A_101] : memref<3x2x50176xf32, #tpu.memory_space<hbm>> -> memref<1x1x784xf32, #tpu.memory_space<hbm>>
      %dma_start3A_436 = tpu.memref_squeeze %dma_start3A_435 : memref<1x1x784xf32, #tpu.memory_space<hbm>> -> memref<784xf32, #tpu.memory_space<hbm>>
      %dma_start3A_437 = arith.constant 0 : i32
      %dma_start3A_438 = tpu.memref_slice %arg15[%run_scoped3A_113, %dma_start3A_437] : memref<6x784xf32, #tpu.memory_space<vmem>> -> memref<1x784xf32, #tpu.memory_space<vmem>>
      %dma_start3A_439 = tpu.memref_squeeze %dma_start3A_438 : memref<1x784xf32, #tpu.memory_space<vmem>> -> memref<784xf32, #tpu.memory_space<vmem>>
      %dma_start3A_440 = tpu.memref_slice %arg3[%run_scoped3A_111, %run_scoped3A_112, %add3A_101] : memref<3x2x50176xf32, #tpu.memory_space<hbm>> -> memref<1x1x784xf32, #tpu.memory_space<hbm>>
      %dma_start3A_441 = tpu.memref_squeeze %dma_start3A_440 : memref<1x1x784xf32, #tpu.memory_space<hbm>> -> memref<784xf32, #tpu.memory_space<hbm>>
      tpu.enqueue_dma source(%dma_start3A_441 : memref<784xf32, #tpu.memory_space<hbm>>) target(%dma_start3A_439 : memref<784xf32, #tpu.memory_space<vmem>>) target_semaphore(%run_scoped3A_432 : memref<!tpu.dma_semaphore, #tpu.memory_space<semaphore_mem>>)
      %dma_wait3A = arith.constant 0 : i32
      %dma_wait3A_442 = tpu.memref_slice %arg15[%run_scoped3A_113, %dma_wait3A] : memref<6x784xf32, #tpu.memory_space<vmem>> -> memref<1x784xf32, #tpu.memory_space<vmem>>
      %dma_wait3A_443 = tpu.memref_squeeze %dma_wait3A_442 : memref<1x784xf32, #tpu.memory_space<vmem>> -> memref<784xf32, #tpu.memory_space<vmem>>
      %dma_wait3A_444 = tpu.memref_slice %arg3[%run_scoped3A_111, %run_scoped3A_112, %add3A_101] : memref<3x2x50176xf32, #tpu.memory_space<hbm>> -> memref<1x1x784xf32, #tpu.memory_space<hbm>>
      %dma_wait3A_445 = tpu.memref_squeeze %dma_wait3A_444 : memref<1x1x784xf32, #tpu.memory_space<hbm>> -> memref<784xf32, #tpu.memory_space<hbm>>
      %dma_wait3A_446 = arith.constant 0 : i32
      %dma_wait3A_447 = tpu.memref_slice %arg15[%run_scoped3A_113, %dma_wait3A_446] : memref<6x784xf32, #tpu.memory_space<vmem>> -> memref<1x784xf32, #tpu.memory_space<vmem>>
      %dma_wait3A_448 = tpu.memref_squeeze %dma_wait3A_447 : memref<1x784xf32, #tpu.memory_space<vmem>> -> memref<784xf32, #tpu.memory_space<vmem>>
      %dma_wait3A_449 = tpu.memref_slice %arg3[%run_scoped3A_111, %run_scoped3A_112, %add3A_101] : memref<3x2x50176xf32, #tpu.memory_space<hbm>> -> memref<1x1x784xf32, #tpu.memory_space<hbm>>
      %dma_wait3A_450 = tpu.memref_squeeze %dma_wait3A_449 : memref<1x1x784xf32, #tpu.memory_space<hbm>> -> memref<784xf32, #tpu.memory_space<hbm>>
      tpu.wait_dma2 semaphore(%run_scoped3A_432 : memref<!tpu.dma_semaphore, #tpu.memory_space<semaphore_mem>>) src(%dma_wait3A_450 : memref<784xf32, #tpu.memory_space<hbm>>) dst(%dma_wait3A_448 : memref<784xf32, #tpu.memory_space<vmem>>)
      tpu.yield
    }) : () -> ()
    %run_scoped3A_114 = arith.constant 1 : i32
    %run_scoped3A_115 = arith.constant 0 : i32
    %run_scoped3A_116 = arith.constant 2 : i32
    "tpu.region"() ({
      %run_scoped3A_432 = tpu.sem_alloc : memref<!tpu.dma_semaphore, #tpu.memory_space<semaphore_mem>>
      %dma_start3A = arith.constant 0 : i32
      %dma_start3A_433 = tpu.memref_slice %arg15[%run_scoped3A_116, %dma_start3A] : memref<6x784xf32, #tpu.memory_space<vmem>> -> memref<1x784xf32, #tpu.memory_space<vmem>>
      %dma_start3A_434 = tpu.memref_squeeze %dma_start3A_433 : memref<1x784xf32, #tpu.memory_space<vmem>> -> memref<784xf32, #tpu.memory_space<vmem>>
      %dma_start3A_435 = tpu.memref_slice %arg3[%run_scoped3A_114, %run_scoped3A_115, %add3A_101] : memref<3x2x50176xf32, #tpu.memory_space<hbm>> -> memref<1x1x784xf32, #tpu.memory_space<hbm>>
      %dma_start3A_436 = tpu.memref_squeeze %dma_start3A_435 : memref<1x1x784xf32, #tpu.memory_space<hbm>> -> memref<784xf32, #tpu.memory_space<hbm>>
      %dma_start3A_437 = arith.constant 0 : i32
      %dma_start3A_438 = tpu.memref_slice %arg15[%run_scoped3A_116, %dma_start3A_437] : memref<6x784xf32, #tpu.memory_space<vmem>> -> memref<1x784xf32, #tpu.memory_space<vmem>>
      %dma_start3A_439 = tpu.memref_squeeze %dma_start3A_438 : memref<1x784xf32, #tpu.memory_space<vmem>> -> memref<784xf32, #tpu.memory_space<vmem>>
      %dma_start3A_440 = tpu.memref_slice %arg3[%run_scoped3A_114, %run_scoped3A_115, %add3A_101] : memref<3x2x50176xf32, #tpu.memory_space<hbm>> -> memref<1x1x784xf32, #tpu.memory_space<hbm>>
      %dma_start3A_441 = tpu.memref_squeeze %dma_start3A_440 : memref<1x1x784xf32, #tpu.memory_space<hbm>> -> memref<784xf32, #tpu.memory_space<hbm>>
      tpu.enqueue_dma source(%dma_start3A_441 : memref<784xf32, #tpu.memory_space<hbm>>) target(%dma_start3A_439 : memref<784xf32, #tpu.memory_space<vmem>>) target_semaphore(%run_scoped3A_432 : memref<!tpu.dma_semaphore, #tpu.memory_space<semaphore_mem>>)
      %dma_wait3A = arith.constant 0 : i32
      %dma_wait3A_442 = tpu.memref_slice %arg15[%run_scoped3A_116, %dma_wait3A] : memref<6x784xf32, #tpu.memory_space<vmem>> -> memref<1x784xf32, #tpu.memory_space<vmem>>
      %dma_wait3A_443 = tpu.memref_squeeze %dma_wait3A_442 : memref<1x784xf32, #tpu.memory_space<vmem>> -> memref<784xf32, #tpu.memory_space<vmem>>
      %dma_wait3A_444 = tpu.memref_slice %arg3[%run_scoped3A_114, %run_scoped3A_115, %add3A_101] : memref<3x2x50176xf32, #tpu.memory_space<hbm>> -> memref<1x1x784xf32, #tpu.memory_space<hbm>>
      %dma_wait3A_445 = tpu.memref_squeeze %dma_wait3A_444 : memref<1x1x784xf32, #tpu.memory_space<hbm>> -> memref<784xf32, #tpu.memory_space<hbm>>
      %dma_wait3A_446 = arith.constant 0 : i32
      %dma_wait3A_447 = tpu.memref_slice %arg15[%run_scoped3A_116, %dma_wait3A_446] : memref<6x784xf32, #tpu.memory_space<vmem>> -> memref<1x784xf32, #tpu.memory_space<vmem>>
      %dma_wait3A_448 = tpu.memref_squeeze %dma_wait3A_447 : memref<1x784xf32, #tpu.memory_space<vmem>> -> memref<784xf32, #tpu.memory_space<vmem>>
      %dma_wait3A_449 = tpu.memref_slice %arg3[%run_scoped3A_114, %run_scoped3A_115, %add3A_101] : memref<3x2x50176xf32, #tpu.memory_space<hbm>> -> memref<1x1x784xf32, #tpu.memory_space<hbm>>
      %dma_wait3A_450 = tpu.memref_squeeze %dma_wait3A_449 : memref<1x1x784xf32, #tpu.memory_space<hbm>> -> memref<784xf32, #tpu.memory_space<hbm>>
      tpu.wait_dma2 semaphore(%run_scoped3A_432 : memref<!tpu.dma_semaphore, #tpu.memory_space<semaphore_mem>>) src(%dma_wait3A_450 : memref<784xf32, #tpu.memory_space<hbm>>) dst(%dma_wait3A_448 : memref<784xf32, #tpu.memory_space<vmem>>)
      tpu.yield
    }) : () -> ()
    %run_scoped3A_117 = arith.constant 1 : i32
    %run_scoped3A_118 = arith.constant 1 : i32
    %run_scoped3A_119 = arith.constant 3 : i32
    "tpu.region"() ({
      %run_scoped3A_432 = tpu.sem_alloc : memref<!tpu.dma_semaphore, #tpu.memory_space<semaphore_mem>>
      %dma_start3A = arith.constant 0 : i32
      %dma_start3A_433 = tpu.memref_slice %arg15[%run_scoped3A_119, %dma_start3A] : memref<6x784xf32, #tpu.memory_space<vmem>> -> memref<1x784xf32, #tpu.memory_space<vmem>>
      %dma_start3A_434 = tpu.memref_squeeze %dma_start3A_433 : memref<1x784xf32, #tpu.memory_space<vmem>> -> memref<784xf32, #tpu.memory_space<vmem>>
      %dma_start3A_435 = tpu.memref_slice %arg3[%run_scoped3A_117, %run_scoped3A_118, %add3A_101] : memref<3x2x50176xf32, #tpu.memory_space<hbm>> -> memref<1x1x784xf32, #tpu.memory_space<hbm>>
      %dma_start3A_436 = tpu.memref_squeeze %dma_start3A_435 : memref<1x1x784xf32, #tpu.memory_space<hbm>> -> memref<784xf32, #tpu.memory_space<hbm>>
      %dma_start3A_437 = arith.constant 0 : i32
      %dma_start3A_438 = tpu.memref_slice %arg15[%run_scoped3A_119, %dma_start3A_437] : memref<6x784xf32, #tpu.memory_space<vmem>> -> memref<1x784xf32, #tpu.memory_space<vmem>>
      %dma_start3A_439 = tpu.memref_squeeze %dma_start3A_438 : memref<1x784xf32, #tpu.memory_space<vmem>> -> memref<784xf32, #tpu.memory_space<vmem>>
      %dma_start3A_440 = tpu.memref_slice %arg3[%run_scoped3A_117, %run_scoped3A_118, %add3A_101] : memref<3x2x50176xf32, #tpu.memory_space<hbm>> -> memref<1x1x784xf32, #tpu.memory_space<hbm>>
      %dma_start3A_441 = tpu.memref_squeeze %dma_start3A_440 : memref<1x1x784xf32, #tpu.memory_space<hbm>> -> memref<784xf32, #tpu.memory_space<hbm>>
      tpu.enqueue_dma source(%dma_start3A_441 : memref<784xf32, #tpu.memory_space<hbm>>) target(%dma_start3A_439 : memref<784xf32, #tpu.memory_space<vmem>>) target_semaphore(%run_scoped3A_432 : memref<!tpu.dma_semaphore, #tpu.memory_space<semaphore_mem>>)
      %dma_wait3A = arith.constant 0 : i32
      %dma_wait3A_442 = tpu.memref_slice %arg15[%run_scoped3A_119, %dma_wait3A] : memref<6x784xf32, #tpu.memory_space<vmem>> -> memref<1x784xf32, #tpu.memory_space<vmem>>
      %dma_wait3A_443 = tpu.memref_squeeze %dma_wait3A_442 : memref<1x784xf32, #tpu.memory_space<vmem>> -> memref<784xf32, #tpu.memory_space<vmem>>
      %dma_wait3A_444 = tpu.memref_slice %arg3[%run_scoped3A_117, %run_scoped3A_118, %add3A_101] : memref<3x2x50176xf32, #tpu.memory_space<hbm>> -> memref<1x1x784xf32, #tpu.memory_space<hbm>>
      %dma_wait3A_445 = tpu.memref_squeeze %dma_wait3A_444 : memref<1x1x784xf32, #tpu.memory_space<hbm>> -> memref<784xf32, #tpu.memory_space<hbm>>
      %dma_wait3A_446 = arith.constant 0 : i32
      %dma_wait3A_447 = tpu.memref_slice %arg15[%run_scoped3A_119, %dma_wait3A_446] : memref<6x784xf32, #tpu.memory_space<vmem>> -> memref<1x784xf32, #tpu.memory_space<vmem>>
      %dma_wait3A_448 = tpu.memref_squeeze %dma_wait3A_447 : memref<1x784xf32, #tpu.memory_space<vmem>> -> memref<784xf32, #tpu.memory_space<vmem>>
      %dma_wait3A_449 = tpu.memref_slice %arg3[%run_scoped3A_117, %run_scoped3A_118, %add3A_101] : memref<3x2x50176xf32, #tpu.memory_space<hbm>> -> memref<1x1x784xf32, #tpu.memory_space<hbm>>
      %dma_wait3A_450 = tpu.memref_squeeze %dma_wait3A_449 : memref<1x1x784xf32, #tpu.memory_space<hbm>> -> memref<784xf32, #tpu.memory_space<hbm>>
      tpu.wait_dma2 semaphore(%run_scoped3A_432 : memref<!tpu.dma_semaphore, #tpu.memory_space<semaphore_mem>>) src(%dma_wait3A_450 : memref<784xf32, #tpu.memory_space<hbm>>) dst(%dma_wait3A_448 : memref<784xf32, #tpu.memory_space<vmem>>)
      tpu.yield
    }) : () -> ()
    %run_scoped3A_120 = arith.constant 2 : i32
    %run_scoped3A_121 = arith.constant 0 : i32
    %run_scoped3A_122 = arith.constant 4 : i32
    "tpu.region"() ({
      %run_scoped3A_432 = tpu.sem_alloc : memref<!tpu.dma_semaphore, #tpu.memory_space<semaphore_mem>>
      %dma_start3A = arith.constant 0 : i32
      %dma_start3A_433 = tpu.memref_slice %arg15[%run_scoped3A_122, %dma_start3A] : memref<6x784xf32, #tpu.memory_space<vmem>> -> memref<1x784xf32, #tpu.memory_space<vmem>>
      %dma_start3A_434 = tpu.memref_squeeze %dma_start3A_433 : memref<1x784xf32, #tpu.memory_space<vmem>> -> memref<784xf32, #tpu.memory_space<vmem>>
      %dma_start3A_435 = tpu.memref_slice %arg3[%run_scoped3A_120, %run_scoped3A_121, %add3A_101] : memref<3x2x50176xf32, #tpu.memory_space<hbm>> -> memref<1x1x784xf32, #tpu.memory_space<hbm>>
      %dma_start3A_436 = tpu.memref_squeeze %dma_start3A_435 : memref<1x1x784xf32, #tpu.memory_space<hbm>> -> memref<784xf32, #tpu.memory_space<hbm>>
      %dma_start3A_437 = arith.constant 0 : i32
      %dma_start3A_438 = tpu.memref_slice %arg15[%run_scoped3A_122, %dma_start3A_437] : memref<6x784xf32, #tpu.memory_space<vmem>> -> memref<1x784xf32, #tpu.memory_space<vmem>>
      %dma_start3A_439 = tpu.memref_squeeze %dma_start3A_438 : memref<1x784xf32, #tpu.memory_space<vmem>> -> memref<784xf32, #tpu.memory_space<vmem>>
      %dma_start3A_440 = tpu.memref_slice %arg3[%run_scoped3A_120, %run_scoped3A_121, %add3A_101] : memref<3x2x50176xf32, #tpu.memory_space<hbm>> -> memref<1x1x784xf32, #tpu.memory_space<hbm>>
      %dma_start3A_441 = tpu.memref_squeeze %dma_start3A_440 : memref<1x1x784xf32, #tpu.memory_space<hbm>> -> memref<784xf32, #tpu.memory_space<hbm>>
      tpu.enqueue_dma source(%dma_start3A_441 : memref<784xf32, #tpu.memory_space<hbm>>) target(%dma_start3A_439 : memref<784xf32, #tpu.memory_space<vmem>>) target_semaphore(%run_scoped3A_432 : memref<!tpu.dma_semaphore, #tpu.memory_space<semaphore_mem>>)
      %dma_wait3A = arith.constant 0 : i32
      %dma_wait3A_442 = tpu.memref_slice %arg15[%run_scoped3A_122, %dma_wait3A] : memref<6x784xf32, #tpu.memory_space<vmem>> -> memref<1x784xf32, #tpu.memory_space<vmem>>
      %dma_wait3A_443 = tpu.memref_squeeze %dma_wait3A_442 : memref<1x784xf32, #tpu.memory_space<vmem>> -> memref<784xf32, #tpu.memory_space<vmem>>
      %dma_wait3A_444 = tpu.memref_slice %arg3[%run_scoped3A_120, %run_scoped3A_121, %add3A_101] : memref<3x2x50176xf32, #tpu.memory_space<hbm>> -> memref<1x1x784xf32, #tpu.memory_space<hbm>>
      %dma_wait3A_445 = tpu.memref_squeeze %dma_wait3A_444 : memref<1x1x784xf32, #tpu.memory_space<hbm>> -> memref<784xf32, #tpu.memory_space<hbm>>
      %dma_wait3A_446 = arith.constant 0 : i32
      %dma_wait3A_447 = tpu.memref_slice %arg15[%run_scoped3A_122, %dma_wait3A_446] : memref<6x784xf32, #tpu.memory_space<vmem>> -> memref<1x784xf32, #tpu.memory_space<vmem>>
      %dma_wait3A_448 = tpu.memref_squeeze %dma_wait3A_447 : memref<1x784xf32, #tpu.memory_space<vmem>> -> memref<784xf32, #tpu.memory_space<vmem>>
      %dma_wait3A_449 = tpu.memref_slice %arg3[%run_scoped3A_120, %run_scoped3A_121, %add3A_101] : memref<3x2x50176xf32, #tpu.memory_space<hbm>> -> memref<1x1x784xf32, #tpu.memory_space<hbm>>
      %dma_wait3A_450 = tpu.memref_squeeze %dma_wait3A_449 : memref<1x1x784xf32, #tpu.memory_space<hbm>> -> memref<784xf32, #tpu.memory_space<hbm>>
      tpu.wait_dma2 semaphore(%run_scoped3A_432 : memref<!tpu.dma_semaphore, #tpu.memory_space<semaphore_mem>>) src(%dma_wait3A_450 : memref<784xf32, #tpu.memory_space<hbm>>) dst(%dma_wait3A_448 : memref<784xf32, #tpu.memory_space<vmem>>)
      tpu.yield
    }) : () -> ()
    %run_scoped3A_123 = arith.constant 2 : i32
    %run_scoped3A_124 = arith.constant 1 : i32
    %run_scoped3A_125 = arith.constant 5 : i32
    "tpu.region"() ({
      %run_scoped3A_432 = tpu.sem_alloc : memref<!tpu.dma_semaphore, #tpu.memory_space<semaphore_mem>>
      %dma_start3A = arith.constant 0 : i32
      %dma_start3A_433 = tpu.memref_slice %arg15[%run_scoped3A_125, %dma_start3A] : memref<6x784xf32, #tpu.memory_space<vmem>> -> memref<1x784xf32, #tpu.memory_space<vmem>>
      %dma_start3A_434 = tpu.memref_squeeze %dma_start3A_433 : memref<1x784xf32, #tpu.memory_space<vmem>> -> memref<784xf32, #tpu.memory_space<vmem>>
      %dma_start3A_435 = tpu.memref_slice %arg3[%run_scoped3A_123, %run_scoped3A_124, %add3A_101] : memref<3x2x50176xf32, #tpu.memory_space<hbm>> -> memref<1x1x784xf32, #tpu.memory_space<hbm>>
      %dma_start3A_436 = tpu.memref_squeeze %dma_start3A_435 : memref<1x1x784xf32, #tpu.memory_space<hbm>> -> memref<784xf32, #tpu.memory_space<hbm>>
      %dma_start3A_437 = arith.constant 0 : i32
      %dma_start3A_438 = tpu.memref_slice %arg15[%run_scoped3A_125, %dma_start3A_437] : memref<6x784xf32, #tpu.memory_space<vmem>> -> memref<1x784xf32, #tpu.memory_space<vmem>>
      %dma_start3A_439 = tpu.memref_squeeze %dma_start3A_438 : memref<1x784xf32, #tpu.memory_space<vmem>> -> memref<784xf32, #tpu.memory_space<vmem>>
      %dma_start3A_440 = tpu.memref_slice %arg3[%run_scoped3A_123, %run_scoped3A_124, %add3A_101] : memref<3x2x50176xf32, #tpu.memory_space<hbm>> -> memref<1x1x784xf32, #tpu.memory_space<hbm>>
      %dma_start3A_441 = tpu.memref_squeeze %dma_start3A_440 : memref<1x1x784xf32, #tpu.memory_space<hbm>> -> memref<784xf32, #tpu.memory_space<hbm>>
      tpu.enqueue_dma source(%dma_start3A_441 : memref<784xf32, #tpu.memory_space<hbm>>) target(%dma_start3A_439 : memref<784xf32, #tpu.memory_space<vmem>>) target_semaphore(%run_scoped3A_432 : memref<!tpu.dma_semaphore, #tpu.memory_space<semaphore_mem>>)
      %dma_wait3A = arith.constant 0 : i32
      %dma_wait3A_442 = tpu.memref_slice %arg15[%run_scoped3A_125, %dma_wait3A] : memref<6x784xf32, #tpu.memory_space<vmem>> -> memref<1x784xf32, #tpu.memory_space<vmem>>
      %dma_wait3A_443 = tpu.memref_squeeze %dma_wait3A_442 : memref<1x784xf32, #tpu.memory_space<vmem>> -> memref<784xf32, #tpu.memory_space<vmem>>
      %dma_wait3A_444 = tpu.memref_slice %arg3[%run_scoped3A_123, %run_scoped3A_124, %add3A_101] : memref<3x2x50176xf32, #tpu.memory_space<hbm>> -> memref<1x1x784xf32, #tpu.memory_space<hbm>>
      %dma_wait3A_445 = tpu.memref_squeeze %dma_wait3A_444 : memref<1x1x784xf32, #tpu.memory_space<hbm>> -> memref<784xf32, #tpu.memory_space<hbm>>
      %dma_wait3A_446 = arith.constant 0 : i32
      %dma_wait3A_447 = tpu.memref_slice %arg15[%run_scoped3A_125, %dma_wait3A_446] : memref<6x784xf32, #tpu.memory_space<vmem>> -> memref<1x784xf32, #tpu.memory_space<vmem>>
      %dma_wait3A_448 = tpu.memref_squeeze %dma_wait3A_447 : memref<1x784xf32, #tpu.memory_space<vmem>> -> memref<784xf32, #tpu.memory_space<vmem>>
      %dma_wait3A_449 = tpu.memref_slice %arg3[%run_scoped3A_123, %run_scoped3A_124, %add3A_101] : memref<3x2x50176xf32, #tpu.memory_space<hbm>> -> memref<1x1x784xf32, #tpu.memory_space<hbm>>
      %dma_wait3A_450 = tpu.memref_squeeze %dma_wait3A_449 : memref<1x1x784xf32, #tpu.memory_space<hbm>> -> memref<784xf32, #tpu.memory_space<hbm>>
      tpu.wait_dma2 semaphore(%run_scoped3A_432 : memref<!tpu.dma_semaphore, #tpu.memory_space<semaphore_mem>>) src(%dma_wait3A_450 : memref<784xf32, #tpu.memory_space<hbm>>) dst(%dma_wait3A_448 : memref<784xf32, #tpu.memory_space<vmem>>)
      tpu.yield
    }) : () -> ()
    %broadcast_in_dim3A_126 = arith.constant 0 : i32
    %broadcast_in_dim3A_127 = vector.broadcast %broadcast_in_dim3A_126 : i32 to vector<16xi32>
    %scan3A_128 = arith.constant 0 : i32
    %scan3A_129 = arith.constant 0 : i32
    %scan3A_130 = arith.constant 49 : i32
    %scan3A_131 = arith.addi %scan3A_129, %scan3A_130 : i32
    %scan3A_132 = arith.constant 1 : i32
    %scan3A_133 = scf.for %scan3A_432 = %scan3A_129 to %scan3A_131 step %scan3A_132 iter_args(%scan3A_433 = %scan3A_128) -> (i32)  : i32 {
      %mul3A_434 = arith.constant 16 : i32
      %mul3A_435 = arith.muli %scan3A_432, %mul3A_434 : i32
      %add3A_436 = vector.broadcast %mul3A_435 : i32 to vector<16xi32>
      %add3A_437 = arith.addi %add3A_436, %iota3A : vector<16xi32>
      %mul3A_438 = arith.constant 3 : i32
      %mul3A_439 = vector.broadcast %mul3A_438 : i32 to vector<16xi32>
      %mul3A_440 = arith.muli %mul3A_439, %add3A_437 : vector<16xi32>
      %add3A_441 = arith.constant 0 : i32
      %add3A_442 = vector.broadcast %add3A_441 : i32 to vector<16xi32>
      %add3A_443 = arith.addi %mul3A_440, %add3A_442 : vector<16xi32>
      %gather3A = tpu.vector_load_idx %arg13[%add3A_443] : memref<2352xf32, #tpu.memory_space<vmem>>[vector<16xi32>], vector<16xf32>,
      %mul3A_444 = arith.constant 16 : i32
      %mul3A_445 = arith.muli %scan3A_432, %mul3A_444 : i32
      %get3A = arith.constant 0 : i32
      %get3A_446 = arith.index_cast %get3A : i32 to index
      %get3A_447 = arith.index_cast %mul3A_445 : i32 to index
      %get3A_448 = tpu.vector_load %arg15[%get3A_446, %get3A_447] {strides = array<i32>} : memref<6x784xf32, #tpu.memory_space<vmem>>, vector<16xf32>,
      %sub3A = arith.subf %gather3A, %get3A_448 : vector<16xf32>
      tpu.vector_store_idx %arg12[%add3A_437, %broadcast_in_dim3A_127], %sub3A : memref<784x8xf32, #tpu.memory_space<vmem>>[vector<16xi32>, vector<16xi32>], vector<16xf32>,
      %scan3A_449 = arith.constant 0 : i32
      scf.yield %scan3A_449 : i32
    }
    %scan3A_134 = arith.constant 49 : i32
    %broadcast_in_dim3A_135 = arith.constant 3 : i32
    %broadcast_in_dim3A_136 = vector.broadcast %broadcast_in_dim3A_135 : i32 to vector<16xi32>
    %scan3A_137 = arith.constant 0 : i32
    %scan3A_138 = arith.constant 0 : i32
    %scan3A_139 = arith.constant 49 : i32
    %scan3A_140 = arith.addi %scan3A_138, %scan3A_139 : i32
    %scan3A_141 = arith.constant 1 : i32
    %scan3A_142 = scf.for %scan3A_432 = %scan3A_138 to %scan3A_140 step %scan3A_141 iter_args(%scan3A_433 = %scan3A_137) -> (i32)  : i32 {
      %mul3A_434 = arith.constant 16 : i32
      %mul3A_435 = arith.muli %scan3A_432, %mul3A_434 : i32
      %add3A_436 = vector.broadcast %mul3A_435 : i32 to vector<16xi32>
      %add3A_437 = arith.addi %add3A_436, %iota3A : vector<16xi32>
      %mul3A_438 = arith.constant 3 : i32
      %mul3A_439 = vector.broadcast %mul3A_438 : i32 to vector<16xi32>
      %mul3A_440 = arith.muli %mul3A_439, %add3A_437 : vector<16xi32>
      %add3A_441 = arith.constant 0 : i32
      %add3A_442 = vector.broadcast %add3A_441 : i32 to vector<16xi32>
      %add3A_443 = arith.addi %mul3A_440, %add3A_442 : vector<16xi32>
      %gather3A = tpu.vector_load_idx %arg14[%add3A_443] : memref<2352xf32, #tpu.memory_space<vmem>>[vector<16xi32>], vector<16xf32>,
      %mul3A_444 = arith.constant 16 : i32
      %mul3A_445 = arith.muli %scan3A_432, %mul3A_444 : i32
      %get3A = arith.constant 1 : i32
      %get3A_446 = arith.index_cast %get3A : i32 to index
      %get3A_447 = arith.index_cast %mul3A_445 : i32 to index
      %get3A_448 = tpu.vector_load %arg15[%get3A_446, %get3A_447] {strides = array<i32>} : memref<6x784xf32, #tpu.memory_space<vmem>>, vector<16xf32>,
      %sub3A = arith.subf %gather3A, %get3A_448 : vector<16xf32>
      tpu.vector_store_idx %arg12[%add3A_437, %broadcast_in_dim3A_136], %sub3A : memref<784x8xf32, #tpu.memory_space<vmem>>[vector<16xi32>, vector<16xi32>], vector<16xf32>,
      %scan3A_449 = arith.constant 0 : i32
      scf.yield %scan3A_449 : i32
    }
    %scan3A_143 = arith.constant 49 : i32
    %broadcast_in_dim3A_144 = arith.constant 1 : i32
    %broadcast_in_dim3A_145 = vector.broadcast %broadcast_in_dim3A_144 : i32 to vector<16xi32>
    %scan3A_146 = arith.constant 0 : i32
    %scan3A_147 = arith.constant 0 : i32
    %scan3A_148 = arith.constant 49 : i32
    %scan3A_149 = arith.addi %scan3A_147, %scan3A_148 : i32
    %scan3A_150 = arith.constant 1 : i32
    %scan3A_151 = scf.for %scan3A_432 = %scan3A_147 to %scan3A_149 step %scan3A_150 iter_args(%scan3A_433 = %scan3A_146) -> (i32)  : i32 {
      %mul3A_434 = arith.constant 16 : i32
      %mul3A_435 = arith.muli %scan3A_432, %mul3A_434 : i32
      %add3A_436 = vector.broadcast %mul3A_435 : i32 to vector<16xi32>
      %add3A_437 = arith.addi %add3A_436, %iota3A : vector<16xi32>
      %mul3A_438 = arith.constant 3 : i32
      %mul3A_439 = vector.broadcast %mul3A_438 : i32 to vector<16xi32>
      %mul3A_440 = arith.muli %mul3A_439, %add3A_437 : vector<16xi32>
      %add3A_441 = arith.constant 1 : i32
      %add3A_442 = vector.broadcast %add3A_441 : i32 to vector<16xi32>
      %add3A_443 = arith.addi %mul3A_440, %add3A_442 : vector<16xi32>
      %gather3A = tpu.vector_load_idx %arg13[%add3A_443] : memref<2352xf32, #tpu.memory_space<vmem>>[vector<16xi32>], vector<16xf32>,
      %mul3A_444 = arith.constant 16 : i32
      %mul3A_445 = arith.muli %scan3A_432, %mul3A_444 : i32
      %get3A = arith.constant 2 : i32
      %get3A_446 = arith.index_cast %get3A : i32 to index
      %get3A_447 = arith.index_cast %mul3A_445 : i32 to index
      %get3A_448 = tpu.vector_load %arg15[%get3A_446, %get3A_447] {strides = array<i32>} : memref<6x784xf32, #tpu.memory_space<vmem>>, vector<16xf32>,
      %sub3A = arith.subf %gather3A, %get3A_448 : vector<16xf32>
      tpu.vector_store_idx %arg12[%add3A_437, %broadcast_in_dim3A_145], %sub3A : memref<784x8xf32, #tpu.memory_space<vmem>>[vector<16xi32>, vector<16xi32>], vector<16xf32>,
      %scan3A_449 = arith.constant 0 : i32
      scf.yield %scan3A_449 : i32
    }
    %scan3A_152 = arith.constant 49 : i32
    %broadcast_in_dim3A_153 = arith.constant 4 : i32
    %broadcast_in_dim3A_154 = vector.broadcast %broadcast_in_dim3A_153 : i32 to vector<16xi32>
    %scan3A_155 = arith.constant 0 : i32
    %scan3A_156 = arith.constant 0 : i32
    %scan3A_157 = arith.constant 49 : i32
    %scan3A_158 = arith.addi %scan3A_156, %scan3A_157 : i32
    %scan3A_159 = arith.constant 1 : i32
    %scan3A_160 = scf.for %scan3A_432 = %scan3A_156 to %scan3A_158 step %scan3A_159 iter_args(%scan3A_433 = %scan3A_155) -> (i32)  : i32 {
      %mul3A_434 = arith.constant 16 : i32
      %mul3A_435 = arith.muli %scan3A_432, %mul3A_434 : i32
      %add3A_436 = vector.broadcast %mul3A_435 : i32 to vector<16xi32>
      %add3A_437 = arith.addi %add3A_436, %iota3A : vector<16xi32>
      %mul3A_438 = arith.constant 3 : i32
      %mul3A_439 = vector.broadcast %mul3A_438 : i32 to vector<16xi32>
      %mul3A_440 = arith.muli %mul3A_439, %add3A_437 : vector<16xi32>
      %add3A_441 = arith.constant 1 : i32
      %add3A_442 = vector.broadcast %add3A_441 : i32 to vector<16xi32>
      %add3A_443 = arith.addi %mul3A_440, %add3A_442 : vector<16xi32>
      %gather3A = tpu.vector_load_idx %arg14[%add3A_443] : memref<2352xf32, #tpu.memory_space<vmem>>[vector<16xi32>], vector<16xf32>,
      %mul3A_444 = arith.constant 16 : i32
      %mul3A_445 = arith.muli %scan3A_432, %mul3A_444 : i32
      %get3A = arith.constant 3 : i32
      %get3A_446 = arith.index_cast %get3A : i32 to index
      %get3A_447 = arith.index_cast %mul3A_445 : i32 to index
      %get3A_448 = tpu.vector_load %arg15[%get3A_446, %get3A_447] {strides = array<i32>} : memref<6x784xf32, #tpu.memory_space<vmem>>, vector<16xf32>,
      %sub3A = arith.subf %gather3A, %get3A_448 : vector<16xf32>
      tpu.vector_store_idx %arg12[%add3A_437, %broadcast_in_dim3A_154], %sub3A : memref<784x8xf32, #tpu.memory_space<vmem>>[vector<16xi32>, vector<16xi32>], vector<16xf32>,
      %scan3A_449 = arith.constant 0 : i32
      scf.yield %scan3A_449 : i32
    }
    %scan3A_161 = arith.constant 49 : i32
    %broadcast_in_dim3A_162 = arith.constant 2 : i32
    %broadcast_in_dim3A_163 = vector.broadcast %broadcast_in_dim3A_162 : i32 to vector<16xi32>
    %scan3A_164 = arith.constant 0 : i32
    %scan3A_165 = arith.constant 0 : i32
    %scan3A_166 = arith.constant 49 : i32
    %scan3A_167 = arith.addi %scan3A_165, %scan3A_166 : i32
    %scan3A_168 = arith.constant 1 : i32
    %scan3A_169 = scf.for %scan3A_432 = %scan3A_165 to %scan3A_167 step %scan3A_168 iter_args(%scan3A_433 = %scan3A_164) -> (i32)  : i32 {
      %mul3A_434 = arith.constant 16 : i32
      %mul3A_435 = arith.muli %scan3A_432, %mul3A_434 : i32
      %add3A_436 = vector.broadcast %mul3A_435 : i32 to vector<16xi32>
      %add3A_437 = arith.addi %add3A_436, %iota3A : vector<16xi32>
      %mul3A_438 = arith.constant 3 : i32
      %mul3A_439 = vector.broadcast %mul3A_438 : i32 to vector<16xi32>
      %mul3A_440 = arith.muli %mul3A_439, %add3A_437 : vector<16xi32>
      %add3A_441 = arith.constant 2 : i32
      %add3A_442 = vector.broadcast %add3A_441 : i32 to vector<16xi32>
      %add3A_443 = arith.addi %mul3A_440, %add3A_442 : vector<16xi32>
      %gather3A = tpu.vector_load_idx %arg13[%add3A_443] : memref<2352xf32, #tpu.memory_space<vmem>>[vector<16xi32>], vector<16xf32>,
      %mul3A_444 = arith.constant 16 : i32
      %mul3A_445 = arith.muli %scan3A_432, %mul3A_444 : i32
      %get3A = arith.constant 4 : i32
      %get3A_446 = arith.index_cast %get3A : i32 to index
      %get3A_447 = arith.index_cast %mul3A_445 : i32 to index
      %get3A_448 = tpu.vector_load %arg15[%get3A_446, %get3A_447] {strides = array<i32>} : memref<6x784xf32, #tpu.memory_space<vmem>>, vector<16xf32>,
      %sub3A = arith.subf %gather3A, %get3A_448 : vector<16xf32>
      tpu.vector_store_idx %arg12[%add3A_437, %broadcast_in_dim3A_163], %sub3A : memref<784x8xf32, #tpu.memory_space<vmem>>[vector<16xi32>, vector<16xi32>], vector<16xf32>,
      %scan3A_449 = arith.constant 0 : i32
      scf.yield %scan3A_449 : i32
    }
    %scan3A_170 = arith.constant 49 : i32
    %broadcast_in_dim3A_171 = arith.constant 5 : i32
    %broadcast_in_dim3A_172 = vector.broadcast %broadcast_in_dim3A_171 : i32 to vector<16xi32>
    %scan3A_173 = arith.constant 0 : i32
    %scan3A_174 = arith.constant 0 : i32
    %scan3A_175 = arith.constant 49 : i32
    %scan3A_176 = arith.addi %scan3A_174, %scan3A_175 : i32
    %scan3A_177 = arith.constant 1 : i32
    %scan3A_178 = scf.for %scan3A_432 = %scan3A_174 to %scan3A_176 step %scan3A_177 iter_args(%scan3A_433 = %scan3A_173) -> (i32)  : i32 {
      %mul3A_434 = arith.constant 16 : i32
      %mul3A_435 = arith.muli %scan3A_432, %mul3A_434 : i32
      %add3A_436 = vector.broadcast %mul3A_435 : i32 to vector<16xi32>
      %add3A_437 = arith.addi %add3A_436, %iota3A : vector<16xi32>
      %mul3A_438 = arith.constant 3 : i32
      %mul3A_439 = vector.broadcast %mul3A_438 : i32 to vector<16xi32>
      %mul3A_440 = arith.muli %mul3A_439, %add3A_437 : vector<16xi32>
      %add3A_441 = arith.constant 2 : i32
      %add3A_442 = vector.broadcast %add3A_441 : i32 to vector<16xi32>
      %add3A_443 = arith.addi %mul3A_440, %add3A_442 : vector<16xi32>
      %gather3A = tpu.vector_load_idx %arg14[%add3A_443] : memref<2352xf32, #tpu.memory_space<vmem>>[vector<16xi32>], vector<16xf32>,
      %mul3A_444 = arith.constant 16 : i32
      %mul3A_445 = arith.muli %scan3A_432, %mul3A_444 : i32
      %get3A = arith.constant 5 : i32
      %get3A_446 = arith.index_cast %get3A : i32 to index
      %get3A_447 = arith.index_cast %mul3A_445 : i32 to index
      %get3A_448 = tpu.vector_load %arg15[%get3A_446, %get3A_447] {strides = array<i32>} : memref<6x784xf32, #tpu.memory_space<vmem>>, vector<16xf32>,
      %sub3A = arith.subf %gather3A, %get3A_448 : vector<16xf32>
      tpu.vector_store_idx %arg12[%add3A_437, %broadcast_in_dim3A_172], %sub3A : memref<784x8xf32, #tpu.memory_space<vmem>>[vector<16xi32>, vector<16xi32>], vector<16xf32>,
      %scan3A_449 = arith.constant 0 : i32
      scf.yield %scan3A_449 : i32
    }
    %scan3A_179 = arith.constant 49 : i32
    %broadcast_in_dim3A_180 = arith.constant 6 : i32
    %broadcast_in_dim3A_181 = vector.broadcast %broadcast_in_dim3A_180 : i32 to vector<16xi32>
    %scan3A_182 = arith.constant 0 : i32
    %scan3A_183 = arith.constant 0 : i32
    %scan3A_184 = arith.constant 49 : i32
    %scan3A_185 = arith.addi %scan3A_183, %scan3A_184 : i32
    %scan3A_186 = arith.constant 1 : i32
    %scan3A_187 = scf.for %scan3A_432 = %scan3A_183 to %scan3A_185 step %scan3A_186 iter_args(%scan3A_433 = %scan3A_182) -> (i32)  : i32 {
      %mul3A_434 = arith.constant 16 : i32
      %mul3A_435 = arith.muli %scan3A_432, %mul3A_434 : i32
      %add3A_436 = vector.broadcast %mul3A_435 : i32 to vector<16xi32>
      %add3A_437 = arith.addi %add3A_436, %iota3A : vector<16xi32>
      tpu.vector_store_idx %arg12[%add3A_437, %broadcast_in_dim3A_181], %broadcast_in_dim3A_3 : memref<784x8xf32, #tpu.memory_space<vmem>>[vector<16xi32>, vector<16xi32>], vector<16xf32>,
      %scan3A_438 = arith.constant 0 : i32
      scf.yield %scan3A_438 : i32
    }
    %scan3A_188 = arith.constant 49 : i32
    %broadcast_in_dim3A_189 = arith.constant 7 : i32
    %broadcast_in_dim3A_190 = vector.broadcast %broadcast_in_dim3A_189 : i32 to vector<16xi32>
    %scan3A_191 = arith.constant 0 : i32
    %scan3A_192 = arith.constant 0 : i32
    %scan3A_193 = arith.constant 49 : i32
    %scan3A_194 = arith.addi %scan3A_192, %scan3A_193 : i32
    %scan3A_195 = arith.constant 1 : i32
    %scan3A_196 = scf.for %scan3A_432 = %scan3A_192 to %scan3A_194 step %scan3A_195 iter_args(%scan3A_433 = %scan3A_191) -> (i32)  : i32 {
      %mul3A_434 = arith.constant 16 : i32
      %mul3A_435 = arith.muli %scan3A_432, %mul3A_434 : i32
      %add3A_436 = vector.broadcast %mul3A_435 : i32 to vector<16xi32>
      %add3A_437 = arith.addi %add3A_436, %iota3A : vector<16xi32>
      tpu.vector_store_idx %arg12[%add3A_437, %broadcast_in_dim3A_190], %broadcast_in_dim3A_3 : memref<784x8xf32, #tpu.memory_space<vmem>>[vector<16xi32>, vector<16xi32>], vector<16xf32>,
      %scan3A_438 = arith.constant 0 : i32
      scf.yield %scan3A_438 : i32
    }
    %scan3A_197 = arith.constant 49 : i32
    "tpu.region"() ({
      %run_scoped3A_432 = tpu.sem_alloc : memref<!tpu.dma_semaphore, #tpu.memory_space<semaphore_mem>>
      %dma_start3A = arith.constant 0 : i32
      %dma_start3A_433 = tpu.memref_slice %arg10[%add3A_101, %dma_start3A] : memref<50176x8xf32, #tpu.memory_space<vmem_shared>> -> memref<784x8xf32, #tpu.memory_space<vmem_shared>>
      %dma_start3A_434 = arith.constant 0 : i32
      %dma_start3A_435 = tpu.memref_slice %arg10[%add3A_101, %dma_start3A_434] : memref<50176x8xf32, #tpu.memory_space<vmem_shared>> -> memref<784x8xf32, #tpu.memory_space<vmem_shared>>
      tpu.enqueue_dma source(%arg12 : memref<784x8xf32, #tpu.memory_space<vmem>>) target(%dma_start3A_435 : memref<784x8xf32, #tpu.memory_space<vmem_shared>>) target_semaphore(%run_scoped3A_432 : memref<!tpu.dma_semaphore, #tpu.memory_space<semaphore_mem>>)
      %dma_wait3A = arith.constant 0 : i32
      %dma_wait3A_436 = tpu.memref_slice %arg10[%add3A_101, %dma_wait3A] : memref<50176x8xf32, #tpu.memory_space<vmem_shared>> -> memref<784x8xf32, #tpu.memory_space<vmem_shared>>
      %dma_wait3A_437 = arith.constant 0 : i32
      %dma_wait3A_438 = tpu.memref_slice %arg10[%add3A_101, %dma_wait3A_437] : memref<50176x8xf32, #tpu.memory_space<vmem_shared>> -> memref<784x8xf32, #tpu.memory_space<vmem_shared>>
      tpu.wait_dma2 semaphore(%run_scoped3A_432 : memref<!tpu.dma_semaphore, #tpu.memory_space<semaphore_mem>>) src(%arg12 : memref<784x8xf32, #tpu.memory_space<vmem>>) dst(%dma_wait3A_438 : memref<784x8xf32, #tpu.memory_space<vmem_shared>>)
      tpu.yield
    }) : () -> ()
    "tpu.region"() ({
      %run_scoped3A_432 = tpu.sem_alloc : memref<!tpu.dma_semaphore, #tpu.memory_space<semaphore_mem>>
      %dma_start3A = arith.constant 0 : i32
      %dma_start3A_433 = tpu.memref_slice %arg4[%add3A_101, %dma_start3A] : memref<50176x8xf32, #tpu.memory_space<hbm>> -> memref<784x8xf32, #tpu.memory_space<hbm>>
      %dma_start3A_434 = arith.constant 0 : i32
      %dma_start3A_435 = tpu.memref_slice %arg4[%add3A_101, %dma_start3A_434] : memref<50176x8xf32, #tpu.memory_space<hbm>> -> memref<784x8xf32, #tpu.memory_space<hbm>>
      tpu.enqueue_dma source(%dma_start3A_435 : memref<784x8xf32, #tpu.memory_space<hbm>>) target(%arg12 : memref<784x8xf32, #tpu.memory_space<vmem>>) target_semaphore(%run_scoped3A_432 : memref<!tpu.dma_semaphore, #tpu.memory_space<semaphore_mem>>)
      %dma_wait3A = arith.constant 0 : i32
      %dma_wait3A_436 = tpu.memref_slice %arg4[%add3A_101, %dma_wait3A] : memref<50176x8xf32, #tpu.memory_space<hbm>> -> memref<784x8xf32, #tpu.memory_space<hbm>>
      %dma_wait3A_437 = arith.constant 0 : i32
      %dma_wait3A_438 = tpu.memref_slice %arg4[%add3A_101, %dma_wait3A_437] : memref<50176x8xf32, #tpu.memory_space<hbm>> -> memref<784x8xf32, #tpu.memory_space<hbm>>
      tpu.wait_dma2 semaphore(%run_scoped3A_432 : memref<!tpu.dma_semaphore, #tpu.memory_space<semaphore_mem>>) src(%dma_wait3A_438 : memref<784x8xf32, #tpu.memory_space<hbm>>) dst(%arg12 : memref<784x8xf32, #tpu.memory_space<vmem>>)
      tpu.yield
    }) : () -> ()
    "tpu.region"() ({
      %run_scoped3A_432 = tpu.sem_alloc : memref<!tpu.dma_semaphore, #tpu.memory_space<semaphore_mem>>
      %dma_start3A = arith.constant 0 : i32
      %dma_start3A_433 = tpu.memref_slice %arg11[%add3A_101, %dma_start3A] : memref<50176x8xf32, #tpu.memory_space<vmem_shared>> -> memref<784x8xf32, #tpu.memory_space<vmem_shared>>
      %dma_start3A_434 = arith.constant 0 : i32
      %dma_start3A_435 = tpu.memref_slice %arg11[%add3A_101, %dma_start3A_434] : memref<50176x8xf32, #tpu.memory_space<vmem_shared>> -> memref<784x8xf32, #tpu.memory_space<vmem_shared>>
      tpu.enqueue_dma source(%arg12 : memref<784x8xf32, #tpu.memory_space<vmem>>) target(%dma_start3A_435 : memref<784x8xf32, #tpu.memory_space<vmem_shared>>) target_semaphore(%run_scoped3A_432 : memref<!tpu.dma_semaphore, #tpu.memory_space<semaphore_mem>>)
      %dma_wait3A = arith.constant 0 : i32
      %dma_wait3A_436 = tpu.memref_slice %arg11[%add3A_101, %dma_wait3A] : memref<50176x8xf32, #tpu.memory_space<vmem_shared>> -> memref<784x8xf32, #tpu.memory_space<vmem_shared>>
      %dma_wait3A_437 = arith.constant 0 : i32
      %dma_wait3A_438 = tpu.memref_slice %arg11[%add3A_101, %dma_wait3A_437] : memref<50176x8xf32, #tpu.memory_space<vmem_shared>> -> memref<784x8xf32, #tpu.memory_space<vmem_shared>>
      tpu.wait_dma2 semaphore(%run_scoped3A_432 : memref<!tpu.dma_semaphore, #tpu.memory_space<semaphore_mem>>) src(%arg12 : memref<784x8xf32, #tpu.memory_space<vmem>>) dst(%dma_wait3A_438 : memref<784x8xf32, #tpu.memory_space<vmem_shared>>)
      tpu.yield
    }) : () -> ()
    %add3A_198 = arith.constant 1568 : i32
    %add3A_199 = arith.addi %mul3A_2, %add3A_198 : i32
    %mul3A_200 = arith.constant 3 : i32
    %mul3A_201 = arith.muli %mul3A_200, %add3A_199 : i32
    %run_scoped3A_202 = arith.constant 0 : i32
    "tpu.region"() ({
      %run_scoped3A_432 = tpu.sem_alloc : memref<!tpu.dma_semaphore, #tpu.memory_space<semaphore_mem>>
      %dma_start3A = tpu.memref_slice %arg2[%run_scoped3A_202, %mul3A_201] : memref<2x150528xf32, #tpu.memory_space<hbm>> -> memref<1x2352xf32, #tpu.memory_space<hbm>>
      %dma_start3A_433 = tpu.memref_squeeze %dma_start3A : memref<1x2352xf32, #tpu.memory_space<hbm>> -> memref<2352xf32, #tpu.memory_space<hbm>>
      %dma_start3A_434 = tpu.memref_slice %arg2[%run_scoped3A_202, %mul3A_201] : memref<2x150528xf32, #tpu.memory_space<hbm>> -> memref<1x2352xf32, #tpu.memory_space<hbm>>
      %dma_start3A_435 = tpu.memref_squeeze %dma_start3A_434 : memref<1x2352xf32, #tpu.memory_space<hbm>> -> memref<2352xf32, #tpu.memory_space<hbm>>
      tpu.enqueue_dma source(%dma_start3A_435 : memref<2352xf32, #tpu.memory_space<hbm>>) target(%arg13 : memref<2352xf32, #tpu.memory_space<vmem>>) target_semaphore(%run_scoped3A_432 : memref<!tpu.dma_semaphore, #tpu.memory_space<semaphore_mem>>)
      %dma_wait3A = tpu.memref_slice %arg2[%run_scoped3A_202, %mul3A_201] : memref<2x150528xf32, #tpu.memory_space<hbm>> -> memref<1x2352xf32, #tpu.memory_space<hbm>>
      %dma_wait3A_436 = tpu.memref_squeeze %dma_wait3A : memref<1x2352xf32, #tpu.memory_space<hbm>> -> memref<2352xf32, #tpu.memory_space<hbm>>
      %dma_wait3A_437 = tpu.memref_slice %arg2[%run_scoped3A_202, %mul3A_201] : memref<2x150528xf32, #tpu.memory_space<hbm>> -> memref<1x2352xf32, #tpu.memory_space<hbm>>
      %dma_wait3A_438 = tpu.memref_squeeze %dma_wait3A_437 : memref<1x2352xf32, #tpu.memory_space<hbm>> -> memref<2352xf32, #tpu.memory_space<hbm>>
      tpu.wait_dma2 semaphore(%run_scoped3A_432 : memref<!tpu.dma_semaphore, #tpu.memory_space<semaphore_mem>>) src(%dma_wait3A_438 : memref<2352xf32, #tpu.memory_space<hbm>>) dst(%arg13 : memref<2352xf32, #tpu.memory_space<vmem>>)
      tpu.yield
    }) : () -> ()
    %mul3A_203 = arith.constant 3 : i32
    %mul3A_204 = arith.muli %mul3A_203, %add3A_199 : i32
    %run_scoped3A_205 = arith.constant 1 : i32
    "tpu.region"() ({
      %run_scoped3A_432 = tpu.sem_alloc : memref<!tpu.dma_semaphore, #tpu.memory_space<semaphore_mem>>
      %dma_start3A = tpu.memref_slice %arg2[%run_scoped3A_205, %mul3A_204] : memref<2x150528xf32, #tpu.memory_space<hbm>> -> memref<1x2352xf32, #tpu.memory_space<hbm>>
      %dma_start3A_433 = tpu.memref_squeeze %dma_start3A : memref<1x2352xf32, #tpu.memory_space<hbm>> -> memref<2352xf32, #tpu.memory_space<hbm>>
      %dma_start3A_434 = tpu.memref_slice %arg2[%run_scoped3A_205, %mul3A_204] : memref<2x150528xf32, #tpu.memory_space<hbm>> -> memref<1x2352xf32, #tpu.memory_space<hbm>>
      %dma_start3A_435 = tpu.memref_squeeze %dma_start3A_434 : memref<1x2352xf32, #tpu.memory_space<hbm>> -> memref<2352xf32, #tpu.memory_space<hbm>>
      tpu.enqueue_dma source(%dma_start3A_435 : memref<2352xf32, #tpu.memory_space<hbm>>) target(%arg14 : memref<2352xf32, #tpu.memory_space<vmem>>) target_semaphore(%run_scoped3A_432 : memref<!tpu.dma_semaphore, #tpu.memory_space<semaphore_mem>>)
      %dma_wait3A = tpu.memref_slice %arg2[%run_scoped3A_205, %mul3A_204] : memref<2x150528xf32, #tpu.memory_space<hbm>> -> memref<1x2352xf32, #tpu.memory_space<hbm>>
      %dma_wait3A_436 = tpu.memref_squeeze %dma_wait3A : memref<1x2352xf32, #tpu.memory_space<hbm>> -> memref<2352xf32, #tpu.memory_space<hbm>>
      %dma_wait3A_437 = tpu.memref_slice %arg2[%run_scoped3A_205, %mul3A_204] : memref<2x150528xf32, #tpu.memory_space<hbm>> -> memref<1x2352xf32, #tpu.memory_space<hbm>>
      %dma_wait3A_438 = tpu.memref_squeeze %dma_wait3A_437 : memref<1x2352xf32, #tpu.memory_space<hbm>> -> memref<2352xf32, #tpu.memory_space<hbm>>
      tpu.wait_dma2 semaphore(%run_scoped3A_432 : memref<!tpu.dma_semaphore, #tpu.memory_space<semaphore_mem>>) src(%dma_wait3A_438 : memref<2352xf32, #tpu.memory_space<hbm>>) dst(%arg14 : memref<2352xf32, #tpu.memory_space<vmem>>)
      tpu.yield
    }) : () -> ()
    %run_scoped3A_206 = arith.constant 0 : i32
    %run_scoped3A_207 = arith.constant 0 : i32
    %run_scoped3A_208 = arith.constant 0 : i32
    "tpu.region"() ({
      %run_scoped3A_432 = tpu.sem_alloc : memref<!tpu.dma_semaphore, #tpu.memory_space<semaphore_mem>>
      %dma_start3A = arith.constant 0 : i32
      %dma_start3A_433 = tpu.memref_slice %arg15[%run_scoped3A_208, %dma_start3A] : memref<6x784xf32, #tpu.memory_space<vmem>> -> memref<1x784xf32, #tpu.memory_space<vmem>>
      %dma_start3A_434 = tpu.memref_squeeze %dma_start3A_433 : memref<1x784xf32, #tpu.memory_space<vmem>> -> memref<784xf32, #tpu.memory_space<vmem>>
      %dma_start3A_435 = tpu.memref_slice %arg3[%run_scoped3A_206, %run_scoped3A_207, %add3A_199] : memref<3x2x50176xf32, #tpu.memory_space<hbm>> -> memref<1x1x784xf32, #tpu.memory_space<hbm>>
      %dma_start3A_436 = tpu.memref_squeeze %dma_start3A_435 : memref<1x1x784xf32, #tpu.memory_space<hbm>> -> memref<784xf32, #tpu.memory_space<hbm>>
      %dma_start3A_437 = arith.constant 0 : i32
      %dma_start3A_438 = tpu.memref_slice %arg15[%run_scoped3A_208, %dma_start3A_437] : memref<6x784xf32, #tpu.memory_space<vmem>> -> memref<1x784xf32, #tpu.memory_space<vmem>>
      %dma_start3A_439 = tpu.memref_squeeze %dma_start3A_438 : memref<1x784xf32, #tpu.memory_space<vmem>> -> memref<784xf32, #tpu.memory_space<vmem>>
      %dma_start3A_440 = tpu.memref_slice %arg3[%run_scoped3A_206, %run_scoped3A_207, %add3A_199] : memref<3x2x50176xf32, #tpu.memory_space<hbm>> -> memref<1x1x784xf32, #tpu.memory_space<hbm>>
      %dma_start3A_441 = tpu.memref_squeeze %dma_start3A_440 : memref<1x1x784xf32, #tpu.memory_space<hbm>> -> memref<784xf32, #tpu.memory_space<hbm>>
      tpu.enqueue_dma source(%dma_start3A_441 : memref<784xf32, #tpu.memory_space<hbm>>) target(%dma_start3A_439 : memref<784xf32, #tpu.memory_space<vmem>>) target_semaphore(%run_scoped3A_432 : memref<!tpu.dma_semaphore, #tpu.memory_space<semaphore_mem>>)
      %dma_wait3A = arith.constant 0 : i32
      %dma_wait3A_442 = tpu.memref_slice %arg15[%run_scoped3A_208, %dma_wait3A] : memref<6x784xf32, #tpu.memory_space<vmem>> -> memref<1x784xf32, #tpu.memory_space<vmem>>
      %dma_wait3A_443 = tpu.memref_squeeze %dma_wait3A_442 : memref<1x784xf32, #tpu.memory_space<vmem>> -> memref<784xf32, #tpu.memory_space<vmem>>
      %dma_wait3A_444 = tpu.memref_slice %arg3[%run_scoped3A_206, %run_scoped3A_207, %add3A_199] : memref<3x2x50176xf32, #tpu.memory_space<hbm>> -> memref<1x1x784xf32, #tpu.memory_space<hbm>>
      %dma_wait3A_445 = tpu.memref_squeeze %dma_wait3A_444 : memref<1x1x784xf32, #tpu.memory_space<hbm>> -> memref<784xf32, #tpu.memory_space<hbm>>
      %dma_wait3A_446 = arith.constant 0 : i32
      %dma_wait3A_447 = tpu.memref_slice %arg15[%run_scoped3A_208, %dma_wait3A_446] : memref<6x784xf32, #tpu.memory_space<vmem>> -> memref<1x784xf32, #tpu.memory_space<vmem>>
      %dma_wait3A_448 = tpu.memref_squeeze %dma_wait3A_447 : memref<1x784xf32, #tpu.memory_space<vmem>> -> memref<784xf32, #tpu.memory_space<vmem>>
      %dma_wait3A_449 = tpu.memref_slice %arg3[%run_scoped3A_206, %run_scoped3A_207, %add3A_199] : memref<3x2x50176xf32, #tpu.memory_space<hbm>> -> memref<1x1x784xf32, #tpu.memory_space<hbm>>
      %dma_wait3A_450 = tpu.memref_squeeze %dma_wait3A_449 : memref<1x1x784xf32, #tpu.memory_space<hbm>> -> memref<784xf32, #tpu.memory_space<hbm>>
      tpu.wait_dma2 semaphore(%run_scoped3A_432 : memref<!tpu.dma_semaphore, #tpu.memory_space<semaphore_mem>>) src(%dma_wait3A_450 : memref<784xf32, #tpu.memory_space<hbm>>) dst(%dma_wait3A_448 : memref<784xf32, #tpu.memory_space<vmem>>)
      tpu.yield
    }) : () -> ()
    %run_scoped3A_209 = arith.constant 0 : i32
    %run_scoped3A_210 = arith.constant 1 : i32
    %run_scoped3A_211 = arith.constant 1 : i32
    "tpu.region"() ({
      %run_scoped3A_432 = tpu.sem_alloc : memref<!tpu.dma_semaphore, #tpu.memory_space<semaphore_mem>>
      %dma_start3A = arith.constant 0 : i32
      %dma_start3A_433 = tpu.memref_slice %arg15[%run_scoped3A_211, %dma_start3A] : memref<6x784xf32, #tpu.memory_space<vmem>> -> memref<1x784xf32, #tpu.memory_space<vmem>>
      %dma_start3A_434 = tpu.memref_squeeze %dma_start3A_433 : memref<1x784xf32, #tpu.memory_space<vmem>> -> memref<784xf32, #tpu.memory_space<vmem>>
      %dma_start3A_435 = tpu.memref_slice %arg3[%run_scoped3A_209, %run_scoped3A_210, %add3A_199] : memref<3x2x50176xf32, #tpu.memory_space<hbm>> -> memref<1x1x784xf32, #tpu.memory_space<hbm>>
      %dma_start3A_436 = tpu.memref_squeeze %dma_start3A_435 : memref<1x1x784xf32, #tpu.memory_space<hbm>> -> memref<784xf32, #tpu.memory_space<hbm>>
      %dma_start3A_437 = arith.constant 0 : i32
      %dma_start3A_438 = tpu.memref_slice %arg15[%run_scoped3A_211, %dma_start3A_437] : memref<6x784xf32, #tpu.memory_space<vmem>> -> memref<1x784xf32, #tpu.memory_space<vmem>>
      %dma_start3A_439 = tpu.memref_squeeze %dma_start3A_438 : memref<1x784xf32, #tpu.memory_space<vmem>> -> memref<784xf32, #tpu.memory_space<vmem>>
      %dma_start3A_440 = tpu.memref_slice %arg3[%run_scoped3A_209, %run_scoped3A_210, %add3A_199] : memref<3x2x50176xf32, #tpu.memory_space<hbm>> -> memref<1x1x784xf32, #tpu.memory_space<hbm>>
      %dma_start3A_441 = tpu.memref_squeeze %dma_start3A_440 : memref<1x1x784xf32, #tpu.memory_space<hbm>> -> memref<784xf32, #tpu.memory_space<hbm>>
      tpu.enqueue_dma source(%dma_start3A_441 : memref<784xf32, #tpu.memory_space<hbm>>) target(%dma_start3A_439 : memref<784xf32, #tpu.memory_space<vmem>>) target_semaphore(%run_scoped3A_432 : memref<!tpu.dma_semaphore, #tpu.memory_space<semaphore_mem>>)
      %dma_wait3A = arith.constant 0 : i32
      %dma_wait3A_442 = tpu.memref_slice %arg15[%run_scoped3A_211, %dma_wait3A] : memref<6x784xf32, #tpu.memory_space<vmem>> -> memref<1x784xf32, #tpu.memory_space<vmem>>
      %dma_wait3A_443 = tpu.memref_squeeze %dma_wait3A_442 : memref<1x784xf32, #tpu.memory_space<vmem>> -> memref<784xf32, #tpu.memory_space<vmem>>
      %dma_wait3A_444 = tpu.memref_slice %arg3[%run_scoped3A_209, %run_scoped3A_210, %add3A_199] : memref<3x2x50176xf32, #tpu.memory_space<hbm>> -> memref<1x1x784xf32, #tpu.memory_space<hbm>>
      %dma_wait3A_445 = tpu.memref_squeeze %dma_wait3A_444 : memref<1x1x784xf32, #tpu.memory_space<hbm>> -> memref<784xf32, #tpu.memory_space<hbm>>
      %dma_wait3A_446 = arith.constant 0 : i32
      %dma_wait3A_447 = tpu.memref_slice %arg15[%run_scoped3A_211, %dma_wait3A_446] : memref<6x784xf32, #tpu.memory_space<vmem>> -> memref<1x784xf32, #tpu.memory_space<vmem>>
      %dma_wait3A_448 = tpu.memref_squeeze %dma_wait3A_447 : memref<1x784xf32, #tpu.memory_space<vmem>> -> memref<784xf32, #tpu.memory_space<vmem>>
      %dma_wait3A_449 = tpu.memref_slice %arg3[%run_scoped3A_209, %run_scoped3A_210, %add3A_199] : memref<3x2x50176xf32, #tpu.memory_space<hbm>> -> memref<1x1x784xf32, #tpu.memory_space<hbm>>
      %dma_wait3A_450 = tpu.memref_squeeze %dma_wait3A_449 : memref<1x1x784xf32, #tpu.memory_space<hbm>> -> memref<784xf32, #tpu.memory_space<hbm>>
      tpu.wait_dma2 semaphore(%run_scoped3A_432 : memref<!tpu.dma_semaphore, #tpu.memory_space<semaphore_mem>>) src(%dma_wait3A_450 : memref<784xf32, #tpu.memory_space<hbm>>) dst(%dma_wait3A_448 : memref<784xf32, #tpu.memory_space<vmem>>)
      tpu.yield
    }) : () -> ()
    %run_scoped3A_212 = arith.constant 1 : i32
    %run_scoped3A_213 = arith.constant 0 : i32
    %run_scoped3A_214 = arith.constant 2 : i32
    "tpu.region"() ({
      %run_scoped3A_432 = tpu.sem_alloc : memref<!tpu.dma_semaphore, #tpu.memory_space<semaphore_mem>>
      %dma_start3A = arith.constant 0 : i32
      %dma_start3A_433 = tpu.memref_slice %arg15[%run_scoped3A_214, %dma_start3A] : memref<6x784xf32, #tpu.memory_space<vmem>> -> memref<1x784xf32, #tpu.memory_space<vmem>>
      %dma_start3A_434 = tpu.memref_squeeze %dma_start3A_433 : memref<1x784xf32, #tpu.memory_space<vmem>> -> memref<784xf32, #tpu.memory_space<vmem>>
      %dma_start3A_435 = tpu.memref_slice %arg3[%run_scoped3A_212, %run_scoped3A_213, %add3A_199] : memref<3x2x50176xf32, #tpu.memory_space<hbm>> -> memref<1x1x784xf32, #tpu.memory_space<hbm>>
      %dma_start3A_436 = tpu.memref_squeeze %dma_start3A_435 : memref<1x1x784xf32, #tpu.memory_space<hbm>> -> memref<784xf32, #tpu.memory_space<hbm>>
      %dma_start3A_437 = arith.constant 0 : i32
      %dma_start3A_438 = tpu.memref_slice %arg15[%run_scoped3A_214, %dma_start3A_437] : memref<6x784xf32, #tpu.memory_space<vmem>> -> memref<1x784xf32, #tpu.memory_space<vmem>>
      %dma_start3A_439 = tpu.memref_squeeze %dma_start3A_438 : memref<1x784xf32, #tpu.memory_space<vmem>> -> memref<784xf32, #tpu.memory_space<vmem>>
      %dma_start3A_440 = tpu.memref_slice %arg3[%run_scoped3A_212, %run_scoped3A_213, %add3A_199] : memref<3x2x50176xf32, #tpu.memory_space<hbm>> -> memref<1x1x784xf32, #tpu.memory_space<hbm>>
      %dma_start3A_441 = tpu.memref_squeeze %dma_start3A_440 : memref<1x1x784xf32, #tpu.memory_space<hbm>> -> memref<784xf32, #tpu.memory_space<hbm>>
      tpu.enqueue_dma source(%dma_start3A_441 : memref<784xf32, #tpu.memory_space<hbm>>) target(%dma_start3A_439 : memref<784xf32, #tpu.memory_space<vmem>>) target_semaphore(%run_scoped3A_432 : memref<!tpu.dma_semaphore, #tpu.memory_space<semaphore_mem>>)
      %dma_wait3A = arith.constant 0 : i32
      %dma_wait3A_442 = tpu.memref_slice %arg15[%run_scoped3A_214, %dma_wait3A] : memref<6x784xf32, #tpu.memory_space<vmem>> -> memref<1x784xf32, #tpu.memory_space<vmem>>
      %dma_wait3A_443 = tpu.memref_squeeze %dma_wait3A_442 : memref<1x784xf32, #tpu.memory_space<vmem>> -> memref<784xf32, #tpu.memory_space<vmem>>
      %dma_wait3A_444 = tpu.memref_slice %arg3[%run_scoped3A_212, %run_scoped3A_213, %add3A_199] : memref<3x2x50176xf32, #tpu.memory_space<hbm>> -> memref<1x1x784xf32, #tpu.memory_space<hbm>>
      %dma_wait3A_445 = tpu.memref_squeeze %dma_wait3A_444 : memref<1x1x784xf32, #tpu.memory_space<hbm>> -> memref<784xf32, #tpu.memory_space<hbm>>
      %dma_wait3A_446 = arith.constant 0 : i32
      %dma_wait3A_447 = tpu.memref_slice %arg15[%run_scoped3A_214, %dma_wait3A_446] : memref<6x784xf32, #tpu.memory_space<vmem>> -> memref<1x784xf32, #tpu.memory_space<vmem>>
      %dma_wait3A_448 = tpu.memref_squeeze %dma_wait3A_447 : memref<1x784xf32, #tpu.memory_space<vmem>> -> memref<784xf32, #tpu.memory_space<vmem>>
      %dma_wait3A_449 = tpu.memref_slice %arg3[%run_scoped3A_212, %run_scoped3A_213, %add3A_199] : memref<3x2x50176xf32, #tpu.memory_space<hbm>> -> memref<1x1x784xf32, #tpu.memory_space<hbm>>
      %dma_wait3A_450 = tpu.memref_squeeze %dma_wait3A_449 : memref<1x1x784xf32, #tpu.memory_space<hbm>> -> memref<784xf32, #tpu.memory_space<hbm>>
      tpu.wait_dma2 semaphore(%run_scoped3A_432 : memref<!tpu.dma_semaphore, #tpu.memory_space<semaphore_mem>>) src(%dma_wait3A_450 : memref<784xf32, #tpu.memory_space<hbm>>) dst(%dma_wait3A_448 : memref<784xf32, #tpu.memory_space<vmem>>)
      tpu.yield
    }) : () -> ()
    %run_scoped3A_215 = arith.constant 1 : i32
    %run_scoped3A_216 = arith.constant 1 : i32
    %run_scoped3A_217 = arith.constant 3 : i32
    "tpu.region"() ({
      %run_scoped3A_432 = tpu.sem_alloc : memref<!tpu.dma_semaphore, #tpu.memory_space<semaphore_mem>>
      %dma_start3A = arith.constant 0 : i32
      %dma_start3A_433 = tpu.memref_slice %arg15[%run_scoped3A_217, %dma_start3A] : memref<6x784xf32, #tpu.memory_space<vmem>> -> memref<1x784xf32, #tpu.memory_space<vmem>>
      %dma_start3A_434 = tpu.memref_squeeze %dma_start3A_433 : memref<1x784xf32, #tpu.memory_space<vmem>> -> memref<784xf32, #tpu.memory_space<vmem>>
      %dma_start3A_435 = tpu.memref_slice %arg3[%run_scoped3A_215, %run_scoped3A_216, %add3A_199] : memref<3x2x50176xf32, #tpu.memory_space<hbm>> -> memref<1x1x784xf32, #tpu.memory_space<hbm>>
      %dma_start3A_436 = tpu.memref_squeeze %dma_start3A_435 : memref<1x1x784xf32, #tpu.memory_space<hbm>> -> memref<784xf32, #tpu.memory_space<hbm>>
      %dma_start3A_437 = arith.constant 0 : i32
      %dma_start3A_438 = tpu.memref_slice %arg15[%run_scoped3A_217, %dma_start3A_437] : memref<6x784xf32, #tpu.memory_space<vmem>> -> memref<1x784xf32, #tpu.memory_space<vmem>>
      %dma_start3A_439 = tpu.memref_squeeze %dma_start3A_438 : memref<1x784xf32, #tpu.memory_space<vmem>> -> memref<784xf32, #tpu.memory_space<vmem>>
      %dma_start3A_440 = tpu.memref_slice %arg3[%run_scoped3A_215, %run_scoped3A_216, %add3A_199] : memref<3x2x50176xf32, #tpu.memory_space<hbm>> -> memref<1x1x784xf32, #tpu.memory_space<hbm>>
      %dma_start3A_441 = tpu.memref_squeeze %dma_start3A_440 : memref<1x1x784xf32, #tpu.memory_space<hbm>> -> memref<784xf32, #tpu.memory_space<hbm>>
      tpu.enqueue_dma source(%dma_start3A_441 : memref<784xf32, #tpu.memory_space<hbm>>) target(%dma_start3A_439 : memref<784xf32, #tpu.memory_space<vmem>>) target_semaphore(%run_scoped3A_432 : memref<!tpu.dma_semaphore, #tpu.memory_space<semaphore_mem>>)
      %dma_wait3A = arith.constant 0 : i32
      %dma_wait3A_442 = tpu.memref_slice %arg15[%run_scoped3A_217, %dma_wait3A] : memref<6x784xf32, #tpu.memory_space<vmem>> -> memref<1x784xf32, #tpu.memory_space<vmem>>
      %dma_wait3A_443 = tpu.memref_squeeze %dma_wait3A_442 : memref<1x784xf32, #tpu.memory_space<vmem>> -> memref<784xf32, #tpu.memory_space<vmem>>
      %dma_wait3A_444 = tpu.memref_slice %arg3[%run_scoped3A_215, %run_scoped3A_216, %add3A_199] : memref<3x2x50176xf32, #tpu.memory_space<hbm>> -> memref<1x1x784xf32, #tpu.memory_space<hbm>>
      %dma_wait3A_445 = tpu.memref_squeeze %dma_wait3A_444 : memref<1x1x784xf32, #tpu.memory_space<hbm>> -> memref<784xf32, #tpu.memory_space<hbm>>
      %dma_wait3A_446 = arith.constant 0 : i32
      %dma_wait3A_447 = tpu.memref_slice %arg15[%run_scoped3A_217, %dma_wait3A_446] : memref<6x784xf32, #tpu.memory_space<vmem>> -> memref<1x784xf32, #tpu.memory_space<vmem>>
      %dma_wait3A_448 = tpu.memref_squeeze %dma_wait3A_447 : memref<1x784xf32, #tpu.memory_space<vmem>> -> memref<784xf32, #tpu.memory_space<vmem>>
      %dma_wait3A_449 = tpu.memref_slice %arg3[%run_scoped3A_215, %run_scoped3A_216, %add3A_199] : memref<3x2x50176xf32, #tpu.memory_space<hbm>> -> memref<1x1x784xf32, #tpu.memory_space<hbm>>
      %dma_wait3A_450 = tpu.memref_squeeze %dma_wait3A_449 : memref<1x1x784xf32, #tpu.memory_space<hbm>> -> memref<784xf32, #tpu.memory_space<hbm>>
      tpu.wait_dma2 semaphore(%run_scoped3A_432 : memref<!tpu.dma_semaphore, #tpu.memory_space<semaphore_mem>>) src(%dma_wait3A_450 : memref<784xf32, #tpu.memory_space<hbm>>) dst(%dma_wait3A_448 : memref<784xf32, #tpu.memory_space<vmem>>)
      tpu.yield
    }) : () -> ()
    %run_scoped3A_218 = arith.constant 2 : i32
    %run_scoped3A_219 = arith.constant 0 : i32
    %run_scoped3A_220 = arith.constant 4 : i32
    "tpu.region"() ({
      %run_scoped3A_432 = tpu.sem_alloc : memref<!tpu.dma_semaphore, #tpu.memory_space<semaphore_mem>>
      %dma_start3A = arith.constant 0 : i32
      %dma_start3A_433 = tpu.memref_slice %arg15[%run_scoped3A_220, %dma_start3A] : memref<6x784xf32, #tpu.memory_space<vmem>> -> memref<1x784xf32, #tpu.memory_space<vmem>>
      %dma_start3A_434 = tpu.memref_squeeze %dma_start3A_433 : memref<1x784xf32, #tpu.memory_space<vmem>> -> memref<784xf32, #tpu.memory_space<vmem>>
      %dma_start3A_435 = tpu.memref_slice %arg3[%run_scoped3A_218, %run_scoped3A_219, %add3A_199] : memref<3x2x50176xf32, #tpu.memory_space<hbm>> -> memref<1x1x784xf32, #tpu.memory_space<hbm>>
      %dma_start3A_436 = tpu.memref_squeeze %dma_start3A_435 : memref<1x1x784xf32, #tpu.memory_space<hbm>> -> memref<784xf32, #tpu.memory_space<hbm>>
      %dma_start3A_437 = arith.constant 0 : i32
      %dma_start3A_438 = tpu.memref_slice %arg15[%run_scoped3A_220, %dma_start3A_437] : memref<6x784xf32, #tpu.memory_space<vmem>> -> memref<1x784xf32, #tpu.memory_space<vmem>>
      %dma_start3A_439 = tpu.memref_squeeze %dma_start3A_438 : memref<1x784xf32, #tpu.memory_space<vmem>> -> memref<784xf32, #tpu.memory_space<vmem>>
      %dma_start3A_440 = tpu.memref_slice %arg3[%run_scoped3A_218, %run_scoped3A_219, %add3A_199] : memref<3x2x50176xf32, #tpu.memory_space<hbm>> -> memref<1x1x784xf32, #tpu.memory_space<hbm>>
      %dma_start3A_441 = tpu.memref_squeeze %dma_start3A_440 : memref<1x1x784xf32, #tpu.memory_space<hbm>> -> memref<784xf32, #tpu.memory_space<hbm>>
      tpu.enqueue_dma source(%dma_start3A_441 : memref<784xf32, #tpu.memory_space<hbm>>) target(%dma_start3A_439 : memref<784xf32, #tpu.memory_space<vmem>>) target_semaphore(%run_scoped3A_432 : memref<!tpu.dma_semaphore, #tpu.memory_space<semaphore_mem>>)
      %dma_wait3A = arith.constant 0 : i32
      %dma_wait3A_442 = tpu.memref_slice %arg15[%run_scoped3A_220, %dma_wait3A] : memref<6x784xf32, #tpu.memory_space<vmem>> -> memref<1x784xf32, #tpu.memory_space<vmem>>
      %dma_wait3A_443 = tpu.memref_squeeze %dma_wait3A_442 : memref<1x784xf32, #tpu.memory_space<vmem>> -> memref<784xf32, #tpu.memory_space<vmem>>
      %dma_wait3A_444 = tpu.memref_slice %arg3[%run_scoped3A_218, %run_scoped3A_219, %add3A_199] : memref<3x2x50176xf32, #tpu.memory_space<hbm>> -> memref<1x1x784xf32, #tpu.memory_space<hbm>>
      %dma_wait3A_445 = tpu.memref_squeeze %dma_wait3A_444 : memref<1x1x784xf32, #tpu.memory_space<hbm>> -> memref<784xf32, #tpu.memory_space<hbm>>
      %dma_wait3A_446 = arith.constant 0 : i32
      %dma_wait3A_447 = tpu.memref_slice %arg15[%run_scoped3A_220, %dma_wait3A_446] : memref<6x784xf32, #tpu.memory_space<vmem>> -> memref<1x784xf32, #tpu.memory_space<vmem>>
      %dma_wait3A_448 = tpu.memref_squeeze %dma_wait3A_447 : memref<1x784xf32, #tpu.memory_space<vmem>> -> memref<784xf32, #tpu.memory_space<vmem>>
      %dma_wait3A_449 = tpu.memref_slice %arg3[%run_scoped3A_218, %run_scoped3A_219, %add3A_199] : memref<3x2x50176xf32, #tpu.memory_space<hbm>> -> memref<1x1x784xf32, #tpu.memory_space<hbm>>
      %dma_wait3A_450 = tpu.memref_squeeze %dma_wait3A_449 : memref<1x1x784xf32, #tpu.memory_space<hbm>> -> memref<784xf32, #tpu.memory_space<hbm>>
      tpu.wait_dma2 semaphore(%run_scoped3A_432 : memref<!tpu.dma_semaphore, #tpu.memory_space<semaphore_mem>>) src(%dma_wait3A_450 : memref<784xf32, #tpu.memory_space<hbm>>) dst(%dma_wait3A_448 : memref<784xf32, #tpu.memory_space<vmem>>)
      tpu.yield
    }) : () -> ()
    %run_scoped3A_221 = arith.constant 2 : i32
    %run_scoped3A_222 = arith.constant 1 : i32
    %run_scoped3A_223 = arith.constant 5 : i32
    "tpu.region"() ({
      %run_scoped3A_432 = tpu.sem_alloc : memref<!tpu.dma_semaphore, #tpu.memory_space<semaphore_mem>>
      %dma_start3A = arith.constant 0 : i32
      %dma_start3A_433 = tpu.memref_slice %arg15[%run_scoped3A_223, %dma_start3A] : memref<6x784xf32, #tpu.memory_space<vmem>> -> memref<1x784xf32, #tpu.memory_space<vmem>>
      %dma_start3A_434 = tpu.memref_squeeze %dma_start3A_433 : memref<1x784xf32, #tpu.memory_space<vmem>> -> memref<784xf32, #tpu.memory_space<vmem>>
      %dma_start3A_435 = tpu.memref_slice %arg3[%run_scoped3A_221, %run_scoped3A_222, %add3A_199] : memref<3x2x50176xf32, #tpu.memory_space<hbm>> -> memref<1x1x784xf32, #tpu.memory_space<hbm>>
      %dma_start3A_436 = tpu.memref_squeeze %dma_start3A_435 : memref<1x1x784xf32, #tpu.memory_space<hbm>> -> memref<784xf32, #tpu.memory_space<hbm>>
      %dma_start3A_437 = arith.constant 0 : i32
      %dma_start3A_438 = tpu.memref_slice %arg15[%run_scoped3A_223, %dma_start3A_437] : memref<6x784xf32, #tpu.memory_space<vmem>> -> memref<1x784xf32, #tpu.memory_space<vmem>>
      %dma_start3A_439 = tpu.memref_squeeze %dma_start3A_438 : memref<1x784xf32, #tpu.memory_space<vmem>> -> memref<784xf32, #tpu.memory_space<vmem>>
      %dma_start3A_440 = tpu.memref_slice %arg3[%run_scoped3A_221, %run_scoped3A_222, %add3A_199] : memref<3x2x50176xf32, #tpu.memory_space<hbm>> -> memref<1x1x784xf32, #tpu.memory_space<hbm>>
      %dma_start3A_441 = tpu.memref_squeeze %dma_start3A_440 : memref<1x1x784xf32, #tpu.memory_space<hbm>> -> memref<784xf32, #tpu.memory_space<hbm>>
      tpu.enqueue_dma source(%dma_start3A_441 : memref<784xf32, #tpu.memory_space<hbm>>) target(%dma_start3A_439 : memref<784xf32, #tpu.memory_space<vmem>>) target_semaphore(%run_scoped3A_432 : memref<!tpu.dma_semaphore, #tpu.memory_space<semaphore_mem>>)
      %dma_wait3A = arith.constant 0 : i32
      %dma_wait3A_442 = tpu.memref_slice %arg15[%run_scoped3A_223, %dma_wait3A] : memref<6x784xf32, #tpu.memory_space<vmem>> -> memref<1x784xf32, #tpu.memory_space<vmem>>
      %dma_wait3A_443 = tpu.memref_squeeze %dma_wait3A_442 : memref<1x784xf32, #tpu.memory_space<vmem>> -> memref<784xf32, #tpu.memory_space<vmem>>
      %dma_wait3A_444 = tpu.memref_slice %arg3[%run_scoped3A_221, %run_scoped3A_222, %add3A_199] : memref<3x2x50176xf32, #tpu.memory_space<hbm>> -> memref<1x1x784xf32, #tpu.memory_space<hbm>>
      %dma_wait3A_445 = tpu.memref_squeeze %dma_wait3A_444 : memref<1x1x784xf32, #tpu.memory_space<hbm>> -> memref<784xf32, #tpu.memory_space<hbm>>
      %dma_wait3A_446 = arith.constant 0 : i32
      %dma_wait3A_447 = tpu.memref_slice %arg15[%run_scoped3A_223, %dma_wait3A_446] : memref<6x784xf32, #tpu.memory_space<vmem>> -> memref<1x784xf32, #tpu.memory_space<vmem>>
      %dma_wait3A_448 = tpu.memref_squeeze %dma_wait3A_447 : memref<1x784xf32, #tpu.memory_space<vmem>> -> memref<784xf32, #tpu.memory_space<vmem>>
      %dma_wait3A_449 = tpu.memref_slice %arg3[%run_scoped3A_221, %run_scoped3A_222, %add3A_199] : memref<3x2x50176xf32, #tpu.memory_space<hbm>> -> memref<1x1x784xf32, #tpu.memory_space<hbm>>
      %dma_wait3A_450 = tpu.memref_squeeze %dma_wait3A_449 : memref<1x1x784xf32, #tpu.memory_space<hbm>> -> memref<784xf32, #tpu.memory_space<hbm>>
      tpu.wait_dma2 semaphore(%run_scoped3A_432 : memref<!tpu.dma_semaphore, #tpu.memory_space<semaphore_mem>>) src(%dma_wait3A_450 : memref<784xf32, #tpu.memory_space<hbm>>) dst(%dma_wait3A_448 : memref<784xf32, #tpu.memory_space<vmem>>)
      tpu.yield
    }) : () -> ()
    %broadcast_in_dim3A_224 = arith.constant 0 : i32
    %broadcast_in_dim3A_225 = vector.broadcast %broadcast_in_dim3A_224 : i32 to vector<16xi32>
    %scan3A_226 = arith.constant 0 : i32
    %scan3A_227 = arith.constant 0 : i32
    %scan3A_228 = arith.constant 49 : i32
    %scan3A_229 = arith.addi %scan3A_227, %scan3A_228 : i32
    %scan3A_230 = arith.constant 1 : i32
    %scan3A_231 = scf.for %scan3A_432 = %scan3A_227 to %scan3A_229 step %scan3A_230 iter_args(%scan3A_433 = %scan3A_226) -> (i32)  : i32 {
      %mul3A_434 = arith.constant 16 : i32
      %mul3A_435 = arith.muli %scan3A_432, %mul3A_434 : i32
      %add3A_436 = vector.broadcast %mul3A_435 : i32 to vector<16xi32>
      %add3A_437 = arith.addi %add3A_436, %iota3A : vector<16xi32>
      %mul3A_438 = arith.constant 3 : i32
      %mul3A_439 = vector.broadcast %mul3A_438 : i32 to vector<16xi32>
      %mul3A_440 = arith.muli %mul3A_439, %add3A_437 : vector<16xi32>
      %add3A_441 = arith.constant 0 : i32
      %add3A_442 = vector.broadcast %add3A_441 : i32 to vector<16xi32>
      %add3A_443 = arith.addi %mul3A_440, %add3A_442 : vector<16xi32>
      %gather3A = tpu.vector_load_idx %arg13[%add3A_443] : memref<2352xf32, #tpu.memory_space<vmem>>[vector<16xi32>], vector<16xf32>,
      %mul3A_444 = arith.constant 16 : i32
      %mul3A_445 = arith.muli %scan3A_432, %mul3A_444 : i32
      %get3A = arith.constant 0 : i32
      %get3A_446 = arith.index_cast %get3A : i32 to index
      %get3A_447 = arith.index_cast %mul3A_445 : i32 to index
      %get3A_448 = tpu.vector_load %arg15[%get3A_446, %get3A_447] {strides = array<i32>} : memref<6x784xf32, #tpu.memory_space<vmem>>, vector<16xf32>,
      %sub3A = arith.subf %gather3A, %get3A_448 : vector<16xf32>
      tpu.vector_store_idx %arg12[%add3A_437, %broadcast_in_dim3A_225], %sub3A : memref<784x8xf32, #tpu.memory_space<vmem>>[vector<16xi32>, vector<16xi32>], vector<16xf32>,
      %scan3A_449 = arith.constant 0 : i32
      scf.yield %scan3A_449 : i32
    }
    %scan3A_232 = arith.constant 49 : i32
    %broadcast_in_dim3A_233 = arith.constant 3 : i32
    %broadcast_in_dim3A_234 = vector.broadcast %broadcast_in_dim3A_233 : i32 to vector<16xi32>
    %scan3A_235 = arith.constant 0 : i32
    %scan3A_236 = arith.constant 0 : i32
    %scan3A_237 = arith.constant 49 : i32
    %scan3A_238 = arith.addi %scan3A_236, %scan3A_237 : i32
    %scan3A_239 = arith.constant 1 : i32
    %scan3A_240 = scf.for %scan3A_432 = %scan3A_236 to %scan3A_238 step %scan3A_239 iter_args(%scan3A_433 = %scan3A_235) -> (i32)  : i32 {
      %mul3A_434 = arith.constant 16 : i32
      %mul3A_435 = arith.muli %scan3A_432, %mul3A_434 : i32
      %add3A_436 = vector.broadcast %mul3A_435 : i32 to vector<16xi32>
      %add3A_437 = arith.addi %add3A_436, %iota3A : vector<16xi32>
      %mul3A_438 = arith.constant 3 : i32
      %mul3A_439 = vector.broadcast %mul3A_438 : i32 to vector<16xi32>
      %mul3A_440 = arith.muli %mul3A_439, %add3A_437 : vector<16xi32>
      %add3A_441 = arith.constant 0 : i32
      %add3A_442 = vector.broadcast %add3A_441 : i32 to vector<16xi32>
      %add3A_443 = arith.addi %mul3A_440, %add3A_442 : vector<16xi32>
      %gather3A = tpu.vector_load_idx %arg14[%add3A_443] : memref<2352xf32, #tpu.memory_space<vmem>>[vector<16xi32>], vector<16xf32>,
      %mul3A_444 = arith.constant 16 : i32
      %mul3A_445 = arith.muli %scan3A_432, %mul3A_444 : i32
      %get3A = arith.constant 1 : i32
      %get3A_446 = arith.index_cast %get3A : i32 to index
      %get3A_447 = arith.index_cast %mul3A_445 : i32 to index
      %get3A_448 = tpu.vector_load %arg15[%get3A_446, %get3A_447] {strides = array<i32>} : memref<6x784xf32, #tpu.memory_space<vmem>>, vector<16xf32>,
      %sub3A = arith.subf %gather3A, %get3A_448 : vector<16xf32>
      tpu.vector_store_idx %arg12[%add3A_437, %broadcast_in_dim3A_234], %sub3A : memref<784x8xf32, #tpu.memory_space<vmem>>[vector<16xi32>, vector<16xi32>], vector<16xf32>,
      %scan3A_449 = arith.constant 0 : i32
      scf.yield %scan3A_449 : i32
    }
    %scan3A_241 = arith.constant 49 : i32
    %broadcast_in_dim3A_242 = arith.constant 1 : i32
    %broadcast_in_dim3A_243 = vector.broadcast %broadcast_in_dim3A_242 : i32 to vector<16xi32>
    %scan3A_244 = arith.constant 0 : i32
    %scan3A_245 = arith.constant 0 : i32
    %scan3A_246 = arith.constant 49 : i32
    %scan3A_247 = arith.addi %scan3A_245, %scan3A_246 : i32
    %scan3A_248 = arith.constant 1 : i32
    %scan3A_249 = scf.for %scan3A_432 = %scan3A_245 to %scan3A_247 step %scan3A_248 iter_args(%scan3A_433 = %scan3A_244) -> (i32)  : i32 {
      %mul3A_434 = arith.constant 16 : i32
      %mul3A_435 = arith.muli %scan3A_432, %mul3A_434 : i32
      %add3A_436 = vector.broadcast %mul3A_435 : i32 to vector<16xi32>
      %add3A_437 = arith.addi %add3A_436, %iota3A : vector<16xi32>
      %mul3A_438 = arith.constant 3 : i32
      %mul3A_439 = vector.broadcast %mul3A_438 : i32 to vector<16xi32>
      %mul3A_440 = arith.muli %mul3A_439, %add3A_437 : vector<16xi32>
      %add3A_441 = arith.constant 1 : i32
      %add3A_442 = vector.broadcast %add3A_441 : i32 to vector<16xi32>
      %add3A_443 = arith.addi %mul3A_440, %add3A_442 : vector<16xi32>
      %gather3A = tpu.vector_load_idx %arg13[%add3A_443] : memref<2352xf32, #tpu.memory_space<vmem>>[vector<16xi32>], vector<16xf32>,
      %mul3A_444 = arith.constant 16 : i32
      %mul3A_445 = arith.muli %scan3A_432, %mul3A_444 : i32
      %get3A = arith.constant 2 : i32
      %get3A_446 = arith.index_cast %get3A : i32 to index
      %get3A_447 = arith.index_cast %mul3A_445 : i32 to index
      %get3A_448 = tpu.vector_load %arg15[%get3A_446, %get3A_447] {strides = array<i32>} : memref<6x784xf32, #tpu.memory_space<vmem>>, vector<16xf32>,
      %sub3A = arith.subf %gather3A, %get3A_448 : vector<16xf32>
      tpu.vector_store_idx %arg12[%add3A_437, %broadcast_in_dim3A_243], %sub3A : memref<784x8xf32, #tpu.memory_space<vmem>>[vector<16xi32>, vector<16xi32>], vector<16xf32>,
      %scan3A_449 = arith.constant 0 : i32
      scf.yield %scan3A_449 : i32
    }
    %scan3A_250 = arith.constant 49 : i32
    %broadcast_in_dim3A_251 = arith.constant 4 : i32
    %broadcast_in_dim3A_252 = vector.broadcast %broadcast_in_dim3A_251 : i32 to vector<16xi32>
    %scan3A_253 = arith.constant 0 : i32
    %scan3A_254 = arith.constant 0 : i32
    %scan3A_255 = arith.constant 49 : i32
    %scan3A_256 = arith.addi %scan3A_254, %scan3A_255 : i32
    %scan3A_257 = arith.constant 1 : i32
    %scan3A_258 = scf.for %scan3A_432 = %scan3A_254 to %scan3A_256 step %scan3A_257 iter_args(%scan3A_433 = %scan3A_253) -> (i32)  : i32 {
      %mul3A_434 = arith.constant 16 : i32
      %mul3A_435 = arith.muli %scan3A_432, %mul3A_434 : i32
      %add3A_436 = vector.broadcast %mul3A_435 : i32 to vector<16xi32>
      %add3A_437 = arith.addi %add3A_436, %iota3A : vector<16xi32>
      %mul3A_438 = arith.constant 3 : i32
      %mul3A_439 = vector.broadcast %mul3A_438 : i32 to vector<16xi32>
      %mul3A_440 = arith.muli %mul3A_439, %add3A_437 : vector<16xi32>
      %add3A_441 = arith.constant 1 : i32
      %add3A_442 = vector.broadcast %add3A_441 : i32 to vector<16xi32>
      %add3A_443 = arith.addi %mul3A_440, %add3A_442 : vector<16xi32>
      %gather3A = tpu.vector_load_idx %arg14[%add3A_443] : memref<2352xf32, #tpu.memory_space<vmem>>[vector<16xi32>], vector<16xf32>,
      %mul3A_444 = arith.constant 16 : i32
      %mul3A_445 = arith.muli %scan3A_432, %mul3A_444 : i32
      %get3A = arith.constant 3 : i32
      %get3A_446 = arith.index_cast %get3A : i32 to index
      %get3A_447 = arith.index_cast %mul3A_445 : i32 to index
      %get3A_448 = tpu.vector_load %arg15[%get3A_446, %get3A_447] {strides = array<i32>} : memref<6x784xf32, #tpu.memory_space<vmem>>, vector<16xf32>,
      %sub3A = arith.subf %gather3A, %get3A_448 : vector<16xf32>
      tpu.vector_store_idx %arg12[%add3A_437, %broadcast_in_dim3A_252], %sub3A : memref<784x8xf32, #tpu.memory_space<vmem>>[vector<16xi32>, vector<16xi32>], vector<16xf32>,
      %scan3A_449 = arith.constant 0 : i32
      scf.yield %scan3A_449 : i32
    }
    %scan3A_259 = arith.constant 49 : i32
    %broadcast_in_dim3A_260 = arith.constant 2 : i32
    %broadcast_in_dim3A_261 = vector.broadcast %broadcast_in_dim3A_260 : i32 to vector<16xi32>
    %scan3A_262 = arith.constant 0 : i32
    %scan3A_263 = arith.constant 0 : i32
    %scan3A_264 = arith.constant 49 : i32
    %scan3A_265 = arith.addi %scan3A_263, %scan3A_264 : i32
    %scan3A_266 = arith.constant 1 : i32
    %scan3A_267 = scf.for %scan3A_432 = %scan3A_263 to %scan3A_265 step %scan3A_266 iter_args(%scan3A_433 = %scan3A_262) -> (i32)  : i32 {
      %mul3A_434 = arith.constant 16 : i32
      %mul3A_435 = arith.muli %scan3A_432, %mul3A_434 : i32
      %add3A_436 = vector.broadcast %mul3A_435 : i32 to vector<16xi32>
      %add3A_437 = arith.addi %add3A_436, %iota3A : vector<16xi32>
      %mul3A_438 = arith.constant 3 : i32
      %mul3A_439 = vector.broadcast %mul3A_438 : i32 to vector<16xi32>
      %mul3A_440 = arith.muli %mul3A_439, %add3A_437 : vector<16xi32>
      %add3A_441 = arith.constant 2 : i32
      %add3A_442 = vector.broadcast %add3A_441 : i32 to vector<16xi32>
      %add3A_443 = arith.addi %mul3A_440, %add3A_442 : vector<16xi32>
      %gather3A = tpu.vector_load_idx %arg13[%add3A_443] : memref<2352xf32, #tpu.memory_space<vmem>>[vector<16xi32>], vector<16xf32>,
      %mul3A_444 = arith.constant 16 : i32
      %mul3A_445 = arith.muli %scan3A_432, %mul3A_444 : i32
      %get3A = arith.constant 4 : i32
      %get3A_446 = arith.index_cast %get3A : i32 to index
      %get3A_447 = arith.index_cast %mul3A_445 : i32 to index
      %get3A_448 = tpu.vector_load %arg15[%get3A_446, %get3A_447] {strides = array<i32>} : memref<6x784xf32, #tpu.memory_space<vmem>>, vector<16xf32>,
      %sub3A = arith.subf %gather3A, %get3A_448 : vector<16xf32>
      tpu.vector_store_idx %arg12[%add3A_437, %broadcast_in_dim3A_261], %sub3A : memref<784x8xf32, #tpu.memory_space<vmem>>[vector<16xi32>, vector<16xi32>], vector<16xf32>,
      %scan3A_449 = arith.constant 0 : i32
      scf.yield %scan3A_449 : i32
    }
    %scan3A_268 = arith.constant 49 : i32
    %broadcast_in_dim3A_269 = arith.constant 5 : i32
    %broadcast_in_dim3A_270 = vector.broadcast %broadcast_in_dim3A_269 : i32 to vector<16xi32>
    %scan3A_271 = arith.constant 0 : i32
    %scan3A_272 = arith.constant 0 : i32
    %scan3A_273 = arith.constant 49 : i32
    %scan3A_274 = arith.addi %scan3A_272, %scan3A_273 : i32
    %scan3A_275 = arith.constant 1 : i32
    %scan3A_276 = scf.for %scan3A_432 = %scan3A_272 to %scan3A_274 step %scan3A_275 iter_args(%scan3A_433 = %scan3A_271) -> (i32)  : i32 {
      %mul3A_434 = arith.constant 16 : i32
      %mul3A_435 = arith.muli %scan3A_432, %mul3A_434 : i32
      %add3A_436 = vector.broadcast %mul3A_435 : i32 to vector<16xi32>
      %add3A_437 = arith.addi %add3A_436, %iota3A : vector<16xi32>
      %mul3A_438 = arith.constant 3 : i32
      %mul3A_439 = vector.broadcast %mul3A_438 : i32 to vector<16xi32>
      %mul3A_440 = arith.muli %mul3A_439, %add3A_437 : vector<16xi32>
      %add3A_441 = arith.constant 2 : i32
      %add3A_442 = vector.broadcast %add3A_441 : i32 to vector<16xi32>
      %add3A_443 = arith.addi %mul3A_440, %add3A_442 : vector<16xi32>
      %gather3A = tpu.vector_load_idx %arg14[%add3A_443] : memref<2352xf32, #tpu.memory_space<vmem>>[vector<16xi32>], vector<16xf32>,
      %mul3A_444 = arith.constant 16 : i32
      %mul3A_445 = arith.muli %scan3A_432, %mul3A_444 : i32
      %get3A = arith.constant 5 : i32
      %get3A_446 = arith.index_cast %get3A : i32 to index
      %get3A_447 = arith.index_cast %mul3A_445 : i32 to index
      %get3A_448 = tpu.vector_load %arg15[%get3A_446, %get3A_447] {strides = array<i32>} : memref<6x784xf32, #tpu.memory_space<vmem>>, vector<16xf32>,
      %sub3A = arith.subf %gather3A, %get3A_448 : vector<16xf32>
      tpu.vector_store_idx %arg12[%add3A_437, %broadcast_in_dim3A_270], %sub3A : memref<784x8xf32, #tpu.memory_space<vmem>>[vector<16xi32>, vector<16xi32>], vector<16xf32>,
      %scan3A_449 = arith.constant 0 : i32
      scf.yield %scan3A_449 : i32
    }
    %scan3A_277 = arith.constant 49 : i32
    %broadcast_in_dim3A_278 = arith.constant 6 : i32
    %broadcast_in_dim3A_279 = vector.broadcast %broadcast_in_dim3A_278 : i32 to vector<16xi32>
    %scan3A_280 = arith.constant 0 : i32
    %scan3A_281 = arith.constant 0 : i32
    %scan3A_282 = arith.constant 49 : i32
    %scan3A_283 = arith.addi %scan3A_281, %scan3A_282 : i32
    %scan3A_284 = arith.constant 1 : i32
    %scan3A_285 = scf.for %scan3A_432 = %scan3A_281 to %scan3A_283 step %scan3A_284 iter_args(%scan3A_433 = %scan3A_280) -> (i32)  : i32 {
      %mul3A_434 = arith.constant 16 : i32
      %mul3A_435 = arith.muli %scan3A_432, %mul3A_434 : i32
      %add3A_436 = vector.broadcast %mul3A_435 : i32 to vector<16xi32>
      %add3A_437 = arith.addi %add3A_436, %iota3A : vector<16xi32>
      tpu.vector_store_idx %arg12[%add3A_437, %broadcast_in_dim3A_279], %broadcast_in_dim3A_3 : memref<784x8xf32, #tpu.memory_space<vmem>>[vector<16xi32>, vector<16xi32>], vector<16xf32>,
      %scan3A_438 = arith.constant 0 : i32
      scf.yield %scan3A_438 : i32
    }
    %scan3A_286 = arith.constant 49 : i32
    %broadcast_in_dim3A_287 = arith.constant 7 : i32
    %broadcast_in_dim3A_288 = vector.broadcast %broadcast_in_dim3A_287 : i32 to vector<16xi32>
    %scan3A_289 = arith.constant 0 : i32
    %scan3A_290 = arith.constant 0 : i32
    %scan3A_291 = arith.constant 49 : i32
    %scan3A_292 = arith.addi %scan3A_290, %scan3A_291 : i32
    %scan3A_293 = arith.constant 1 : i32
    %scan3A_294 = scf.for %scan3A_432 = %scan3A_290 to %scan3A_292 step %scan3A_293 iter_args(%scan3A_433 = %scan3A_289) -> (i32)  : i32 {
      %mul3A_434 = arith.constant 16 : i32
      %mul3A_435 = arith.muli %scan3A_432, %mul3A_434 : i32
      %add3A_436 = vector.broadcast %mul3A_435 : i32 to vector<16xi32>
      %add3A_437 = arith.addi %add3A_436, %iota3A : vector<16xi32>
      tpu.vector_store_idx %arg12[%add3A_437, %broadcast_in_dim3A_288], %broadcast_in_dim3A_3 : memref<784x8xf32, #tpu.memory_space<vmem>>[vector<16xi32>, vector<16xi32>], vector<16xf32>,
      %scan3A_438 = arith.constant 0 : i32
      scf.yield %scan3A_438 : i32
    }
    %scan3A_295 = arith.constant 49 : i32
    "tpu.region"() ({
      %run_scoped3A_432 = tpu.sem_alloc : memref<!tpu.dma_semaphore, #tpu.memory_space<semaphore_mem>>
      %dma_start3A = arith.constant 0 : i32
      %dma_start3A_433 = tpu.memref_slice %arg10[%add3A_199, %dma_start3A] : memref<50176x8xf32, #tpu.memory_space<vmem_shared>> -> memref<784x8xf32, #tpu.memory_space<vmem_shared>>
      %dma_start3A_434 = arith.constant 0 : i32
      %dma_start3A_435 = tpu.memref_slice %arg10[%add3A_199, %dma_start3A_434] : memref<50176x8xf32, #tpu.memory_space<vmem_shared>> -> memref<784x8xf32, #tpu.memory_space<vmem_shared>>
      tpu.enqueue_dma source(%arg12 : memref<784x8xf32, #tpu.memory_space<vmem>>) target(%dma_start3A_435 : memref<784x8xf32, #tpu.memory_space<vmem_shared>>) target_semaphore(%run_scoped3A_432 : memref<!tpu.dma_semaphore, #tpu.memory_space<semaphore_mem>>)
      %dma_wait3A = arith.constant 0 : i32
      %dma_wait3A_436 = tpu.memref_slice %arg10[%add3A_199, %dma_wait3A] : memref<50176x8xf32, #tpu.memory_space<vmem_shared>> -> memref<784x8xf32, #tpu.memory_space<vmem_shared>>
      %dma_wait3A_437 = arith.constant 0 : i32
      %dma_wait3A_438 = tpu.memref_slice %arg10[%add3A_199, %dma_wait3A_437] : memref<50176x8xf32, #tpu.memory_space<vmem_shared>> -> memref<784x8xf32, #tpu.memory_space<vmem_shared>>
      tpu.wait_dma2 semaphore(%run_scoped3A_432 : memref<!tpu.dma_semaphore, #tpu.memory_space<semaphore_mem>>) src(%arg12 : memref<784x8xf32, #tpu.memory_space<vmem>>) dst(%dma_wait3A_438 : memref<784x8xf32, #tpu.memory_space<vmem_shared>>)
      tpu.yield
    }) : () -> ()
    "tpu.region"() ({
      %run_scoped3A_432 = tpu.sem_alloc : memref<!tpu.dma_semaphore, #tpu.memory_space<semaphore_mem>>
      %dma_start3A = arith.constant 0 : i32
      %dma_start3A_433 = tpu.memref_slice %arg4[%add3A_199, %dma_start3A] : memref<50176x8xf32, #tpu.memory_space<hbm>> -> memref<784x8xf32, #tpu.memory_space<hbm>>
      %dma_start3A_434 = arith.constant 0 : i32
      %dma_start3A_435 = tpu.memref_slice %arg4[%add3A_199, %dma_start3A_434] : memref<50176x8xf32, #tpu.memory_space<hbm>> -> memref<784x8xf32, #tpu.memory_space<hbm>>
      tpu.enqueue_dma source(%dma_start3A_435 : memref<784x8xf32, #tpu.memory_space<hbm>>) target(%arg12 : memref<784x8xf32, #tpu.memory_space<vmem>>) target_semaphore(%run_scoped3A_432 : memref<!tpu.dma_semaphore, #tpu.memory_space<semaphore_mem>>)
      %dma_wait3A = arith.constant 0 : i32
      %dma_wait3A_436 = tpu.memref_slice %arg4[%add3A_199, %dma_wait3A] : memref<50176x8xf32, #tpu.memory_space<hbm>> -> memref<784x8xf32, #tpu.memory_space<hbm>>
      %dma_wait3A_437 = arith.constant 0 : i32
      %dma_wait3A_438 = tpu.memref_slice %arg4[%add3A_199, %dma_wait3A_437] : memref<50176x8xf32, #tpu.memory_space<hbm>> -> memref<784x8xf32, #tpu.memory_space<hbm>>
      tpu.wait_dma2 semaphore(%run_scoped3A_432 : memref<!tpu.dma_semaphore, #tpu.memory_space<semaphore_mem>>) src(%dma_wait3A_438 : memref<784x8xf32, #tpu.memory_space<hbm>>) dst(%arg12 : memref<784x8xf32, #tpu.memory_space<vmem>>)
      tpu.yield
    }) : () -> ()
    "tpu.region"() ({
      %run_scoped3A_432 = tpu.sem_alloc : memref<!tpu.dma_semaphore, #tpu.memory_space<semaphore_mem>>
      %dma_start3A = arith.constant 0 : i32
      %dma_start3A_433 = tpu.memref_slice %arg11[%add3A_199, %dma_start3A] : memref<50176x8xf32, #tpu.memory_space<vmem_shared>> -> memref<784x8xf32, #tpu.memory_space<vmem_shared>>
      %dma_start3A_434 = arith.constant 0 : i32
      %dma_start3A_435 = tpu.memref_slice %arg11[%add3A_199, %dma_start3A_434] : memref<50176x8xf32, #tpu.memory_space<vmem_shared>> -> memref<784x8xf32, #tpu.memory_space<vmem_shared>>
      tpu.enqueue_dma source(%arg12 : memref<784x8xf32, #tpu.memory_space<vmem>>) target(%dma_start3A_435 : memref<784x8xf32, #tpu.memory_space<vmem_shared>>) target_semaphore(%run_scoped3A_432 : memref<!tpu.dma_semaphore, #tpu.memory_space<semaphore_mem>>)
      %dma_wait3A = arith.constant 0 : i32
      %dma_wait3A_436 = tpu.memref_slice %arg11[%add3A_199, %dma_wait3A] : memref<50176x8xf32, #tpu.memory_space<vmem_shared>> -> memref<784x8xf32, #tpu.memory_space<vmem_shared>>
      %dma_wait3A_437 = arith.constant 0 : i32
      %dma_wait3A_438 = tpu.memref_slice %arg11[%add3A_199, %dma_wait3A_437] : memref<50176x8xf32, #tpu.memory_space<vmem_shared>> -> memref<784x8xf32, #tpu.memory_space<vmem_shared>>
      tpu.wait_dma2 semaphore(%run_scoped3A_432 : memref<!tpu.dma_semaphore, #tpu.memory_space<semaphore_mem>>) src(%arg12 : memref<784x8xf32, #tpu.memory_space<vmem>>) dst(%dma_wait3A_438 : memref<784x8xf32, #tpu.memory_space<vmem_shared>>)
      tpu.yield
    }) : () -> ()
    %add3A_296 = arith.constant 2352 : i32
    %add3A_297 = arith.addi %mul3A_2, %add3A_296 : i32
    %mul3A_298 = arith.constant 3 : i32
    %mul3A_299 = arith.muli %mul3A_298, %add3A_297 : i32
    %run_scoped3A_300 = arith.constant 0 : i32
    "tpu.region"() ({
      %run_scoped3A_432 = tpu.sem_alloc : memref<!tpu.dma_semaphore, #tpu.memory_space<semaphore_mem>>
      %dma_start3A = tpu.memref_slice %arg2[%run_scoped3A_300, %mul3A_299] : memref<2x150528xf32, #tpu.memory_space<hbm>> -> memref<1x2352xf32, #tpu.memory_space<hbm>>
      %dma_start3A_433 = tpu.memref_squeeze %dma_start3A : memref<1x2352xf32, #tpu.memory_space<hbm>> -> memref<2352xf32, #tpu.memory_space<hbm>>
      %dma_start3A_434 = tpu.memref_slice %arg2[%run_scoped3A_300, %mul3A_299] : memref<2x150528xf32, #tpu.memory_space<hbm>> -> memref<1x2352xf32, #tpu.memory_space<hbm>>
      %dma_start3A_435 = tpu.memref_squeeze %dma_start3A_434 : memref<1x2352xf32, #tpu.memory_space<hbm>> -> memref<2352xf32, #tpu.memory_space<hbm>>
      tpu.enqueue_dma source(%dma_start3A_435 : memref<2352xf32, #tpu.memory_space<hbm>>) target(%arg13 : memref<2352xf32, #tpu.memory_space<vmem>>) target_semaphore(%run_scoped3A_432 : memref<!tpu.dma_semaphore, #tpu.memory_space<semaphore_mem>>)
      %dma_wait3A = tpu.memref_slice %arg2[%run_scoped3A_300, %mul3A_299] : memref<2x150528xf32, #tpu.memory_space<hbm>> -> memref<1x2352xf32, #tpu.memory_space<hbm>>
      %dma_wait3A_436 = tpu.memref_squeeze %dma_wait3A : memref<1x2352xf32, #tpu.memory_space<hbm>> -> memref<2352xf32, #tpu.memory_space<hbm>>
      %dma_wait3A_437 = tpu.memref_slice %arg2[%run_scoped3A_300, %mul3A_299] : memref<2x150528xf32, #tpu.memory_space<hbm>> -> memref<1x2352xf32, #tpu.memory_space<hbm>>
      %dma_wait3A_438 = tpu.memref_squeeze %dma_wait3A_437 : memref<1x2352xf32, #tpu.memory_space<hbm>> -> memref<2352xf32, #tpu.memory_space<hbm>>
      tpu.wait_dma2 semaphore(%run_scoped3A_432 : memref<!tpu.dma_semaphore, #tpu.memory_space<semaphore_mem>>) src(%dma_wait3A_438 : memref<2352xf32, #tpu.memory_space<hbm>>) dst(%arg13 : memref<2352xf32, #tpu.memory_space<vmem>>)
      tpu.yield
    }) : () -> ()
    %mul3A_301 = arith.constant 3 : i32
    %mul3A_302 = arith.muli %mul3A_301, %add3A_297 : i32
    %run_scoped3A_303 = arith.constant 1 : i32
    "tpu.region"() ({
      %run_scoped3A_432 = tpu.sem_alloc : memref<!tpu.dma_semaphore, #tpu.memory_space<semaphore_mem>>
      %dma_start3A = tpu.memref_slice %arg2[%run_scoped3A_303, %mul3A_302] : memref<2x150528xf32, #tpu.memory_space<hbm>> -> memref<1x2352xf32, #tpu.memory_space<hbm>>
      %dma_start3A_433 = tpu.memref_squeeze %dma_start3A : memref<1x2352xf32, #tpu.memory_space<hbm>> -> memref<2352xf32, #tpu.memory_space<hbm>>
      %dma_start3A_434 = tpu.memref_slice %arg2[%run_scoped3A_303, %mul3A_302] : memref<2x150528xf32, #tpu.memory_space<hbm>> -> memref<1x2352xf32, #tpu.memory_space<hbm>>
      %dma_start3A_435 = tpu.memref_squeeze %dma_start3A_434 : memref<1x2352xf32, #tpu.memory_space<hbm>> -> memref<2352xf32, #tpu.memory_space<hbm>>
      tpu.enqueue_dma source(%dma_start3A_435 : memref<2352xf32, #tpu.memory_space<hbm>>) target(%arg14 : memref<2352xf32, #tpu.memory_space<vmem>>) target_semaphore(%run_scoped3A_432 : memref<!tpu.dma_semaphore, #tpu.memory_space<semaphore_mem>>)
      %dma_wait3A = tpu.memref_slice %arg2[%run_scoped3A_303, %mul3A_302] : memref<2x150528xf32, #tpu.memory_space<hbm>> -> memref<1x2352xf32, #tpu.memory_space<hbm>>
      %dma_wait3A_436 = tpu.memref_squeeze %dma_wait3A : memref<1x2352xf32, #tpu.memory_space<hbm>> -> memref<2352xf32, #tpu.memory_space<hbm>>
      %dma_wait3A_437 = tpu.memref_slice %arg2[%run_scoped3A_303, %mul3A_302] : memref<2x150528xf32, #tpu.memory_space<hbm>> -> memref<1x2352xf32, #tpu.memory_space<hbm>>
      %dma_wait3A_438 = tpu.memref_squeeze %dma_wait3A_437 : memref<1x2352xf32, #tpu.memory_space<hbm>> -> memref<2352xf32, #tpu.memory_space<hbm>>
      tpu.wait_dma2 semaphore(%run_scoped3A_432 : memref<!tpu.dma_semaphore, #tpu.memory_space<semaphore_mem>>) src(%dma_wait3A_438 : memref<2352xf32, #tpu.memory_space<hbm>>) dst(%arg14 : memref<2352xf32, #tpu.memory_space<vmem>>)
      tpu.yield
    }) : () -> ()
    %run_scoped3A_304 = arith.constant 0 : i32
    %run_scoped3A_305 = arith.constant 0 : i32
    %run_scoped3A_306 = arith.constant 0 : i32
    "tpu.region"() ({
      %run_scoped3A_432 = tpu.sem_alloc : memref<!tpu.dma_semaphore, #tpu.memory_space<semaphore_mem>>
      %dma_start3A = arith.constant 0 : i32
      %dma_start3A_433 = tpu.memref_slice %arg15[%run_scoped3A_306, %dma_start3A] : memref<6x784xf32, #tpu.memory_space<vmem>> -> memref<1x784xf32, #tpu.memory_space<vmem>>
      %dma_start3A_434 = tpu.memref_squeeze %dma_start3A_433 : memref<1x784xf32, #tpu.memory_space<vmem>> -> memref<784xf32, #tpu.memory_space<vmem>>
      %dma_start3A_435 = tpu.memref_slice %arg3[%run_scoped3A_304, %run_scoped3A_305, %add3A_297] : memref<3x2x50176xf32, #tpu.memory_space<hbm>> -> memref<1x1x784xf32, #tpu.memory_space<hbm>>
      %dma_start3A_436 = tpu.memref_squeeze %dma_start3A_435 : memref<1x1x784xf32, #tpu.memory_space<hbm>> -> memref<784xf32, #tpu.memory_space<hbm>>
      %dma_start3A_437 = arith.constant 0 : i32
      %dma_start3A_438 = tpu.memref_slice %arg15[%run_scoped3A_306, %dma_start3A_437] : memref<6x784xf32, #tpu.memory_space<vmem>> -> memref<1x784xf32, #tpu.memory_space<vmem>>
      %dma_start3A_439 = tpu.memref_squeeze %dma_start3A_438 : memref<1x784xf32, #tpu.memory_space<vmem>> -> memref<784xf32, #tpu.memory_space<vmem>>
      %dma_start3A_440 = tpu.memref_slice %arg3[%run_scoped3A_304, %run_scoped3A_305, %add3A_297] : memref<3x2x50176xf32, #tpu.memory_space<hbm>> -> memref<1x1x784xf32, #tpu.memory_space<hbm>>
      %dma_start3A_441 = tpu.memref_squeeze %dma_start3A_440 : memref<1x1x784xf32, #tpu.memory_space<hbm>> -> memref<784xf32, #tpu.memory_space<hbm>>
      tpu.enqueue_dma source(%dma_start3A_441 : memref<784xf32, #tpu.memory_space<hbm>>) target(%dma_start3A_439 : memref<784xf32, #tpu.memory_space<vmem>>) target_semaphore(%run_scoped3A_432 : memref<!tpu.dma_semaphore, #tpu.memory_space<semaphore_mem>>)
      %dma_wait3A = arith.constant 0 : i32
      %dma_wait3A_442 = tpu.memref_slice %arg15[%run_scoped3A_306, %dma_wait3A] : memref<6x784xf32, #tpu.memory_space<vmem>> -> memref<1x784xf32, #tpu.memory_space<vmem>>
      %dma_wait3A_443 = tpu.memref_squeeze %dma_wait3A_442 : memref<1x784xf32, #tpu.memory_space<vmem>> -> memref<784xf32, #tpu.memory_space<vmem>>
      %dma_wait3A_444 = tpu.memref_slice %arg3[%run_scoped3A_304, %run_scoped3A_305, %add3A_297] : memref<3x2x50176xf32, #tpu.memory_space<hbm>> -> memref<1x1x784xf32, #tpu.memory_space<hbm>>
      %dma_wait3A_445 = tpu.memref_squeeze %dma_wait3A_444 : memref<1x1x784xf32, #tpu.memory_space<hbm>> -> memref<784xf32, #tpu.memory_space<hbm>>
      %dma_wait3A_446 = arith.constant 0 : i32
      %dma_wait3A_447 = tpu.memref_slice %arg15[%run_scoped3A_306, %dma_wait3A_446] : memref<6x784xf32, #tpu.memory_space<vmem>> -> memref<1x784xf32, #tpu.memory_space<vmem>>
      %dma_wait3A_448 = tpu.memref_squeeze %dma_wait3A_447 : memref<1x784xf32, #tpu.memory_space<vmem>> -> memref<784xf32, #tpu.memory_space<vmem>>
      %dma_wait3A_449 = tpu.memref_slice %arg3[%run_scoped3A_304, %run_scoped3A_305, %add3A_297] : memref<3x2x50176xf32, #tpu.memory_space<hbm>> -> memref<1x1x784xf32, #tpu.memory_space<hbm>>
      %dma_wait3A_450 = tpu.memref_squeeze %dma_wait3A_449 : memref<1x1x784xf32, #tpu.memory_space<hbm>> -> memref<784xf32, #tpu.memory_space<hbm>>
      tpu.wait_dma2 semaphore(%run_scoped3A_432 : memref<!tpu.dma_semaphore, #tpu.memory_space<semaphore_mem>>) src(%dma_wait3A_450 : memref<784xf32, #tpu.memory_space<hbm>>) dst(%dma_wait3A_448 : memref<784xf32, #tpu.memory_space<vmem>>)
      tpu.yield
    }) : () -> ()
    %run_scoped3A_307 = arith.constant 0 : i32
    %run_scoped3A_308 = arith.constant 1 : i32
    %run_scoped3A_309 = arith.constant 1 : i32
    "tpu.region"() ({
      %run_scoped3A_432 = tpu.sem_alloc : memref<!tpu.dma_semaphore, #tpu.memory_space<semaphore_mem>>
      %dma_start3A = arith.constant 0 : i32
      %dma_start3A_433 = tpu.memref_slice %arg15[%run_scoped3A_309, %dma_start3A] : memref<6x784xf32, #tpu.memory_space<vmem>> -> memref<1x784xf32, #tpu.memory_space<vmem>>
      %dma_start3A_434 = tpu.memref_squeeze %dma_start3A_433 : memref<1x784xf32, #tpu.memory_space<vmem>> -> memref<784xf32, #tpu.memory_space<vmem>>
      %dma_start3A_435 = tpu.memref_slice %arg3[%run_scoped3A_307, %run_scoped3A_308, %add3A_297] : memref<3x2x50176xf32, #tpu.memory_space<hbm>> -> memref<1x1x784xf32, #tpu.memory_space<hbm>>
      %dma_start3A_436 = tpu.memref_squeeze %dma_start3A_435 : memref<1x1x784xf32, #tpu.memory_space<hbm>> -> memref<784xf32, #tpu.memory_space<hbm>>
      %dma_start3A_437 = arith.constant 0 : i32
      %dma_start3A_438 = tpu.memref_slice %arg15[%run_scoped3A_309, %dma_start3A_437] : memref<6x784xf32, #tpu.memory_space<vmem>> -> memref<1x784xf32, #tpu.memory_space<vmem>>
      %dma_start3A_439 = tpu.memref_squeeze %dma_start3A_438 : memref<1x784xf32, #tpu.memory_space<vmem>> -> memref<784xf32, #tpu.memory_space<vmem>>
      %dma_start3A_440 = tpu.memref_slice %arg3[%run_scoped3A_307, %run_scoped3A_308, %add3A_297] : memref<3x2x50176xf32, #tpu.memory_space<hbm>> -> memref<1x1x784xf32, #tpu.memory_space<hbm>>
      %dma_start3A_441 = tpu.memref_squeeze %dma_start3A_440 : memref<1x1x784xf32, #tpu.memory_space<hbm>> -> memref<784xf32, #tpu.memory_space<hbm>>
      tpu.enqueue_dma source(%dma_start3A_441 : memref<784xf32, #tpu.memory_space<hbm>>) target(%dma_start3A_439 : memref<784xf32, #tpu.memory_space<vmem>>) target_semaphore(%run_scoped3A_432 : memref<!tpu.dma_semaphore, #tpu.memory_space<semaphore_mem>>)
      %dma_wait3A = arith.constant 0 : i32
      %dma_wait3A_442 = tpu.memref_slice %arg15[%run_scoped3A_309, %dma_wait3A] : memref<6x784xf32, #tpu.memory_space<vmem>> -> memref<1x784xf32, #tpu.memory_space<vmem>>
      %dma_wait3A_443 = tpu.memref_squeeze %dma_wait3A_442 : memref<1x784xf32, #tpu.memory_space<vmem>> -> memref<784xf32, #tpu.memory_space<vmem>>
      %dma_wait3A_444 = tpu.memref_slice %arg3[%run_scoped3A_307, %run_scoped3A_308, %add3A_297] : memref<3x2x50176xf32, #tpu.memory_space<hbm>> -> memref<1x1x784xf32, #tpu.memory_space<hbm>>
      %dma_wait3A_445 = tpu.memref_squeeze %dma_wait3A_444 : memref<1x1x784xf32, #tpu.memory_space<hbm>> -> memref<784xf32, #tpu.memory_space<hbm>>
      %dma_wait3A_446 = arith.constant 0 : i32
      %dma_wait3A_447 = tpu.memref_slice %arg15[%run_scoped3A_309, %dma_wait3A_446] : memref<6x784xf32, #tpu.memory_space<vmem>> -> memref<1x784xf32, #tpu.memory_space<vmem>>
      %dma_wait3A_448 = tpu.memref_squeeze %dma_wait3A_447 : memref<1x784xf32, #tpu.memory_space<vmem>> -> memref<784xf32, #tpu.memory_space<vmem>>
      %dma_wait3A_449 = tpu.memref_slice %arg3[%run_scoped3A_307, %run_scoped3A_308, %add3A_297] : memref<3x2x50176xf32, #tpu.memory_space<hbm>> -> memref<1x1x784xf32, #tpu.memory_space<hbm>>
      %dma_wait3A_450 = tpu.memref_squeeze %dma_wait3A_449 : memref<1x1x784xf32, #tpu.memory_space<hbm>> -> memref<784xf32, #tpu.memory_space<hbm>>
      tpu.wait_dma2 semaphore(%run_scoped3A_432 : memref<!tpu.dma_semaphore, #tpu.memory_space<semaphore_mem>>) src(%dma_wait3A_450 : memref<784xf32, #tpu.memory_space<hbm>>) dst(%dma_wait3A_448 : memref<784xf32, #tpu.memory_space<vmem>>)
      tpu.yield
    }) : () -> ()
    %run_scoped3A_310 = arith.constant 1 : i32
    %run_scoped3A_311 = arith.constant 0 : i32
    %run_scoped3A_312 = arith.constant 2 : i32
    "tpu.region"() ({
      %run_scoped3A_432 = tpu.sem_alloc : memref<!tpu.dma_semaphore, #tpu.memory_space<semaphore_mem>>
      %dma_start3A = arith.constant 0 : i32
      %dma_start3A_433 = tpu.memref_slice %arg15[%run_scoped3A_312, %dma_start3A] : memref<6x784xf32, #tpu.memory_space<vmem>> -> memref<1x784xf32, #tpu.memory_space<vmem>>
      %dma_start3A_434 = tpu.memref_squeeze %dma_start3A_433 : memref<1x784xf32, #tpu.memory_space<vmem>> -> memref<784xf32, #tpu.memory_space<vmem>>
      %dma_start3A_435 = tpu.memref_slice %arg3[%run_scoped3A_310, %run_scoped3A_311, %add3A_297] : memref<3x2x50176xf32, #tpu.memory_space<hbm>> -> memref<1x1x784xf32, #tpu.memory_space<hbm>>
      %dma_start3A_436 = tpu.memref_squeeze %dma_start3A_435 : memref<1x1x784xf32, #tpu.memory_space<hbm>> -> memref<784xf32, #tpu.memory_space<hbm>>
      %dma_start3A_437 = arith.constant 0 : i32
      %dma_start3A_438 = tpu.memref_slice %arg15[%run_scoped3A_312, %dma_start3A_437] : memref<6x784xf32, #tpu.memory_space<vmem>> -> memref<1x784xf32, #tpu.memory_space<vmem>>
      %dma_start3A_439 = tpu.memref_squeeze %dma_start3A_438 : memref<1x784xf32, #tpu.memory_space<vmem>> -> memref<784xf32, #tpu.memory_space<vmem>>
      %dma_start3A_440 = tpu.memref_slice %arg3[%run_scoped3A_310, %run_scoped3A_311, %add3A_297] : memref<3x2x50176xf32, #tpu.memory_space<hbm>> -> memref<1x1x784xf32, #tpu.memory_space<hbm>>
      %dma_start3A_441 = tpu.memref_squeeze %dma_start3A_440 : memref<1x1x784xf32, #tpu.memory_space<hbm>> -> memref<784xf32, #tpu.memory_space<hbm>>
      tpu.enqueue_dma source(%dma_start3A_441 : memref<784xf32, #tpu.memory_space<hbm>>) target(%dma_start3A_439 : memref<784xf32, #tpu.memory_space<vmem>>) target_semaphore(%run_scoped3A_432 : memref<!tpu.dma_semaphore, #tpu.memory_space<semaphore_mem>>)
      %dma_wait3A = arith.constant 0 : i32
      %dma_wait3A_442 = tpu.memref_slice %arg15[%run_scoped3A_312, %dma_wait3A] : memref<6x784xf32, #tpu.memory_space<vmem>> -> memref<1x784xf32, #tpu.memory_space<vmem>>
      %dma_wait3A_443 = tpu.memref_squeeze %dma_wait3A_442 : memref<1x784xf32, #tpu.memory_space<vmem>> -> memref<784xf32, #tpu.memory_space<vmem>>
      %dma_wait3A_444 = tpu.memref_slice %arg3[%run_scoped3A_310, %run_scoped3A_311, %add3A_297] : memref<3x2x50176xf32, #tpu.memory_space<hbm>> -> memref<1x1x784xf32, #tpu.memory_space<hbm>>
      %dma_wait3A_445 = tpu.memref_squeeze %dma_wait3A_444 : memref<1x1x784xf32, #tpu.memory_space<hbm>> -> memref<784xf32, #tpu.memory_space<hbm>>
      %dma_wait3A_446 = arith.constant 0 : i32
      %dma_wait3A_447 = tpu.memref_slice %arg15[%run_scoped3A_312, %dma_wait3A_446] : memref<6x784xf32, #tpu.memory_space<vmem>> -> memref<1x784xf32, #tpu.memory_space<vmem>>
      %dma_wait3A_448 = tpu.memref_squeeze %dma_wait3A_447 : memref<1x784xf32, #tpu.memory_space<vmem>> -> memref<784xf32, #tpu.memory_space<vmem>>
      %dma_wait3A_449 = tpu.memref_slice %arg3[%run_scoped3A_310, %run_scoped3A_311, %add3A_297] : memref<3x2x50176xf32, #tpu.memory_space<hbm>> -> memref<1x1x784xf32, #tpu.memory_space<hbm>>
      %dma_wait3A_450 = tpu.memref_squeeze %dma_wait3A_449 : memref<1x1x784xf32, #tpu.memory_space<hbm>> -> memref<784xf32, #tpu.memory_space<hbm>>
      tpu.wait_dma2 semaphore(%run_scoped3A_432 : memref<!tpu.dma_semaphore, #tpu.memory_space<semaphore_mem>>) src(%dma_wait3A_450 : memref<784xf32, #tpu.memory_space<hbm>>) dst(%dma_wait3A_448 : memref<784xf32, #tpu.memory_space<vmem>>)
      tpu.yield
    }) : () -> ()
    %run_scoped3A_313 = arith.constant 1 : i32
    %run_scoped3A_314 = arith.constant 1 : i32
    %run_scoped3A_315 = arith.constant 3 : i32
    "tpu.region"() ({
      %run_scoped3A_432 = tpu.sem_alloc : memref<!tpu.dma_semaphore, #tpu.memory_space<semaphore_mem>>
      %dma_start3A = arith.constant 0 : i32
      %dma_start3A_433 = tpu.memref_slice %arg15[%run_scoped3A_315, %dma_start3A] : memref<6x784xf32, #tpu.memory_space<vmem>> -> memref<1x784xf32, #tpu.memory_space<vmem>>
      %dma_start3A_434 = tpu.memref_squeeze %dma_start3A_433 : memref<1x784xf32, #tpu.memory_space<vmem>> -> memref<784xf32, #tpu.memory_space<vmem>>
      %dma_start3A_435 = tpu.memref_slice %arg3[%run_scoped3A_313, %run_scoped3A_314, %add3A_297] : memref<3x2x50176xf32, #tpu.memory_space<hbm>> -> memref<1x1x784xf32, #tpu.memory_space<hbm>>
      %dma_start3A_436 = tpu.memref_squeeze %dma_start3A_435 : memref<1x1x784xf32, #tpu.memory_space<hbm>> -> memref<784xf32, #tpu.memory_space<hbm>>
      %dma_start3A_437 = arith.constant 0 : i32
      %dma_start3A_438 = tpu.memref_slice %arg15[%run_scoped3A_315, %dma_start3A_437] : memref<6x784xf32, #tpu.memory_space<vmem>> -> memref<1x784xf32, #tpu.memory_space<vmem>>
      %dma_start3A_439 = tpu.memref_squeeze %dma_start3A_438 : memref<1x784xf32, #tpu.memory_space<vmem>> -> memref<784xf32, #tpu.memory_space<vmem>>
      %dma_start3A_440 = tpu.memref_slice %arg3[%run_scoped3A_313, %run_scoped3A_314, %add3A_297] : memref<3x2x50176xf32, #tpu.memory_space<hbm>> -> memref<1x1x784xf32, #tpu.memory_space<hbm>>
      %dma_start3A_441 = tpu.memref_squeeze %dma_start3A_440 : memref<1x1x784xf32, #tpu.memory_space<hbm>> -> memref<784xf32, #tpu.memory_space<hbm>>
      tpu.enqueue_dma source(%dma_start3A_441 : memref<784xf32, #tpu.memory_space<hbm>>) target(%dma_start3A_439 : memref<784xf32, #tpu.memory_space<vmem>>) target_semaphore(%run_scoped3A_432 : memref<!tpu.dma_semaphore, #tpu.memory_space<semaphore_mem>>)
      %dma_wait3A = arith.constant 0 : i32
      %dma_wait3A_442 = tpu.memref_slice %arg15[%run_scoped3A_315, %dma_wait3A] : memref<6x784xf32, #tpu.memory_space<vmem>> -> memref<1x784xf32, #tpu.memory_space<vmem>>
      %dma_wait3A_443 = tpu.memref_squeeze %dma_wait3A_442 : memref<1x784xf32, #tpu.memory_space<vmem>> -> memref<784xf32, #tpu.memory_space<vmem>>
      %dma_wait3A_444 = tpu.memref_slice %arg3[%run_scoped3A_313, %run_scoped3A_314, %add3A_297] : memref<3x2x50176xf32, #tpu.memory_space<hbm>> -> memref<1x1x784xf32, #tpu.memory_space<hbm>>
      %dma_wait3A_445 = tpu.memref_squeeze %dma_wait3A_444 : memref<1x1x784xf32, #tpu.memory_space<hbm>> -> memref<784xf32, #tpu.memory_space<hbm>>
      %dma_wait3A_446 = arith.constant 0 : i32
      %dma_wait3A_447 = tpu.memref_slice %arg15[%run_scoped3A_315, %dma_wait3A_446] : memref<6x784xf32, #tpu.memory_space<vmem>> -> memref<1x784xf32, #tpu.memory_space<vmem>>
      %dma_wait3A_448 = tpu.memref_squeeze %dma_wait3A_447 : memref<1x784xf32, #tpu.memory_space<vmem>> -> memref<784xf32, #tpu.memory_space<vmem>>
      %dma_wait3A_449 = tpu.memref_slice %arg3[%run_scoped3A_313, %run_scoped3A_314, %add3A_297] : memref<3x2x50176xf32, #tpu.memory_space<hbm>> -> memref<1x1x784xf32, #tpu.memory_space<hbm>>
      %dma_wait3A_450 = tpu.memref_squeeze %dma_wait3A_449 : memref<1x1x784xf32, #tpu.memory_space<hbm>> -> memref<784xf32, #tpu.memory_space<hbm>>
      tpu.wait_dma2 semaphore(%run_scoped3A_432 : memref<!tpu.dma_semaphore, #tpu.memory_space<semaphore_mem>>) src(%dma_wait3A_450 : memref<784xf32, #tpu.memory_space<hbm>>) dst(%dma_wait3A_448 : memref<784xf32, #tpu.memory_space<vmem>>)
      tpu.yield
    }) : () -> ()
    %run_scoped3A_316 = arith.constant 2 : i32
    %run_scoped3A_317 = arith.constant 0 : i32
    %run_scoped3A_318 = arith.constant 4 : i32
    "tpu.region"() ({
      %run_scoped3A_432 = tpu.sem_alloc : memref<!tpu.dma_semaphore, #tpu.memory_space<semaphore_mem>>
      %dma_start3A = arith.constant 0 : i32
      %dma_start3A_433 = tpu.memref_slice %arg15[%run_scoped3A_318, %dma_start3A] : memref<6x784xf32, #tpu.memory_space<vmem>> -> memref<1x784xf32, #tpu.memory_space<vmem>>
      %dma_start3A_434 = tpu.memref_squeeze %dma_start3A_433 : memref<1x784xf32, #tpu.memory_space<vmem>> -> memref<784xf32, #tpu.memory_space<vmem>>
      %dma_start3A_435 = tpu.memref_slice %arg3[%run_scoped3A_316, %run_scoped3A_317, %add3A_297] : memref<3x2x50176xf32, #tpu.memory_space<hbm>> -> memref<1x1x784xf32, #tpu.memory_space<hbm>>
      %dma_start3A_436 = tpu.memref_squeeze %dma_start3A_435 : memref<1x1x784xf32, #tpu.memory_space<hbm>> -> memref<784xf32, #tpu.memory_space<hbm>>
      %dma_start3A_437 = arith.constant 0 : i32
      %dma_start3A_438 = tpu.memref_slice %arg15[%run_scoped3A_318, %dma_start3A_437] : memref<6x784xf32, #tpu.memory_space<vmem>> -> memref<1x784xf32, #tpu.memory_space<vmem>>
      %dma_start3A_439 = tpu.memref_squeeze %dma_start3A_438 : memref<1x784xf32, #tpu.memory_space<vmem>> -> memref<784xf32, #tpu.memory_space<vmem>>
      %dma_start3A_440 = tpu.memref_slice %arg3[%run_scoped3A_316, %run_scoped3A_317, %add3A_297] : memref<3x2x50176xf32, #tpu.memory_space<hbm>> -> memref<1x1x784xf32, #tpu.memory_space<hbm>>
      %dma_start3A_441 = tpu.memref_squeeze %dma_start3A_440 : memref<1x1x784xf32, #tpu.memory_space<hbm>> -> memref<784xf32, #tpu.memory_space<hbm>>
      tpu.enqueue_dma source(%dma_start3A_441 : memref<784xf32, #tpu.memory_space<hbm>>) target(%dma_start3A_439 : memref<784xf32, #tpu.memory_space<vmem>>) target_semaphore(%run_scoped3A_432 : memref<!tpu.dma_semaphore, #tpu.memory_space<semaphore_mem>>)
      %dma_wait3A = arith.constant 0 : i32
      %dma_wait3A_442 = tpu.memref_slice %arg15[%run_scoped3A_318, %dma_wait3A] : memref<6x784xf32, #tpu.memory_space<vmem>> -> memref<1x784xf32, #tpu.memory_space<vmem>>
      %dma_wait3A_443 = tpu.memref_squeeze %dma_wait3A_442 : memref<1x784xf32, #tpu.memory_space<vmem>> -> memref<784xf32, #tpu.memory_space<vmem>>
      %dma_wait3A_444 = tpu.memref_slice %arg3[%run_scoped3A_316, %run_scoped3A_317, %add3A_297] : memref<3x2x50176xf32, #tpu.memory_space<hbm>> -> memref<1x1x784xf32, #tpu.memory_space<hbm>>
      %dma_wait3A_445 = tpu.memref_squeeze %dma_wait3A_444 : memref<1x1x784xf32, #tpu.memory_space<hbm>> -> memref<784xf32, #tpu.memory_space<hbm>>
      %dma_wait3A_446 = arith.constant 0 : i32
      %dma_wait3A_447 = tpu.memref_slice %arg15[%run_scoped3A_318, %dma_wait3A_446] : memref<6x784xf32, #tpu.memory_space<vmem>> -> memref<1x784xf32, #tpu.memory_space<vmem>>
      %dma_wait3A_448 = tpu.memref_squeeze %dma_wait3A_447 : memref<1x784xf32, #tpu.memory_space<vmem>> -> memref<784xf32, #tpu.memory_space<vmem>>
      %dma_wait3A_449 = tpu.memref_slice %arg3[%run_scoped3A_316, %run_scoped3A_317, %add3A_297] : memref<3x2x50176xf32, #tpu.memory_space<hbm>> -> memref<1x1x784xf32, #tpu.memory_space<hbm>>
      %dma_wait3A_450 = tpu.memref_squeeze %dma_wait3A_449 : memref<1x1x784xf32, #tpu.memory_space<hbm>> -> memref<784xf32, #tpu.memory_space<hbm>>
      tpu.wait_dma2 semaphore(%run_scoped3A_432 : memref<!tpu.dma_semaphore, #tpu.memory_space<semaphore_mem>>) src(%dma_wait3A_450 : memref<784xf32, #tpu.memory_space<hbm>>) dst(%dma_wait3A_448 : memref<784xf32, #tpu.memory_space<vmem>>)
      tpu.yield
    }) : () -> ()
    %run_scoped3A_319 = arith.constant 2 : i32
    %run_scoped3A_320 = arith.constant 1 : i32
    %run_scoped3A_321 = arith.constant 5 : i32
    "tpu.region"() ({
      %run_scoped3A_432 = tpu.sem_alloc : memref<!tpu.dma_semaphore, #tpu.memory_space<semaphore_mem>>
      %dma_start3A = arith.constant 0 : i32
      %dma_start3A_433 = tpu.memref_slice %arg15[%run_scoped3A_321, %dma_start3A] : memref<6x784xf32, #tpu.memory_space<vmem>> -> memref<1x784xf32, #tpu.memory_space<vmem>>
      %dma_start3A_434 = tpu.memref_squeeze %dma_start3A_433 : memref<1x784xf32, #tpu.memory_space<vmem>> -> memref<784xf32, #tpu.memory_space<vmem>>
      %dma_start3A_435 = tpu.memref_slice %arg3[%run_scoped3A_319, %run_scoped3A_320, %add3A_297] : memref<3x2x50176xf32, #tpu.memory_space<hbm>> -> memref<1x1x784xf32, #tpu.memory_space<hbm>>
      %dma_start3A_436 = tpu.memref_squeeze %dma_start3A_435 : memref<1x1x784xf32, #tpu.memory_space<hbm>> -> memref<784xf32, #tpu.memory_space<hbm>>
      %dma_start3A_437 = arith.constant 0 : i32
      %dma_start3A_438 = tpu.memref_slice %arg15[%run_scoped3A_321, %dma_start3A_437] : memref<6x784xf32, #tpu.memory_space<vmem>> -> memref<1x784xf32, #tpu.memory_space<vmem>>
      %dma_start3A_439 = tpu.memref_squeeze %dma_start3A_438 : memref<1x784xf32, #tpu.memory_space<vmem>> -> memref<784xf32, #tpu.memory_space<vmem>>
      %dma_start3A_440 = tpu.memref_slice %arg3[%run_scoped3A_319, %run_scoped3A_320, %add3A_297] : memref<3x2x50176xf32, #tpu.memory_space<hbm>> -> memref<1x1x784xf32, #tpu.memory_space<hbm>>
      %dma_start3A_441 = tpu.memref_squeeze %dma_start3A_440 : memref<1x1x784xf32, #tpu.memory_space<hbm>> -> memref<784xf32, #tpu.memory_space<hbm>>
      tpu.enqueue_dma source(%dma_start3A_441 : memref<784xf32, #tpu.memory_space<hbm>>) target(%dma_start3A_439 : memref<784xf32, #tpu.memory_space<vmem>>) target_semaphore(%run_scoped3A_432 : memref<!tpu.dma_semaphore, #tpu.memory_space<semaphore_mem>>)
      %dma_wait3A = arith.constant 0 : i32
      %dma_wait3A_442 = tpu.memref_slice %arg15[%run_scoped3A_321, %dma_wait3A] : memref<6x784xf32, #tpu.memory_space<vmem>> -> memref<1x784xf32, #tpu.memory_space<vmem>>
      %dma_wait3A_443 = tpu.memref_squeeze %dma_wait3A_442 : memref<1x784xf32, #tpu.memory_space<vmem>> -> memref<784xf32, #tpu.memory_space<vmem>>
      %dma_wait3A_444 = tpu.memref_slice %arg3[%run_scoped3A_319, %run_scoped3A_320, %add3A_297] : memref<3x2x50176xf32, #tpu.memory_space<hbm>> -> memref<1x1x784xf32, #tpu.memory_space<hbm>>
      %dma_wait3A_445 = tpu.memref_squeeze %dma_wait3A_444 : memref<1x1x784xf32, #tpu.memory_space<hbm>> -> memref<784xf32, #tpu.memory_space<hbm>>
      %dma_wait3A_446 = arith.constant 0 : i32
      %dma_wait3A_447 = tpu.memref_slice %arg15[%run_scoped3A_321, %dma_wait3A_446] : memref<6x784xf32, #tpu.memory_space<vmem>> -> memref<1x784xf32, #tpu.memory_space<vmem>>
      %dma_wait3A_448 = tpu.memref_squeeze %dma_wait3A_447 : memref<1x784xf32, #tpu.memory_space<vmem>> -> memref<784xf32, #tpu.memory_space<vmem>>
      %dma_wait3A_449 = tpu.memref_slice %arg3[%run_scoped3A_319, %run_scoped3A_320, %add3A_297] : memref<3x2x50176xf32, #tpu.memory_space<hbm>> -> memref<1x1x784xf32, #tpu.memory_space<hbm>>
      %dma_wait3A_450 = tpu.memref_squeeze %dma_wait3A_449 : memref<1x1x784xf32, #tpu.memory_space<hbm>> -> memref<784xf32, #tpu.memory_space<hbm>>
      tpu.wait_dma2 semaphore(%run_scoped3A_432 : memref<!tpu.dma_semaphore, #tpu.memory_space<semaphore_mem>>) src(%dma_wait3A_450 : memref<784xf32, #tpu.memory_space<hbm>>) dst(%dma_wait3A_448 : memref<784xf32, #tpu.memory_space<vmem>>)
      tpu.yield
    }) : () -> ()
    %broadcast_in_dim3A_322 = arith.constant 0 : i32
    %broadcast_in_dim3A_323 = vector.broadcast %broadcast_in_dim3A_322 : i32 to vector<16xi32>
    %scan3A_324 = arith.constant 0 : i32
    %scan3A_325 = arith.constant 0 : i32
    %scan3A_326 = arith.constant 49 : i32
    %scan3A_327 = arith.addi %scan3A_325, %scan3A_326 : i32
    %scan3A_328 = arith.constant 1 : i32
    %scan3A_329 = scf.for %scan3A_432 = %scan3A_325 to %scan3A_327 step %scan3A_328 iter_args(%scan3A_433 = %scan3A_324) -> (i32)  : i32 {
      %mul3A_434 = arith.constant 16 : i32
      %mul3A_435 = arith.muli %scan3A_432, %mul3A_434 : i32
      %add3A_436 = vector.broadcast %mul3A_435 : i32 to vector<16xi32>
      %add3A_437 = arith.addi %add3A_436, %iota3A : vector<16xi32>
      %mul3A_438 = arith.constant 3 : i32
      %mul3A_439 = vector.broadcast %mul3A_438 : i32 to vector<16xi32>
      %mul3A_440 = arith.muli %mul3A_439, %add3A_437 : vector<16xi32>
      %add3A_441 = arith.constant 0 : i32
      %add3A_442 = vector.broadcast %add3A_441 : i32 to vector<16xi32>
      %add3A_443 = arith.addi %mul3A_440, %add3A_442 : vector<16xi32>
      %gather3A = tpu.vector_load_idx %arg13[%add3A_443] : memref<2352xf32, #tpu.memory_space<vmem>>[vector<16xi32>], vector<16xf32>,
      %mul3A_444 = arith.constant 16 : i32
      %mul3A_445 = arith.muli %scan3A_432, %mul3A_444 : i32
      %get3A = arith.constant 0 : i32
      %get3A_446 = arith.index_cast %get3A : i32 to index
      %get3A_447 = arith.index_cast %mul3A_445 : i32 to index
      %get3A_448 = tpu.vector_load %arg15[%get3A_446, %get3A_447] {strides = array<i32>} : memref<6x784xf32, #tpu.memory_space<vmem>>, vector<16xf32>,
      %sub3A = arith.subf %gather3A, %get3A_448 : vector<16xf32>
      tpu.vector_store_idx %arg12[%add3A_437, %broadcast_in_dim3A_323], %sub3A : memref<784x8xf32, #tpu.memory_space<vmem>>[vector<16xi32>, vector<16xi32>], vector<16xf32>,
      %scan3A_449 = arith.constant 0 : i32
      scf.yield %scan3A_449 : i32
    }
    %scan3A_330 = arith.constant 49 : i32
    %broadcast_in_dim3A_331 = arith.constant 3 : i32
    %broadcast_in_dim3A_332 = vector.broadcast %broadcast_in_dim3A_331 : i32 to vector<16xi32>
    %scan3A_333 = arith.constant 0 : i32
    %scan3A_334 = arith.constant 0 : i32
    %scan3A_335 = arith.constant 49 : i32
    %scan3A_336 = arith.addi %scan3A_334, %scan3A_335 : i32
    %scan3A_337 = arith.constant 1 : i32
    %scan3A_338 = scf.for %scan3A_432 = %scan3A_334 to %scan3A_336 step %scan3A_337 iter_args(%scan3A_433 = %scan3A_333) -> (i32)  : i32 {
      %mul3A_434 = arith.constant 16 : i32
      %mul3A_435 = arith.muli %scan3A_432, %mul3A_434 : i32
      %add3A_436 = vector.broadcast %mul3A_435 : i32 to vector<16xi32>
      %add3A_437 = arith.addi %add3A_436, %iota3A : vector<16xi32>
      %mul3A_438 = arith.constant 3 : i32
      %mul3A_439 = vector.broadcast %mul3A_438 : i32 to vector<16xi32>
      %mul3A_440 = arith.muli %mul3A_439, %add3A_437 : vector<16xi32>
      %add3A_441 = arith.constant 0 : i32
      %add3A_442 = vector.broadcast %add3A_441 : i32 to vector<16xi32>
      %add3A_443 = arith.addi %mul3A_440, %add3A_442 : vector<16xi32>
      %gather3A = tpu.vector_load_idx %arg14[%add3A_443] : memref<2352xf32, #tpu.memory_space<vmem>>[vector<16xi32>], vector<16xf32>,
      %mul3A_444 = arith.constant 16 : i32
      %mul3A_445 = arith.muli %scan3A_432, %mul3A_444 : i32
      %get3A = arith.constant 1 : i32
      %get3A_446 = arith.index_cast %get3A : i32 to index
      %get3A_447 = arith.index_cast %mul3A_445 : i32 to index
      %get3A_448 = tpu.vector_load %arg15[%get3A_446, %get3A_447] {strides = array<i32>} : memref<6x784xf32, #tpu.memory_space<vmem>>, vector<16xf32>,
      %sub3A = arith.subf %gather3A, %get3A_448 : vector<16xf32>
      tpu.vector_store_idx %arg12[%add3A_437, %broadcast_in_dim3A_332], %sub3A : memref<784x8xf32, #tpu.memory_space<vmem>>[vector<16xi32>, vector<16xi32>], vector<16xf32>,
      %scan3A_449 = arith.constant 0 : i32
      scf.yield %scan3A_449 : i32
    }
    %scan3A_339 = arith.constant 49 : i32
    %broadcast_in_dim3A_340 = arith.constant 1 : i32
    %broadcast_in_dim3A_341 = vector.broadcast %broadcast_in_dim3A_340 : i32 to vector<16xi32>
    %scan3A_342 = arith.constant 0 : i32
    %scan3A_343 = arith.constant 0 : i32
    %scan3A_344 = arith.constant 49 : i32
    %scan3A_345 = arith.addi %scan3A_343, %scan3A_344 : i32
    %scan3A_346 = arith.constant 1 : i32
    %scan3A_347 = scf.for %scan3A_432 = %scan3A_343 to %scan3A_345 step %scan3A_346 iter_args(%scan3A_433 = %scan3A_342) -> (i32)  : i32 {
      %mul3A_434 = arith.constant 16 : i32
      %mul3A_435 = arith.muli %scan3A_432, %mul3A_434 : i32
      %add3A_436 = vector.broadcast %mul3A_435 : i32 to vector<16xi32>
      %add3A_437 = arith.addi %add3A_436, %iota3A : vector<16xi32>
      %mul3A_438 = arith.constant 3 : i32
      %mul3A_439 = vector.broadcast %mul3A_438 : i32 to vector<16xi32>
      %mul3A_440 = arith.muli %mul3A_439, %add3A_437 : vector<16xi32>
      %add3A_441 = arith.constant 1 : i32
      %add3A_442 = vector.broadcast %add3A_441 : i32 to vector<16xi32>
      %add3A_443 = arith.addi %mul3A_440, %add3A_442 : vector<16xi32>
      %gather3A = tpu.vector_load_idx %arg13[%add3A_443] : memref<2352xf32, #tpu.memory_space<vmem>>[vector<16xi32>], vector<16xf32>,
      %mul3A_444 = arith.constant 16 : i32
      %mul3A_445 = arith.muli %scan3A_432, %mul3A_444 : i32
      %get3A = arith.constant 2 : i32
      %get3A_446 = arith.index_cast %get3A : i32 to index
      %get3A_447 = arith.index_cast %mul3A_445 : i32 to index
      %get3A_448 = tpu.vector_load %arg15[%get3A_446, %get3A_447] {strides = array<i32>} : memref<6x784xf32, #tpu.memory_space<vmem>>, vector<16xf32>,
      %sub3A = arith.subf %gather3A, %get3A_448 : vector<16xf32>
      tpu.vector_store_idx %arg12[%add3A_437, %broadcast_in_dim3A_341], %sub3A : memref<784x8xf32, #tpu.memory_space<vmem>>[vector<16xi32>, vector<16xi32>], vector<16xf32>,
      %scan3A_449 = arith.constant 0 : i32
      scf.yield %scan3A_449 : i32
    }
    %scan3A_348 = arith.constant 49 : i32
    %broadcast_in_dim3A_349 = arith.constant 4 : i32
    %broadcast_in_dim3A_350 = vector.broadcast %broadcast_in_dim3A_349 : i32 to vector<16xi32>
    %scan3A_351 = arith.constant 0 : i32
    %scan3A_352 = arith.constant 0 : i32
    %scan3A_353 = arith.constant 49 : i32
    %scan3A_354 = arith.addi %scan3A_352, %scan3A_353 : i32
    %scan3A_355 = arith.constant 1 : i32
    %scan3A_356 = scf.for %scan3A_432 = %scan3A_352 to %scan3A_354 step %scan3A_355 iter_args(%scan3A_433 = %scan3A_351) -> (i32)  : i32 {
      %mul3A_434 = arith.constant 16 : i32
      %mul3A_435 = arith.muli %scan3A_432, %mul3A_434 : i32
      %add3A_436 = vector.broadcast %mul3A_435 : i32 to vector<16xi32>
      %add3A_437 = arith.addi %add3A_436, %iota3A : vector<16xi32>
      %mul3A_438 = arith.constant 3 : i32
      %mul3A_439 = vector.broadcast %mul3A_438 : i32 to vector<16xi32>
      %mul3A_440 = arith.muli %mul3A_439, %add3A_437 : vector<16xi32>
      %add3A_441 = arith.constant 1 : i32
      %add3A_442 = vector.broadcast %add3A_441 : i32 to vector<16xi32>
      %add3A_443 = arith.addi %mul3A_440, %add3A_442 : vector<16xi32>
      %gather3A = tpu.vector_load_idx %arg14[%add3A_443] : memref<2352xf32, #tpu.memory_space<vmem>>[vector<16xi32>], vector<16xf32>,
      %mul3A_444 = arith.constant 16 : i32
      %mul3A_445 = arith.muli %scan3A_432, %mul3A_444 : i32
      %get3A = arith.constant 3 : i32
      %get3A_446 = arith.index_cast %get3A : i32 to index
      %get3A_447 = arith.index_cast %mul3A_445 : i32 to index
      %get3A_448 = tpu.vector_load %arg15[%get3A_446, %get3A_447] {strides = array<i32>} : memref<6x784xf32, #tpu.memory_space<vmem>>, vector<16xf32>,
      %sub3A = arith.subf %gather3A, %get3A_448 : vector<16xf32>
      tpu.vector_store_idx %arg12[%add3A_437, %broadcast_in_dim3A_350], %sub3A : memref<784x8xf32, #tpu.memory_space<vmem>>[vector<16xi32>, vector<16xi32>], vector<16xf32>,
      %scan3A_449 = arith.constant 0 : i32
      scf.yield %scan3A_449 : i32
    }
    %scan3A_357 = arith.constant 49 : i32
    %broadcast_in_dim3A_358 = arith.constant 2 : i32
    %broadcast_in_dim3A_359 = vector.broadcast %broadcast_in_dim3A_358 : i32 to vector<16xi32>
    %scan3A_360 = arith.constant 0 : i32
    %scan3A_361 = arith.constant 0 : i32
    %scan3A_362 = arith.constant 49 : i32
    %scan3A_363 = arith.addi %scan3A_361, %scan3A_362 : i32
    %scan3A_364 = arith.constant 1 : i32
    %scan3A_365 = scf.for %scan3A_432 = %scan3A_361 to %scan3A_363 step %scan3A_364 iter_args(%scan3A_433 = %scan3A_360) -> (i32)  : i32 {
      %mul3A_434 = arith.constant 16 : i32
      %mul3A_435 = arith.muli %scan3A_432, %mul3A_434 : i32
      %add3A_436 = vector.broadcast %mul3A_435 : i32 to vector<16xi32>
      %add3A_437 = arith.addi %add3A_436, %iota3A : vector<16xi32>
      %mul3A_438 = arith.constant 3 : i32
      %mul3A_439 = vector.broadcast %mul3A_438 : i32 to vector<16xi32>
      %mul3A_440 = arith.muli %mul3A_439, %add3A_437 : vector<16xi32>
      %add3A_441 = arith.constant 2 : i32
      %add3A_442 = vector.broadcast %add3A_441 : i32 to vector<16xi32>
      %add3A_443 = arith.addi %mul3A_440, %add3A_442 : vector<16xi32>
      %gather3A = tpu.vector_load_idx %arg13[%add3A_443] : memref<2352xf32, #tpu.memory_space<vmem>>[vector<16xi32>], vector<16xf32>,
      %mul3A_444 = arith.constant 16 : i32
      %mul3A_445 = arith.muli %scan3A_432, %mul3A_444 : i32
      %get3A = arith.constant 4 : i32
      %get3A_446 = arith.index_cast %get3A : i32 to index
      %get3A_447 = arith.index_cast %mul3A_445 : i32 to index
      %get3A_448 = tpu.vector_load %arg15[%get3A_446, %get3A_447] {strides = array<i32>} : memref<6x784xf32, #tpu.memory_space<vmem>>, vector<16xf32>,
      %sub3A = arith.subf %gather3A, %get3A_448 : vector<16xf32>
      tpu.vector_store_idx %arg12[%add3A_437, %broadcast_in_dim3A_359], %sub3A : memref<784x8xf32, #tpu.memory_space<vmem>>[vector<16xi32>, vector<16xi32>], vector<16xf32>,
      %scan3A_449 = arith.constant 0 : i32
      scf.yield %scan3A_449 : i32
    }
    %scan3A_366 = arith.constant 49 : i32
    %broadcast_in_dim3A_367 = arith.constant 5 : i32
    %broadcast_in_dim3A_368 = vector.broadcast %broadcast_in_dim3A_367 : i32 to vector<16xi32>
    %scan3A_369 = arith.constant 0 : i32
    %scan3A_370 = arith.constant 0 : i32
    %scan3A_371 = arith.constant 49 : i32
    %scan3A_372 = arith.addi %scan3A_370, %scan3A_371 : i32
    %scan3A_373 = arith.constant 1 : i32
    %scan3A_374 = scf.for %scan3A_432 = %scan3A_370 to %scan3A_372 step %scan3A_373 iter_args(%scan3A_433 = %scan3A_369) -> (i32)  : i32 {
      %mul3A_434 = arith.constant 16 : i32
      %mul3A_435 = arith.muli %scan3A_432, %mul3A_434 : i32
      %add3A_436 = vector.broadcast %mul3A_435 : i32 to vector<16xi32>
      %add3A_437 = arith.addi %add3A_436, %iota3A : vector<16xi32>
      %mul3A_438 = arith.constant 3 : i32
      %mul3A_439 = vector.broadcast %mul3A_438 : i32 to vector<16xi32>
      %mul3A_440 = arith.muli %mul3A_439, %add3A_437 : vector<16xi32>
      %add3A_441 = arith.constant 2 : i32
      %add3A_442 = vector.broadcast %add3A_441 : i32 to vector<16xi32>
      %add3A_443 = arith.addi %mul3A_440, %add3A_442 : vector<16xi32>
      %gather3A = tpu.vector_load_idx %arg14[%add3A_443] : memref<2352xf32, #tpu.memory_space<vmem>>[vector<16xi32>], vector<16xf32>,
      %mul3A_444 = arith.constant 16 : i32
      %mul3A_445 = arith.muli %scan3A_432, %mul3A_444 : i32
      %get3A = arith.constant 5 : i32
      %get3A_446 = arith.index_cast %get3A : i32 to index
      %get3A_447 = arith.index_cast %mul3A_445 : i32 to index
      %get3A_448 = tpu.vector_load %arg15[%get3A_446, %get3A_447] {strides = array<i32>} : memref<6x784xf32, #tpu.memory_space<vmem>>, vector<16xf32>,
      %sub3A = arith.subf %gather3A, %get3A_448 : vector<16xf32>
      tpu.vector_store_idx %arg12[%add3A_437, %broadcast_in_dim3A_368], %sub3A : memref<784x8xf32, #tpu.memory_space<vmem>>[vector<16xi32>, vector<16xi32>], vector<16xf32>,
      %scan3A_449 = arith.constant 0 : i32
      scf.yield %scan3A_449 : i32
    }
    %scan3A_375 = arith.constant 49 : i32
    %broadcast_in_dim3A_376 = arith.constant 6 : i32
    %broadcast_in_dim3A_377 = vector.broadcast %broadcast_in_dim3A_376 : i32 to vector<16xi32>
    %scan3A_378 = arith.constant 0 : i32
    %scan3A_379 = arith.constant 0 : i32
    %scan3A_380 = arith.constant 49 : i32
    %scan3A_381 = arith.addi %scan3A_379, %scan3A_380 : i32
    %scan3A_382 = arith.constant 1 : i32
    %scan3A_383 = scf.for %scan3A_432 = %scan3A_379 to %scan3A_381 step %scan3A_382 iter_args(%scan3A_433 = %scan3A_378) -> (i32)  : i32 {
      %mul3A_434 = arith.constant 16 : i32
      %mul3A_435 = arith.muli %scan3A_432, %mul3A_434 : i32
      %add3A_436 = vector.broadcast %mul3A_435 : i32 to vector<16xi32>
      %add3A_437 = arith.addi %add3A_436, %iota3A : vector<16xi32>
      tpu.vector_store_idx %arg12[%add3A_437, %broadcast_in_dim3A_377], %broadcast_in_dim3A_3 : memref<784x8xf32, #tpu.memory_space<vmem>>[vector<16xi32>, vector<16xi32>], vector<16xf32>,
      %scan3A_438 = arith.constant 0 : i32
      scf.yield %scan3A_438 : i32
    }
    %scan3A_384 = arith.constant 49 : i32
    %broadcast_in_dim3A_385 = arith.constant 7 : i32
    %broadcast_in_dim3A_386 = vector.broadcast %broadcast_in_dim3A_385 : i32 to vector<16xi32>
    %scan3A_387 = arith.constant 0 : i32
    %scan3A_388 = arith.constant 0 : i32
    %scan3A_389 = arith.constant 49 : i32
    %scan3A_390 = arith.addi %scan3A_388, %scan3A_389 : i32
    %scan3A_391 = arith.constant 1 : i32
    %scan3A_392 = scf.for %scan3A_432 = %scan3A_388 to %scan3A_390 step %scan3A_391 iter_args(%scan3A_433 = %scan3A_387) -> (i32)  : i32 {
      %mul3A_434 = arith.constant 16 : i32
      %mul3A_435 = arith.muli %scan3A_432, %mul3A_434 : i32
      %add3A_436 = vector.broadcast %mul3A_435 : i32 to vector<16xi32>
      %add3A_437 = arith.addi %add3A_436, %iota3A : vector<16xi32>
      tpu.vector_store_idx %arg12[%add3A_437, %broadcast_in_dim3A_386], %broadcast_in_dim3A_3 : memref<784x8xf32, #tpu.memory_space<vmem>>[vector<16xi32>, vector<16xi32>], vector<16xf32>,
      %scan3A_438 = arith.constant 0 : i32
      scf.yield %scan3A_438 : i32
    }
    %scan3A_393 = arith.constant 49 : i32
    "tpu.region"() ({
      %run_scoped3A_432 = tpu.sem_alloc : memref<!tpu.dma_semaphore, #tpu.memory_space<semaphore_mem>>
      %dma_start3A = arith.constant 0 : i32
      %dma_start3A_433 = tpu.memref_slice %arg10[%add3A_297, %dma_start3A] : memref<50176x8xf32, #tpu.memory_space<vmem_shared>> -> memref<784x8xf32, #tpu.memory_space<vmem_shared>>
      %dma_start3A_434 = arith.constant 0 : i32
      %dma_start3A_435 = tpu.memref_slice %arg10[%add3A_297, %dma_start3A_434] : memref<50176x8xf32, #tpu.memory_space<vmem_shared>> -> memref<784x8xf32, #tpu.memory_space<vmem_shared>>
      tpu.enqueue_dma source(%arg12 : memref<784x8xf32, #tpu.memory_space<vmem>>) target(%dma_start3A_435 : memref<784x8xf32, #tpu.memory_space<vmem_shared>>) target_semaphore(%run_scoped3A_432 : memref<!tpu.dma_semaphore, #tpu.memory_space<semaphore_mem>>)
      %dma_wait3A = arith.constant 0 : i32
      %dma_wait3A_436 = tpu.memref_slice %arg10[%add3A_297, %dma_wait3A] : memref<50176x8xf32, #tpu.memory_space<vmem_shared>> -> memref<784x8xf32, #tpu.memory_space<vmem_shared>>
      %dma_wait3A_437 = arith.constant 0 : i32
      %dma_wait3A_438 = tpu.memref_slice %arg10[%add3A_297, %dma_wait3A_437] : memref<50176x8xf32, #tpu.memory_space<vmem_shared>> -> memref<784x8xf32, #tpu.memory_space<vmem_shared>>
      tpu.wait_dma2 semaphore(%run_scoped3A_432 : memref<!tpu.dma_semaphore, #tpu.memory_space<semaphore_mem>>) src(%arg12 : memref<784x8xf32, #tpu.memory_space<vmem>>) dst(%dma_wait3A_438 : memref<784x8xf32, #tpu.memory_space<vmem_shared>>)
      tpu.yield
    }) : () -> ()
    "tpu.region"() ({
      %run_scoped3A_432 = tpu.sem_alloc : memref<!tpu.dma_semaphore, #tpu.memory_space<semaphore_mem>>
      %dma_start3A = arith.constant 0 : i32
      %dma_start3A_433 = tpu.memref_slice %arg4[%add3A_297, %dma_start3A] : memref<50176x8xf32, #tpu.memory_space<hbm>> -> memref<784x8xf32, #tpu.memory_space<hbm>>
      %dma_start3A_434 = arith.constant 0 : i32
      %dma_start3A_435 = tpu.memref_slice %arg4[%add3A_297, %dma_start3A_434] : memref<50176x8xf32, #tpu.memory_space<hbm>> -> memref<784x8xf32, #tpu.memory_space<hbm>>
      tpu.enqueue_dma source(%dma_start3A_435 : memref<784x8xf32, #tpu.memory_space<hbm>>) target(%arg12 : memref<784x8xf32, #tpu.memory_space<vmem>>) target_semaphore(%run_scoped3A_432 : memref<!tpu.dma_semaphore, #tpu.memory_space<semaphore_mem>>)
      %dma_wait3A = arith.constant 0 : i32
      %dma_wait3A_436 = tpu.memref_slice %arg4[%add3A_297, %dma_wait3A] : memref<50176x8xf32, #tpu.memory_space<hbm>> -> memref<784x8xf32, #tpu.memory_space<hbm>>
      %dma_wait3A_437 = arith.constant 0 : i32
      %dma_wait3A_438 = tpu.memref_slice %arg4[%add3A_297, %dma_wait3A_437] : memref<50176x8xf32, #tpu.memory_space<hbm>> -> memref<784x8xf32, #tpu.memory_space<hbm>>
      tpu.wait_dma2 semaphore(%run_scoped3A_432 : memref<!tpu.dma_semaphore, #tpu.memory_space<semaphore_mem>>) src(%dma_wait3A_438 : memref<784x8xf32, #tpu.memory_space<hbm>>) dst(%arg12 : memref<784x8xf32, #tpu.memory_space<vmem>>)
      tpu.yield
    }) : () -> ()
    "tpu.region"() ({
      %run_scoped3A_432 = tpu.sem_alloc : memref<!tpu.dma_semaphore, #tpu.memory_space<semaphore_mem>>
      %dma_start3A = arith.constant 0 : i32
      %dma_start3A_433 = tpu.memref_slice %arg11[%add3A_297, %dma_start3A] : memref<50176x8xf32, #tpu.memory_space<vmem_shared>> -> memref<784x8xf32, #tpu.memory_space<vmem_shared>>
      %dma_start3A_434 = arith.constant 0 : i32
      %dma_start3A_435 = tpu.memref_slice %arg11[%add3A_297, %dma_start3A_434] : memref<50176x8xf32, #tpu.memory_space<vmem_shared>> -> memref<784x8xf32, #tpu.memory_space<vmem_shared>>
      tpu.enqueue_dma source(%arg12 : memref<784x8xf32, #tpu.memory_space<vmem>>) target(%dma_start3A_435 : memref<784x8xf32, #tpu.memory_space<vmem_shared>>) target_semaphore(%run_scoped3A_432 : memref<!tpu.dma_semaphore, #tpu.memory_space<semaphore_mem>>)
      %dma_wait3A = arith.constant 0 : i32
      %dma_wait3A_436 = tpu.memref_slice %arg11[%add3A_297, %dma_wait3A] : memref<50176x8xf32, #tpu.memory_space<vmem_shared>> -> memref<784x8xf32, #tpu.memory_space<vmem_shared>>
      %dma_wait3A_437 = arith.constant 0 : i32
      %dma_wait3A_438 = tpu.memref_slice %arg11[%add3A_297, %dma_wait3A_437] : memref<50176x8xf32, #tpu.memory_space<vmem_shared>> -> memref<784x8xf32, #tpu.memory_space<vmem_shared>>
      tpu.wait_dma2 semaphore(%run_scoped3A_432 : memref<!tpu.dma_semaphore, #tpu.memory_space<semaphore_mem>>) src(%arg12 : memref<784x8xf32, #tpu.memory_space<vmem>>) dst(%dma_wait3A_438 : memref<784x8xf32, #tpu.memory_space<vmem_shared>>)
      tpu.yield
    }) : () -> ()
    %barrier3A = arith.constant 0 : index
    tpu.barrier barrier_id(%barrier3A)
    %mul3A_394 = arith.constant 50176 : i32
    %mul3A_395 = arith.muli %add3A, %mul3A_394 : i32
    %shift_right_arithmetic3A = arith.constant 3 : i32
    %shift_right_arithmetic3A_396 = vector.broadcast %shift_right_arithmetic3A : i32 to vector<16xi32>
    %shift_right_arithmetic3A_397 = arith.shrsi %iota3A, %shift_right_arithmetic3A_396 : vector<16xi32>
    %and3A = arith.constant 7 : i32
    %and3A_398 = vector.broadcast %and3A : i32 to vector<16xi32>
    %and3A_399 = arith.andi %iota3A, %and3A_398 : vector<16xi32>
    %broadcast_in_dim3A_400 = arith.constant 0.000000e+00 : f32
    %broadcast_in_dim3A_401 = vector.broadcast %broadcast_in_dim3A_400 : f32 to vector<16xf32>
    %scan3A_402 = arith.constant 0 : i32
    %scan3A_403 = arith.constant 49 : i32
    %scan3A_404 = arith.addi %scan3A_402, %scan3A_403 : i32
    %scan3A_405 = arith.constant 1 : i32
    %scan3A_406 = scf.for %scan3A_432 = %scan3A_402 to %scan3A_404 step %scan3A_405 iter_args(%scan3A_433 = %broadcast_in_dim3A_401) -> (vector<16xf32>)  : i32 {
      %mul3A_434 = arith.constant 1024 : i32
      %mul3A_435 = arith.muli %scan3A_432, %mul3A_434 : i32
      %add3A_436 = arith.addi %mul3A_395, %mul3A_435 : i32
      "tpu.region"() ({
        %run_scoped3A_443 = tpu.sem_alloc : memref<!tpu.dma_semaphore, #tpu.memory_space<semaphore_mem>>
        %dma_start3A = tpu.memref_slice %arg5[%add3A_436] : memref<1605632xi32, #tpu.memory_space<hbm>> -> memref<1024xi32, #tpu.memory_space<hbm>>
        %dma_start3A_444 = tpu.memref_slice %arg5[%add3A_436] : memref<1605632xi32, #tpu.memory_space<hbm>> -> memref<1024xi32, #tpu.memory_space<hbm>>
        tpu.enqueue_dma source(%dma_start3A_444 : memref<1024xi32, #tpu.memory_space<hbm>>) target(%arg16 : memref<1024xi32, #tpu.memory_space<vmem>>) target_semaphore(%run_scoped3A_443 : memref<!tpu.dma_semaphore, #tpu.memory_space<semaphore_mem>>)
        %dma_wait3A = tpu.memref_slice %arg5[%add3A_436] : memref<1605632xi32, #tpu.memory_space<hbm>> -> memref<1024xi32, #tpu.memory_space<hbm>>
        %dma_wait3A_445 = tpu.memref_slice %arg5[%add3A_436] : memref<1605632xi32, #tpu.memory_space<hbm>> -> memref<1024xi32, #tpu.memory_space<hbm>>
        tpu.wait_dma2 semaphore(%run_scoped3A_443 : memref<!tpu.dma_semaphore, #tpu.memory_space<semaphore_mem>>) src(%dma_wait3A_445 : memref<1024xi32, #tpu.memory_space<hbm>>) dst(%arg16 : memref<1024xi32, #tpu.memory_space<vmem>>)
        tpu.yield
      }) : () -> ()
      "tpu.region"() ({
        %run_scoped3A_443 = tpu.sem_alloc : memref<!tpu.dma_semaphore, #tpu.memory_space<semaphore_mem>>
        %dma_start3A = tpu.memref_slice %arg6[%add3A_436] : memref<1605632xi32, #tpu.memory_space<hbm>> -> memref<1024xi32, #tpu.memory_space<hbm>>
        %dma_start3A_444 = tpu.memref_slice %arg6[%add3A_436] : memref<1605632xi32, #tpu.memory_space<hbm>> -> memref<1024xi32, #tpu.memory_space<hbm>>
        tpu.enqueue_dma source(%dma_start3A_444 : memref<1024xi32, #tpu.memory_space<hbm>>) target(%arg17 : memref<1024xi32, #tpu.memory_space<vmem>>) target_semaphore(%run_scoped3A_443 : memref<!tpu.dma_semaphore, #tpu.memory_space<semaphore_mem>>)
        %dma_wait3A = tpu.memref_slice %arg6[%add3A_436] : memref<1605632xi32, #tpu.memory_space<hbm>> -> memref<1024xi32, #tpu.memory_space<hbm>>
        %dma_wait3A_445 = tpu.memref_slice %arg6[%add3A_436] : memref<1605632xi32, #tpu.memory_space<hbm>> -> memref<1024xi32, #tpu.memory_space<hbm>>
        tpu.wait_dma2 semaphore(%run_scoped3A_443 : memref<!tpu.dma_semaphore, #tpu.memory_space<semaphore_mem>>) src(%dma_wait3A_445 : memref<1024xi32, #tpu.memory_space<hbm>>) dst(%arg17 : memref<1024xi32, #tpu.memory_space<vmem>>)
        tpu.yield
      }) : () -> ()
      "tpu.region"() ({
        %run_scoped3A_443 = tpu.sem_alloc : memref<!tpu.dma_semaphore, #tpu.memory_space<semaphore_mem>>
        %dma_start3A = tpu.memref_slice %arg7[%add3A_436] : memref<1605632xf32, #tpu.memory_space<hbm>> -> memref<1024xf32, #tpu.memory_space<hbm>>
        %dma_start3A_444 = tpu.memref_slice %arg7[%add3A_436] : memref<1605632xf32, #tpu.memory_space<hbm>> -> memref<1024xf32, #tpu.memory_space<hbm>>
        tpu.enqueue_dma source(%dma_start3A_444 : memref<1024xf32, #tpu.memory_space<hbm>>) target(%arg18 : memref<1024xf32, #tpu.memory_space<vmem>>) target_semaphore(%run_scoped3A_443 : memref<!tpu.dma_semaphore, #tpu.memory_space<semaphore_mem>>)
        %dma_wait3A = tpu.memref_slice %arg7[%add3A_436] : memref<1605632xf32, #tpu.memory_space<hbm>> -> memref<1024xf32, #tpu.memory_space<hbm>>
        %dma_wait3A_445 = tpu.memref_slice %arg7[%add3A_436] : memref<1605632xf32, #tpu.memory_space<hbm>> -> memref<1024xf32, #tpu.memory_space<hbm>>
        tpu.wait_dma2 semaphore(%run_scoped3A_443 : memref<!tpu.dma_semaphore, #tpu.memory_space<semaphore_mem>>) src(%dma_wait3A_445 : memref<1024xf32, #tpu.memory_space<hbm>>) dst(%arg18 : memref<1024xf32, #tpu.memory_space<vmem>>)
        tpu.yield
      }) : () -> ()
      "tpu.region"() ({
        %run_scoped3A_443 = tpu.sem_alloc : memref<!tpu.dma_semaphore, #tpu.memory_space<semaphore_mem>>
        %dma_start3A = arith.constant 0 : i32
        %dma_start3A_444 = arith.constant 0 : i32
        %dma_start3A_445 = tpu.memref_slice %arg10[%dma_start3A, %dma_start3A_444] : memref<50176x8xf32, #tpu.memory_space<vmem_shared>> -> memref<50176x8xf32, #tpu.memory_space<vmem_shared>>
        tpu.enqueue_indirect_dma source(%dma_start3A_445 : memref<50176x8xf32, #tpu.memory_space<vmem_shared>>) target(%arg19 : memref<1024x8xf32, #tpu.memory_space<vmem>>) offsets(%arg17 : memref<1024xi32, #tpu.memory_space<vmem>>) semaphore(%run_scoped3A_443 : memref<!tpu.dma_semaphore, #tpu.memory_space<semaphore_mem>>)
        %dma_wait3A = arith.constant 0 : i32
        %dma_wait3A_446 = arith.constant 0 : i32
        %dma_wait3A_447 = tpu.memref_slice %arg10[%dma_wait3A, %dma_wait3A_446] : memref<50176x8xf32, #tpu.memory_space<vmem_shared>> -> memref<50176x8xf32, #tpu.memory_space<vmem_shared>>
        tpu.wait_indirect_dma semaphore(%run_scoped3A_443 : memref<!tpu.dma_semaphore, #tpu.memory_space<semaphore_mem>>) src(%dma_wait3A_447 : memref<50176x8xf32, #tpu.memory_space<vmem_shared>>) dst(%arg19 : memref<1024x8xf32, #tpu.memory_space<vmem>>)
        tpu.yield
      }) : () -> ()
      "tpu.region"() ({
        %run_scoped3A_443 = tpu.sem_alloc : memref<!tpu.dma_semaphore, #tpu.memory_space<semaphore_mem>>
        %dma_start3A = arith.constant 0 : i32
        %dma_start3A_444 = arith.constant 0 : i32
        %dma_start3A_445 = tpu.memref_slice %arg10[%dma_start3A, %dma_start3A_444] : memref<50176x8xf32, #tpu.memory_space<vmem_shared>> -> memref<50176x8xf32, #tpu.memory_space<vmem_shared>>
        tpu.enqueue_indirect_dma source(%dma_start3A_445 : memref<50176x8xf32, #tpu.memory_space<vmem_shared>>) target(%arg20 : memref<1024x8xf32, #tpu.memory_space<vmem>>) offsets(%arg16 : memref<1024xi32, #tpu.memory_space<vmem>>) semaphore(%run_scoped3A_443 : memref<!tpu.dma_semaphore, #tpu.memory_space<semaphore_mem>>)
        %dma_wait3A = arith.constant 0 : i32
        %dma_wait3A_446 = arith.constant 0 : i32
        %dma_wait3A_447 = tpu.memref_slice %arg10[%dma_wait3A, %dma_wait3A_446] : memref<50176x8xf32, #tpu.memory_space<vmem_shared>> -> memref<50176x8xf32, #tpu.memory_space<vmem_shared>>
        tpu.wait_indirect_dma semaphore(%run_scoped3A_443 : memref<!tpu.dma_semaphore, #tpu.memory_space<semaphore_mem>>) src(%dma_wait3A_447 : memref<50176x8xf32, #tpu.memory_space<vmem_shared>>) dst(%arg20 : memref<1024x8xf32, #tpu.memory_space<vmem>>)
        tpu.yield
      }) : () -> ()
      %scan3A_437 = arith.constant 0 : i32
      %scan3A_438 = arith.constant 512 : i32
      %scan3A_439 = arith.addi %scan3A_437, %scan3A_438 : i32
      %scan3A_440 = arith.constant 1 : i32
      %scan3A_441 = scf.for %scan3A_443 = %scan3A_437 to %scan3A_439 step %scan3A_440 iter_args(%scan3A_444 = %scan3A_433) -> (vector<16xf32>)  : i32 {
        %mul3A_445 = arith.constant 2 : i32
        %mul3A_446 = arith.muli %mul3A_445, %scan3A_443 : i32
        %add3A_447 = vector.broadcast %mul3A_446 : i32 to vector<16xi32>
        %add3A_448 = arith.addi %add3A_447, %shift_right_arithmetic3A_397 : vector<16xi32>
        %gather3A = tpu.vector_load_idx %arg18[%add3A_448] : memref<1024xf32, #tpu.memory_space<vmem>>[vector<16xi32>], vector<16xf32>,
        %gather3A_449 = tpu.vector_load_idx %arg19[%add3A_448, %and3A_399] : memref<1024x8xf32, #tpu.memory_space<vmem>>[vector<16xi32>, vector<16xi32>], vector<16xf32>,
        %gather3A_450 = tpu.vector_load_idx %arg20[%add3A_448, %and3A_399] : memref<1024x8xf32, #tpu.memory_space<vmem>>[vector<16xi32>, vector<16xi32>], vector<16xf32>,
        %sub3A = arith.subf %gather3A_449, %gather3A_450 : vector<16xf32>
        %mul3A_451 = arith.mulf %gather3A, %sub3A : vector<16xf32>
        tpu.vector_store_idx %arg21[%add3A_448, %and3A_399], %mul3A_451 : memref<1024x8xf32, #tpu.memory_space<vmem>>[vector<16xi32>, vector<16xi32>], vector<16xf32>,
        %neg3A = arith.constant 0.000000e+00 : f32
        %neg3A_452 = vector.broadcast %neg3A : f32 to vector<16xf32>
        %neg3A_453 = arith.subf %neg3A_452, %mul3A_451 : vector<16xf32>
        tpu.vector_store_idx %arg22[%add3A_448, %and3A_399], %neg3A_453 : memref<1024x8xf32, #tpu.memory_space<vmem>>[vector<16xi32>, vector<16xi32>], vector<16xf32>,
        %mul3A_454 = arith.mulf %sub3A, %mul3A_451 : vector<16xf32>
        %add3A_455 = arith.addf %scan3A_444, %mul3A_454 : vector<16xf32>
        scf.yield %add3A_455 : vector<16xf32>
      }
      %scan3A_442 = arith.constant 512 : i32
      "tpu.region"() ({
        %run_scoped3A_443 = tpu.sem_alloc : memref<!tpu.dma_semaphore, #tpu.memory_space<semaphore_mem>>
        %dma_start3A = arith.constant 0 : i32
        %dma_start3A_444 = arith.constant 0 : i32
        %dma_start3A_445 = tpu.memref_slice %arg11[%dma_start3A, %dma_start3A_444] : memref<50176x8xf32, #tpu.memory_space<vmem_shared>> -> memref<50176x8xf32, #tpu.memory_space<vmem_shared>>
        tpu.enqueue_indirect_dma source(%arg21 : memref<1024x8xf32, #tpu.memory_space<vmem>>) target(%dma_start3A_445 : memref<50176x8xf32, #tpu.memory_space<vmem_shared>>) offsets(%arg17 : memref<1024xi32, #tpu.memory_space<vmem>>) semaphore(%run_scoped3A_443 : memref<!tpu.dma_semaphore, #tpu.memory_space<semaphore_mem>>) {add = true}
        %dma_wait3A = arith.constant 0 : i32
        %dma_wait3A_446 = arith.constant 0 : i32
        %dma_wait3A_447 = tpu.memref_slice %arg11[%dma_wait3A, %dma_wait3A_446] : memref<50176x8xf32, #tpu.memory_space<vmem_shared>> -> memref<50176x8xf32, #tpu.memory_space<vmem_shared>>
        tpu.wait_indirect_dma semaphore(%run_scoped3A_443 : memref<!tpu.dma_semaphore, #tpu.memory_space<semaphore_mem>>) src(%arg21 : memref<1024x8xf32, #tpu.memory_space<vmem>>) dst(%dma_wait3A_447 : memref<50176x8xf32, #tpu.memory_space<vmem_shared>>)
        tpu.yield
      }) : () -> ()
      "tpu.region"() ({
        %run_scoped3A_443 = tpu.sem_alloc : memref<!tpu.dma_semaphore, #tpu.memory_space<semaphore_mem>>
        %dma_start3A = arith.constant 0 : i32
        %dma_start3A_444 = arith.constant 0 : i32
        %dma_start3A_445 = tpu.memref_slice %arg11[%dma_start3A, %dma_start3A_444] : memref<50176x8xf32, #tpu.memory_space<vmem_shared>> -> memref<50176x8xf32, #tpu.memory_space<vmem_shared>>
        tpu.enqueue_indirect_dma source(%arg22 : memref<1024x8xf32, #tpu.memory_space<vmem>>) target(%dma_start3A_445 : memref<50176x8xf32, #tpu.memory_space<vmem_shared>>) offsets(%arg16 : memref<1024xi32, #tpu.memory_space<vmem>>) semaphore(%run_scoped3A_443 : memref<!tpu.dma_semaphore, #tpu.memory_space<semaphore_mem>>) {add = true}
        %dma_wait3A = arith.constant 0 : i32
        %dma_wait3A_446 = arith.constant 0 : i32
        %dma_wait3A_447 = tpu.memref_slice %arg11[%dma_wait3A, %dma_wait3A_446] : memref<50176x8xf32, #tpu.memory_space<vmem_shared>> -> memref<50176x8xf32, #tpu.memory_space<vmem_shared>>
        tpu.wait_indirect_dma semaphore(%run_scoped3A_443 : memref<!tpu.dma_semaphore, #tpu.memory_space<semaphore_mem>>) src(%arg22 : memref<1024x8xf32, #tpu.memory_space<vmem>>) dst(%dma_wait3A_447 : memref<50176x8xf32, #tpu.memory_space<vmem_shared>>)
        tpu.yield
      }) : () -> ()
      scf.yield %scan3A_441 : vector<16xf32>
    }
    %scan3A_407 = arith.constant 49 : i32
    %swap3A = arith.constant 0 : index
    %swap3A_408 = tpu.vector_load %arg23[%swap3A] {strides = array<i32>} : memref<16xf32, #tpu.memory_space<vmem>>, vector<16xf32>,
    tpu.vector_store %arg23[%swap3A], %scan3A_406 {strides = array<i32>} : memref<16xf32, #tpu.memory_space<vmem>>, vector<16xf32>,
    %mul3A_409 = arith.constant 16 : i32
    %mul3A_410 = arith.muli %add3A, %mul3A_409 : i32
    "tpu.region"() ({
      %run_scoped3A_432 = tpu.sem_alloc : memref<!tpu.dma_semaphore, #tpu.memory_space<semaphore_mem>>
      %dma_start3A = tpu.memref_slice %arg9[%mul3A_410] : memref<512xf32, #tpu.memory_space<hbm>> -> memref<16xf32, #tpu.memory_space<hbm>>
      %dma_start3A_433 = tpu.memref_slice %arg9[%mul3A_410] : memref<512xf32, #tpu.memory_space<hbm>> -> memref<16xf32, #tpu.memory_space<hbm>>
      tpu.enqueue_dma source(%arg23 : memref<16xf32, #tpu.memory_space<vmem>>) target(%dma_start3A_433 : memref<16xf32, #tpu.memory_space<hbm>>) target_semaphore(%run_scoped3A_432 : memref<!tpu.dma_semaphore, #tpu.memory_space<semaphore_mem>>)
      %dma_wait3A = tpu.memref_slice %arg9[%mul3A_410] : memref<512xf32, #tpu.memory_space<hbm>> -> memref<16xf32, #tpu.memory_space<hbm>>
      %dma_wait3A_434 = tpu.memref_slice %arg9[%mul3A_410] : memref<512xf32, #tpu.memory_space<hbm>> -> memref<16xf32, #tpu.memory_space<hbm>>
      tpu.wait_dma2 semaphore(%run_scoped3A_432 : memref<!tpu.dma_semaphore, #tpu.memory_space<semaphore_mem>>) src(%arg23 : memref<16xf32, #tpu.memory_space<vmem>>) dst(%dma_wait3A_434 : memref<16xf32, #tpu.memory_space<hbm>>)
      tpu.yield
    }) : () -> ()
    %barrier3A_411 = arith.constant 0 : index
    tpu.barrier barrier_id(%barrier3A_411)
    %add3A_412 = arith.constant 0 : i32
    %add3A_413 = arith.addi %mul3A_2, %add3A_412 : i32
    "tpu.region"() ({
      %run_scoped3A_432 = tpu.sem_alloc : memref<!tpu.dma_semaphore, #tpu.memory_space<semaphore_mem>>
      %dma_start3A = arith.constant 0 : i32
      %dma_start3A_433 = tpu.memref_slice %arg11[%add3A_413, %dma_start3A] : memref<50176x8xf32, #tpu.memory_space<vmem_shared>> -> memref<784x8xf32, #tpu.memory_space<vmem_shared>>
      %dma_start3A_434 = arith.constant 0 : i32
      %dma_start3A_435 = tpu.memref_slice %arg11[%add3A_413, %dma_start3A_434] : memref<50176x8xf32, #tpu.memory_space<vmem_shared>> -> memref<784x8xf32, #tpu.memory_space<vmem_shared>>
      tpu.enqueue_dma source(%dma_start3A_435 : memref<784x8xf32, #tpu.memory_space<vmem_shared>>) target(%arg12 : memref<784x8xf32, #tpu.memory_space<vmem>>) target_semaphore(%run_scoped3A_432 : memref<!tpu.dma_semaphore, #tpu.memory_space<semaphore_mem>>)
      %dma_wait3A = arith.constant 0 : i32
      %dma_wait3A_436 = tpu.memref_slice %arg11[%add3A_413, %dma_wait3A] : memref<50176x8xf32, #tpu.memory_space<vmem_shared>> -> memref<784x8xf32, #tpu.memory_space<vmem_shared>>
      %dma_wait3A_437 = arith.constant 0 : i32
      %dma_wait3A_438 = tpu.memref_slice %arg11[%add3A_413, %dma_wait3A_437] : memref<50176x8xf32, #tpu.memory_space<vmem_shared>> -> memref<784x8xf32, #tpu.memory_space<vmem_shared>>
      tpu.wait_dma2 semaphore(%run_scoped3A_432 : memref<!tpu.dma_semaphore, #tpu.memory_space<semaphore_mem>>) src(%dma_wait3A_438 : memref<784x8xf32, #tpu.memory_space<vmem_shared>>) dst(%arg12 : memref<784x8xf32, #tpu.memory_space<vmem>>)
      tpu.yield
    }) : () -> ()
    %mul3A_414 = arith.constant 50176 : i32
    %mul3A_415 = arith.muli %arg0, %mul3A_414 : i32
    %add3A_416 = arith.addi %mul3A_415, %add3A_413 : i32
    "tpu.region"() ({
      %run_scoped3A_432 = tpu.sem_alloc : memref<!tpu.dma_semaphore, #tpu.memory_space<semaphore_mem>>
      %dma_start3A = arith.constant 0 : i32
      %dma_start3A_433 = tpu.memref_slice %arg8[%add3A_416, %dma_start3A] : memref<100352x8xf32, #tpu.memory_space<hbm>> -> memref<784x8xf32, #tpu.memory_space<hbm>>
      %dma_start3A_434 = arith.constant 0 : i32
      %dma_start3A_435 = tpu.memref_slice %arg8[%add3A_416, %dma_start3A_434] : memref<100352x8xf32, #tpu.memory_space<hbm>> -> memref<784x8xf32, #tpu.memory_space<hbm>>
      tpu.enqueue_dma source(%arg12 : memref<784x8xf32, #tpu.memory_space<vmem>>) target(%dma_start3A_435 : memref<784x8xf32, #tpu.memory_space<hbm>>) target_semaphore(%run_scoped3A_432 : memref<!tpu.dma_semaphore, #tpu.memory_space<semaphore_mem>>)
      %dma_wait3A = arith.constant 0 : i32
      %dma_wait3A_436 = tpu.memref_slice %arg8[%add3A_416, %dma_wait3A] : memref<100352x8xf32, #tpu.memory_space<hbm>> -> memref<784x8xf32, #tpu.memory_space<hbm>>
      %dma_wait3A_437 = arith.constant 0 : i32
      %dma_wait3A_438 = tpu.memref_slice %arg8[%add3A_416, %dma_wait3A_437] : memref<100352x8xf32, #tpu.memory_space<hbm>> -> memref<784x8xf32, #tpu.memory_space<hbm>>
      tpu.wait_dma2 semaphore(%run_scoped3A_432 : memref<!tpu.dma_semaphore, #tpu.memory_space<semaphore_mem>>) src(%arg12 : memref<784x8xf32, #tpu.memory_space<vmem>>) dst(%dma_wait3A_438 : memref<784x8xf32, #tpu.memory_space<hbm>>)
      tpu.yield
    }) : () -> ()
    %add3A_417 = arith.constant 784 : i32
    %add3A_418 = arith.addi %mul3A_2, %add3A_417 : i32
    "tpu.region"() ({
      %run_scoped3A_432 = tpu.sem_alloc : memref<!tpu.dma_semaphore, #tpu.memory_space<semaphore_mem>>
      %dma_start3A = arith.constant 0 : i32
      %dma_start3A_433 = tpu.memref_slice %arg11[%add3A_418, %dma_start3A] : memref<50176x8xf32, #tpu.memory_space<vmem_shared>> -> memref<784x8xf32, #tpu.memory_space<vmem_shared>>
      %dma_start3A_434 = arith.constant 0 : i32
      %dma_start3A_435 = tpu.memref_slice %arg11[%add3A_418, %dma_start3A_434] : memref<50176x8xf32, #tpu.memory_space<vmem_shared>> -> memref<784x8xf32, #tpu.memory_space<vmem_shared>>
      tpu.enqueue_dma source(%dma_start3A_435 : memref<784x8xf32, #tpu.memory_space<vmem_shared>>) target(%arg12 : memref<784x8xf32, #tpu.memory_space<vmem>>) target_semaphore(%run_scoped3A_432 : memref<!tpu.dma_semaphore, #tpu.memory_space<semaphore_mem>>)
      %dma_wait3A = arith.constant 0 : i32
      %dma_wait3A_436 = tpu.memref_slice %arg11[%add3A_418, %dma_wait3A] : memref<50176x8xf32, #tpu.memory_space<vmem_shared>> -> memref<784x8xf32, #tpu.memory_space<vmem_shared>>
      %dma_wait3A_437 = arith.constant 0 : i32
      %dma_wait3A_438 = tpu.memref_slice %arg11[%add3A_418, %dma_wait3A_437] : memref<50176x8xf32, #tpu.memory_space<vmem_shared>> -> memref<784x8xf32, #tpu.memory_space<vmem_shared>>
      tpu.wait_dma2 semaphore(%run_scoped3A_432 : memref<!tpu.dma_semaphore, #tpu.memory_space<semaphore_mem>>) src(%dma_wait3A_438 : memref<784x8xf32, #tpu.memory_space<vmem_shared>>) dst(%arg12 : memref<784x8xf32, #tpu.memory_space<vmem>>)
      tpu.yield
    }) : () -> ()
    %mul3A_419 = arith.constant 50176 : i32
    %mul3A_420 = arith.muli %arg0, %mul3A_419 : i32
    %add3A_421 = arith.addi %mul3A_420, %add3A_418 : i32
    "tpu.region"() ({
      %run_scoped3A_432 = tpu.sem_alloc : memref<!tpu.dma_semaphore, #tpu.memory_space<semaphore_mem>>
      %dma_start3A = arith.constant 0 : i32
      %dma_start3A_433 = tpu.memref_slice %arg8[%add3A_421, %dma_start3A] : memref<100352x8xf32, #tpu.memory_space<hbm>> -> memref<784x8xf32, #tpu.memory_space<hbm>>
      %dma_start3A_434 = arith.constant 0 : i32
      %dma_start3A_435 = tpu.memref_slice %arg8[%add3A_421, %dma_start3A_434] : memref<100352x8xf32, #tpu.memory_space<hbm>> -> memref<784x8xf32, #tpu.memory_space<hbm>>
      tpu.enqueue_dma source(%arg12 : memref<784x8xf32, #tpu.memory_space<vmem>>) target(%dma_start3A_435 : memref<784x8xf32, #tpu.memory_space<hbm>>) target_semaphore(%run_scoped3A_432 : memref<!tpu.dma_semaphore, #tpu.memory_space<semaphore_mem>>)
      %dma_wait3A = arith.constant 0 : i32
      %dma_wait3A_436 = tpu.memref_slice %arg8[%add3A_421, %dma_wait3A] : memref<100352x8xf32, #tpu.memory_space<hbm>> -> memref<784x8xf32, #tpu.memory_space<hbm>>
      %dma_wait3A_437 = arith.constant 0 : i32
      %dma_wait3A_438 = tpu.memref_slice %arg8[%add3A_421, %dma_wait3A_437] : memref<100352x8xf32, #tpu.memory_space<hbm>> -> memref<784x8xf32, #tpu.memory_space<hbm>>
      tpu.wait_dma2 semaphore(%run_scoped3A_432 : memref<!tpu.dma_semaphore, #tpu.memory_space<semaphore_mem>>) src(%arg12 : memref<784x8xf32, #tpu.memory_space<vmem>>) dst(%dma_wait3A_438 : memref<784x8xf32, #tpu.memory_space<hbm>>)
      tpu.yield
    }) : () -> ()
    %add3A_422 = arith.constant 1568 : i32
    %add3A_423 = arith.addi %mul3A_2, %add3A_422 : i32
    "tpu.region"() ({
      %run_scoped3A_432 = tpu.sem_alloc : memref<!tpu.dma_semaphore, #tpu.memory_space<semaphore_mem>>
      %dma_start3A = arith.constant 0 : i32
      %dma_start3A_433 = tpu.memref_slice %arg11[%add3A_423, %dma_start3A] : memref<50176x8xf32, #tpu.memory_space<vmem_shared>> -> memref<784x8xf32, #tpu.memory_space<vmem_shared>>
      %dma_start3A_434 = arith.constant 0 : i32
      %dma_start3A_435 = tpu.memref_slice %arg11[%add3A_423, %dma_start3A_434] : memref<50176x8xf32, #tpu.memory_space<vmem_shared>> -> memref<784x8xf32, #tpu.memory_space<vmem_shared>>
      tpu.enqueue_dma source(%dma_start3A_435 : memref<784x8xf32, #tpu.memory_space<vmem_shared>>) target(%arg12 : memref<784x8xf32, #tpu.memory_space<vmem>>) target_semaphore(%run_scoped3A_432 : memref<!tpu.dma_semaphore, #tpu.memory_space<semaphore_mem>>)
      %dma_wait3A = arith.constant 0 : i32
      %dma_wait3A_436 = tpu.memref_slice %arg11[%add3A_423, %dma_wait3A] : memref<50176x8xf32, #tpu.memory_space<vmem_shared>> -> memref<784x8xf32, #tpu.memory_space<vmem_shared>>
      %dma_wait3A_437 = arith.constant 0 : i32
      %dma_wait3A_438 = tpu.memref_slice %arg11[%add3A_423, %dma_wait3A_437] : memref<50176x8xf32, #tpu.memory_space<vmem_shared>> -> memref<784x8xf32, #tpu.memory_space<vmem_shared>>
      tpu.wait_dma2 semaphore(%run_scoped3A_432 : memref<!tpu.dma_semaphore, #tpu.memory_space<semaphore_mem>>) src(%dma_wait3A_438 : memref<784x8xf32, #tpu.memory_space<vmem_shared>>) dst(%arg12 : memref<784x8xf32, #tpu.memory_space<vmem>>)
      tpu.yield
    }) : () -> ()
    %mul3A_424 = arith.constant 50176 : i32
    %mul3A_425 = arith.muli %arg0, %mul3A_424 : i32
    %add3A_426 = arith.addi %mul3A_425, %add3A_423 : i32
    "tpu.region"() ({
      %run_scoped3A_432 = tpu.sem_alloc : memref<!tpu.dma_semaphore, #tpu.memory_space<semaphore_mem>>
      %dma_start3A = arith.constant 0 : i32
      %dma_start3A_433 = tpu.memref_slice %arg8[%add3A_426, %dma_start3A] : memref<100352x8xf32, #tpu.memory_space<hbm>> -> memref<784x8xf32, #tpu.memory_space<hbm>>
      %dma_start3A_434 = arith.constant 0 : i32
      %dma_start3A_435 = tpu.memref_slice %arg8[%add3A_426, %dma_start3A_434] : memref<100352x8xf32, #tpu.memory_space<hbm>> -> memref<784x8xf32, #tpu.memory_space<hbm>>
      tpu.enqueue_dma source(%arg12 : memref<784x8xf32, #tpu.memory_space<vmem>>) target(%dma_start3A_435 : memref<784x8xf32, #tpu.memory_space<hbm>>) target_semaphore(%run_scoped3A_432 : memref<!tpu.dma_semaphore, #tpu.memory_space<semaphore_mem>>)
      %dma_wait3A = arith.constant 0 : i32
      %dma_wait3A_436 = tpu.memref_slice %arg8[%add3A_426, %dma_wait3A] : memref<100352x8xf32, #tpu.memory_space<hbm>> -> memref<784x8xf32, #tpu.memory_space<hbm>>
      %dma_wait3A_437 = arith.constant 0 : i32
      %dma_wait3A_438 = tpu.memref_slice %arg8[%add3A_426, %dma_wait3A_437] : memref<100352x8xf32, #tpu.memory_space<hbm>> -> memref<784x8xf32, #tpu.memory_space<hbm>>
      tpu.wait_dma2 semaphore(%run_scoped3A_432 : memref<!tpu.dma_semaphore, #tpu.memory_space<semaphore_mem>>) src(%arg12 : memref<784x8xf32, #tpu.memory_space<vmem>>) dst(%dma_wait3A_438 : memref<784x8xf32, #tpu.memory_space<hbm>>)
      tpu.yield
    }) : () -> ()
    %add3A_427 = arith.constant 2352 : i32
    %add3A_428 = arith.addi %mul3A_2, %add3A_427 : i32
    "tpu.region"() ({
      %run_scoped3A_432 = tpu.sem_alloc : memref<!tpu.dma_semaphore, #tpu.memory_space<semaphore_mem>>
      %dma_start3A = arith.constant 0 : i32
      %dma_start3A_433 = tpu.memref_slice %arg11[%add3A_428, %dma_start3A] : memref<50176x8xf32, #tpu.memory_space<vmem_shared>> -> memref<784x8xf32, #tpu.memory_space<vmem_shared>>
      %dma_start3A_434 = arith.constant 0 : i32
      %dma_start3A_435 = tpu.memref_slice %arg11[%add3A_428, %dma_start3A_434] : memref<50176x8xf32, #tpu.memory_space<vmem_shared>> -> memref<784x8xf32, #tpu.memory_space<vmem_shared>>
      tpu.enqueue_dma source(%dma_start3A_435 : memref<784x8xf32, #tpu.memory_space<vmem_shared>>) target(%arg12 : memref<784x8xf32, #tpu.memory_space<vmem>>) target_semaphore(%run_scoped3A_432 : memref<!tpu.dma_semaphore, #tpu.memory_space<semaphore_mem>>)
      %dma_wait3A = arith.constant 0 : i32
      %dma_wait3A_436 = tpu.memref_slice %arg11[%add3A_428, %dma_wait3A] : memref<50176x8xf32, #tpu.memory_space<vmem_shared>> -> memref<784x8xf32, #tpu.memory_space<vmem_shared>>
      %dma_wait3A_437 = arith.constant 0 : i32
      %dma_wait3A_438 = tpu.memref_slice %arg11[%add3A_428, %dma_wait3A_437] : memref<50176x8xf32, #tpu.memory_space<vmem_shared>> -> memref<784x8xf32, #tpu.memory_space<vmem_shared>>
      tpu.wait_dma2 semaphore(%run_scoped3A_432 : memref<!tpu.dma_semaphore, #tpu.memory_space<semaphore_mem>>) src(%dma_wait3A_438 : memref<784x8xf32, #tpu.memory_space<vmem_shared>>) dst(%arg12 : memref<784x8xf32, #tpu.memory_space<vmem>>)
      tpu.yield
    }) : () -> ()
    %mul3A_429 = arith.constant 50176 : i32
    %mul3A_430 = arith.muli %arg0, %mul3A_429 : i32
    %add3A_431 = arith.addi %mul3A_430, %add3A_428 : i32
    "tpu.region"() ({
      %run_scoped3A_432 = tpu.sem_alloc : memref<!tpu.dma_semaphore, #tpu.memory_space<semaphore_mem>>
      %dma_start3A = arith.constant 0 : i32
      %dma_start3A_433 = tpu.memref_slice %arg8[%add3A_431, %dma_start3A] : memref<100352x8xf32, #tpu.memory_space<hbm>> -> memref<784x8xf32, #tpu.memory_space<hbm>>
      %dma_start3A_434 = arith.constant 0 : i32
      %dma_start3A_435 = tpu.memref_slice %arg8[%add3A_431, %dma_start3A_434] : memref<100352x8xf32, #tpu.memory_space<hbm>> -> memref<784x8xf32, #tpu.memory_space<hbm>>
      tpu.enqueue_dma source(%arg12 : memref<784x8xf32, #tpu.memory_space<vmem>>) target(%dma_start3A_435 : memref<784x8xf32, #tpu.memory_space<hbm>>) target_semaphore(%run_scoped3A_432 : memref<!tpu.dma_semaphore, #tpu.memory_space<semaphore_mem>>)
      %dma_wait3A = arith.constant 0 : i32
      %dma_wait3A_436 = tpu.memref_slice %arg8[%add3A_431, %dma_wait3A] : memref<100352x8xf32, #tpu.memory_space<hbm>> -> memref<784x8xf32, #tpu.memory_space<hbm>>
      %dma_wait3A_437 = arith.constant 0 : i32
      %dma_wait3A_438 = tpu.memref_slice %arg8[%add3A_431, %dma_wait3A_437] : memref<100352x8xf32, #tpu.memory_space<hbm>> -> memref<784x8xf32, #tpu.memory_space<hbm>>
      tpu.wait_dma2 semaphore(%run_scoped3A_432 : memref<!tpu.dma_semaphore, #tpu.memory_space<semaphore_mem>>) src(%arg12 : memref<784x8xf32, #tpu.memory_space<vmem>>) dst(%dma_wait3A_438 : memref<784x8xf32, #tpu.memory_space<hbm>>)
      tpu.yield
    }) : () -> ()
    return
  }
}

module attributes {stable_mosaic.version = 14 : i64} {
  func.func @_decode_body(%arg0: i32, %arg1: memref<2x128xf32, #tpu.memory_space<vmem>>, %arg2: memref<2048x128xf32, #tpu.memory_space<vmem>>, %arg3: memref<2x2048xf32, #tpu.memory_space<vmem>>) attributes {dimension_semantics = [#tpu.dimension_semantics<arbitrary>], iteration_bounds = array<i64: 74>, scalar_prefetch = 0 : i64, scratch_operands = 0 : i64, tpu.core_type = #tpu.core_type<tc>, window_params = [{pipeline_mode = #tpu.pipeline_mode<synchronous>, transform_indices = @transform_0, window_bounds = array<i64: 2, 128>}, {transform_indices = @transform_1, window_bounds = array<i64: 2048, 128>}, {transform_indices = @transform_2, window_bounds = array<i64: 2, 2048>}]} {
    %get3A = arith.constant 0 : index
    %get3A_0 = arith.constant 0 : index
    %get3A_1 = vector.load %arg1[%get3A, %get3A_0] : memref<2x128xf32, #tpu.memory_space<vmem>>, vector<2x128xf32>
    %get3A_2 = arith.constant 0 : index
    %get3A_3 = arith.constant 0 : index
    %get3A_4 = vector.load %arg2[%get3A_2, %get3A_3] : memref<2048x128xf32, #tpu.memory_space<vmem>>, vector<2048x128xf32>
    %dot_general3A = arith.constant dense<0.000000e+00> : vector<2x2048xf32>
    %dot_general3A_5 = tpu.matmul %get3A_1, %get3A_4, %dot_general3A {dimension_numbers = #tpu.dot_dimension_numbers<[1], [1], [0], [0], [0, 0, 1, 0], [], []>, transpose_lhs_hint = false} : vector<2x128xf32>, vector<2048x128xf32>, vector<2x2048xf32> -> vector<2x2048xf32>
    %swap3A = arith.constant 0 : index
    %swap3A_6 = arith.constant 0 : index
    %swap3A_7 = vector.load %arg3[%swap3A, %swap3A_6] : memref<2x2048xf32, #tpu.memory_space<vmem>>, vector<2x2048xf32>
    tpu.vector_store %arg3[%swap3A, %swap3A_6], %dot_general3A_5 {strides = array<i32>} : memref<2x2048xf32, #tpu.memory_space<vmem>>, vector<2x2048xf32>,
    return
  }
  func.func @transform_0(%arg0: i32) -> (i32, i32) {
    %c0_i32 = arith.constant 0 : i32
    %c0_i32_0 = arith.constant 0 : i32
    %c0_i32_1 = arith.constant 0 : i32
    return %c0_i32, %c0_i32_0 : i32, i32
  }
  func.func @transform_1(%arg0: i32) -> (i32, i32) {
    %c0_i32 = arith.constant 0 : i32
    %c0_i32_0 = arith.constant 0 : i32
    return %arg0, %c0_i32 : i32, i32
  }
  func.func @transform_2(%arg0: i32) -> (i32, i32) {
    %c0_i32 = arith.constant 0 : i32
    %c0_i32_0 = arith.constant 0 : i32
    return %c0_i32, %arg0 : i32, i32
  }
}

module attributes {stable_mosaic.version = 14 : i64} {
  func.func @_grad_body(%arg0: i32, %arg1: memref<2x2x2048xf32, #tpu.memory_space<vmem>>, %arg2: memref<2048x128xf32, #tpu.memory_space<vmem>>, %arg3: memref<32x16xf32, #tpu.memory_space<vmem>>, %arg4: memref<2x128xf32, #tpu.memory_space<vmem>>, %arg5: memref<1x2xf32, #tpu.memory_space<vmem>>) attributes {dimension_semantics = [#tpu.dimension_semantics<arbitrary>], iteration_bounds = array<i64: 74>, scalar_prefetch = 0 : i64, scratch_operands = 0 : i64, tpu.core_type = #tpu.core_type<tc>, window_params = [{transform_indices = @transform_0, window_bounds = array<i64: 2, 2, 2048>}, {transform_indices = @transform_1, window_bounds = array<i64: 2048, 128>}, {pipeline_mode = #tpu.pipeline_mode<synchronous>, transform_indices = @transform_2, window_bounds = array<i64: 32, 16>}, {pipeline_mode = #tpu.pipeline_mode<synchronous>, transform_indices = @transform_3, window_bounds = array<i64: 2, 128>}, {pipeline_mode = #tpu.pipeline_mode<synchronous>, transform_indices = @transform_4, window_bounds = array<i64: 1, 2>}]} {
    %eq3A = arith.constant 0 : i32
    %eq3A_0 = arith.cmpi eq, %arg0, %eq3A : i32
    %convert_element_type3A = arith.extui %eq3A_0 : i1 to i32
    %cond3A = arith.constant 0 : i32
    %cond3A_1 = arith.cmpi ne, %convert_element_type3A, %cond3A : i32
    scf.if %cond3A_1 {
      %broadcast_in_dim3A = arith.constant 0.000000e+00 : f32
      %broadcast_in_dim3A_23 = vector.broadcast %broadcast_in_dim3A : f32 to vector<2x128xf32>
      %swap3A = arith.constant 0 : index
      %swap3A_24 = arith.constant 0 : index
      %swap3A_25 = vector.load %arg4[%swap3A, %swap3A_24] : memref<2x128xf32, #tpu.memory_space<vmem>>, vector<2x128xf32>
      tpu.vector_store %arg4[%swap3A, %swap3A_24], %broadcast_in_dim3A_23 {strides = array<i32>} : memref<2x128xf32, #tpu.memory_space<vmem>>, vector<2x128xf32>,
      %get3A_26 = arith.constant 0 : index
      %get3A_27 = arith.constant 0 : index
      %get3A_28 = vector.load %arg3[%get3A_26, %get3A_27] : memref<32x16xf32, #tpu.memory_space<vmem>>, vector<32x16xf32>
      %iota3A = tpu.iota {dimensions = array<i32: 1>} : vector<32x16xi32>
      %jit3A = arith.constant 8 : i32
      %eq3A_29 = arith.constant 0 : i32
      %eq3A_30 = arith.cmpi eq, %jit3A, %eq3A_29 : i32
      %jit3A_31 = arith.constant 1 : i32
      %select_n3A = arith.select %eq3A_30, %jit3A_31, %jit3A : i32
      %rem3A = vector.broadcast %select_n3A : i32 to vector<32x16xi32>
      %rem3A_32 = arith.remsi %iota3A, %rem3A : vector<32x16xi32>
      %ne3A = arith.constant 0 : i32
      %ne3A_33 = vector.broadcast %ne3A : i32 to vector<32x16xi32>
      %ne3A_34 = arith.cmpi ne, %rem3A_32, %ne3A_33 : vector<32x16xi32>
      %lt3A_35 = arith.constant 0 : i32
      %lt3A_36 = vector.broadcast %lt3A_35 : i32 to vector<32x16xi32>
      %lt3A_37 = arith.cmpi slt, %rem3A_32, %lt3A_36 : vector<32x16xi32>
      %lt3A_38 = arith.constant 0 : i32
      %lt3A_39 = arith.cmpi slt, %select_n3A, %lt3A_38 : i32
      %ne3A_40 = vector.broadcast %lt3A_39 : i1 to vector<32x16xi1>
      %ne3A_41 = vector.broadcast %ne3A_40 : vector<32x16xi1> to vector<32x16xi1>
      %ne3A_42 = arith.xori %lt3A_37, %ne3A_41 : vector<32x16xi1>
      %and3A = arith.andi %ne3A_42, %ne3A_34 : vector<32x16xi1>
      %add3A_43 = vector.broadcast %select_n3A : i32 to vector<32x16xi32>
      %add3A_44 = arith.addi %rem3A_32, %add3A_43 : vector<32x16xi32>
      %select_n3A_45 = arith.select %and3A, %add3A_44, %rem3A_32 : vector<32x16xi1>, vector<32x16xi32>
      %lt3A_46 = arith.constant 3 : i32
      %lt3A_47 = vector.broadcast %lt3A_46 : i32 to vector<32x16xi32>
      %lt3A_48 = arith.cmpi slt, %select_n3A_45, %lt3A_47 : vector<32x16xi32>
      %jit3A_49 = arith.constant 0.000000e+00 : f32
      %broadcast_in_dim3A_50 = vector.broadcast %jit3A_49 : f32 to vector<32x16xf32>
      %select_n3A_51 = arith.select %lt3A_48, %get3A_28, %broadcast_in_dim3A_50 : vector<32x16xi1>, vector<32x16xf32>
      %reduce_sum3A = vector.shape_cast %select_n3A_51 : vector<32x16xf32> to vector<1x32x16xf32>
      %reduce_sum3A_52 = arith.constant dense<0.000000e+00> : vector<1xf32>
      %reduce_sum3A_53 = vector.multi_reduction <add>, %reduce_sum3A, %reduce_sum3A_52 [1, 2] : vector<1x32x16xf32> to vector<1xf32>
      %reduce_sum3A_54 = vector.shape_cast %reduce_sum3A_53 : vector<1xf32> to vector<1x1x1xf32>
      %reduce_sum3A_55 = vector.extract %reduce_sum3A_54[0, 0, 0] : f32 from vector<1x1x1xf32>
      %ge3A = arith.constant 3 : i32
      %ge3A_56 = vector.broadcast %ge3A : i32 to vector<32x16xi32>
      %ge3A_57 = arith.cmpi sge, %select_n3A_45, %ge3A_56 : vector<32x16xi32>
      %lt3A_58 = arith.constant 6 : i32
      %lt3A_59 = vector.broadcast %lt3A_58 : i32 to vector<32x16xi32>
      %lt3A_60 = arith.cmpi slt, %select_n3A_45, %lt3A_59 : vector<32x16xi32>
      %and3A_61 = arith.andi %ge3A_57, %lt3A_60 : vector<32x16xi1>
      %jit3A_62 = arith.constant 0.000000e+00 : f32
      %broadcast_in_dim3A_63 = vector.broadcast %jit3A_62 : f32 to vector<32x16xf32>
      %select_n3A_64 = arith.select %and3A_61, %get3A_28, %broadcast_in_dim3A_63 : vector<32x16xi1>, vector<32x16xf32>
      %reduce_sum3A_65 = vector.shape_cast %select_n3A_64 : vector<32x16xf32> to vector<1x32x16xf32>
      %reduce_sum3A_66 = arith.constant dense<0.000000e+00> : vector<1xf32>
      %reduce_sum3A_67 = vector.multi_reduction <add>, %reduce_sum3A_65, %reduce_sum3A_66 [1, 2] : vector<1x32x16xf32> to vector<1xf32>
      %reduce_sum3A_68 = vector.shape_cast %reduce_sum3A_67 : vector<1xf32> to vector<1x1x1xf32>
      %reduce_sum3A_69 = vector.extract %reduce_sum3A_68[0, 0, 0] : f32 from vector<1x1x1xf32>
      %iota3A_70 = tpu.iota {dimensions = array<i32: 1>} : vector<1x2xi32>
      %eq3A_71 = arith.constant 0 : i32
      %eq3A_72 = vector.broadcast %eq3A_71 : i32 to vector<1x2xi32>
      %eq3A_73 = arith.cmpi eq, %iota3A_70, %eq3A_72 : vector<1x2xi32>
      %jit3A_74 = arith.constant 0.000000e+00 : f32
      %broadcast_in_dim3A_75 = vector.broadcast %reduce_sum3A_55 : f32 to vector<1x2xf32>
      %broadcast_in_dim3A_76 = vector.broadcast %jit3A_74 : f32 to vector<1x2xf32>
      %select_n3A_77 = arith.select %eq3A_73, %broadcast_in_dim3A_75, %broadcast_in_dim3A_76 : vector<1x2xi1>, vector<1x2xf32>
      %eq3A_78 = arith.constant 1 : i32
      %eq3A_79 = vector.broadcast %eq3A_78 : i32 to vector<1x2xi32>
      %eq3A_80 = arith.cmpi eq, %iota3A_70, %eq3A_79 : vector<1x2xi32>
      %jit3A_81 = arith.constant 0.000000e+00 : f32
      %broadcast_in_dim3A_82 = vector.broadcast %reduce_sum3A_69 : f32 to vector<1x2xf32>
      %broadcast_in_dim3A_83 = vector.broadcast %jit3A_81 : f32 to vector<1x2xf32>
      %select_n3A_84 = arith.select %eq3A_80, %broadcast_in_dim3A_82, %broadcast_in_dim3A_83 : vector<1x2xi1>, vector<1x2xf32>
      %add3A_85 = arith.addf %select_n3A_77, %select_n3A_84 : vector<1x2xf32>
      %mul3A = arith.constant 6.66666664E-6 : f32
      %mul3A_86 = vector.broadcast %mul3A : f32 to vector<1x2xf32>
      %mul3A_87 = arith.mulf %mul3A_86, %add3A_85 : vector<1x2xf32>
      %swap3A_88 = arith.constant 0 : index
      %swap3A_89 = arith.constant 0 : index
      %swap3A_90 = vector.load %arg5[%swap3A_88, %swap3A_89] : memref<1x2xf32, #tpu.memory_space<vmem>>, vector<1x2xf32>
      tpu.vector_store %arg5[%swap3A_88, %swap3A_89], %mul3A_87 {strides = array<i32>} : memref<1x2xf32, #tpu.memory_space<vmem>>, vector<1x2xf32>,
    } else {
    }
    %get3A = arith.constant 0 : index
    %get3A_2 = arith.constant 0 : index
    %get3A_3 = arith.constant 0 : index
    %get3A_4 = vector.load %arg1[%get3A, %get3A_2, %get3A_3] : memref<2x2x2048xf32, #tpu.memory_space<vmem>>, vector<1x2x2048xf32>
    %get3A_5 = vector.shape_cast %get3A_4 : vector<1x2x2048xf32> to vector<2x2048xf32>
    %get3A_6 = arith.constant 1 : index
    %get3A_7 = arith.constant 0 : index
    %get3A_8 = arith.constant 0 : index
    %get3A_9 = vector.load %arg1[%get3A_6, %get3A_7, %get3A_8] : memref<2x2x2048xf32, #tpu.memory_space<vmem>>, vector<1x2x2048xf32>
    %get3A_10 = vector.shape_cast %get3A_9 : vector<1x2x2048xf32> to vector<2x2048xf32>
    %add3A = arith.addf %get3A_5, %get3A_10 : vector<2x2048xf32>
    %get3A_11 = arith.constant 0 : index
    %get3A_12 = arith.constant 0 : index
    %get3A_13 = vector.load %arg2[%get3A_11, %get3A_12] : memref<2048x128xf32, #tpu.memory_space<vmem>>, vector<2048x128xf32>
    %eq3A_14 = arith.constant 73 : i32
    %eq3A_15 = arith.cmpi eq, %arg0, %eq3A_14 : i32
    %convert_element_type3A_16 = arith.extui %eq3A_15 : i1 to i32
    %cond3A_17 = arith.constant 0 : i32
    %cond3A_18 = arith.cmpi ne, %convert_element_type3A_16, %cond3A_17 : i32
    scf.if %cond3A_18 {
      %mul3A = arith.constant 2048 : i32
      %mul3A_23 = arith.muli %arg0, %mul3A : i32
      %iota3A = tpu.iota {dimensions = array<i32: 1>} : vector<1x2048xi32>
      %add3A_24 = vector.broadcast %mul3A_23 : i32 to vector<1x2048xi32>
      %add3A_25 = arith.addi %add3A_24, %iota3A : vector<1x2048xi32>
      %lt3A_26 = arith.constant 150000 : i32
      %lt3A_27 = vector.broadcast %lt3A_26 : i32 to vector<1x2048xi32>
      %lt3A_28 = arith.cmpi slt, %add3A_25, %lt3A_27 : vector<1x2048xi32>
      %jit3A = arith.constant 0.000000e+00 : f32
      %broadcast_in_dim3A = vector.shape_cast %lt3A_28 : vector<1x2048xi1> to vector<1x2048xi1>
      %broadcast_in_dim3A_29 = vector.broadcast %broadcast_in_dim3A : vector<1x2048xi1> to vector<2x2048xi1>
      %broadcast_in_dim3A_30 = vector.broadcast %jit3A : f32 to vector<2x2048xf32>
      %select_n3A = arith.select %broadcast_in_dim3A_29, %add3A, %broadcast_in_dim3A_30 : vector<2x2048xi1>, vector<2x2048xf32>
      %mul3A_31 = arith.constant 2048 : i32
      %mul3A_32 = arith.muli %arg0, %mul3A_31 : i32
      %iota3A_33 = tpu.iota {dimensions = array<i32: 0>} : vector<2048x1xi32>
      %add3A_34 = vector.broadcast %mul3A_32 : i32 to vector<2048x1xi32>
      %add3A_35 = arith.addi %add3A_34, %iota3A_33 : vector<2048x1xi32>
      %lt3A_36 = arith.constant 150000 : i32
      %lt3A_37 = vector.broadcast %lt3A_36 : i32 to vector<2048x1xi32>
      %lt3A_38 = arith.cmpi slt, %add3A_35, %lt3A_37 : vector<2048x1xi32>
      %jit3A_39 = arith.constant 0.000000e+00 : f32
      %broadcast_in_dim3A_40 = vector.shape_cast %lt3A_38 : vector<2048x1xi1> to vector<2048x1xi1>
      %broadcast_in_dim3A_41 = vector.broadcast %broadcast_in_dim3A_40 : vector<2048x1xi1> to vector<2048x128xi1>
      %broadcast_in_dim3A_42 = vector.broadcast %jit3A_39 : f32 to vector<2048x128xf32>
      %select_n3A_43 = arith.select %broadcast_in_dim3A_41, %get3A_13, %broadcast_in_dim3A_42 : vector<2048x128xi1>, vector<2048x128xf32>
      %get3A_44 = arith.constant 0 : index
      %get3A_45 = arith.constant 0 : index
      %get3A_46 = vector.load %arg4[%get3A_44, %get3A_45] : memref<2x128xf32, #tpu.memory_space<vmem>>, vector<2x128xf32>
      %dot_general3A = arith.constant dense<0.000000e+00> : vector<2x128xf32>
      %dot_general3A_47 = tpu.matmul %select_n3A, %select_n3A_43, %dot_general3A {dimension_numbers = #tpu.dot_dimension_numbers<[1], [0], [0], [1], [0, 0, 1, 1], [], []>, transpose_lhs_hint = false} : vector<2x2048xf32>, vector<2048x128xf32>, vector<2x128xf32> -> vector<2x128xf32>
      %mul3A_48 = arith.constant 1.33333333E-5 : f32
      %mul3A_49 = vector.broadcast %mul3A_48 : f32 to vector<2x128xf32>
      %mul3A_50 = arith.mulf %mul3A_49, %dot_general3A_47 : vector<2x128xf32>
      %add3A_51 = arith.addf %get3A_46, %mul3A_50 : vector<2x128xf32>
      %swap3A = arith.constant 0 : index
      %swap3A_52 = arith.constant 0 : index
      %swap3A_53 = vector.load %arg4[%swap3A, %swap3A_52] : memref<2x128xf32, #tpu.memory_space<vmem>>, vector<2x128xf32>
      tpu.vector_store %arg4[%swap3A, %swap3A_52], %add3A_51 {strides = array<i32>} : memref<2x128xf32, #tpu.memory_space<vmem>>, vector<2x128xf32>,
    } else {
    }
    %lt3A = arith.constant 73 : i32
    %lt3A_19 = arith.cmpi slt, %arg0, %lt3A : i32
    %convert_element_type3A_20 = arith.extui %lt3A_19 : i1 to i32
    %cond3A_21 = arith.constant 0 : i32
    %cond3A_22 = arith.cmpi ne, %convert_element_type3A_20, %cond3A_21 : i32
    scf.if %cond3A_22 {
      %get3A_23 = arith.constant 0 : index
      %get3A_24 = arith.constant 0 : index
      %get3A_25 = vector.load %arg4[%get3A_23, %get3A_24] : memref<2x128xf32, #tpu.memory_space<vmem>>, vector<2x128xf32>
      %dot_general3A = arith.constant dense<0.000000e+00> : vector<2x128xf32>
      %dot_general3A_26 = tpu.matmul %add3A, %get3A_13, %dot_general3A {dimension_numbers = #tpu.dot_dimension_numbers<[1], [0], [0], [1], [0, 0, 1, 1], [], []>, transpose_lhs_hint = false} : vector<2x2048xf32>, vector<2048x128xf32>, vector<2x128xf32> -> vector<2x128xf32>
      %mul3A = arith.constant 1.33333333E-5 : f32
      %mul3A_27 = vector.broadcast %mul3A : f32 to vector<2x128xf32>
      %mul3A_28 = arith.mulf %mul3A_27, %dot_general3A_26 : vector<2x128xf32>
      %add3A_29 = arith.addf %get3A_25, %mul3A_28 : vector<2x128xf32>
      %swap3A = arith.constant 0 : index
      %swap3A_30 = arith.constant 0 : index
      %swap3A_31 = vector.load %arg4[%swap3A, %swap3A_30] : memref<2x128xf32, #tpu.memory_space<vmem>>, vector<2x128xf32>
      tpu.vector_store %arg4[%swap3A, %swap3A_30], %add3A_29 {strides = array<i32>} : memref<2x128xf32, #tpu.memory_space<vmem>>, vector<2x128xf32>,
    } else {
    }
    return
  }
  func.func @transform_0(%arg0: i32) -> (i32, i32, i32) {
    %c0_i32 = arith.constant 0 : i32
    %c0_i32_0 = arith.constant 0 : i32
    %c0_i32_1 = arith.constant 0 : i32
    return %c0_i32, %c0_i32_0, %arg0 : i32, i32, i32
  }
  func.func @transform_1(%arg0: i32) -> (i32, i32) {
    %c0_i32 = arith.constant 0 : i32
    %c0_i32_0 = arith.constant 0 : i32
    return %arg0, %c0_i32 : i32, i32
  }
  func.func @transform_2(%arg0: i32) -> (i32, i32) {
    %c0_i32 = arith.constant 0 : i32
    %c0_i32_0 = arith.constant 0 : i32
    %c0_i32_1 = arith.constant 0 : i32
    return %c0_i32, %c0_i32_0 : i32, i32
  }
  func.func @transform_3(%arg0: i32) -> (i32, i32) {
    %c0_i32 = arith.constant 0 : i32
    %c0_i32_0 = arith.constant 0 : i32
    %c0_i32_1 = arith.constant 0 : i32
    return %c0_i32, %c0_i32_0 : i32, i32
  }
  func.func @transform_4(%arg0: i32) -> (i32, i32) {
    %c0_i32 = arith.constant 0 : i32
    %c0_i32_0 = arith.constant 0 : i32
    %c0_i32_1 = arith.constant 0 : i32
    return %c0_i32, %c0_i32_0 : i32, i32
  }
}

</mosaic_0001>

<sc_bundles>
// kernel: kernel.5.cloned.1.call-start
scs
__scs_entry_jumppad:
0x0: {  	(pc) =	sbr.rel $0x88, $3  }
0x1: {  	(tag) =	ssettag $0x0;
	lr =	simm.s32 $0x1  }
0x2: {  	[smem:$0x3F9B] =	sst lr;
	_ =	strace $0xD0000000  }
0x3: {  	_ = 	snop  }
0x4: {  	_ = 	snop  }
0x5: {  	_ = 	snop  }
0x6: {  	_ = 	snop  }
0x7: {  	_ = 	snop  }
__scs_overlays_trampoline_lowered:
0x8: {  	[smem:$0x3FAA] =	sst s0  }
0x9: {  	[smem:$0x3FAB] =	sst s1  }
0xa: {  	[smem:$0x3FAC] =	sst s2  }
0xb: {  	[smem:$0x3FAD] =	sst s3  }
0xc: {  	[smem:$0x3FAE] =	sst s4  }
0xd: {  	[smem:$0x3FAF] =	sst s5  }
0xe: {  	[smem:$0x3FB0] =	sst s6  }
0xf: {  	[smem:$0x3FB1] =	sst s7  }
0x10: {  	[smem:$0x3FB2] =	sst s8  }
0x11: {  	[smem:$0x3FB3] =	sst s9;
	s0 =	simm.s32 @!p0 $0x0  }
0x12: {  	s1 =	sld [smem:$0x3F99];
	s0 =	simm.s32 @p0 $0x1  }
0x13: {  	[smem:$0x3FB4] =	sst s0;
	s0 =	simm.s32 @!p1 $0x0  }
0x14: {  	s2 =	sld [smem:$0x3F98];
	s0 =	simm.s32 @p1 $0x1  }
0x15: {  	[smem:$0x3FB5] =	sst s0;
	s0 =	simm.s32 @!p2 $0x0  }
0x16: {  	s3 =	sld [smem:$0x3FDB];
	s0 =	simm.s32 @p2 $0x1  }
0x17: {  	s4 =	simm.s32 $0x1BF5;
	[smem:$0x3FB7] =	sst s0  }
0x18: {  	s0 =	sld [smem:$0x3F9A];
	_ =	swait.ge [sflag:s4], $0x0  }
0x19: {  	s7 =	sld [smem:$0x3F9B]  }
0x1a: {  	s8 =	sadd.s32 $0xFFFFE003, lr  }
0x1b: {  	s9 =	sadd.s32 $0xFFFFFEF7, lr;
	s5 =	simm.s32 $0xFFFFFFFF;
	p2 =	slt.u32 s8, $0xFFFFF086  }
0x1c: {  	p1 =	slt.u32 s9, $0xF7A;
	s5 =	simm.s32 @!p2 $0x0  }
0x1d: {  	s5 =	simm.s32 @p1 $0x1;
	p0 =	seq.s32 s7, s2  }
0x1e: {  	s7 =	smul.u32 @!p0 $0xF7A, s2;
	p2 =	seq.s32 @!p0 s5, $0x0  }
0x1f: {  	s9 =	smul.u32 $0xF7A, s1;
	s8 =	simm.s32 @!p0 $0x1BF5;
	p2 =	por !p2, p0  }
0x20: {  	[sflag:s8] =	ssyncset.s32 @!p0 $0xFFFFF086;
	s6 =	sadd.s32 @!p0 s3, s7;
	s7 =	simm.s32 @!p0 $0x108  }
0x21: {  	s3 =	sadd.s32 s3, s9;
	s6 =	sadd.s32 @!p0 $0x88, s6;
	s7 =	simm.s32 @p2 $0x1082  }
0x22: {  	[simem:s7], [sflag:s8] =	dma.local @!p0 [hbm:s6], $0xF7A  }
0x23: {  	s9 =	sor.u32 $0xD0000000, s2;
	s6 =	simm.s32 $0x108;
	_ =	swait.ge @!p0 [sflag:s8], $0x0  }
0x24: {  	s3 =	sadd.s32 $0x88, s3;
	s6 =	simm.s32 @!p1 $0x1082;
	[sflag:s4] =	ssyncset.s32 $0xFFFFF086  }
0x25: {  	[simem:s6], [sflag:s4] =	dma.local [hbm:s3], $0xF7A  }
0x26: {  	[smem:$0x3F9B] =	sst s1;
	(tag) =	ssettag s2;
	_ =	strace s9  }
0x27: {  	s1 =	sld [smem:$0x3FAB]  }
0x28: {  	s2 =	sld [smem:$0x3FAC]  }
0x29: {  	s4 =	sld [smem:$0x3FAE]  }
0x2a: {  	p0 =	seq.s32 s5, $0x0;
	s5 =	sld [smem:$0x3FAF]  }
0x2b: {  	s6 =	sld [smem:$0x3FB0]  }
0x2c: {  	s7 =	sld [smem:$0x3FB1]  }
0x2d: {  	s3 =	simm.s32 $0x108;
	s8 =	sld [smem:$0x3FB2]  }
0x2e: {  	s3 =	simm.s32 @!p0 $0x1082;
	s9 =	sld [smem:$0x3FB3]  }
0x2f: {  	lr =	sadd.s32 s0, s3;
	s0 =	sld [smem:$0x3FAA]  }
0x30: {  	s3 =	sld [smem:$0x3FAD]  }
0x31: {  	[smem:$0x3FB6] =	sst s10  }
0x32: {  	s10 =	sld [smem:$0x3FB4];
	_ =	sdelay $0x3  }
0x33: {  	p0 =	seq.s32 s10, $0x1;
	s10 =	sld [smem:$0x3FB6];
	_ =	sdelay $0x3  }
0x34: {  	[smem:$0x3FB6] =	sst s10  }
0x35: {  	s10 =	sld [smem:$0x3FB5];
	_ =	sdelay $0x3  }
0x36: {  	p1 =	seq.s32 s10, $0x1;
	s10 =	sld [smem:$0x3FB6];
	_ =	sdelay $0x3  }
0x37: {  	[smem:$0x3FB6] =	sst s10  }
0x38: {  	s10 =	sld [smem:$0x3FB7]  }
0x39: {  	_ = 	snop;
	(pc) =	sbr.ind lr, $3  }
0x3a: {  	_ = 	snop  }
0x3b: {  	_ = 	snop  }
0x3c: {  	p2 =	seq.s32 s10, $0x1;
	s10 =	sld [smem:$0x3FB6]  }
0x3d: {  	_ =	shalt  }
0x3e: {  	_ =	shalt  }
0x3f: {  	_ =	shalt  }
0x40: {  	_ =	shalt  }
0x41: {  	_ =	shalt  }
0x42: {  	_ =	shalt  }
0x43: {  	_ =	shalt  }
0x44: {  	_ =	shalt  }
0x45: {  	_ =	shalt  }
0x46: {  	_ =	shalt  }
0x47: {  	_ =	shalt  }
0x48: {  	_ =	shalt  }
0x49: {  	_ =	shalt  }
0x4a: {  	_ =	shalt  }
0x4b: {  	_ =	shalt  }
0x4c: {  	_ =	shalt  }
0x4d: {  	_ =	shalt  }
0x4e: {  	_ =	shalt  }
0x4f: {  	_ =	shalt  }
0x50: {  	_ =	shalt  }
0x51: {  	_ =	shalt  }
0x52: {  	_ =	shalt  }
0x53: {  	_ =	shalt  }
0x54: {  	_ =	shalt  }
0x55: {  	_ =	shalt  }
0x56: {  	_ =	shalt  }
0x57: {  	_ =	shalt  }
0x58: {  	_ =	shalt  }
0x59: {  	_ =	shalt  }
0x5a: {  	_ =	shalt  }
0x5b: {  	_ =	shalt  }
0x5c: {  	_ =	shalt  }
0x5d: {  	_ =	shalt  }
0x5e: {  	_ =	shalt  }
0x5f: {  	_ =	shalt  }
0x60: {  	_ =	shalt  }
0x61: {  	_ =	shalt  }
0x62: {  	_ =	shalt  }
0x63: {  	_ =	shalt  }
0x64: {  	_ =	shalt  }
0x65: {  	_ =	shalt  }
0x66: {  	_ =	shalt  }
0x67: {  	_ =	shalt  }
0x68: {  	_ =	shalt  }
0x69: {  	_ =	shalt  }
0x6a: {  	_ =	shalt  }
0x6b: {  	_ =	shalt  }
0x6c: {  	_ =	shalt  }
0x6d: {  	_ =	shalt  }
0x6e: {  	_ =	shalt  }
0x6f: {  	_ =	shalt  }
0x70: {  	_ =	shalt  }
0x71: {  	_ =	shalt  }
0x72: {  	_ =	shalt  }
0x73: {  	_ =	shalt  }
0x74: {  	_ =	shalt  }
0x75: {  	_ =	shalt  }
0x76: {  	_ =	shalt  }
0x77: {  	_ =	shalt  }
0x78: {  	_ =	shalt  }
0x79: {  	_ =	shalt  }
0x7a: {  	_ =	shalt  }
0x7b: {  	_ =	shalt  }
0x7c: {  	_ =	shalt  }
0x7d: {  	_ =	shalt  }
0x7e: {  	_ =	shalt  }
0x7f: {  	_ =	shalt  }
0x80: {  	_ =	shalt  }
0x81: {  	_ =	shalt  }
0x82: {  	_ =	shalt  }
0x83: {  	_ =	shalt  }
0x84: {  	_ =	shalt  }
0x85: {  	_ =	shalt  }
0x86: {  	_ =	shalt  }
0x87: {  	_ =	shalt  }
.Lfunc_end0:
.L_simem_size_0:
called_computation_lowered:
.L_overlay_start_0:
0x88: {  	s2 =	sld [smem:$0x3FD9]  }
0x89: {  	s3 =	sld [smem:$0x3FFE];
	_ =	sdelay $0x1  }
0x8a: {  	s1 =	srdreg.scid  }
0x8b: {  	s0 =	sand.u32 $0x1, s1  }
0x8c: {  	s16 =	sshll.u32 s0, $0xA;
	s2 =	sadd.s32 s3, s2  }
0x8d: {  	s2 =	sadd.s32 s2, s16  }
0x8e: {  	[smem:$0x3FC2] =	sst s2  }
0x8f: {  	_ = 	snop  }
0x90: {  	(tm) =	ssettm $0x1  }
0x91: {  	s17 =	sld [smem:$0x3FFB];
	_ =	sdelay $0x3  }
0x92: {  	_ =	strace s17  }
0x93: {  	s2 =	sld [smem:$0x3FFC];
	_ =	sdelay $0x3  }
0x94: {  	_ =	strace s2  }
0x95: {  	s2 =	sld [smem:$0x3FFD];
	_ =	sdelay $0x3  }
0x96: {  	_ =	strace s2  }
0x97: {  	_ =	strace $0x8FFFFFFF  }
0x98: {  	s18 =	sld [smem:$0x3FDB];
	_ =	sdelay $0x1  }
0x99: {  	s19 =	simm.s32 $_scs_section_size  }
0x9a: {  	s4 =	simm.s32 $_size__tile_overlayer_lowered;
	s5 =	simm.s32 $_tile_overlayer_lowered  }
0x9b: {  	s22 =	simm.s32 $0x1BFF;
	s21 =	sshll.u32 s5, $0x1;
	s2 =	sadd.s32 s19, s18  }
0x9c: {  	s6 =	simm.s32 $0x0;
	s20 =	sshll.u32 s4, $0x1;
	s4 =	sadd.s32 s21, s2  }
0x9d: {  	[timem:s6], [sflag:s22] =	dma.local [hbm:s4], s20  }
0x9e: {  	_ =	swait.ge [sflag:s22], s20  }
0x9f: {  	s3 =	ssub.s32 $0x0, s20;
	[sflag:s22] =	ssyncset.done $0x0  }
0xa0: {  	[sflag:s22] =	ssyncadd.s32 s3;
	_ =	sdelay $0x1  }
0xa1: {  	s23 =	simm.s32 $0x1B8B  }
0xa2: {  	_ =	swait.ge [sflag:s23], $0x1  }
0xa3: {  	[sflag:s23] =	ssyncset.done $0x0  }
0xa4: {  	s25 =	simm.s32 $0x1B8E;
	s24 =	sld [smem:$0x3FFE];
	[sflag:s23] =	ssyncadd.s32 $0xFFFFFFFF  }
0xa5: {  	s26 =	simm.s32 $execute0_lowered;
	[smem:$0x3FD2] =	sst s25  }
0xa6: {  	s4 =	sshll.u32 s26, $0x1;
	_ =	strace $0x80000046;
	[dreg:$0x1] =	wrdreg $0xFFFFFFFF  }
0xa7: {  	s28 =	simm.s32 $_size_execute0_lowered;
	s2 =	sadd.s32 s2, s4;
	[dreg:$0x0] =	wrdreg $0x0  }
0xa8: {  	s4 =	sshll.u32 s28, $0x1;
	[dreg:$0x2] =	wrdreg s2  }
0xa9: {  	[dreg:$0x3] =	wrdreg s4  }
0xaa: {  	[dreg:$0x4] =	wrdreg $0xC0  }
0xab: {  	_ =	task [dreg:s6], $0x5FFFF  }
0xac: {  	[dreg:$0x1] =	wrdreg $0xFFFFFFFF  }
0xad: {  	[dreg:$0x0] =	wrdreg $0x60  }
0xae: {  	[dreg:$0x2] =	wrdreg s24  }
0xaf: {  	[dreg:$0x3] =	wrdreg $0x0  }
0xb0: {  	[dreg:$0x4] =	wrdreg $0x62000  }
0xb1: {  	[dreg:$0x5] =	wrdreg $0x9  }
0xb2: {  	_ =	task.clear_ibuf [dreg:s6], $0x6FFFF;
	_ =	strace $0x90000046  }
0xb3: {  	s29 =	simm.s32 $0x9;
	_ =	strace $0x80000048  }
0xb4: {  	_ =	swait.ge [sflag:s29], $0x1  }
0xb5: {  	[sflag:s29] =	ssyncadd.s32 $0xFFFFFFFF  }
0xb6: {  	_ =	strace $0x90000048  }
0xb7: {  	_ =	sfence  }
0xb8: {  	s30 =	sld [smem:$0x0];
	_ =	sdelay $0x2  }
0xb9: {  	s31 =	sshll.u32 s1, $0xD;
	s1 =	sshrl.u32 s1, $0x2  }
0xba: {  	s3 =	sand.u32 $0x4000, s31;
	s1 =	sadd.s32 s1, s30  }
0xbb: {  	s0 =	sor.u32 s3, s0;
	s1 =	sshll.u32 s1, $0x11  }
0xbc: {  	s0 =	sor.u32 s1, s0  }
0xbd: {  	s0 =	sadd.s32 $0x8F2B, s0  }
0xbe: {  	[sflag:s0] =	ssyncadd.remote.s32 $0x1  }
0xbf: {  	_ =	sfence.sel $0xFFFF  }
0xc0: {  	[dreg:$0x0] =	wrdreg $0xFFFFFFFF;
	(pc) =	sbr.abs _section_cstart, $3  }
0xc1: {  	[dreg:$0x1] =	wrdreg $0xFFFFFFFF  }
0xc2: {  	_ =	task.clear_ibuf [dreg:s6], $0x2FFFF;
	_ =	strace $0x9FFFFFFF  }
0xc3: {  	(tm) =	ssettm $0x7FFFFFFF  }
tec
execute0_lowered:
.L_overlay_start_1:
0x0: {  	(tag) =	ssettag $0x1  }
0x1: {  	s0 =	rddreg [dreg:$0x0]  }
0x2: {  	s1 =	rddreg [dreg:$0x1]  }
0x3: {  	s2 =	rddreg [dreg:$0x2];
	s3 =	simm.s32 $0x0;
	s6 =	srdreg.scid  }
0x4: {  	s19 =	stileid.u32;
	[smem:$0x7FF] =	sst s3  }
0x5: {  	s4 =	sadd.s32 $0x2400, s0;
	s5 =	sadd.s32 $0x6D800, s0;
	s10 =	smul.u32 $0xC40, s19  }
0x6: {  	s6 =	sand.u32 $0x1, s6;
	s8 =	sadd.s32 $0xB4000, s0;
	s12 =	smul.u32 $0x24C0, s19  }
0x7: {  	_ =	strace $0x80000047;
	s9 =	sshll.u32 s6, $0x4;
	s11 =	ssub.s32 $0x2, s6  }
0x8: {  	s9 =	sor.u32 s19, s9;
	s13 =	sshrl.u32 s11, $0x1;
	s17 =	sadd.s32 $0x310, s10  }
0x9: {  	s15 =	sshrl.u32 s12, $0x3;
	s16 =	sshrl.u32 s10, $0x3;
	s19 =	smul.u32 $0x6200, s19  }
0xa: {  	s25 =	sadd.s32 $0x1260, s12;
	s12 =	sadd.s32 $0x1B90, s12;
	s18 =	smul.u32 $0x3, s17  }
0xb: {  	s11 =	ssub.s32 s11, s13;
	s21 =	sadd.s32 s4, s15;
	s22 =	sadd.s32 s5, s16  }
0xc: {  	s20 =	sshrl.u32 s17, $0x3;
	s13 =	sshrl.u32 s25, $0x3;
	s12 =	sshrl.u32 s12, $0x3  }
0xd: {  	s16 =	smul.u32 $0xC400, s6;
	s23 =	sadd.s32 s5, s20;
	[dreg:$0x4] =	wrdreg s21  }
0xe: {  	s25 =	sadd.s32 s4, s13;
	s20 =	sadd.s32 $0x930, s10;
	[dreg:$0x5] =	wrdreg s22  }
0xf: {  	s12 =	sadd.s32 s4, s12;
	s18 =	sshrl.u32 s18, $0x3;
	[dreg:$0x7] =	wrdreg s23  }
0x10: {  	s15 =	sshrl.u32 s20, $0x3;
	s23 =	sadd.s32 s8, s10;
	[dreg:$0x8] =	wrdreg s25  }
0x11: {  	[dreg:$0x9] =	wrdreg s12;
	s24 =	sadd.s32 s4, s18;
	s4 =	sadd.s32 s5, s15  }
0x12: {  	s6 =	sadd.s32 s16, s23;
	[dreg:$0xb] =	wrdreg s4  }
0x13: {  	s18 =	sadd.s32 $0x620, s10;
	s10 =	sadd.s32 s19, s2;
	[dreg:$0xc] =	wrdreg s6  }
0x14: {  	s7 =	sadd.s32 $0xA7C00, s0;
	[dreg:$0xf] =	wrdreg s10  }
0x15: {  	s4 =	sadd.s32 s8, s16;
	s8 =	sadd.s32 s19, s1;
	[dreg:$0x6] =	wrdreg s24  }
0x16: {  	s26 =	sshrl.u32 s18, $0x3;
	s10 =	sadd.s32 s7, s18;
	[dreg:$0xe] =	wrdreg s8  }
0x17: {  	s13 =	sadd.s32 s5, s26;
	[dreg:$0x14] =	wrdreg s10  }
0x18: {  	s14 =	sshll.u32 s9, $0x1;
	s8 =	sadd.s32 s7, s17;
	[dreg:$0xa] =	wrdreg s13  }
0x19: {  	s15 =	sadd.s32 $0xB800, s0;
	s10 =	smax.u32 s11, $0x1;
	[dreg:$0x13] =	wrdreg s8  }
0x1a: {  	s16 =	sadd.s32 $0x76C00, s0;
	s11 =	sadd.s32 $0x4980, s21;
	[dreg:$0x1b] =	wrdreg s10  }
0x1b: {  	s5 =	sadd.s32 s14, s0;
	s21 =	sadd.s32 $0x4980, s24;
	[dreg:$0x1c] =	wrdreg s11  }
0x1c: {  	s26 =	sshrl.u32 s19, $0x3;
	s24 =	sadd.s32 $0x18E2, s22;
	[smem:$0x7EC] =	sst s21  }
0x1d: {  	s14 =	sshll.u32 s17, $0x3;
	s6 =	sadd.s32 s7, s26;
	[smem:$0x7ED] =	sst s24  }
0x1e: {  	s23 =	sshll.u32 s18, $0x3;
	s19 =	sadd.s32 s14, s1;
	[dreg:$0xd] =	wrdreg s6  }
0x1f: {  	s13 =	sadd.s32 $0x3C800, s0;
	s0 =	sadd.s32 s14, s2;
	[dreg:$0x10] =	wrdreg s19  }
0x20: {  	s26 =	sadd.s32 s23, s1;
	[dreg:$0x11] =	wrdreg s0  }
0x21: {  	s14 =	sadd.s32 s7, s20;
	[dreg:$0x12] =	wrdreg s26  }
0x22: {  	s5 =	sadd.s32 $0xCC800, s5;
	[dreg:$0x15] =	wrdreg s14  }
0x23: {  	s10 =	sadd.s32 $0x1944, s22;
	[dreg:$0x1a] =	wrdreg s5  }
0x24: {  	s11 =	sadd.s32 $0x31C4, s22;
	[smem:$0x7F3] =	sst s10  }
0x25: {  	s21 =	sadd.s32 $0x3226, s22;
	[smem:$0x7F4] =	sst s11  }
0x26: {  	s24 =	sadd.s32 $0x4AA6, s22;
	[smem:$0x7FA] =	sst s21  }
0x27: {  	s19 =	sadd.s32 s17, s4;
	[smem:$0x7FB] =	sst s24  }
0x28: {  	s26 =	sadd.s32 s18, s4;
	[dreg:$0x16] =	wrdreg s19  }
0x29: {  	s7 =	sshll.u32 s20, $0x3;
	s6 =	sadd.s32 s20, s4;
	[dreg:$0x17] =	wrdreg s26  }
0x2a: {  	s8 =	sadd.s32 s7, s1;
	[dreg:$0x18] =	wrdreg s6  }
0x2b: {  	s14 =	sadd.s32 $0x1880, s22;
	[dreg:$0x19] =	wrdreg s8  }
0x2c: {  	s28 =	simm.s32 $0xE5B0;
	s17 =	sadd.s32 $0x3100, s22;
	[dreg:$0x1d] =	wrdreg s14  }
0x2d: {  	s29 =	simm.s32 $0xF1F0;
	s18 =	sadd.s32 $0x4980, s22;
	[dreg:$0x1e] =	wrdreg s17  }
0x2e: {  	s30 =	simm.s32 $0xF810;
	s20 =	sadd.s32 $0x7A80, s22;
	[dreg:$0x1f] =	wrdreg s18  }
0x2f: {  	s0 =	sadd.s32 s7, s2;
	s7 =	sadd.s32 $0x6262, s22;
	[smem:$0x7EB] =	sst s20  }
0x30: {  	s4 =	smul.u32 $0xC400, s9;
	s9 =	sadd.s32 $0x4980, s25;
	[smem:$0x7F0] =	sst s7  }
0x31: {  	s31 =	simm.s32 $0xFB20;
	s25 =	sadd.s32 $0x6326, s22;
	[smem:$0x7F2] =	sst s9  }
0x32: {  	s23 =	sadd.s32 s23, s2;
	s19 =	sadd.s32 $0x6200, s22;
	[smem:$0x7FC] =	sst s25  }
0x33: {  	s11 =	simm.s32 $0xC400;
	s26 =	sadd.s32 $0x3162, s22;
	[smem:$0x7EA] =	sst s19  }
0x34: {  	s10 =	simm.s32 $0x10140;
	s6 =	sadd.s32 $0x49E2, s22;
	[smem:$0x7EE] =	sst s26  }
0x35: {  	s5 =	simm.s32 $0x10940;
	s8 =	sadd.s32 $0x7AE2, s22;
	[smem:$0x7EF] =	sst s6  }
0x36: {  	s14 =	sadd.s32 $0x4A44, s22;
	s17 =	sadd.s32 $0x62C4, s22;
	[smem:$0x7F1] =	sst s8  }
0x37: {  	s18 =	sadd.s32 $0x7B44, s22;
	s20 =	sadd.s32 $0x19A6, s22;
	[smem:$0x7F5] =	sst s14  }
0x38: {  	s25 =	simm.s32 $0xDC80;
	s9 =	simm.s32 $0xF500;
	[smem:$0x7F6] =	sst s17  }
0x39: {  	s7 =	simm.s32 $0x0;
	[smem:$0x7F7] =	sst s18;
	s19 =	sadd.s32 $0x4980, s12  }
0x3a: {  	[smem:$0x7F9] =	sst s20;
	s26 =	sadd.s32 $0x7BA6, s22;
	s8 =	simm.s32 $0xFE30  }
0x3b: {  	s12 =	simm.s32 $0x10540;
	s14 =	simm.s32 $0x400;
	s17 =	simm.s32 $0x10D40  }
0x3c: {  	v0 =	vlaneseq.u32;
	v2 =	vimm.f32 $0.0e+00;
	s18 =	simm.s32 $0x12D40;
	s20 =	simm.s32 $0x14D40;
	[smem:$0x7F8] =	sst s19  }
0x3d: {  	v1 =	vmul.u32 $0x8, v0;
	v3 =	vshrl.u32 v0, $0x3;
	v4 =	vand.u32 $0x7, v0;
	s22 =	simm.s32 $0x16D40;
	[smem:$0x7FD] =	sst s26;
	s26 =	simm.s32 $0x1  }
.LBB2_1:
0x3e: {  	s6 =	rddreg [dreg:$0x4]  }
0x3f: {  	[tilespmem:s25], [sflag:$0x1] =	stream.linear.gather [hbm4b:s6+s3], $0x930, $0x38;
	[tilespmem:$0x18D50] =	vst v63  }
0x40: {  	_ =	swait.ge [sflag:s26], $0x930  }
0x41: {  	[sflag:s26] =	ssyncset.done $0x0  }
0x42: {  	s19 =	rddreg [dreg:$0x1c];
	[sflag:s26] =	ssyncadd.s32 $0xFFFFF6D0  }
0x43: {  	[tilespmem:s28], [sflag:$0x1] =	stream.linear.gather [hbm4b:s19+s3], $0x930, $0x38;
	[tilespmem:$0x18D50] =	vst v63  }
0x44: {  	_ =	swait.ge [sflag:s26], $0x930  }
0x45: {  	[sflag:s26] =	ssyncset.done $0x0  }
0x46: {  	s6 =	simm.s32 $0xEEE0;
	s19 =	rddreg [dreg:$0x5];
	[sflag:s26] =	ssyncadd.s32 $0xFFFFF6D0  }
0x47: {  	[tilespmem:s6], [sflag:$0x1] =	stream.linear.gather [hbm4b:s19+s3], $0x310, $0x38;
	[tilespmem:$0x18D50] =	vst v63  }
0x48: {  	_ =	swait.ge [sflag:s26], $0x310  }
0x49: {  	[sflag:s26] =	ssyncset.done $0x0  }
0x4a: {  	s21 =	rddreg [dreg:$0x1d];
	[sflag:s26] =	ssyncadd.s32 $0xFFFFFCF0  }
0x4b: {  	[tilespmem:s29], [sflag:$0x1] =	stream.linear.gather [hbm4b:s21+s3], $0x310, $0x38;
	[tilespmem:$0x18D50] =	vst v63  }
0x4c: {  	_ =	swait.ge [sflag:s26], $0x310  }
0x4d: {  	[sflag:s26] =	ssyncset.done $0x0  }
0x4e: {  	s24 =	rddreg [dreg:$0x1e];
	[sflag:s26] =	ssyncadd.s32 $0xFFFFFCF0  }
0x4f: {  	[tilespmem:s9], [sflag:$0x1] =	stream.linear.gather [hbm4b:s24+s3], $0x310, $0x38;
	[tilespmem:$0x18D50] =	vst v63  }
0x50: {  	_ =	swait.ge [sflag:s26], $0x310  }
0x51: {  	[sflag:s26] =	ssyncset.done $0x0  }
0x52: {  	s21 =	rddreg [dreg:$0x1f];
	[sflag:s26] =	ssyncadd.s32 $0xFFFFFCF0  }
0x53: {  	[tilespmem:s30], [sflag:$0x1] =	stream.linear.gather [hbm4b:s21+s3], $0x310, $0x38;
	[tilespmem:$0x18D50] =	vst v63  }
0x54: {  	_ =	swait.ge [sflag:s26], $0x310  }
0x55: {  	s24 =	sld [smem:$0x7EA]  }
0x56: {  	[sflag:s26] =	ssyncset.done $0x0  }
0x57: {  	[sflag:s26] =	ssyncadd.s32 $0xFFFFFCF0  }
0x58: {  	[tilespmem:s31], [sflag:$0x1] =	stream.linear.gather [hbm4b:s24+s3], $0x310, $0x38;
	[tilespmem:$0x18D50] =	vst v63  }
0x59: {  	_ =	swait.ge [sflag:s26], $0x310  }
0x5a: {  	v5 =	vor.u32 s3, v0;
	s21 =	sld [smem:$0x7EB]  }
0x5b: {  	v6 =	vmul.u32 $0x3, v5;
	[sflag:s26] =	ssyncset.done $0x0  }
0x5c: {  	[sflag:s26] =	ssyncadd.s32 $0xFFFFFCF0  }
0x5d: {  	[tilespmem:s8], [sflag:$0x1] =	stream.linear.gather [hbm4b:s21+s3], $0x310, $0x38;
	[tilespmem:$0x18D50] =	vst v63  }
0x5e: {  	_ =	swait.ge [sflag:s26], $0x310  }
0x5f: {  	[sflag:s26] =	ssyncset.done $0x0  }
0x60: {  	[sflag:s26] =	ssyncadd.s32 $0xFFFFFCF0  }
0x61: {  	v6 =	vld.idx.msk [tilespmem:v6+s25+$0x0], $0xffff  }
0x62: {  	s24 =	simm.s32 $0x10;
	v8 =	vld [tilespmem:s6+$0x0]  }
0x63: {  	s19 =	simm.s32 $0x20;
	v7 =	vor.u32 s24, v0  }
.LBB2_2:
0x64: {  	p0 =	sne.s32 s19, $0x300;
	v9 =	vmul.u32 $0x3, v7;
	v10 =	vshll.u32 v5, $0x3;
	v5 =	vmov v7;
	_ =	sdelay $0x2  }
0x65: {  	v6 =	vsub.f32 v6, v8  }
.Ltmp0:
0x66: {  	(pc) =	sbr.rel @p0 .LBB2_2-.Ltmp0, $4  }
0x67: {  	[tilespmem:v10+s11+$0x0] =	vst.idx.msk $0xffff, v6  }
0x68: {  	s6 =	sadd.s32 $0x10, s6;
	v6 =	vld.idx.msk [tilespmem:v9+s25+$0x0], $0xffff  }
0x69: {  	v8 =	vld [tilespmem:s6+$0x0]  }
0x6a: {  	v7 =	vor.u32 s19, v0;
	s19 =	sadd.s32 $0x10, s19  }
0x6b: {  	v9 =	vmul.u32 $0x3, v7;
	v5 =	vshll.u32 v5, $0x3;
	_ =	sdelay $0x2  }
0x6c: {  	v6 =	vsub.f32 v6, v8;
	_ =	sdelay $0x1  }
0x6d: {  	[tilespmem:v5+s11+$0x0] =	vst.idx.msk $0xffff, v6  }
0x6e: {  	s6 =	sadd.s32 $0x10, s6;
	v8 =	vld.idx.msk [tilespmem:v9+s25+$0x0], $0xffff  }
0x6f: {  	s24 =	simm.s32 $0x0;
	v9 =	vld [tilespmem:s6+$0x0]  }
0x70: {  	v5 =	vor.u32 s24, v0  }
0x71: {  	v7 =	vshll.u32 v7, $0x3;
	v6 =	vmul.u32 $0x3, v5;
	_ =	sdelay $0x2  }
0x72: {  	v8 =	vsub.f32 v8, v9;
	_ =	sdelay $0x1  }
0x73: {  	[tilespmem:v7+s11+$0x0] =	vst.idx.msk $0xffff, v8  }
0x74: {  	s24 =	simm.s32 $0xF1F0;
	v8 =	vld.idx.msk [tilespmem:v6+s28+$0x0], $0xffff  }
0x75: {  	s6 =	simm.s32 $0x10;
	v9 =	vld [tilespmem:s24+$0x0]  }
0x76: {  	s19 =	simm.s32 $0x20;
	v10 =	vshll.u32 v5, $0x3;
	v7 =	vor.u32 s6, v0  }
.LBB2_4:
0x77: {  	p0 =	sne.s32 s19, $0x300;
	v11 =	vmul.u32 $0x3, v7;
	v10 =	vor.u32 $0x3, v10;
	_ =	sdelay $0x2  }
0x78: {  	v8 =	vsub.f32 v8, v9  }
.Ltmp1:
0x79: {  	(pc) =	sbr.rel @p0 .LBB2_4-.Ltmp1, $4  }
0x7a: {  	[tilespmem:v10+s11+$0x0] =	vst.idx.msk $0xffff, v8  }
0x7b: {  	s24 =	sadd.s32 $0x10, s24;
	v8 =	vld.idx.msk [tilespmem:v11+s28+$0x0], $0xffff  }
0x7c: {  	v9 =	vld [tilespmem:s24+$0x0]  }
0x7d: {  	v10 =	vshll.u32 v7, $0x3;
	v7 =	vor.u32 s19, v0;
	s19 =	sadd.s32 $0x10, s19  }
0x7e: {  	v11 =	vmul.u32 $0x3, v7;
	v10 =	vor.u32 $0x3, v10;
	_ =	sdelay $0x2  }
0x7f: {  	v8 =	vsub.f32 v8, v9;
	_ =	sdelay $0x1  }
0x80: {  	[tilespmem:v10+s11+$0x0] =	vst.idx.msk $0xffff, v8  }
0x81: {  	s19 =	sadd.s32 $0x10, s24;
	v8 =	vld.idx.msk [tilespmem:v11+s28+$0x0], $0xffff  }
0x82: {  	v9 =	vld [tilespmem:s19+$0x0]  }
0x83: {  	v7 =	vshll.u32 v7, $0x3  }
0x84: {  	v7 =	vor.u32 $0x3, v7  }
0x85: {  	v6 =	vadd.s32 $0x1, v6;
	_ =	sdelay $0x1  }
0x86: {  	v8 =	vsub.f32 v8, v9;
	_ =	sdelay $0x1  }
0x87: {  	[tilespmem:v7+s11+$0x0] =	vst.idx.msk $0xffff, v8  }
0x88: {  	s24 =	simm.s32 $0xF500;
	v6 =	vld.idx.msk [tilespmem:v6+s25+$0x0], $0xffff  }
0x89: {  	v7 =	vor.u32 s6, v0;
	s6 =	simm.s32 $0x20;
	v8 =	vld [tilespmem:s24+$0x0]  }
.LBB2_6:
0x8a: {  	p0 =	sne.s32 s6, $0x300;
	v9 =	vmul.u32 $0x3, v7;
	v10 =	vshll.u32 v5, $0x3;
	v5 =	vmov v7  }
0x8b: {  	v7 =	vor.u32 $0x1, v10  }
0x8c: {  	v9 =	vadd.s32 $0x1, v9;
	_ =	sdelay $0x1  }
.Ltmp2:
0x8d: {  	v6 =	vsub.f32 v6, v8;
	(pc) =	sbr.rel @p0 .LBB2_6-.Ltmp2, $4  }
0x8e: {  	_ = 	snop  }
0x8f: {  	[tilespmem:v7+s11+$0x0] =	vst.idx.msk $0xffff, v6  }
0x90: {  	s24 =	sadd.s32 $0x10, s24;
	v6 =	vld.idx.msk [tilespmem:v9+s25+$0x0], $0xffff  }
0x91: {  	v7 =	vor.u32 s6, v0;
	s6 =	sadd.s32 $0x10, s6;
	v8 =	vld [tilespmem:s24+$0x0]  }
0x92: {  	v9 =	vmul.u32 $0x3, v7;
	v5 =	vshll.u32 v5, $0x3  }
0x93: {  	v5 =	vor.u32 $0x1, v5  }
0x94: {  	v9 =	vadd.s32 $0x1, v9;
	_ =	sdelay $0x1  }
0x95: {  	v6 =	vsub.f32 v6, v8;
	_ =	sdelay $0x1  }
0x96: {  	[tilespmem:v5+s11+$0x0] =	vst.idx.msk $0xffff, v6  }
0x97: {  	s6 =	sadd.s32 $0x10, s24;
	s19 =	simm.s32 $0x0;
	v8 =	vld.idx.msk [tilespmem:v9+s25+$0x0], $0xffff  }
0x98: {  	v5 =	vor.u32 s19, v0;
	v9 =	vld [tilespmem:s6+$0x0]  }
0x99: {  	v7 =	vshll.u32 v7, $0x3;
	v6 =	vmul.u32 $0x3, v5  }
0x9a: {  	v7 =	vor.u32 $0x1, v7  }
0x9b: {  	v10 =	vadd.s32 $0x1, v6;
	_ =	sdelay $0x1  }
0x9c: {  	v8 =	vsub.f32 v8, v9;
	_ =	sdelay $0x1  }
0x9d: {  	[tilespmem:v7+s11+$0x0] =	vst.idx.msk $0xffff, v8  }
0x9e: {  	s24 =	simm.s32 $0xF810;
	s6 =	simm.s32 $0x10;
	v7 =	vld.idx.msk [tilespmem:v10+s28+$0x0], $0xffff  }
0x9f: {  	s19 =	simm.s32 $0x20;
	v9 =	vor.u32 s6, v0;
	v10 =	vld [tilespmem:s24+$0x0];
	v8 =	vmov v5  }
.LBB2_8:
0xa0: {  	p0 =	sne.s32 s19, $0x300;
	v11 =	vmul.u32 $0x3, v9;
	v12 =	vshll.u32 v8, $0x3;
	v8 =	vmov v9  }
0xa1: {  	v9 =	vor.u32 $0x4, v12  }
0xa2: {  	v11 =	vadd.s32 $0x1, v11;
	_ =	sdelay $0x1  }
.Ltmp3:
0xa3: {  	v7 =	vsub.f32 v7, v10;
	(pc) =	sbr.rel @p0 .LBB2_8-.Ltmp3, $4  }
0xa4: {  	_ = 	snop  }
0xa5: {  	[tilespmem:v9+s11+$0x0] =	vst.idx.msk $0xffff, v7  }
0xa6: {  	s24 =	sadd.s32 $0x10, s24;
	v7 =	vld.idx.msk [tilespmem:v11+s28+$0x0], $0xffff  }
0xa7: {  	v9 =	vor.u32 s19, v0;
	s19 =	sadd.s32 $0x10, s19;
	v10 =	vld [tilespmem:s24+$0x0]  }
0xa8: {  	v11 =	vmul.u32 $0x3, v9;
	v8 =	vshll.u32 v8, $0x3  }
0xa9: {  	v8 =	vor.u32 $0x4, v8  }
0xaa: {  	v11 =	vadd.s32 $0x1, v11;
	_ =	sdelay $0x1  }
0xab: {  	v7 =	vsub.f32 v7, v10;
	_ =	sdelay $0x1  }
0xac: {  	[tilespmem:v8+s11+$0x0] =	vst.idx.msk $0xffff, v7  }
0xad: {  	s19 =	sadd.s32 $0x10, s24;
	v7 =	vld.idx.msk [tilespmem:v11+s28+$0x0], $0xffff  }
0xae: {  	v8 =	vld [tilespmem:s19+$0x0]  }
0xaf: {  	v9 =	vshll.u32 v9, $0x3  }
0xb0: {  	v9 =	vor.u32 $0x4, v9  }
0xb1: {  	v6 =	vadd.s32 $0x2, v6;
	_ =	sdelay $0x1  }
0xb2: {  	v7 =	vsub.f32 v7, v8;
	_ =	sdelay $0x1  }
0xb3: {  	[tilespmem:v9+s11+$0x0] =	vst.idx.msk $0xffff, v7  }
0xb4: {  	s24 =	simm.s32 $0xFB20;
	v6 =	vld.idx.msk [tilespmem:v6+s25+$0x0], $0xffff  }
0xb5: {  	v7 =	vor.u32 s6, v0;
	s6 =	simm.s32 $0x20;
	v8 =	vld [tilespmem:s24+$0x0]  }
.LBB2_10:
0xb6: {  	p0 =	sne.s32 s6, $0x300;
	v9 =	vmul.u32 $0x3, v7;
	v10 =	vshll.u32 v5, $0x3;
	v5 =	vmov v7  }
0xb7: {  	v7 =	vor.u32 $0x2, v10  }
0xb8: {  	v9 =	vadd.s32 $0x2, v9;
	_ =	sdelay $0x1  }
.Ltmp4:
0xb9: {  	v6 =	vsub.f32 v6, v8;
	(pc) =	sbr.rel @p0 .LBB2_10-.Ltmp4, $4  }
0xba: {  	_ = 	snop  }
0xbb: {  	[tilespmem:v7+s11+$0x0] =	vst.idx.msk $0xffff, v6  }
0xbc: {  	s24 =	sadd.s32 $0x10, s24;
	v6 =	vld.idx.msk [tilespmem:v9+s25+$0x0], $0xffff  }
0xbd: {  	v7 =	vor.u32 s6, v0;
	s6 =	sadd.s32 $0x10, s6;
	v8 =	vld [tilespmem:s24+$0x0]  }
0xbe: {  	v9 =	vmul.u32 $0x3, v7;
	v5 =	vshll.u32 v5, $0x3  }
0xbf: {  	v5 =	vor.u32 $0x2, v5  }
0xc0: {  	v9 =	vadd.s32 $0x2, v9;
	_ =	sdelay $0x1  }
0xc1: {  	v6 =	vsub.f32 v6, v8;
	_ =	sdelay $0x1  }
0xc2: {  	[tilespmem:v5+s11+$0x0] =	vst.idx.msk $0xffff, v6  }
0xc3: {  	s19 =	sadd.s32 $0x10, s24;
	s6 =	simm.s32 $0x0;
	v6 =	vld.idx.msk [tilespmem:v9+s25+$0x0], $0xffff  }
0xc4: {  	v5 =	vor.u32 s6, v0;
	v8 =	vld [tilespmem:s19+$0x0]  }
0xc5: {  	v7 =	vshll.u32 v7, $0x3;
	v9 =	vmul.u32 $0x3, v5  }
0xc6: {  	v7 =	vor.u32 $0x2, v7  }
0xc7: {  	v9 =	vadd.s32 $0x2, v9;
	_ =	sdelay $0x1  }
0xc8: {  	v6 =	vsub.f32 v6, v8;
	_ =	sdelay $0x1  }
0xc9: {  	[tilespmem:v7+s11+$0x0] =	vst.idx.msk $0xffff, v6  }
0xca: {  	s24 =	simm.s32 $0xFE30;
	s21 =	simm.s32 $0x10;
	v6 =	vld.idx.msk [tilespmem:v9+s28+$0x0], $0xffff  }
0xcb: {  	s19 =	simm.s32 $0x20;
	v7 =	vor.u32 s21, v0;
	v8 =	vld [tilespmem:s24+$0x0]  }
.LBB2_12:
0xcc: {  	p0 =	sne.s32 s19, $0x300;
	v9 =	vmul.u32 $0x3, v7;
	v10 =	vshll.u32 v5, $0x3;
	v5 =	vmov v7  }
0xcd: {  	v7 =	vor.u32 $0x5, v10  }
0xce: {  	v9 =	vadd.s32 $0x2, v9;
	_ =	sdelay $0x1  }
.Ltmp5:
0xcf: {  	v6 =	vsub.f32 v6, v8;
	(pc) =	sbr.rel @p0 .LBB2_12-.Ltmp5, $4  }
0xd0: {  	_ = 	snop  }
0xd1: {  	[tilespmem:v7+s11+$0x0] =	vst.idx.msk $0xffff, v6  }
0xd2: {  	s24 =	sadd.s32 $0x10, s24;
	v6 =	vld.idx.msk [tilespmem:v9+s28+$0x0], $0xffff  }
0xd3: {  	v7 =	vor.u32 s19, v0;
	s19 =	sadd.s32 $0x10, s19;
	v8 =	vld [tilespmem:s24+$0x0]  }
0xd4: {  	v9 =	vmul.u32 $0x3, v7;
	v5 =	vshll.u32 v5, $0x3  }
0xd5: {  	v5 =	vor.u32 $0x5, v5  }
0xd6: {  	v9 =	vadd.s32 $0x2, v9;
	_ =	sdelay $0x1  }
0xd7: {  	v6 =	vsub.f32 v6, v8;
	_ =	sdelay $0x1  }
0xd8: {  	[tilespmem:v5+s11+$0x0] =	vst.idx.msk $0xffff, v6  }
0xd9: {  	s19 =	sadd.s32 $0x10, s24;
	v5 =	vld.idx.msk [tilespmem:v9+s28+$0x0], $0xffff  }
0xda: {  	v6 =	vld [tilespmem:s19+$0x0]  }
0xdb: {  	v7 =	vshll.u32 v7, $0x3  }
0xdc: {  	v7 =	vor.u32 $0x5, v7;
	_ =	sdelay $0x2  }
0xdd: {  	v5 =	vsub.f32 v5, v6;
	_ =	sdelay $0x1  }
0xde: {  	[tilespmem:v7+s11+$0x0] =	vst.idx.msk $0xffff, v5  }
.LBB2_14:
0xdf: {  	v5 =	vmov s6  }
0xe0: {  	v5 =	vshll.u32 v5, $0x3  }
0xe1: {  	v5 =	vor.u32 v1, v5  }
0xe2: {  	p0 =	sne.s32 s6, $0x300;
	v5 =	vor.u32 $0x6, v5  }
.Ltmp6:
0xe3: {  	_ = 	snop;
	(pc) =	sbr.rel @p0 .LBB2_14-.Ltmp6, $2  }
0xe4: {  	_ =	sdelay $0x2  }
0xe5: {  	s6 =	sadd.s32 $0x10, s6;
	[tilespmem:v5+s11+$0x0] =	vst.idx.msk $0xffff, v2  }
0xe6: {  	s6 =	simm.s32 $0x0  }
0xe7: {  	v5 =	vmov s6  }
0xe8: {  	v5 =	vshll.u32 v5, $0x3  }
0xe9: {  	v5 =	vor.u32 v1, v5  }
0xea: {  	s6 =	simm.s32 $0x10;
	v5 =	vor.u32 $0x7, v5  }
.LBB2_16:
0xeb: {  	p0 =	sne.s32 s6, $0x300  }
.Ltmp7:
0xec: {  	_ = 	snop;
	(pc) =	sbr.rel @p0 .LBB2_16-.Ltmp7, $4  }
0xed: {  	v6 =	vmov s6  }
0xee: {  	v6 =	vshll.u32 v6, $0x3  }
0xef: {  	v6 =	vor.u32 v1, v6  }
0xf0: {  	s6 =	sadd.s32 $0x10, s6;
	[tilespmem:v5+s11+$0x0] =	vst.idx.msk $0xffff, v2;
	v5 =	vor.u32 $0x7, v6  }
0xf1: {  	_ =	sdelay $0x3  }
0xf2: {  	[tilespmem:v5+s11+$0x0] =	vst.idx.msk $0xffff, v2;
	s6 =	rddreg [dreg:$0xe]  }
0xf3: {  	[spmem:s6] =	stream.linear.scatter [tilespmem:s11], [sflag:$0x1], $0x1880, $0x38;
	[tilespmem:$0x18D50] =	vst v63  }
0xf4: {  	_ =	swait.ge [sflag:s26], $0x1880  }
0xf5: {  	[sflag:s26] =	ssyncset.done $0x0  }
0xf6: {  	s19 =	simm.s32 $0x0;
	s24 =	rddreg [dreg:$0xd];
	[sflag:s26] =	ssyncadd.s32 $0xFFFFE780  }
0xf7: {  	[tilespmem:s11], [sflag:$0x1] =	stream.linear.gather [hbm4b:s24+s19], $0x1880, $0x38;
	[tilespmem:$0x18D50] =	vst v63  }
0xf8: {  	_ =	swait.ge [sflag:s26], $0x1880  }
0xf9: {  	[sflag:s26] =	ssyncset.done $0x0  }
0xfa: {  	s21 =	rddreg [dreg:$0xf];
	[sflag:s26] =	ssyncadd.s32 $0xFFFFE780  }
0xfb: {  	[spmem:s21] =	stream.linear.scatter [tilespmem:s11], [sflag:$0x1], $0x1880, $0x38;
	[tilespmem:$0x18D50] =	vst v63  }
0xfc: {  	_ =	swait.ge [sflag:s26], $0x1880  }
0xfd: {  	[sflag:s26] =	ssyncset.done $0x0  }
0xfe: {  	s24 =	rddreg [dreg:$0x6];
	[sflag:s26] =	ssyncadd.s32 $0xFFFFE780  }
0xff: {  	[tilespmem:s25], [sflag:$0x1] =	stream.linear.gather [hbm4b:s24+s19], $0x930, $0x38;
	[tilespmem:$0x18D50] =	vst v63  }
0x100: {  	_ =	swait.ge [sflag:s26], $0x930  }
0x101: {  	s21 =	sld [smem:$0x7EC]  }
0x102: {  	[sflag:s26] =	ssyncset.done $0x0  }
0x103: {  	[sflag:s26] =	ssyncadd.s32 $0xFFFFF6D0  }
0x104: {  	[tilespmem:s28], [sflag:$0x1] =	stream.linear.gather [hbm4b:s21+s19], $0x930, $0x38;
	[tilespmem:$0x18D50] =	vst v63  }
0x105: {  	_ =	swait.ge [sflag:s26], $0x930  }
0x106: {  	[sflag:s26] =	ssyncset.done $0x0  }
0x107: {  	s6 =	simm.s32 $0xEEE0;
	s21 =	rddreg [dreg:$0x7];
	[sflag:s26] =	ssyncadd.s32 $0xFFFFF6D0  }
0x108: {  	[tilespmem:s6], [sflag:$0x1] =	stream.linear.gather [hbm4b:s21+s19], $0x310, $0x38;
	[tilespmem:$0x18D50] =	vst v63  }
0x109: {  	_ =	swait.ge [sflag:s26], $0x310  }
0x10a: {  	s24 =	sld [smem:$0x7ED]  }
0x10b: {  	[sflag:s26] =	ssyncset.done $0x0  }
0x10c: {  	[sflag:s26] =	ssyncadd.s32 $0xFFFFFCF0  }
0x10d: {  	[tilespmem:s29], [sflag:$0x1] =	stream.linear.gather [hbm4b:s24+s19], $0x310, $0x38;
	[tilespmem:$0x18D50] =	vst v63  }
0x10e: {  	_ =	swait.ge [sflag:s26], $0x310  }
0x10f: {  	s24 =	sld [smem:$0x7EE]  }
0x110: {  	[sflag:s26] =	ssyncset.done $0x0  }
0x111: {  	[sflag:s26] =	ssyncadd.s32 $0xFFFFFCF0  }
0x112: {  	[tilespmem:s9], [sflag:$0x1] =	stream.linear.gather [hbm4b:s24+s19], $0x310, $0x38;
	[tilespmem:$0x18D50] =	vst v63  }
0x113: {  	_ =	swait.ge [sflag:s26], $0x310  }
0x114: {  	s24 =	sld [smem:$0x7EF]  }
0x115: {  	[sflag:s26] =	ssyncset.done $0x0  }
0x116: {  	[sflag:s26] =	ssyncadd.s32 $0xFFFFFCF0  }
0x117: {  	[tilespmem:s30], [sflag:$0x1] =	stream.linear.gather [hbm4b:s24+s19], $0x310, $0x38;
	[tilespmem:$0x18D50] =	vst v63  }
0x118: {  	_ =	swait.ge [sflag:s26], $0x310  }
0x119: {  	s24 =	sld [smem:$0x7F0]  }
0x11a: {  	[sflag:s26] =	ssyncset.done $0x0  }
0x11b: {  	[sflag:s26] =	ssyncadd.s32 $0xFFFFFCF0  }
0x11c: {  	[tilespmem:s31], [sflag:$0x1] =	stream.linear.gather [hbm4b:s24+s19], $0x310, $0x38;
	[tilespmem:$0x18D50] =	vst v63  }
0x11d: {  	_ =	swait.ge [sflag:s26], $0x310  }
0x11e: {  	v5 =	vor.u32 s19, v0;
	s24 =	sld [smem:$0x7F1]  }
0x11f: {  	v6 =	vmul.u32 $0x3, v5;
	[sflag:s26] =	ssyncset.done $0x0  }
0x120: {  	[sflag:s26] =	ssyncadd.s32 $0xFFFFFCF0  }
0x121: {  	[tilespmem:s8], [sflag:$0x1] =	stream.linear.gather [hbm4b:s24+s19], $0x310, $0x38;
	[tilespmem:$0x18D50] =	vst v63  }
0x122: {  	_ =	swait.ge [sflag:s26], $0x310  }
0x123: {  	[sflag:s26] =	ssyncset.done $0x0  }
0x124: {  	[sflag:s26] =	ssyncadd.s32 $0xFFFFFCF0  }
0x125: {  	v7 =	vld.idx.msk [tilespmem:v6+s25+$0x0], $0xffff  }
0x126: {  	s24 =	simm.s32 $0x10;
	v9 =	vld [tilespmem:s6+$0x0]  }
0x127: {  	v8 =	vmov v5;
	s19 =	simm.s32 $0x20;
	v10 =	vor.u32 s24, v0  }
.LBB2_18:
0x128: {  	p0 =	sne.s32 s19, $0x300;
	v11 =	vmul.u32 $0x3, v10;
	v12 =	vshll.u32 v8, $0x3;
	v8 =	vmov v10;
	_ =	sdelay $0x2  }
0x129: {  	v7 =	vsub.f32 v7, v9  }
.Ltmp8:
0x12a: {  	(pc) =	sbr.rel @p0 .LBB2_18-.Ltmp8, $4  }
0x12b: {  	[tilespmem:v12+s11+$0x0] =	vst.idx.msk $0xffff, v7  }
0x12c: {  	s6 =	sadd.s32 $0x10, s6;
	v7 =	vld.idx.msk [tilespmem:v11+s25+$0x0], $0xffff  }
0x12d: {  	v9 =	vld [tilespmem:s6+$0x0]  }
0x12e: {  	v10 =	vor.u32 s19, v0;
	s19 =	sadd.s32 $0x10, s19  }
0x12f: {  	v11 =	vmul.u32 $0x3, v10;
	v8 =	vshll.u32 v8, $0x3;
	_ =	sdelay $0x2  }
0x130: {  	v7 =	vsub.f32 v7, v9;
	_ =	sdelay $0x1  }
0x131: {  	[tilespmem:v8+s11+$0x0] =	vst.idx.msk $0xffff, v7  }
0x132: {  	s6 =	sadd.s32 $0x10, s6;
	v7 =	vld.idx.msk [tilespmem:v11+s25+$0x0], $0xffff  }
0x133: {  	v8 =	vld [tilespmem:s6+$0x0];
	_ =	sdelay $0x1  }
0x134: {  	v9 =	vshll.u32 v10, $0x3;
	_ =	sdelay $0x2  }
0x135: {  	v7 =	vsub.f32 v7, v8;
	_ =	sdelay $0x1  }
0x136: {  	[tilespmem:v9+s11+$0x0] =	vst.idx.msk $0xffff, v7  }
0x137: {  	s6 =	simm.s32 $0xF1F0;
	v7 =	vld.idx.msk [tilespmem:v6+s28+$0x0], $0xffff  }
0x138: {  	v8 =	vld [tilespmem:s6+$0x0]  }
0x139: {  	s19 =	simm.s32 $0x20;
	v5 =	vshll.u32 v5, $0x3;
	v6 =	vor.u32 s24, v0  }
.LBB2_20:
0x13a: {  	p0 =	sne.s32 s19, $0x300;
	v9 =	vmul.u32 $0x3, v6;
	v5 =	vor.u32 $0x3, v5;
	_ =	sdelay $0x2  }
0x13b: {  	v7 =	vsub.f32 v7, v8  }
.Ltmp9:
0x13c: {  	(pc) =	sbr.rel @p0 .LBB2_20-.Ltmp9, $4  }
0x13d: {  	[tilespmem:v5+s11+$0x0] =	vst.idx.msk $0xffff, v7  }
0x13e: {  	s6 =	sadd.s32 $0x10, s6;
	v7 =	vld.idx.msk [tilespmem:v9+s28+$0x0], $0xffff  }
0x13f: {  	v8 =	vld [tilespmem:s6+$0x0]  }
0x140: {  	v5 =	vshll.u32 v6, $0x3;
	v6 =	vor.u32 s19, v0;
	s19 =	sadd.s32 $0x10, s19  }
0x141: {  	v9 =	vmul.u32 $0x3, v6;
	v5 =	vor.u32 $0x3, v5;
	_ =	sdelay $0x2  }
0x142: {  	v7 =	vsub.f32 v7, v8;
	_ =	sdelay $0x1  }
0x143: {  	[tilespmem:v5+s11+$0x0] =	vst.idx.msk $0xffff, v7  }
0x144: {  	s6 =	sadd.s32 $0x10, s6;
	s19 =	simm.s32 $0x0;
	v7 =	vld.idx.msk [tilespmem:v9+s28+$0x0], $0xffff  }
0x145: {  	v5 =	vor.u32 s19, v0;
	v8 =	vld [tilespmem:s6+$0x0]  }
0x146: {  	v6 =	vshll.u32 v6, $0x3;
	v9 =	vmul.u32 $0x3, v5  }
0x147: {  	v10 =	vor.u32 $0x3, v6  }
0x148: {  	v6 =	vadd.s32 $0x1, v9;
	_ =	sdelay $0x1  }
0x149: {  	v7 =	vsub.f32 v7, v8;
	_ =	sdelay $0x1  }
0x14a: {  	[tilespmem:v10+s11+$0x0] =	vst.idx.msk $0xffff, v7  }
0x14b: {  	s24 =	simm.s32 $0xF500;
	s6 =	simm.s32 $0x10;
	v7 =	vld.idx.msk [tilespmem:v6+s25+$0x0], $0xffff  }
0x14c: {  	s19 =	simm.s32 $0x20;
	v9 =	vor.u32 s6, v0;
	v8 =	vmov v5;
	v10 =	vld [tilespmem:s24+$0x0]  }
.LBB2_22:
0x14d: {  	p0 =	sne.s32 s19, $0x300;
	v11 =	vmul.u32 $0x3, v9;
	v12 =	vshll.u32 v8, $0x3;
	v8 =	vmov v9  }
0x14e: {  	v9 =	vor.u32 $0x1, v12  }
0x14f: {  	v11 =	vadd.s32 $0x1, v11;
	_ =	sdelay $0x1  }
.Ltmp10:
0x150: {  	v7 =	vsub.f32 v7, v10;
	(pc) =	sbr.rel @p0 .LBB2_22-.Ltmp10, $4  }
0x151: {  	_ = 	snop  }
0x152: {  	[tilespmem:v9+s11+$0x0] =	vst.idx.msk $0xffff, v7  }
0x153: {  	s24 =	sadd.s32 $0x10, s24;
	v7 =	vld.idx.msk [tilespmem:v11+s25+$0x0], $0xffff  }
0x154: {  	v9 =	vor.u32 s19, v0;
	s19 =	sadd.s32 $0x10, s19;
	v10 =	vld [tilespmem:s24+$0x0]  }
0x155: {  	v11 =	vmul.u32 $0x3, v9;
	v8 =	vshll.u32 v8, $0x3  }
0x156: {  	v8 =	vor.u32 $0x1, v8  }
0x157: {  	v11 =	vadd.s32 $0x1, v11;
	_ =	sdelay $0x1  }
0x158: {  	v7 =	vsub.f32 v7, v10;
	_ =	sdelay $0x1  }
0x159: {  	[tilespmem:v8+s11+$0x0] =	vst.idx.msk $0xffff, v7  }
0x15a: {  	s19 =	sadd.s32 $0x10, s24;
	v7 =	vld.idx.msk [tilespmem:v11+s25+$0x0], $0xffff  }
0x15b: {  	v8 =	vld [tilespmem:s19+$0x0]  }
0x15c: {  	v9 =	vshll.u32 v9, $0x3  }
0x15d: {  	v9 =	vor.u32 $0x1, v9;
	_ =	sdelay $0x2  }
0x15e: {  	v7 =	vsub.f32 v7, v8;
	_ =	sdelay $0x1  }
0x15f: {  	[tilespmem:v9+s11+$0x0] =	vst.idx.msk $0xffff, v7  }
0x160: {  	s24 =	simm.s32 $0xF810;
	v6 =	vld.idx.msk [tilespmem:v6+s28+$0x0], $0xffff  }
0x161: {  	v7 =	vor.u32 s6, v0;
	s6 =	simm.s32 $0x20;
	v8 =	vld [tilespmem:s24+$0x0]  }
.LBB2_24:
0x162: {  	p0 =	sne.s32 s6, $0x300;
	v9 =	vmul.u32 $0x3, v7;
	v10 =	vshll.u32 v5, $0x3;
	v5 =	vmov v7  }
0x163: {  	v7 =	vor.u32 $0x4, v10  }
0x164: {  	v9 =	vadd.s32 $0x1, v9;
	_ =	sdelay $0x1  }
.Ltmp11:
0x165: {  	v6 =	vsub.f32 v6, v8;
	(pc) =	sbr.rel @p0 .LBB2_24-.Ltmp11, $4  }
0x166: {  	_ = 	snop  }
0x167: {  	[tilespmem:v7+s11+$0x0] =	vst.idx.msk $0xffff, v6  }
0x168: {  	s24 =	sadd.s32 $0x10, s24;
	v6 =	vld.idx.msk [tilespmem:v9+s28+$0x0], $0xffff  }
0x169: {  	v7 =	vor.u32 s6, v0;
	s6 =	sadd.s32 $0x10, s6;
	v8 =	vld [tilespmem:s24+$0x0]  }
0x16a: {  	v9 =	vmul.u32 $0x3, v7;
	v5 =	vshll.u32 v5, $0x3  }
0x16b: {  	v5 =	vor.u32 $0x4, v5  }
0x16c: {  	v9 =	vadd.s32 $0x1, v9;
	_ =	sdelay $0x1  }
0x16d: {  	v6 =	vsub.f32 v6, v8;
	_ =	sdelay $0x1  }
0x16e: {  	[tilespmem:v5+s11+$0x0] =	vst.idx.msk $0xffff, v6  }
0x16f: {  	s6 =	sadd.s32 $0x10, s24;
	s19 =	simm.s32 $0x0;
	v8 =	vld.idx.msk [tilespmem:v9+s28+$0x0], $0xffff  }
0x170: {  	v5 =	vor.u32 s19, v0;
	v9 =	vld [tilespmem:s6+$0x0]  }
0x171: {  	v6 =	vshll.u32 v7, $0x3;
	v7 =	vmul.u32 $0x3, v5  }
0x172: {  	v10 =	vor.u32 $0x4, v6  }
0x173: {  	v6 =	vadd.s32 $0x2, v7;
	_ =	sdelay $0x1  }
0x174: {  	v7 =	vsub.f32 v8, v9;
	_ =	sdelay $0x1  }
0x175: {  	[tilespmem:v10+s11+$0x0] =	vst.idx.msk $0xffff, v7  }
0x176: {  	s24 =	simm.s32 $0xFB20;
	s6 =	simm.s32 $0x10;
	v7 =	vld.idx.msk [tilespmem:v6+s25+$0x0], $0xffff  }
0x177: {  	s19 =	simm.s32 $0x20;
	v9 =	vor.u32 s6, v0;
	v8 =	vmov v5;
	v10 =	vld [tilespmem:s24+$0x0]  }
.LBB2_26:
0x178: {  	p0 =	sne.s32 s19, $0x300;
	v11 =	vmul.u32 $0x3, v9;
	v12 =	vshll.u32 v8, $0x3;
	v8 =	vmov v9  }
0x179: {  	v9 =	vor.u32 $0x2, v12  }
0x17a: {  	v11 =	vadd.s32 $0x2, v11;
	_ =	sdelay $0x1  }
.Ltmp12:
0x17b: {  	v7 =	vsub.f32 v7, v10;
	(pc) =	sbr.rel @p0 .LBB2_26-.Ltmp12, $4  }
0x17c: {  	_ = 	snop  }
0x17d: {  	[tilespmem:v9+s11+$0x0] =	vst.idx.msk $0xffff, v7  }
0x17e: {  	s24 =	sadd.s32 $0x10, s24;
	v7 =	vld.idx.msk [tilespmem:v11+s25+$0x0], $0xffff  }
0x17f: {  	v9 =	vor.u32 s19, v0;
	s19 =	sadd.s32 $0x10, s19;
	v10 =	vld [tilespmem:s24+$0x0]  }
0x180: {  	v11 =	vmul.u32 $0x3, v9;
	v8 =	vshll.u32 v8, $0x3  }
0x181: {  	v8 =	vor.u32 $0x2, v8  }
0x182: {  	v11 =	vadd.s32 $0x2, v11;
	_ =	sdelay $0x1  }
0x183: {  	v7 =	vsub.f32 v7, v10;
	_ =	sdelay $0x1  }
0x184: {  	[tilespmem:v8+s11+$0x0] =	vst.idx.msk $0xffff, v7  }
0x185: {  	s19 =	sadd.s32 $0x10, s24;
	v7 =	vld.idx.msk [tilespmem:v11+s25+$0x0], $0xffff  }
0x186: {  	v8 =	vld [tilespmem:s19+$0x0]  }
0x187: {  	v9 =	vshll.u32 v9, $0x3  }
0x188: {  	v9 =	vor.u32 $0x2, v9;
	_ =	sdelay $0x2  }
0x189: {  	v7 =	vsub.f32 v7, v8;
	_ =	sdelay $0x1  }
0x18a: {  	[tilespmem:v9+s11+$0x0] =	vst.idx.msk $0xffff, v7  }
0x18b: {  	s24 =	simm.s32 $0xFE30;
	v6 =	vld.idx.msk [tilespmem:v6+s28+$0x0], $0xffff  }
0x18c: {  	v7 =	vor.u32 s6, v0;
	s6 =	simm.s32 $0x20;
	v8 =	vld [tilespmem:s24+$0x0]  }
.LBB2_28:
0x18d: {  	p0 =	sne.s32 s6, $0x300;
	v9 =	vmul.u32 $0x3, v7;
	v10 =	vshll.u32 v5, $0x3;
	v5 =	vmov v7  }
0x18e: {  	v7 =	vor.u32 $0x5, v10  }
0x18f: {  	v9 =	vadd.s32 $0x2, v9;
	_ =	sdelay $0x1  }
.Ltmp13:
0x190: {  	v6 =	vsub.f32 v6, v8;
	(pc) =	sbr.rel @p0 .LBB2_28-.Ltmp13, $4  }
0x191: {  	_ = 	snop  }
0x192: {  	[tilespmem:v7+s11+$0x0] =	vst.idx.msk $0xffff, v6  }
0x193: {  	s24 =	sadd.s32 $0x10, s24;
	v6 =	vld.idx.msk [tilespmem:v9+s28+$0x0], $0xffff  }
0x194: {  	v7 =	vor.u32 s6, v0;
	s6 =	sadd.s32 $0x10, s6;
	v8 =	vld [tilespmem:s24+$0x0]  }
0x195: {  	v9 =	vmul.u32 $0x3, v7;
	v5 =	vshll.u32 v5, $0x3  }
0x196: {  	v5 =	vor.u32 $0x5, v5  }
0x197: {  	v9 =	vadd.s32 $0x2, v9;
	_ =	sdelay $0x1  }
0x198: {  	v6 =	vsub.f32 v6, v8;
	_ =	sdelay $0x1  }
0x199: {  	[tilespmem:v5+s11+$0x0] =	vst.idx.msk $0xffff, v6  }
0x19a: {  	s6 =	sadd.s32 $0x10, s24;
	v5 =	vld.idx.msk [tilespmem:v9+s28+$0x0], $0xffff  }
0x19b: {  	v6 =	vld [tilespmem:s6+$0x0]  }
0x19c: {  	v7 =	vshll.u32 v7, $0x3  }
0x19d: {  	v7 =	vor.u32 $0x5, v7  }
0x19e: {  	s24 =	simm.s32 $0x0  }
0x19f: {  	v8 =	vmov s24  }
0x1a0: {  	v6 =	vsub.f32 v5, v6;
	v5 =	vshll.u32 v8, $0x3  }
0x1a1: {  	v5 =	vor.u32 v1, v5  }
0x1a2: {  	s6 =	simm.s32 $0x10;
	[tilespmem:v7+s11+$0x0] =	vst.idx.msk $0xffff, v6;
	v6 =	vor.u32 $0x6, v5  }
.LBB2_30:
0x1a3: {  	p0 =	sne.s32 s6, $0x300  }
.Ltmp14:
0x1a4: {  	_ = 	snop;
	(pc) =	sbr.rel @p0 .LBB2_30-.Ltmp14, $4  }
0x1a5: {  	v7 =	vmov s6  }
0x1a6: {  	v7 =	vshll.u32 v7, $0x3  }
0x1a7: {  	v7 =	vor.u32 v1, v7  }
0x1a8: {  	s6 =	sadd.s32 $0x10, s6;
	[tilespmem:v6+s11+$0x0] =	vst.idx.msk $0xffff, v2;
	v6 =	vor.u32 $0x6, v7  }
0x1a9: {  	_ =	sdelay $0x3  }
0x1aa: {  	[tilespmem:v6+s11+$0x0] =	vst.idx.msk $0xffff, v2;
	s6 =	simm.s32 $0x10;
	v5 =	vor.u32 $0x7, v5  }
.LBB2_32:
0x1ab: {  	p0 =	sne.s32 s6, $0x300  }
.Ltmp15:
0x1ac: {  	_ = 	snop;
	(pc) =	sbr.rel @p0 .LBB2_32-.Ltmp15, $4  }
0x1ad: {  	v6 =	vmov s6  }
0x1ae: {  	v6 =	vshll.u32 v6, $0x3  }
0x1af: {  	v6 =	vor.u32 v1, v6  }
0x1b0: {  	s6 =	sadd.s32 $0x10, s6;
	[tilespmem:v5+s11+$0x0] =	vst.idx.msk $0xffff, v2;
	v5 =	vor.u32 $0x7, v6  }
0x1b1: {  	_ =	sdelay $0x3  }
0x1b2: {  	[tilespmem:v5+s11+$0x0] =	vst.idx.msk $0xffff, v2;
	s6 =	rddreg [dreg:$0x10]  }
0x1b3: {  	[spmem:s6] =	stream.linear.scatter [tilespmem:s11], [sflag:$0x1], $0x1880, $0x38;
	[tilespmem:$0x18D50] =	vst v63  }
0x1b4: {  	_ =	swait.ge [sflag:s26], $0x1880  }
0x1b5: {  	[sflag:s26] =	ssyncset.done $0x0  }
0x1b6: {  	s19 =	simm.s32 $0x0;
	s24 =	rddreg [dreg:$0x13];
	[sflag:s26] =	ssyncadd.s32 $0xFFFFE780  }
0x1b7: {  	[tilespmem:s11], [sflag:$0x1] =	stream.linear.gather [hbm4b:s24+s19], $0x1880, $0x38;
	[tilespmem:$0x18D50] =	vst v63  }
0x1b8: {  	_ =	swait.ge [sflag:s26], $0x1880  }
0x1b9: {  	[sflag:s26] =	ssyncset.done $0x0  }
0x1ba: {  	s21 =	rddreg [dreg:$0x11];
	[sflag:s26] =	ssyncadd.s32 $0xFFFFE780  }
0x1bb: {  	[spmem:s21] =	stream.linear.scatter [tilespmem:s11], [sflag:$0x1], $0x1880, $0x38;
	[tilespmem:$0x18D50] =	vst v63  }
0x1bc: {  	_ =	swait.ge [sflag:s26], $0x1880  }
0x1bd: {  	[sflag:s26] =	ssyncset.done $0x0  }
0x1be: {  	s24 =	rddreg [dreg:$0x8];
	[sflag:s26] =	ssyncadd.s32 $0xFFFFE780  }
0x1bf: {  	[tilespmem:s25], [sflag:$0x1] =	stream.linear.gather [hbm4b:s24+s19], $0x930, $0x38;
	[tilespmem:$0x18D50] =	vst v63  }
0x1c0: {  	_ =	swait.ge [sflag:s26], $0x930  }
0x1c1: {  	s21 =	sld [smem:$0x7F2]  }
0x1c2: {  	[sflag:s26] =	ssyncset.done $0x0  }
0x1c3: {  	[sflag:s26] =	ssyncadd.s32 $0xFFFFF6D0  }
0x1c4: {  	[tilespmem:s28], [sflag:$0x1] =	stream.linear.gather [hbm4b:s21+s19], $0x930, $0x38;
	[tilespmem:$0x18D50] =	vst v63  }
0x1c5: {  	_ =	swait.ge [sflag:s26], $0x930  }
0x1c6: {  	[sflag:s26] =	ssyncset.done $0x0  }
0x1c7: {  	s6 =	simm.s32 $0xEEE0;
	s21 =	rddreg [dreg:$0xa];
	[sflag:s26] =	ssyncadd.s32 $0xFFFFF6D0  }
0x1c8: {  	[tilespmem:s6], [sflag:$0x1] =	stream.linear.gather [hbm4b:s21+s19], $0x310, $0x38;
	[tilespmem:$0x18D50] =	vst v63  }
0x1c9: {  	_ =	swait.ge [sflag:s26], $0x310  }
0x1ca: {  	s24 =	sld [smem:$0x7F3]  }
0x1cb: {  	[sflag:s26] =	ssyncset.done $0x0  }
0x1cc: {  	[sflag:s26] =	ssyncadd.s32 $0xFFFFFCF0  }
0x1cd: {  	[tilespmem:s29], [sflag:$0x1] =	stream.linear.gather [hbm4b:s24+s19], $0x310, $0x38;
	[tilespmem:$0x18D50] =	vst v63  }
0x1ce: {  	_ =	swait.ge [sflag:s26], $0x310  }
0x1cf: {  	s24 =	sld [smem:$0x7F4]  }
0x1d0: {  	[sflag:s26] =	ssyncset.done $0x0  }
0x1d1: {  	[sflag:s26] =	ssyncadd.s32 $0xFFFFFCF0  }
0x1d2: {  	[tilespmem:s9], [sflag:$0x1] =	stream.linear.gather [hbm4b:s24+s19], $0x310, $0x38;
	[tilespmem:$0x18D50] =	vst v63  }
0x1d3: {  	_ =	swait.ge [sflag:s26], $0x310  }
0x1d4: {  	s24 =	sld [smem:$0x7F5]  }
0x1d5: {  	[sflag:s26] =	ssyncset.done $0x0  }
0x1d6: {  	[sflag:s26] =	ssyncadd.s32 $0xFFFFFCF0  }
0x1d7: {  	[tilespmem:s30], [sflag:$0x1] =	stream.linear.gather [hbm4b:s24+s19], $0x310, $0x38;
	[tilespmem:$0x18D50] =	vst v63  }
0x1d8: {  	_ =	swait.ge [sflag:s26], $0x310  }
0x1d9: {  	s24 =	sld [smem:$0x7F6]  }
0x1da: {  	[sflag:s26] =	ssyncset.done $0x0  }
0x1db: {  	[sflag:s26] =	ssyncadd.s32 $0xFFFFFCF0  }
0x1dc: {  	[tilespmem:s31], [sflag:$0x1] =	stream.linear.gather [hbm4b:s24+s19], $0x310, $0x38;
	[tilespmem:$0x18D50] =	vst v63  }
0x1dd: {  	_ =	swait.ge [sflag:s26], $0x310  }
0x1de: {  	v5 =	vor.u32 s19, v0;
	s24 =	sld [smem:$0x7F7]  }
0x1df: {  	v6 =	vmul.u32 $0x3, v5;
	[sflag:s26] =	ssyncset.done $0x0  }
0x1e0: {  	[sflag:s26] =	ssyncadd.s32 $0xFFFFFCF0  }
0x1e1: {  	[tilespmem:s8], [sflag:$0x1] =	stream.linear.gather [hbm4b:s24+s19], $0x310, $0x38;
	[tilespmem:$0x18D50] =	vst v63  }
0x1e2: {  	_ =	swait.ge [sflag:s26], $0x310  }
0x1e3: {  	[sflag:s26] =	ssyncset.done $0x0  }
0x1e4: {  	[sflag:s26] =	ssyncadd.s32 $0xFFFFFCF0  }
0x1e5: {  	v7 =	vld.idx.msk [tilespmem:v6+s25+$0x0], $0xffff  }
0x1e6: {  	s24 =	simm.s32 $0x10;
	v9 =	vld [tilespmem:s6+$0x0]  }
0x1e7: {  	v8 =	vmov v5;
	s19 =	simm.s32 $0x20;
	v10 =	vor.u32 s24, v0  }
.LBB2_34:
0x1e8: {  	p0 =	sne.s32 s19, $0x300;
	v11 =	vmul.u32 $0x3, v10;
	v12 =	vshll.u32 v8, $0x3;
	v8 =	vmov v10;
	_ =	sdelay $0x2  }
0x1e9: {  	v7 =	vsub.f32 v7, v9  }
.Ltmp16:
0x1ea: {  	(pc) =	sbr.rel @p0 .LBB2_34-.Ltmp16, $4  }
0x1eb: {  	[tilespmem:v12+s11+$0x0] =	vst.idx.msk $0xffff, v7  }
0x1ec: {  	s6 =	sadd.s32 $0x10, s6;
	v7 =	vld.idx.msk [tilespmem:v11+s25+$0x0], $0xffff  }
0x1ed: {  	v9 =	vld [tilespmem:s6+$0x0]  }
0x1ee: {  	v10 =	vor.u32 s19, v0;
	s19 =	sadd.s32 $0x10, s19  }
0x1ef: {  	v11 =	vmul.u32 $0x3, v10;
	v8 =	vshll.u32 v8, $0x3;
	_ =	sdelay $0x2  }
0x1f0: {  	v7 =	vsub.f32 v7, v9;
	_ =	sdelay $0x1  }
0x1f1: {  	[tilespmem:v8+s11+$0x0] =	vst.idx.msk $0xffff, v7  }
0x1f2: {  	s6 =	sadd.s32 $0x10, s6;
	v7 =	vld.idx.msk [tilespmem:v11+s25+$0x0], $0xffff  }
0x1f3: {  	v8 =	vld [tilespmem:s6+$0x0];
	_ =	sdelay $0x1  }
0x1f4: {  	v9 =	vshll.u32 v10, $0x3;
	_ =	sdelay $0x2  }
0x1f5: {  	v7 =	vsub.f32 v7, v8;
	_ =	sdelay $0x1  }
0x1f6: {  	[tilespmem:v9+s11+$0x0] =	vst.idx.msk $0xffff, v7  }
0x1f7: {  	s6 =	simm.s32 $0xF1F0;
	v7 =	vld.idx.msk [tilespmem:v6+s28+$0x0], $0xffff  }
0x1f8: {  	v8 =	vld [tilespmem:s6+$0x0]  }
0x1f9: {  	s19 =	simm.s32 $0x20;
	v5 =	vshll.u32 v5, $0x3;
	v6 =	vor.u32 s24, v0  }
.LBB2_36:
0x1fa: {  	p0 =	sne.s32 s19, $0x300;
	v9 =	vmul.u32 $0x3, v6;
	v5 =	vor.u32 $0x3, v5;
	_ =	sdelay $0x2  }
0x1fb: {  	v7 =	vsub.f32 v7, v8  }
.Ltmp17:
0x1fc: {  	(pc) =	sbr.rel @p0 .LBB2_36-.Ltmp17, $4  }
0x1fd: {  	[tilespmem:v5+s11+$0x0] =	vst.idx.msk $0xffff, v7  }
0x1fe: {  	s6 =	sadd.s32 $0x10, s6;
	v7 =	vld.idx.msk [tilespmem:v9+s28+$0x0], $0xffff  }
0x1ff: {  	v8 =	vld [tilespmem:s6+$0x0]  }
0x200: {  	v5 =	vshll.u32 v6, $0x3;
	v6 =	vor.u32 s19, v0;
	s19 =	sadd.s32 $0x10, s19  }
0x201: {  	v9 =	vmul.u32 $0x3, v6;
	v5 =	vor.u32 $0x3, v5;
	_ =	sdelay $0x2  }
0x202: {  	v7 =	vsub.f32 v7, v8;
	_ =	sdelay $0x1  }
0x203: {  	[tilespmem:v5+s11+$0x0] =	vst.idx.msk $0xffff, v7  }
0x204: {  	s6 =	sadd.s32 $0x10, s6;
	s19 =	simm.s32 $0x0;
	v7 =	vld.idx.msk [tilespmem:v9+s28+$0x0], $0xffff  }
0x205: {  	v5 =	vor.u32 s19, v0;
	v8 =	vld [tilespmem:s6+$0x0]  }
0x206: {  	v6 =	vshll.u32 v6, $0x3;
	v9 =	vmul.u32 $0x3, v5  }
0x207: {  	v10 =	vor.u32 $0x3, v6  }
0x208: {  	v6 =	vadd.s32 $0x1, v9;
	_ =	sdelay $0x1  }
0x209: {  	v7 =	vsub.f32 v7, v8;
	_ =	sdelay $0x1  }
0x20a: {  	[tilespmem:v10+s11+$0x0] =	vst.idx.msk $0xffff, v7  }
0x20b: {  	s24 =	simm.s32 $0xF500;
	s6 =	simm.s32 $0x10;
	v7 =	vld.idx.msk [tilespmem:v6+s25+$0x0], $0xffff  }
0x20c: {  	s19 =	simm.s32 $0x20;
	v9 =	vor.u32 s6, v0;
	v8 =	vmov v5;
	v10 =	vld [tilespmem:s24+$0x0]  }
.LBB2_38:
0x20d: {  	p0 =	sne.s32 s19, $0x300;
	v11 =	vmul.u32 $0x3, v9;
	v12 =	vshll.u32 v8, $0x3;
	v8 =	vmov v9  }
0x20e: {  	v9 =	vor.u32 $0x1, v12  }
0x20f: {  	v11 =	vadd.s32 $0x1, v11;
	_ =	sdelay $0x1  }
.Ltmp18:
0x210: {  	v7 =	vsub.f32 v7, v10;
	(pc) =	sbr.rel @p0 .LBB2_38-.Ltmp18, $4  }
0x211: {  	_ = 	snop  }
0x212: {  	[tilespmem:v9+s11+$0x0] =	vst.idx.msk $0xffff, v7  }
0x213: {  	s24 =	sadd.s32 $0x10, s24;
	v7 =	vld.idx.msk [tilespmem:v11+s25+$0x0], $0xffff  }
0x214: {  	v9 =	vor.u32 s19, v0;
	s19 =	sadd.s32 $0x10, s19;
	v10 =	vld [tilespmem:s24+$0x0]  }
0x215: {  	v11 =	vmul.u32 $0x3, v9;
	v8 =	vshll.u32 v8, $0x3  }
0x216: {  	v8 =	vor.u32 $0x1, v8  }
0x217: {  	v11 =	vadd.s32 $0x1, v11;
	_ =	sdelay $0x1  }
0x218: {  	v7 =	vsub.f32 v7, v10;
	_ =	sdelay $0x1  }
0x219: {  	[tilespmem:v8+s11+$0x0] =	vst.idx.msk $0xffff, v7  }
0x21a: {  	s19 =	sadd.s32 $0x10, s24;
	v7 =	vld.idx.msk [tilespmem:v11+s25+$0x0], $0xffff  }
0x21b: {  	v8 =	vld [tilespmem:s19+$0x0]  }
0x21c: {  	v9 =	vshll.u32 v9, $0x3  }
0x21d: {  	v9 =	vor.u32 $0x1, v9;
	_ =	sdelay $0x2  }
0x21e: {  	v7 =	vsub.f32 v7, v8;
	_ =	sdelay $0x1  }
0x21f: {  	[tilespmem:v9+s11+$0x0] =	vst.idx.msk $0xffff, v7  }
0x220: {  	s24 =	simm.s32 $0xF810;
	v6 =	vld.idx.msk [tilespmem:v6+s28+$0x0], $0xffff  }
0x221: {  	v7 =	vor.u32 s6, v0;
	s6 =	simm.s32 $0x20;
	v8 =	vld [tilespmem:s24+$0x0]  }
.LBB2_40:
0x222: {  	p0 =	sne.s32 s6, $0x300;
	v9 =	vmul.u32 $0x3, v7;
	v10 =	vshll.u32 v5, $0x3;
	v5 =	vmov v7  }
0x223: {  	v7 =	vor.u32 $0x4, v10  }
0x224: {  	v9 =	vadd.s32 $0x1, v9;
	_ =	sdelay $0x1  }
.Ltmp19:
0x225: {  	v6 =	vsub.f32 v6, v8;
	(pc) =	sbr.rel @p0 .LBB2_40-.Ltmp19, $4  }
0x226: {  	_ = 	snop  }
0x227: {  	[tilespmem:v7+s11+$0x0] =	vst.idx.msk $0xffff, v6  }
0x228: {  	s24 =	sadd.s32 $0x10, s24;
	v6 =	vld.idx.msk [tilespmem:v9+s28+$0x0], $0xffff  }
0x229: {  	v7 =	vor.u32 s6, v0;
	s6 =	sadd.s32 $0x10, s6;
	v8 =	vld [tilespmem:s24+$0x0]  }
0x22a: {  	v9 =	vmul.u32 $0x3, v7;
	v5 =	vshll.u32 v5, $0x3  }
0x22b: {  	v5 =	vor.u32 $0x4, v5  }
0x22c: {  	v9 =	vadd.s32 $0x1, v9;
	_ =	sdelay $0x1  }
0x22d: {  	v6 =	vsub.f32 v6, v8;
	_ =	sdelay $0x1  }
0x22e: {  	[tilespmem:v5+s11+$0x0] =	vst.idx.msk $0xffff, v6  }
0x22f: {  	s6 =	sadd.s32 $0x10, s24;
	s19 =	simm.s32 $0x0;
	v8 =	vld.idx.msk [tilespmem:v9+s28+$0x0], $0xffff  }
0x230: {  	v5 =	vor.u32 s19, v0;
	v9 =	vld [tilespmem:s6+$0x0]  }
0x231: {  	v6 =	vshll.u32 v7, $0x3;
	v7 =	vmul.u32 $0x3, v5  }
0x232: {  	v10 =	vor.u32 $0x4, v6  }
0x233: {  	v6 =	vadd.s32 $0x2, v7;
	_ =	sdelay $0x1  }
0x234: {  	v7 =	vsub.f32 v8, v9;
	_ =	sdelay $0x1  }
0x235: {  	[tilespmem:v10+s11+$0x0] =	vst.idx.msk $0xffff, v7  }
0x236: {  	s24 =	simm.s32 $0xFB20;
	s6 =	simm.s32 $0x10;
	v7 =	vld.idx.msk [tilespmem:v6+s25+$0x0], $0xffff  }
0x237: {  	s19 =	simm.s32 $0x20;
	v9 =	vor.u32 s6, v0;
	v8 =	vmov v5;
	v10 =	vld [tilespmem:s24+$0x0]  }
.LBB2_42:
0x238: {  	p0 =	sne.s32 s19, $0x300;
	v11 =	vmul.u32 $0x3, v9;
	v12 =	vshll.u32 v8, $0x3;
	v8 =	vmov v9  }
0x239: {  	v9 =	vor.u32 $0x2, v12  }
0x23a: {  	v11 =	vadd.s32 $0x2, v11;
	_ =	sdelay $0x1  }
.Ltmp20:
0x23b: {  	v7 =	vsub.f32 v7, v10;
	(pc) =	sbr.rel @p0 .LBB2_42-.Ltmp20, $4  }
0x23c: {  	_ = 	snop  }
0x23d: {  	[tilespmem:v9+s11+$0x0] =	vst.idx.msk $0xffff, v7  }
0x23e: {  	s24 =	sadd.s32 $0x10, s24;
	v7 =	vld.idx.msk [tilespmem:v11+s25+$0x0], $0xffff  }
0x23f: {  	v9 =	vor.u32 s19, v0;
	s19 =	sadd.s32 $0x10, s19;
	v10 =	vld [tilespmem:s24+$0x0]  }
0x240: {  	v11 =	vmul.u32 $0x3, v9;
	v8 =	vshll.u32 v8, $0x3  }
0x241: {  	v8 =	vor.u32 $0x2, v8  }
0x242: {  	v11 =	vadd.s32 $0x2, v11;
	_ =	sdelay $0x1  }
0x243: {  	v7 =	vsub.f32 v7, v10;
	_ =	sdelay $0x1  }
0x244: {  	[tilespmem:v8+s11+$0x0] =	vst.idx.msk $0xffff, v7  }
0x245: {  	s19 =	sadd.s32 $0x10, s24;
	v7 =	vld.idx.msk [tilespmem:v11+s25+$0x0], $0xffff  }
0x246: {  	v8 =	vld [tilespmem:s19+$0x0]  }
0x247: {  	v9 =	vshll.u32 v9, $0x3  }
0x248: {  	v9 =	vor.u32 $0x2, v9;
	_ =	sdelay $0x2  }
0x249: {  	v7 =	vsub.f32 v7, v8;
	_ =	sdelay $0x1  }
0x24a: {  	[tilespmem:v9+s11+$0x0] =	vst.idx.msk $0xffff, v7  }
0x24b: {  	s24 =	simm.s32 $0xFE30;
	v6 =	vld.idx.msk [tilespmem:v6+s28+$0x0], $0xffff  }
0x24c: {  	v7 =	vor.u32 s6, v0;
	s6 =	simm.s32 $0x20;
	v8 =	vld [tilespmem:s24+$0x0]  }
.LBB2_44:
0x24d: {  	p0 =	sne.s32 s6, $0x300;
	v9 =	vmul.u32 $0x3, v7;
	v10 =	vshll.u32 v5, $0x3;
	v5 =	vmov v7  }
0x24e: {  	v7 =	vor.u32 $0x5, v10  }
0x24f: {  	v9 =	vadd.s32 $0x2, v9;
	_ =	sdelay $0x1  }
.Ltmp21:
0x250: {  	v6 =	vsub.f32 v6, v8;
	(pc) =	sbr.rel @p0 .LBB2_44-.Ltmp21, $4  }
0x251: {  	_ = 	snop  }
0x252: {  	[tilespmem:v7+s11+$0x0] =	vst.idx.msk $0xffff, v6  }
0x253: {  	s24 =	sadd.s32 $0x10, s24;
	v6 =	vld.idx.msk [tilespmem:v9+s28+$0x0], $0xffff  }
0x254: {  	v7 =	vor.u32 s6, v0;
	s6 =	sadd.s32 $0x10, s6;
	v8 =	vld [tilespmem:s24+$0x0]  }
0x255: {  	v9 =	vmul.u32 $0x3, v7;
	v5 =	vshll.u32 v5, $0x3  }
0x256: {  	v5 =	vor.u32 $0x5, v5  }
0x257: {  	v9 =	vadd.s32 $0x2, v9;
	_ =	sdelay $0x1  }
0x258: {  	v6 =	vsub.f32 v6, v8;
	_ =	sdelay $0x1  }
0x259: {  	[tilespmem:v5+s11+$0x0] =	vst.idx.msk $0xffff, v6  }
0x25a: {  	s6 =	sadd.s32 $0x10, s24;
	v5 =	vld.idx.msk [tilespmem:v9+s28+$0x0], $0xffff  }
0x25b: {  	v6 =	vld [tilespmem:s6+$0x0]  }
0x25c: {  	v7 =	vshll.u32 v7, $0x3  }
0x25d: {  	v7 =	vor.u32 $0x5, v7  }
0x25e: {  	s24 =	simm.s32 $0x0  }
0x25f: {  	v8 =	vmov s24  }
0x260: {  	v6 =	vsub.f32 v5, v6;
	v5 =	vshll.u32 v8, $0x3  }
0x261: {  	v5 =	vor.u32 v1, v5  }
0x262: {  	s6 =	simm.s32 $0x10;
	[tilespmem:v7+s11+$0x0] =	vst.idx.msk $0xffff, v6;
	v6 =	vor.u32 $0x6, v5  }
.LBB2_46:
0x263: {  	p0 =	sne.s32 s6, $0x300  }
.Ltmp22:
0x264: {  	_ = 	snop;
	(pc) =	sbr.rel @p0 .LBB2_46-.Ltmp22, $4  }
0x265: {  	v7 =	vmov s6  }
0x266: {  	v7 =	vshll.u32 v7, $0x3  }
0x267: {  	v7 =	vor.u32 v1, v7  }
0x268: {  	s6 =	sadd.s32 $0x10, s6;
	[tilespmem:v6+s11+$0x0] =	vst.idx.msk $0xffff, v2;
	v6 =	vor.u32 $0x6, v7  }
0x269: {  	_ =	sdelay $0x3  }
0x26a: {  	[tilespmem:v6+s11+$0x0] =	vst.idx.msk $0xffff, v2;
	s6 =	simm.s32 $0x10;
	v5 =	vor.u32 $0x7, v5  }
.LBB2_48:
0x26b: {  	p0 =	sne.s32 s6, $0x300  }
.Ltmp23:
0x26c: {  	_ = 	snop;
	(pc) =	sbr.rel @p0 .LBB2_48-.Ltmp23, $4  }
0x26d: {  	v6 =	vmov s6  }
0x26e: {  	v6 =	vshll.u32 v6, $0x3  }
0x26f: {  	v6 =	vor.u32 v1, v6  }
0x270: {  	s6 =	sadd.s32 $0x10, s6;
	[tilespmem:v5+s11+$0x0] =	vst.idx.msk $0xffff, v2;
	v5 =	vor.u32 $0x7, v6  }
0x271: {  	_ =	sdelay $0x3  }
0x272: {  	[tilespmem:v5+s11+$0x0] =	vst.idx.msk $0xffff, v2;
	s6 =	rddreg [dreg:$0x12]  }
0x273: {  	[spmem:s6] =	stream.linear.scatter [tilespmem:s11], [sflag:$0x1], $0x1880, $0x38;
	[tilespmem:$0x18D50] =	vst v63  }
0x274: {  	_ =	swait.ge [sflag:s26], $0x1880  }
0x275: {  	[sflag:s26] =	ssyncset.done $0x0  }
0x276: {  	s19 =	simm.s32 $0x0;
	s21 =	rddreg [dreg:$0x14];
	[sflag:s26] =	ssyncadd.s32 $0xFFFFE780  }
0x277: {  	[tilespmem:s11], [sflag:$0x1] =	stream.linear.gather [hbm4b:s21+s19], $0x1880, $0x38;
	[tilespmem:$0x18D50] =	vst v63  }
0x278: {  	_ =	swait.ge [sflag:s26], $0x1880  }
0x279: {  	[sflag:s26] =	ssyncset.done $0x0  }
0x27a: {  	[sflag:s26] =	ssyncadd.s32 $0xFFFFE780  }
0x27b: {  	[spmem:s23] =	stream.linear.scatter [tilespmem:s11], [sflag:$0x1], $0x1880, $0x38;
	[tilespmem:$0x18D50] =	vst v63  }
0x27c: {  	_ =	swait.ge [sflag:s26], $0x1880  }
0x27d: {  	[sflag:s26] =	ssyncset.done $0x0  }
0x27e: {  	s24 =	rddreg [dreg:$0x9];
	[sflag:s26] =	ssyncadd.s32 $0xFFFFE780  }
0x27f: {  	[tilespmem:s25], [sflag:$0x1] =	stream.linear.gather [hbm4b:s24+s19], $0x930, $0x38;
	[tilespmem:$0x18D50] =	vst v63  }
0x280: {  	_ =	swait.ge [sflag:s26], $0x930  }
0x281: {  	s21 =	sld [smem:$0x7F8]  }
0x282: {  	[sflag:s26] =	ssyncset.done $0x0  }
0x283: {  	[sflag:s26] =	ssyncadd.s32 $0xFFFFF6D0  }
0x284: {  	[tilespmem:s28], [sflag:$0x1] =	stream.linear.gather [hbm4b:s21+s19], $0x930, $0x38;
	[tilespmem:$0x18D50] =	vst v63  }
0x285: {  	_ =	swait.ge [sflag:s26], $0x930  }
0x286: {  	[sflag:s26] =	ssyncset.done $0x0  }
0x287: {  	s6 =	simm.s32 $0xEEE0;
	s21 =	rddreg [dreg:$0xb];
	[sflag:s26] =	ssyncadd.s32 $0xFFFFF6D0  }
0x288: {  	[tilespmem:s6], [sflag:$0x1] =	stream.linear.gather [hbm4b:s21+s19], $0x310, $0x38;
	[tilespmem:$0x18D50] =	vst v63  }
0x289: {  	_ =	swait.ge [sflag:s26], $0x310  }
0x28a: {  	s24 =	sld [smem:$0x7F9]  }
0x28b: {  	[sflag:s26] =	ssyncset.done $0x0  }
0x28c: {  	[sflag:s26] =	ssyncadd.s32 $0xFFFFFCF0  }
0x28d: {  	[tilespmem:s29], [sflag:$0x1] =	stream.linear.gather [hbm4b:s24+s19], $0x310, $0x38;
	[tilespmem:$0x18D50] =	vst v63  }
0x28e: {  	_ =	swait.ge [sflag:s26], $0x310  }
0x28f: {  	s24 =	sld [smem:$0x7FA]  }
0x290: {  	[sflag:s26] =	ssyncset.done $0x0  }
0x291: {  	[sflag:s26] =	ssyncadd.s32 $0xFFFFFCF0  }
0x292: {  	[tilespmem:s9], [sflag:$0x1] =	stream.linear.gather [hbm4b:s24+s19], $0x310, $0x38;
	[tilespmem:$0x18D50] =	vst v63  }
0x293: {  	_ =	swait.ge [sflag:s26], $0x310  }
0x294: {  	s24 =	sld [smem:$0x7FB]  }
0x295: {  	[sflag:s26] =	ssyncset.done $0x0  }
0x296: {  	[sflag:s26] =	ssyncadd.s32 $0xFFFFFCF0  }
0x297: {  	[tilespmem:s30], [sflag:$0x1] =	stream.linear.gather [hbm4b:s24+s19], $0x310, $0x38;
	[tilespmem:$0x18D50] =	vst v63  }
0x298: {  	_ =	swait.ge [sflag:s26], $0x310  }
0x299: {  	s24 =	sld [smem:$0x7FC]  }
0x29a: {  	[sflag:s26] =	ssyncset.done $0x0  }
0x29b: {  	[sflag:s26] =	ssyncadd.s32 $0xFFFFFCF0  }
0x29c: {  	[tilespmem:s31], [sflag:$0x1] =	stream.linear.gather [hbm4b:s24+s19], $0x310, $0x38;
	[tilespmem:$0x18D50] =	vst v63  }
0x29d: {  	_ =	swait.ge [sflag:s26], $0x310  }
0x29e: {  	v5 =	vor.u32 s19, v0;
	s24 =	sld [smem:$0x7FD]  }
0x29f: {  	v6 =	vmul.u32 $0x3, v5;
	[sflag:s26] =	ssyncset.done $0x0  }
0x2a0: {  	[sflag:s26] =	ssyncadd.s32 $0xFFFFFCF0  }
0x2a1: {  	[tilespmem:s8], [sflag:$0x1] =	stream.linear.gather [hbm4b:s24+s19], $0x310, $0x38;
	[tilespmem:$0x18D50] =	vst v63  }
0x2a2: {  	_ =	swait.ge [sflag:s26], $0x310  }
0x2a3: {  	[sflag:s26] =	ssyncset.done $0x0  }
0x2a4: {  	[sflag:s26] =	ssyncadd.s32 $0xFFFFFCF0  }
0x2a5: {  	v7 =	vld.idx.msk [tilespmem:v6+s25+$0x0], $0xffff  }
0x2a6: {  	s24 =	simm.s32 $0x10;
	v9 =	vld [tilespmem:s6+$0x0]  }
0x2a7: {  	v8 =	vmov v5;
	s19 =	simm.s32 $0x20;
	v10 =	vor.u32 s24, v0  }
.LBB2_50:
0x2a8: {  	p0 =	sne.s32 s19, $0x300;
	v11 =	vmul.u32 $0x3, v10;
	v12 =	vshll.u32 v8, $0x3;
	v8 =	vmov v10;
	_ =	sdelay $0x2  }
0x2a9: {  	v7 =	vsub.f32 v7, v9  }
.Ltmp24:
0x2aa: {  	(pc) =	sbr.rel @p0 .LBB2_50-.Ltmp24, $4  }
0x2ab: {  	[tilespmem:v12+s11+$0x0] =	vst.idx.msk $0xffff, v7  }
0x2ac: {  	s6 =	sadd.s32 $0x10, s6;
	v7 =	vld.idx.msk [tilespmem:v11+s25+$0x0], $0xffff  }
0x2ad: {  	v9 =	vld [tilespmem:s6+$0x0]  }
0x2ae: {  	v10 =	vor.u32 s19, v0;
	s19 =	sadd.s32 $0x10, s19  }
0x2af: {  	v11 =	vmul.u32 $0x3, v10;
	v8 =	vshll.u32 v8, $0x3;
	_ =	sdelay $0x2  }
0x2b0: {  	v7 =	vsub.f32 v7, v9;
	_ =	sdelay $0x1  }
0x2b1: {  	[tilespmem:v8+s11+$0x0] =	vst.idx.msk $0xffff, v7  }
0x2b2: {  	s6 =	sadd.s32 $0x10, s6;
	v7 =	vld.idx.msk [tilespmem:v11+s25+$0x0], $0xffff  }
0x2b3: {  	v8 =	vld [tilespmem:s6+$0x0];
	_ =	sdelay $0x1  }
0x2b4: {  	v9 =	vshll.u32 v10, $0x3;
	_ =	sdelay $0x2  }
0x2b5: {  	v7 =	vsub.f32 v7, v8;
	_ =	sdelay $0x1  }
0x2b6: {  	[tilespmem:v9+s11+$0x0] =	vst.idx.msk $0xffff, v7  }
0x2b7: {  	s6 =	simm.s32 $0xF1F0;
	v7 =	vld.idx.msk [tilespmem:v6+s28+$0x0], $0xffff  }
0x2b8: {  	v8 =	vld [tilespmem:s6+$0x0]  }
0x2b9: {  	s19 =	simm.s32 $0x20;
	v5 =	vshll.u32 v5, $0x3;
	v6 =	vor.u32 s24, v0  }
.LBB2_52:
0x2ba: {  	p0 =	sne.s32 s19, $0x300;
	v9 =	vmul.u32 $0x3, v6;
	v5 =	vor.u32 $0x3, v5;
	_ =	sdelay $0x2  }
0x2bb: {  	v7 =	vsub.f32 v7, v8  }
.Ltmp25:
0x2bc: {  	(pc) =	sbr.rel @p0 .LBB2_52-.Ltmp25, $4  }
0x2bd: {  	[tilespmem:v5+s11+$0x0] =	vst.idx.msk $0xffff, v7  }
0x2be: {  	s6 =	sadd.s32 $0x10, s6;
	v7 =	vld.idx.msk [tilespmem:v9+s28+$0x0], $0xffff  }
0x2bf: {  	v8 =	vld [tilespmem:s6+$0x0]  }
0x2c0: {  	v5 =	vshll.u32 v6, $0x3;
	v6 =	vor.u32 s19, v0;
	s19 =	sadd.s32 $0x10, s19  }
0x2c1: {  	v9 =	vmul.u32 $0x3, v6;
	v5 =	vor.u32 $0x3, v5;
	_ =	sdelay $0x2  }
0x2c2: {  	v7 =	vsub.f32 v7, v8;
	_ =	sdelay $0x1  }
0x2c3: {  	[tilespmem:v5+s11+$0x0] =	vst.idx.msk $0xffff, v7  }
0x2c4: {  	s6 =	sadd.s32 $0x10, s6;
	s19 =	simm.s32 $0x0;
	v7 =	vld.idx.msk [tilespmem:v9+s28+$0x0], $0xffff  }
0x2c5: {  	v5 =	vor.u32 s19, v0;
	v8 =	vld [tilespmem:s6+$0x0]  }
0x2c6: {  	v6 =	vshll.u32 v6, $0x3;
	v9 =	vmul.u32 $0x3, v5  }
0x2c7: {  	v10 =	vor.u32 $0x3, v6  }
0x2c8: {  	v6 =	vadd.s32 $0x1, v9;
	_ =	sdelay $0x1  }
0x2c9: {  	v7 =	vsub.f32 v7, v8;
	_ =	sdelay $0x1  }
0x2ca: {  	[tilespmem:v10+s11+$0x0] =	vst.idx.msk $0xffff, v7  }
0x2cb: {  	s24 =	simm.s32 $0xF500;
	s6 =	simm.s32 $0x10;
	v7 =	vld.idx.msk [tilespmem:v6+s25+$0x0], $0xffff  }
0x2cc: {  	s19 =	simm.s32 $0x20;
	v9 =	vor.u32 s6, v0;
	v8 =	vmov v5;
	v10 =	vld [tilespmem:s24+$0x0]  }
.LBB2_54:
0x2cd: {  	p0 =	sne.s32 s19, $0x300;
	v11 =	vmul.u32 $0x3, v9;
	v12 =	vshll.u32 v8, $0x3;
	v8 =	vmov v9  }
0x2ce: {  	v9 =	vor.u32 $0x1, v12  }
0x2cf: {  	v11 =	vadd.s32 $0x1, v11;
	_ =	sdelay $0x1  }
.Ltmp26:
0x2d0: {  	v7 =	vsub.f32 v7, v10;
	(pc) =	sbr.rel @p0 .LBB2_54-.Ltmp26, $4  }
0x2d1: {  	_ = 	snop  }
0x2d2: {  	[tilespmem:v9+s11+$0x0] =	vst.idx.msk $0xffff, v7  }
0x2d3: {  	s24 =	sadd.s32 $0x10, s24;
	v7 =	vld.idx.msk [tilespmem:v11+s25+$0x0], $0xffff  }
0x2d4: {  	v9 =	vor.u32 s19, v0;
	s19 =	sadd.s32 $0x10, s19;
	v10 =	vld [tilespmem:s24+$0x0]  }
0x2d5: {  	v11 =	vmul.u32 $0x3, v9;
	v8 =	vshll.u32 v8, $0x3  }
0x2d6: {  	v8 =	vor.u32 $0x1, v8  }
0x2d7: {  	v11 =	vadd.s32 $0x1, v11;
	_ =	sdelay $0x1  }
0x2d8: {  	v7 =	vsub.f32 v7, v10;
	_ =	sdelay $0x1  }
0x2d9: {  	[tilespmem:v8+s11+$0x0] =	vst.idx.msk $0xffff, v7  }
0x2da: {  	s19 =	sadd.s32 $0x10, s24;
	v7 =	vld.idx.msk [tilespmem:v11+s25+$0x0], $0xffff  }
0x2db: {  	v8 =	vld [tilespmem:s19+$0x0]  }
0x2dc: {  	v9 =	vshll.u32 v9, $0x3  }
0x2dd: {  	v9 =	vor.u32 $0x1, v9;
	_ =	sdelay $0x2  }
0x2de: {  	v7 =	vsub.f32 v7, v8;
	_ =	sdelay $0x1  }
0x2df: {  	[tilespmem:v9+s11+$0x0] =	vst.idx.msk $0xffff, v7  }
0x2e0: {  	s24 =	simm.s32 $0xF810;
	v6 =	vld.idx.msk [tilespmem:v6+s28+$0x0], $0xffff  }
0x2e1: {  	v7 =	vor.u32 s6, v0;
	s6 =	simm.s32 $0x20;
	v8 =	vld [tilespmem:s24+$0x0]  }
.LBB2_56:
0x2e2: {  	p0 =	sne.s32 s6, $0x300;
	v9 =	vmul.u32 $0x3, v7;
	v10 =	vshll.u32 v5, $0x3;
	v5 =	vmov v7  }
0x2e3: {  	v7 =	vor.u32 $0x4, v10  }
0x2e4: {  	v9 =	vadd.s32 $0x1, v9;
	_ =	sdelay $0x1  }
.Ltmp27:
0x2e5: {  	v6 =	vsub.f32 v6, v8;
	(pc) =	sbr.rel @p0 .LBB2_56-.Ltmp27, $4  }
0x2e6: {  	_ = 	snop  }
0x2e7: {  	[tilespmem:v7+s11+$0x0] =	vst.idx.msk $0xffff, v6  }
0x2e8: {  	s24 =	sadd.s32 $0x10, s24;
	v6 =	vld.idx.msk [tilespmem:v9+s28+$0x0], $0xffff  }
0x2e9: {  	v7 =	vor.u32 s6, v0;
	s6 =	sadd.s32 $0x10, s6;
	v8 =	vld [tilespmem:s24+$0x0]  }
0x2ea: {  	v9 =	vmul.u32 $0x3, v7;
	v5 =	vshll.u32 v5, $0x3  }
0x2eb: {  	v5 =	vor.u32 $0x4, v5  }
0x2ec: {  	v9 =	vadd.s32 $0x1, v9;
	_ =	sdelay $0x1  }
0x2ed: {  	v6 =	vsub.f32 v6, v8;
	_ =	sdelay $0x1  }
0x2ee: {  	[tilespmem:v5+s11+$0x0] =	vst.idx.msk $0xffff, v6  }
0x2ef: {  	s6 =	sadd.s32 $0x10, s24;
	s19 =	simm.s32 $0x0;
	v8 =	vld.idx.msk [tilespmem:v9+s28+$0x0], $0xffff  }
0x2f0: {  	v5 =	vor.u32 s19, v0;
	v9 =	vld [tilespmem:s6+$0x0]  }
0x2f1: {  	v6 =	vshll.u32 v7, $0x3;
	v7 =	vmul.u32 $0x3, v5  }
0x2f2: {  	v10 =	vor.u32 $0x4, v6  }
0x2f3: {  	v6 =	vadd.s32 $0x2, v7;
	_ =	sdelay $0x1  }
0x2f4: {  	v7 =	vsub.f32 v8, v9;
	_ =	sdelay $0x1  }
0x2f5: {  	[tilespmem:v10+s11+$0x0] =	vst.idx.msk $0xffff, v7  }
0x2f6: {  	s24 =	simm.s32 $0xFB20;
	s6 =	simm.s32 $0x10;
	v7 =	vld.idx.msk [tilespmem:v6+s25+$0x0], $0xffff  }
0x2f7: {  	s19 =	simm.s32 $0x20;
	v9 =	vor.u32 s6, v0;
	v8 =	vmov v5;
	v10 =	vld [tilespmem:s24+$0x0]  }
.LBB2_58:
0x2f8: {  	p0 =	sne.s32 s19, $0x300;
	v11 =	vmul.u32 $0x3, v9;
	v12 =	vshll.u32 v8, $0x3;
	v8 =	vmov v9  }
0x2f9: {  	v9 =	vor.u32 $0x2, v12  }
0x2fa: {  	v11 =	vadd.s32 $0x2, v11;
	_ =	sdelay $0x1  }
.Ltmp28:
0x2fb: {  	v7 =	vsub.f32 v7, v10;
	(pc) =	sbr.rel @p0 .LBB2_58-.Ltmp28, $4  }
0x2fc: {  	_ = 	snop  }
0x2fd: {  	[tilespmem:v9+s11+$0x0] =	vst.idx.msk $0xffff, v7  }
0x2fe: {  	s24 =	sadd.s32 $0x10, s24;
	v7 =	vld.idx.msk [tilespmem:v11+s25+$0x0], $0xffff  }
0x2ff: {  	v9 =	vor.u32 s19, v0;
	s19 =	sadd.s32 $0x10, s19;
	v10 =	vld [tilespmem:s24+$0x0]  }
0x300: {  	v11 =	vmul.u32 $0x3, v9;
	v8 =	vshll.u32 v8, $0x3  }
0x301: {  	v8 =	vor.u32 $0x2, v8  }
0x302: {  	v11 =	vadd.s32 $0x2, v11;
	_ =	sdelay $0x1  }
0x303: {  	v7 =	vsub.f32 v7, v10;
	_ =	sdelay $0x1  }
0x304: {  	[tilespmem:v8+s11+$0x0] =	vst.idx.msk $0xffff, v7  }
0x305: {  	s19 =	sadd.s32 $0x10, s24;
	v7 =	vld.idx.msk [tilespmem:v11+s25+$0x0], $0xffff  }
0x306: {  	v8 =	vld [tilespmem:s19+$0x0]  }
0x307: {  	v9 =	vshll.u32 v9, $0x3  }
0x308: {  	v9 =	vor.u32 $0x2, v9;
	_ =	sdelay $0x2  }
0x309: {  	v7 =	vsub.f32 v7, v8;
	_ =	sdelay $0x1  }
0x30a: {  	[tilespmem:v9+s11+$0x0] =	vst.idx.msk $0xffff, v7  }
0x30b: {  	s24 =	simm.s32 $0xFE30;
	v6 =	vld.idx.msk [tilespmem:v6+s28+$0x0], $0xffff  }
0x30c: {  	v7 =	vor.u32 s6, v0;
	s6 =	simm.s32 $0x20;
	v8 =	vld [tilespmem:s24+$0x0]  }
.LBB2_60:
0x30d: {  	p0 =	sne.s32 s6, $0x300;
	v9 =	vmul.u32 $0x3, v7;
	v10 =	vshll.u32 v5, $0x3;
	v5 =	vmov v7  }
0x30e: {  	v7 =	vor.u32 $0x5, v10  }
0x30f: {  	v9 =	vadd.s32 $0x2, v9;
	_ =	sdelay $0x1  }
.Ltmp29:
0x310: {  	v6 =	vsub.f32 v6, v8;
	(pc) =	sbr.rel @p0 .LBB2_60-.Ltmp29, $4  }
0x311: {  	_ = 	snop  }
0x312: {  	[tilespmem:v7+s11+$0x0] =	vst.idx.msk $0xffff, v6  }
0x313: {  	s24 =	sadd.s32 $0x10, s24;
	v6 =	vld.idx.msk [tilespmem:v9+s28+$0x0], $0xffff  }
0x314: {  	v7 =	vor.u32 s6, v0;
	s6 =	sadd.s32 $0x10, s6;
	v8 =	vld [tilespmem:s24+$0x0]  }
0x315: {  	v9 =	vmul.u32 $0x3, v7;
	v5 =	vshll.u32 v5, $0x3  }
0x316: {  	v5 =	vor.u32 $0x5, v5  }
0x317: {  	v9 =	vadd.s32 $0x2, v9;
	_ =	sdelay $0x1  }
0x318: {  	v6 =	vsub.f32 v6, v8;
	_ =	sdelay $0x1  }
0x319: {  	[tilespmem:v5+s11+$0x0] =	vst.idx.msk $0xffff, v6  }
0x31a: {  	s6 =	sadd.s32 $0x10, s24;
	v5 =	vld.idx.msk [tilespmem:v9+s28+$0x0], $0xffff  }
0x31b: {  	v6 =	vld [tilespmem:s6+$0x0]  }
0x31c: {  	v7 =	vshll.u32 v7, $0x3  }
0x31d: {  	v7 =	vor.u32 $0x5, v7  }
0x31e: {  	s24 =	simm.s32 $0x0  }
0x31f: {  	v8 =	vmov s24  }
0x320: {  	v6 =	vsub.f32 v5, v6;
	v5 =	vshll.u32 v8, $0x3  }
0x321: {  	v5 =	vor.u32 v1, v5  }
0x322: {  	s6 =	simm.s32 $0x10;
	[tilespmem:v7+s11+$0x0] =	vst.idx.msk $0xffff, v6;
	v6 =	vor.u32 $0x6, v5  }
.LBB2_62:
0x323: {  	p0 =	sne.s32 s6, $0x300  }
.Ltmp30:
0x324: {  	_ = 	snop;
	(pc) =	sbr.rel @p0 .LBB2_62-.Ltmp30, $4  }
0x325: {  	v7 =	vmov s6  }
0x326: {  	v7 =	vshll.u32 v7, $0x3  }
0x327: {  	v7 =	vor.u32 v1, v7  }
0x328: {  	s6 =	sadd.s32 $0x10, s6;
	[tilespmem:v6+s11+$0x0] =	vst.idx.msk $0xffff, v2;
	v6 =	vor.u32 $0x6, v7  }
0x329: {  	_ =	sdelay $0x3  }
0x32a: {  	[tilespmem:v6+s11+$0x0] =	vst.idx.msk $0xffff, v2;
	s6 =	simm.s32 $0x10;
	v5 =	vor.u32 $0x7, v5  }
.LBB2_64:
0x32b: {  	p0 =	sne.s32 s6, $0x300  }
.Ltmp31:
0x32c: {  	_ = 	snop;
	(pc) =	sbr.rel @p0 .LBB2_64-.Ltmp31, $4  }
0x32d: {  	v6 =	vmov s6  }
0x32e: {  	v6 =	vshll.u32 v6, $0x3  }
0x32f: {  	v6 =	vor.u32 v1, v6  }
0x330: {  	s6 =	sadd.s32 $0x10, s6;
	[tilespmem:v5+s11+$0x0] =	vst.idx.msk $0xffff, v2;
	v5 =	vor.u32 $0x7, v6  }
0x331: {  	_ =	sdelay $0x3  }
0x332: {  	[tilespmem:v5+s11+$0x0] =	vst.idx.msk $0xffff, v2;
	s6 =	rddreg [dreg:$0x19]  }
0x333: {  	[spmem:s6] =	stream.linear.scatter [tilespmem:s11], [sflag:$0x1], $0x1880, $0x38;
	[tilespmem:$0x18D50] =	vst v63  }
0x334: {  	_ =	swait.ge [sflag:s26], $0x1880  }
0x335: {  	[sflag:s26] =	ssyncset.done $0x0  }
0x336: {  	s24 =	simm.s32 $0x0;
	s21 =	rddreg [dreg:$0x15];
	[sflag:s26] =	ssyncadd.s32 $0xFFFFE780  }
0x337: {  	[tilespmem:s11], [sflag:$0x1] =	stream.linear.gather [hbm4b:s21+s24], $0x1880, $0x38;
	[tilespmem:$0x18D50] =	vst v63  }
0x338: {  	_ =	swait.ge [sflag:s26], $0x1880  }
0x339: {  	[sflag:s26] =	ssyncset.done $0x0  }
0x33a: {  	[sflag:s26] =	ssyncadd.s32 $0xFFFFE780  }
0x33b: {  	[spmem:s0] =	stream.linear.scatter [tilespmem:s11], [sflag:$0x1], $0x1880, $0x38;
	[tilespmem:$0x18D50] =	vst v63  }
0x33c: {  	_ =	swait.ge [sflag:s26], $0x1880  }
0x33d: {  	[sflag:s26] =	ssyncset.done $0x0  }
0x33e: {  	[sflag:s26] =	ssyncadd.s32 $0xFFFFE780  }
0x33f: {  	v5 =	vimm.f32 $0.0e+00;
	s6 =	simm.s32 $0x0;
	[bflag:$0x0] =	sbarrier.arrive $0xFFFF  }
.LBB2_66:
0x340: {  	s19 =	sshll.u32 s6, $0xA  }
0x341: {  	s19 =	sadd.s32 s4, s19  }
0x342: {  	s19 =	sshrl.u32 s19, $0x3  }
0x343: {  	s21 =	sadd.s32 s13, s19  }
0x344: {  	[tilespmem:s10], [sflag:$0x1] =	stream.linear.gather [hbm4b:s21+s24], $0x400, $0x38;
	[tilespmem:$0x18D50] =	vst v63  }
0x345: {  	_ =	swait.ge [sflag:s26], $0x400  }
0x346: {  	[sflag:s26] =	ssyncset.done $0x0  }
0x347: {  	s21 =	sadd.s32 s15, s19;
	[sflag:s26] =	ssyncadd.s32 $0xFFFFFC00  }
0x348: {  	[tilespmem:s12], [sflag:$0x1] =	stream.linear.gather [hbm4b:s21+s24], $0x400, $0x38;
	[tilespmem:$0x18D50] =	vst v63  }
0x349: {  	_ =	swait.ge [sflag:s26], $0x400  }
0x34a: {  	[sflag:s26] =	ssyncset.done $0x0  }
0x34b: {  	s19 =	sadd.s32 s16, s19;
	[sflag:s26] =	ssyncadd.s32 $0xFFFFFC00  }
0x34c: {  	[tilespmem:s5], [sflag:$0x1] =	stream.linear.gather [hbm4b:s19+s24], $0x400, $0x38;
	[tilespmem:$0x18D50] =	vst v63  }
0x34d: {  	_ =	swait.ge [sflag:s26], $0x400  }
0x34e: {  	[sflag:s26] =	ssyncset.done $0x0  }
0x34f: {  	[sflag:s26] =	ssyncadd.s32 $0xFFFFFC00  }
0x350: {  	[tilespmem:s17], [sflag:$0x1] =	stream.indirect.gather [spmem:s1], $0x8, s12, s14, $0xb8;
	[tilespmem:$0x18D50] =	vst v63  }
0x351: {  	v8 =	vor.u32 s24, v3;
	_ =	swait.ge [sflag:s26], $0x2000  }
0x352: {  	v6 =	vshll.u32 v8, $0x3;
	[sflag:s26] =	ssyncset.done $0x0  }
0x353: {  	v6 =	vor.u32 v4, v6;
	[sflag:s26] =	ssyncadd.s32 $0xFFFFE000  }
0x354: {  	[tilespmem:s18], [sflag:$0x1] =	stream.indirect.gather [spmem:s1], $0x8, s10, s14, $0xb8;
	[tilespmem:$0x18D50] =	vst v63  }
0x355: {  	_ =	swait.ge [sflag:s26], $0x2000  }
0x356: {  	[sflag:s26] =	ssyncset.done $0x0  }
0x357: {  	[sflag:s26] =	ssyncadd.s32 $0xFFFFE000  }
0x358: {  	v10 =	vld.idx.msk [tilespmem:v6+s17+$0x0], $0xffff  }
0x359: {  	v11 =	vld.idx.msk [tilespmem:v6+s18+$0x0], $0xffff;
	_ =	sdelay $0x1  }
0x35a: {  	v9 =	vld.idx.msk [tilespmem:v8+s5+$0x0], $0xffff;
	_ =	sdelay $0x1  }
0x35b: {  	s21 =	simm.s32 $0x2  }
0x35c: {  	v7 =	vor.u32 s21, v3;
	v8 =	vsub.f32 v10, v11  }
0x35d: {  	s19 =	simm.s32 $0x4;
	v10 =	vshll.u32 v7, $0x3  }
.LBB2_67:
0x35e: {  	p0 =	sne.s32 s19, $0x3FE;
	v10 =	vor.u32 v4, v10;
	v9 =	vmul.f32 v8, v9;
	_ =	sdelay $0x1  }
0x35f: {  	[tilespmem:v6+s20+$0x0] =	vst.idx.msk $0xffff, v9;
	v11 =	vsub.f32 $0.0e+00, v9;
	v8 =	vmul.f32 v9, v8;
	_ =	sdelay $0x1  }
0x360: {  	[tilespmem:v6+s22+$0x0] =	vst.idx.msk $0xffff, v11;
	v5 =	vadd.f32 v8, v5;
	v6 =	vmov v10  }
0x361: {  	v8 =	vld.idx.msk [tilespmem:v10+s17+$0x0], $0xffff  }
0x362: {  	v10 =	vld.idx.msk [tilespmem:v10+s18+$0x0], $0xffff;
	_ =	sdelay $0x1  }
0x363: {  	v9 =	vld.idx.msk [tilespmem:v7+s5+$0x0], $0xffff  }
.Ltmp32:
0x364: {  	(pc) =	sbr.rel @p0 .LBB2_67-.Ltmp32, $3  }
0x365: {  	_ =	sdelay $0x1  }
0x366: {  	v7 =	vor.u32 s19, v3;
	v8 =	vsub.f32 v8, v10  }
0x367: {  	s19 =	sadd.s32 $0x2, s19;
	v10 =	vshll.u32 v7, $0x3  }
0x368: {  	_ = 	snop  }
0x369: {  	v10 =	vor.u32 v4, v10;
	v9 =	vmul.f32 v8, v9;
	_ =	sdelay $0x1  }
0x36a: {  	v11 =	vsub.f32 $0.0e+00, v9  }
0x36b: {  	[tilespmem:v6+s20+$0x0] =	vst.idx.msk $0xffff, v9  }
0x36c: {  	[tilespmem:v6+s22+$0x0] =	vst.idx.msk $0xffff, v11  }
0x36d: {  	v6 =	vld.idx.msk [tilespmem:v10+s17+$0x0], $0xffff  }
0x36e: {  	v11 =	vld.idx.msk [tilespmem:v10+s18+$0x0], $0xffff;
	_ =	sdelay $0x1  }
0x36f: {  	v7 =	vld.idx.msk [tilespmem:v7+s5+$0x0], $0xffff;
	_ =	sdelay $0x2  }
0x370: {  	v6 =	vsub.f32 v6, v11;
	_ =	sdelay $0x1  }
0x371: {  	v7 =	vmul.f32 v6, v7;
	_ =	sdelay $0x1  }
0x372: {  	v63 =	vsub.f32 $0.0e+00, v7  }
0x373: {  	[tilespmem:v10+s20+$0x0] =	vst.idx.msk $0xffff, v7  }
0x374: {  	[tilespmem:v10+s22+$0x0] =	vst.idx.msk $0xffff, v63  }
0x375: {  	[spmem:s2] =	stream.indirect.scatter.add.f32 [tilespmem:s20], [sflag:$0x1], $0x8, s12, s14, $0xb8;
	[tilespmem:$0x18D50] =	vst v63  }
0x376: {  	s6 =	sadd.s32 $0x1, s6;
	_ =	swait.ge [sflag:s26], $0x2000  }
0x377: {  	p0 =	sne.s32 s6, $0x31;
	[sflag:s26] =	ssyncset.done $0x0  }
.Ltmp33:
0x378: {  	v8 =	vmul.f32 v9, v8;
	[sflag:s26] =	ssyncadd.s32 $0xFFFFE000;
	(pc) =	sbr.rel @p0 .LBB2_66-.Ltmp33, $4  }
0x379: {  	[spmem:s2] =	stream.indirect.scatter.add.f32 [tilespmem:s22], [sflag:$0x1], $0x8, s10, s14, $0xb8;
	[tilespmem:$0x18D50] =	vst v63  }
0x37a: {  	v5 =	vadd.f32 v8, v5;
	v6 =	vmul.f32 v7, v6;
	_ =	swait.ge [sflag:s26], $0x2000  }
0x37b: {  	[sflag:s26] =	ssyncset.done $0x0  }
0x37c: {  	v5 =	vadd.f32 v6, v5;
	[sflag:s26] =	ssyncadd.s32 $0xFFFFE000  }
0x37d: {  	_ = 	snop  }
0x37e: {  	s6 =	rddreg [dreg:$0x1a];
	s19 =	simm.s32 $0x18D40;
	[tilespmem:$0x18D40] =	vst v5  }
0x37f: {  	[hbm4b:s6+s3] =	stream.linear.scatter [tilespmem:s19], [sflag:$0x1], $0x10, $0x38;
	[tilespmem:$0x18D50] =	vst v63  }
0x380: {  	_ =	swait.ge [sflag:s26], $0x10  }
0x381: {  	[sflag:s26] =	ssyncset.done $0x0  }
0x382: {  	[sflag:s26] =	ssyncadd.s32 $0xFFFFFFF0  }
0x383: {  	[bflag:$0x0] =	sbarrier.arrive $0xFFFF  }
0x384: {  	s24 =	rddreg [dreg:$0xf]  }
0x385: {  	[tilespmem:s11], [sflag:$0x1] =	stream.linear.gather [spmem:s24], $0x1880, $0x38;
	[tilespmem:$0x18D50] =	vst v63  }
0x386: {  	_ =	swait.ge [sflag:s26], $0x1880  }
0x387: {  	[sflag:s26] =	ssyncset.done $0x0  }
0x388: {  	s19 =	rddreg [dreg:$0xc];
	[sflag:s26] =	ssyncadd.s32 $0xFFFFE780  }
0x389: {  	[hbm4b:s19+s3] =	stream.linear.scatter [tilespmem:s11], [sflag:$0x1], $0x1880, $0x38;
	[tilespmem:$0x18D50] =	vst v63  }
0x38a: {  	_ =	swait.ge [sflag:s26], $0x1880  }
0x38b: {  	[sflag:s26] =	ssyncset.done $0x0  }
0x38c: {  	s21 =	rddreg [dreg:$0x11];
	[sflag:s26] =	ssyncadd.s32 $0xFFFFE780  }
0x38d: {  	[tilespmem:s11], [sflag:$0x1] =	stream.linear.gather [spmem:s21], $0x1880, $0x38;
	[tilespmem:$0x18D50] =	vst v63  }
0x38e: {  	_ =	swait.ge [sflag:s26], $0x1880  }
0x38f: {  	[sflag:s26] =	ssyncset.done $0x0  }
0x390: {  	s24 =	rddreg [dreg:$0x16];
	[sflag:s26] =	ssyncadd.s32 $0xFFFFE780  }
0x391: {  	[hbm4b:s24+s3] =	stream.linear.scatter [tilespmem:s11], [sflag:$0x1], $0x1880, $0x38;
	[tilespmem:$0x18D50] =	vst v63  }
0x392: {  	_ =	swait.ge [sflag:s26], $0x1880  }
0x393: {  	[sflag:s26] =	ssyncset.done $0x0  }
0x394: {  	[sflag:s26] =	ssyncadd.s32 $0xFFFFE780  }
0x395: {  	[tilespmem:s11], [sflag:$0x1] =	stream.linear.gather [spmem:s23], $0x1880, $0x38;
	[tilespmem:$0x18D50] =	vst v63  }
0x396: {  	_ =	swait.ge [sflag:s26], $0x1880  }
0x397: {  	[sflag:s26] =	ssyncset.done $0x0  }
0x398: {  	s19 =	rddreg [dreg:$0x17];
	[sflag:s26] =	ssyncadd.s32 $0xFFFFE780  }
0x399: {  	[hbm4b:s19+s3] =	stream.linear.scatter [tilespmem:s11], [sflag:$0x1], $0x1880, $0x38;
	[tilespmem:$0x18D50] =	vst v63  }
0x39a: {  	_ =	swait.ge [sflag:s26], $0x1880  }
0x39b: {  	[sflag:s26] =	ssyncset.done $0x0  }
0x39c: {  	[sflag:s26] =	ssyncadd.s32 $0xFFFFE780  }
0x39d: {  	[tilespmem:s11], [sflag:$0x1] =	stream.linear.gather [spmem:s0], $0x1880, $0x38;
	[tilespmem:$0x18D50] =	vst v63  }
0x39e: {  	_ =	swait.ge [sflag:s26], $0x1880  }
0x39f: {  	[sflag:s26] =	ssyncset.done $0x0  }
0x3a0: {  	s21 =	rddreg [dreg:$0x18];
	[sflag:s26] =	ssyncadd.s32 $0xFFFFE780  }
0x3a1: {  	[hbm4b:s21+s3] =	stream.linear.scatter [tilespmem:s11], [sflag:$0x1], $0x1880, $0x38;
	[tilespmem:$0x18D50] =	vst v63  }
0x3a2: {  	_ =	swait.ge [sflag:s26], $0x1880  }
0x3a3: {  	s7 =	sadd.s32 $0x1, s7;
	s24 =	rddreg [dreg:$0x1b]  }
0x3a4: {  	p0 =	sne.s32 s7, s24  }
.Ltmp34:
0x3a5: {  	_ = 	snop;
	(pc) =	sbr.rel @p0 .LBB2_1-.Ltmp34, $3  }
0x3a6: {  	_ =	sdelay $0x1  }
0x3a7: {  	[sflag:s26] =	ssyncset.done $0x0  }
0x3a8: {  	[sflag:s26] =	ssyncadd.s32 $0xFFFFE780  }
0x3a9: {  	_ =	sfence.sel $0x180000  }
0x3aa: {  	[bflag:$0x0] =	sbarrier.arrive $0xFFFF  }
0x3ab: {  	_ =	strace $0x90000047  }
0x3ac: {  	s0 =	stileid.u32;
	[bflag:$0x2] =	sbarrier.arrive $0xFFFF  }
0x3ad: {  	p0 =	sne.s32 s0, $0x0;
	s0 =	rddreg [dreg:$0x3]  }
0x3ae: {  	s0 =	sadd.s32 @!p0 $0x100000, s0  }
0x3af: {  	[sflag:s0] =	ssyncadd.tile.s32 @!p0 $0x1;
	_ =	shalt  }
.Lfunc_end2:
_tile_overlayer_lowered:
.L_overlay_start_2:
0x3b0: {  	(tag) =	ssettag $0x2  }
0x3b1: {  	s0 =	rddreg [dreg:$0x0];
	s2 =	stileid.u32  }
0x3b2: {  	s1 =	rddreg [dreg:$0x1];
	p0 =	sne.s32 s2, $0x0  }
0x3b3: {  	s3 =	rddreg [dreg:$0x2];
	[bflag:$0x3] =	sbarrier.arrive $0xFFFF;
	s2 =	simm.s32 @!p0 $0x1C01  }
0x3b4: {  	[timem:s3], [sflag:s2] =	dma.local @!p0 [hbm:s0], s1  }
0x3b5: {  	s0 =	simm.s32 @!p0 $0x1  }
0x3b6: {  	_ =	swait.ge @!p0 [sflag:s0], s1  }
0x3b7: {  	s1 =	ssub.s32 @!p0 $0x0, s1;
	[sflag:s0] =	ssyncset.done @!p0 $0x0  }
0x3b8: {  	[sflag:s0] =	ssyncadd.s32 @!p0 s1  }
0x3b9: {  	[bflag:$0x3] =	sbarrier.arrive $0xFFFF  }
0x3ba: {  	_ =	shalt  }

</sc_bundles>
